<compile_context>
chip_gen: v7x
topology: tpu7x:2x2x1
jax: 0.10.2.dev20260603
libtpu: 0.0.44.dev20260713+nightly
codegen_flags: <defaults>
</compile_context>

<pallas_src>
import functools

import jax
import jax.numpy as jnp
from jax import lax
from jax.experimental import pallas as pl
from jax.experimental.pallas import tpu as pltpu
from jax.experimental.pallas import tpu_sc as plsc

B = 16384
F = 26
NC = 2
NS = 16
NW = NC * NS
RPW = B // NW
IDXW = RPW * F
LANES = 16

_mesh = plsc.VectorSubcoreMesh(core_axis_name="c", subcore_axis_name="s")

@functools.partial(
    pl.kernel,
    mesh=_mesh,
    compiler_params=pltpu.CompilerParams(needs_layout_passes=False),
    out_type=jax.ShapeDtypeStruct((B,), jnp.float32),
    scratch_types=[
        pltpu.VMEM((IDXW,), jnp.int32),
        pltpu.VMEM((IDXW,), jnp.float32),
        pltpu.VMEM((RPW,), jnp.float32),
        pltpu.VMEM_SHARED((1000448,), jnp.float32),
        pltpu.VMEM((1000448 // NS // 8,), jnp.float32),
        pltpu.VMEM((1000448 // NS // 8,), jnp.float32),
        pltpu.SemaphoreType.DMA,
        pltpu.SemaphoreType.DMA,
        pltpu.SemaphoreType.DMA,
    ],
)
def _sc_gather_sum(w_hbm, idx_hbm, out_hbm, idx_v, vals_v, acc_v, w_sp, wbuf0, wbuf1, sem, sem_in, sem_out):
    wid = lax.axis_index("s") * NC + lax.axis_index("c")
    sid = lax.axis_index("s")
    base = wid * IDXW
    CH = 1000448 // NS
    CK = CH // 8
    c0 = sid * CH
    bufs = [wbuf0, wbuf1]
    outs = []
    pend = pltpu.async_copy(w_hbm.at[pl.ds(c0, CK)], wbuf0, sem_in)
    for k in range(8):
        pend.wait()
        outs.append(
            pltpu.async_copy(
                bufs[k % 2], w_sp.at[pl.ds(c0 + k * CK, CK)], sem_out
            )
        )
        if k + 1 < 8:
            if k - 1 >= 0:
                outs[k - 1].wait()
            pend = pltpu.async_copy(
                w_hbm.at[pl.ds(c0 + (k + 1) * CK, CK)],
                bufs[(k + 1) % 2],
                sem_in,
            )
    pltpu.sync_copy(idx_hbm.at[pl.ds(base, IDXW)], idx_v)
    for d in outs[-2:]:
        d.wait()
    plsc.subcore_barrier()
    pltpu.async_copy(w_sp.at[idx_v], vals_v, sem).wait()
    for c in range(RPW // LANES):
        col = c * LANES
        a = vals_v[pl.ds(col, LANES)]
        for j in range(1, F):
            a = a + vals_v[pl.ds(j * RPW + col, LANES)]
        acc_v[pl.ds(col, LANES)] = a
    pltpu.sync_copy(acc_v, out_hbm.at[pl.ds(wid * RPW, RPW)])


def _copy_body(i_ref, o_ref):
    o_ref[...] = i_ref[...]


_WROWS = 7936
_bar_copy = pl.pallas_call(
    _copy_body,
    grid=(16,),
    in_specs=[pl.BlockSpec((_WROWS // 16, 128), lambda i: (i, 0))],
    out_specs=pl.BlockSpec((_WROWS // 16, 128), lambda i: (i, 0)),
    out_shape=jax.ShapeDtypeStruct((_WROWS, 128), jnp.float32),
)


def _tc_body(b_ref, xw_ref, y_ref, yprob_ref, loss_ref):
    logits = xw_ref[...] + b_ref[0, 0]
    yprob_ref[...] = 1.0 / (1.0 + jnp.exp(-logits))
    ce = (
        jnp.maximum(logits, 0.0)
        - logits * y_ref[...]
        + jnp.log(1.0 + jnp.exp(-jnp.abs(logits)))
    )
    loss_ref[0, 0] = jnp.sum(ce) * (1.0 / B)


_tc_tail = pl.pallas_call(
    _tc_body,
    out_shape=(
        jax.ShapeDtypeStruct((B // 128, 128), jnp.float32),
        jax.ShapeDtypeStruct((1, 1), jnp.float32),
    ),
    in_specs=[
        pl.BlockSpec(memory_space=pltpu.SMEM),
        pl.BlockSpec(),
        pl.BlockSpec(),
    ],
    out_specs=(
        pl.BlockSpec(),
        pl.BlockSpec(memory_space=pltpu.SMEM),
    ),
)


def kernel(indices, values, y, w, b):
    idx_perm = indices.reshape(NW, RPW, F).transpose(0, 2, 1).reshape(-1)
    w_flat = jnp.pad(w, ((0, 448), (0, 0))).reshape(-1)
    xw = _sc_gather_sum(w_flat, idx_perm)
    yprob, loss = _tc_tail(
        b.reshape(1, 1), xw.reshape(B // 128, 128), y.reshape(B // 128, 128)
    )
    return yprob.reshape(-1), loss[0, 0]

# --- scband reference (transcript-rebuilt; emitter-appended) ---
"""Pipeline reference for scband-lr-9749575762478 (READ-ONLY COPY).

The authoritative reference and input builder live on the scoring server;
editing this copy changes nothing except your own understanding.
"""

import jax, jax.numpy as jnp
import numpy as np

INPUT_DIM = 1000000
OUTPUT_DIM = 1
BATCH = 16384
FIELDS = 26
L2_WEIGHT = 0.0


def sigmoid_ce(labels, logits):
    # tf.nn.sigmoid_cross_entropy_with_logits
    return jnp.maximum(logits, 0.0) - logits * labels + jnp.log1p(jnp.exp(-jnp.abs(logits)))


def setup_inputs(seed: int = 0) -> dict:
    key = jax.random.key(seed)
    ks = jax.random.split(key, 4)
    indices = jax.random.randint(ks[0], (BATCH, FIELDS), 0, INPUT_DIM, dtype=jnp.int32)
    values = jnp.ones((BATCH, FIELDS), dtype=jnp.float32)
    y = jax.random.uniform(ks[1], (BATCH,), dtype=jnp.float32)
    # xavier init for w, zero for b (per init_vars spec)
    scale = np.sqrt(2.0 / (INPUT_DIM + OUTPUT_DIM)).astype(np.float32)
    w = jax.random.normal(ks[2], (INPUT_DIM, OUTPUT_DIM), dtype=jnp.float32) * scale
    b = jnp.zeros((OUTPUT_DIM,), dtype=jnp.float32)
    return {"indices": indices, "values": values, "y": y, "w": w, "b": b}


def reference(indices, values, y, w, b):
    # sparse_tensor_dense_matmul(X, w): for each row, sum_j values[i,j] * w[indices[i,j], :]
    gathered = jnp.take(w, indices, axis=0)            # [B, F, out]
    xw = jnp.sum(gathered * values[..., None], axis=1)  # [B, out]
    logits = jnp.reshape(xw + b, (-1,))                 # [B]
    y_prob = jax.nn.sigmoid(logits)
    loss = jnp.mean(sigmoid_ce(y, logits) + L2_WEIGHT * 0.5 * jnp.sum(xw * xw))
    return (y_prob, loss)

if __name__ == "__main__":
    import jax
    _d = setup_inputs()
    print(jax.jit(kernel)(*tuple(_d.values())))

</pallas_src>

<mosaic_0001>
#map = affine_map<(d0, d1) -> (0)>
module attributes {stable_mosaic.version = 14 : i64} {
  func.func @_sc_gather_sum(%arg0: i32, %arg1: i32, %arg2: memref<1000448xf32, #tpu.memory_space<hbm>>, %arg3: memref<425984xi32, #tpu.memory_space<hbm>>, %arg4: memref<16384xf32, #tpu.memory_space<hbm>>, %arg5: memref<13312xi32, #tpu.memory_space<vmem>>, %arg6: memref<13312xf32, #tpu.memory_space<vmem>>, %arg7: memref<512xf32, #tpu.memory_space<vmem>>, %arg8: memref<1000448xf32, #tpu.memory_space<vmem_shared>>, %arg9: memref<7816xf32, #tpu.memory_space<vmem>>, %arg10: memref<7816xf32, #tpu.memory_space<vmem>>, %arg11: memref<!tpu.dma_semaphore, #tpu.memory_space<semaphore_mem>>, %arg12: memref<!tpu.dma_semaphore, #tpu.memory_space<semaphore_mem>>, %arg13: memref<!tpu.dma_semaphore, #tpu.memory_space<semaphore_mem>>) attributes {dimension_semantics = [#tpu.dimension_semantics<core_parallel>, #tpu.dimension_semantics<subcore_parallel>], iteration_bounds = array<i64: 2, 16>, scalar_prefetch = 0 : i64, scratch_operands = 9 : i64, tpu.core_type = #tpu.core_type<sc_vector_subcore>, window_params = [{transform_indices = #map}, {transform_indices = #map}, {transform_indices = #map}]} {
    %mul3A = arith.constant 2 : i32
    %mul3A_0 = arith.muli %arg1, %mul3A : i32
    %add3A = arith.addi %mul3A_0, %arg0 : i32
    %mul3A_1 = arith.constant 13312 : i32
    %mul3A_2 = arith.muli %add3A, %mul3A_1 : i32
    %mul3A_3 = arith.constant 62528 : i32
    %mul3A_4 = arith.muli %arg1, %mul3A_3 : i32
    %dma_start3A = tpu.memref_slice %arg2[%mul3A_4] : memref<1000448xf32, #tpu.memory_space<hbm>> -> memref<7816xf32, #tpu.memory_space<hbm>>
    %dma_start3A_5 = tpu.memref_slice %arg2[%mul3A_4] : memref<1000448xf32, #tpu.memory_space<hbm>> -> memref<7816xf32, #tpu.memory_space<hbm>>
    tpu.enqueue_dma source(%dma_start3A_5 : memref<7816xf32, #tpu.memory_space<hbm>>) target(%arg9 : memref<7816xf32, #tpu.memory_space<vmem>>) target_semaphore(%arg12 : memref<!tpu.dma_semaphore, #tpu.memory_space<semaphore_mem>>)
    %dma_wait3A = tpu.memref_slice %arg2[%mul3A_4] : memref<1000448xf32, #tpu.memory_space<hbm>> -> memref<7816xf32, #tpu.memory_space<hbm>>
    %dma_wait3A_6 = tpu.memref_slice %arg2[%mul3A_4] : memref<1000448xf32, #tpu.memory_space<hbm>> -> memref<7816xf32, #tpu.memory_space<hbm>>
    tpu.wait_dma2 semaphore(%arg12 : memref<!tpu.dma_semaphore, #tpu.memory_space<semaphore_mem>>) src(%dma_wait3A_6 : memref<7816xf32, #tpu.memory_space<hbm>>) dst(%arg9 : memref<7816xf32, #tpu.memory_space<vmem>>)
    %add3A_7 = arith.constant 0 : i32
    %add3A_8 = arith.addi %mul3A_4, %add3A_7 : i32
    %dma_start3A_9 = tpu.memref_slice %arg8[%add3A_8] : memref<1000448xf32, #tpu.memory_space<vmem_shared>> -> memref<7816xf32, #tpu.memory_space<vmem_shared>>
    %dma_start3A_10 = tpu.memref_slice %arg8[%add3A_8] : memref<1000448xf32, #tpu.memory_space<vmem_shared>> -> memref<7816xf32, #tpu.memory_space<vmem_shared>>
    tpu.enqueue_dma source(%arg9 : memref<7816xf32, #tpu.memory_space<vmem>>) target(%dma_start3A_10 : memref<7816xf32, #tpu.memory_space<vmem_shared>>) target_semaphore(%arg13 : memref<!tpu.dma_semaphore, #tpu.memory_space<semaphore_mem>>)
    %add3A_11 = arith.constant 7816 : i32
    %add3A_12 = arith.addi %mul3A_4, %add3A_11 : i32
    %dma_start3A_13 = tpu.memref_slice %arg2[%add3A_12] : memref<1000448xf32, #tpu.memory_space<hbm>> -> memref<7816xf32, #tpu.memory_space<hbm>>
    %dma_start3A_14 = tpu.memref_slice %arg2[%add3A_12] : memref<1000448xf32, #tpu.memory_space<hbm>> -> memref<7816xf32, #tpu.memory_space<hbm>>
    tpu.enqueue_dma source(%dma_start3A_14 : memref<7816xf32, #tpu.memory_space<hbm>>) target(%arg10 : memref<7816xf32, #tpu.memory_space<vmem>>) target_semaphore(%arg12 : memref<!tpu.dma_semaphore, #tpu.memory_space<semaphore_mem>>)
    %dma_wait3A_15 = tpu.memref_slice %arg2[%add3A_12] : memref<1000448xf32, #tpu.memory_space<hbm>> -> memref<7816xf32, #tpu.memory_space<hbm>>
    %dma_wait3A_16 = tpu.memref_slice %arg2[%add3A_12] : memref<1000448xf32, #tpu.memory_space<hbm>> -> memref<7816xf32, #tpu.memory_space<hbm>>
    tpu.wait_dma2 semaphore(%arg12 : memref<!tpu.dma_semaphore, #tpu.memory_space<semaphore_mem>>) src(%dma_wait3A_16 : memref<7816xf32, #tpu.memory_space<hbm>>) dst(%arg10 : memref<7816xf32, #tpu.memory_space<vmem>>)
    %add3A_17 = arith.constant 7816 : i32
    %add3A_18 = arith.addi %mul3A_4, %add3A_17 : i32
    %dma_start3A_19 = tpu.memref_slice %arg8[%add3A_18] : memref<1000448xf32, #tpu.memory_space<vmem_shared>> -> memref<7816xf32, #tpu.memory_space<vmem_shared>>
    %dma_start3A_20 = tpu.memref_slice %arg8[%add3A_18] : memref<1000448xf32, #tpu.memory_space<vmem_shared>> -> memref<7816xf32, #tpu.memory_space<vmem_shared>>
    tpu.enqueue_dma source(%arg10 : memref<7816xf32, #tpu.memory_space<vmem>>) target(%dma_start3A_20 : memref<7816xf32, #tpu.memory_space<vmem_shared>>) target_semaphore(%arg13 : memref<!tpu.dma_semaphore, #tpu.memory_space<semaphore_mem>>)
    %dma_wait3A_21 = tpu.memref_slice %arg8[%add3A_8] : memref<1000448xf32, #tpu.memory_space<vmem_shared>> -> memref<7816xf32, #tpu.memory_space<vmem_shared>>
    %dma_wait3A_22 = tpu.memref_slice %arg8[%add3A_8] : memref<1000448xf32, #tpu.memory_space<vmem_shared>> -> memref<7816xf32, #tpu.memory_space<vmem_shared>>
    tpu.wait_dma2 semaphore(%arg13 : memref<!tpu.dma_semaphore, #tpu.memory_space<semaphore_mem>>) src(%arg9 : memref<7816xf32, #tpu.memory_space<vmem>>) dst(%dma_wait3A_22 : memref<7816xf32, #tpu.memory_space<vmem_shared>>)
    %add3A_23 = arith.constant 15632 : i32
    %add3A_24 = arith.addi %mul3A_4, %add3A_23 : i32
    %dma_start3A_25 = tpu.memref_slice %arg2[%add3A_24] : memref<1000448xf32, #tpu.memory_space<hbm>> -> memref<7816xf32, #tpu.memory_space<hbm>>
    %dma_start3A_26 = tpu.memref_slice %arg2[%add3A_24] : memref<1000448xf32, #tpu.memory_space<hbm>> -> memref<7816xf32, #tpu.memory_space<hbm>>
    tpu.enqueue_dma source(%dma_start3A_26 : memref<7816xf32, #tpu.memory_space<hbm>>) target(%arg9 : memref<7816xf32, #tpu.memory_space<vmem>>) target_semaphore(%arg12 : memref<!tpu.dma_semaphore, #tpu.memory_space<semaphore_mem>>)
    %dma_wait3A_27 = tpu.memref_slice %arg2[%add3A_24] : memref<1000448xf32, #tpu.memory_space<hbm>> -> memref<7816xf32, #tpu.memory_space<hbm>>
    %dma_wait3A_28 = tpu.memref_slice %arg2[%add3A_24] : memref<1000448xf32, #tpu.memory_space<hbm>> -> memref<7816xf32, #tpu.memory_space<hbm>>
    tpu.wait_dma2 semaphore(%arg12 : memref<!tpu.dma_semaphore, #tpu.memory_space<semaphore_mem>>) src(%dma_wait3A_28 : memref<7816xf32, #tpu.memory_space<hbm>>) dst(%arg9 : memref<7816xf32, #tpu.memory_space<vmem>>)
    %add3A_29 = arith.constant 15632 : i32
    %add3A_30 = arith.addi %mul3A_4, %add3A_29 : i32
    %dma_start3A_31 = tpu.memref_slice %arg8[%add3A_30] : memref<1000448xf32, #tpu.memory_space<vmem_shared>> -> memref<7816xf32, #tpu.memory_space<vmem_shared>>
    %dma_start3A_32 = tpu.memref_slice %arg8[%add3A_30] : memref<1000448xf32, #tpu.memory_space<vmem_shared>> -> memref<7816xf32, #tpu.memory_space<vmem_shared>>
    tpu.enqueue_dma source(%arg9 : memref<7816xf32, #tpu.memory_space<vmem>>) target(%dma_start3A_32 : memref<7816xf32, #tpu.memory_space<vmem_shared>>) target_semaphore(%arg13 : memref<!tpu.dma_semaphore, #tpu.memory_space<semaphore_mem>>)
    %dma_wait3A_33 = tpu.memref_slice %arg8[%add3A_18] : memref<1000448xf32, #tpu.memory_space<vmem_shared>> -> memref<7816xf32, #tpu.memory_space<vmem_shared>>
    %dma_wait3A_34 = tpu.memref_slice %arg8[%add3A_18] : memref<1000448xf32, #tpu.memory_space<vmem_shared>> -> memref<7816xf32, #tpu.memory_space<vmem_shared>>
    tpu.wait_dma2 semaphore(%arg13 : memref<!tpu.dma_semaphore, #tpu.memory_space<semaphore_mem>>) src(%arg10 : memref<7816xf32, #tpu.memory_space<vmem>>) dst(%dma_wait3A_34 : memref<7816xf32, #tpu.memory_space<vmem_shared>>)
    %add3A_35 = arith.constant 23448 : i32
    %add3A_36 = arith.addi %mul3A_4, %add3A_35 : i32
    %dma_start3A_37 = tpu.memref_slice %arg2[%add3A_36] : memref<1000448xf32, #tpu.memory_space<hbm>> -> memref<7816xf32, #tpu.memory_space<hbm>>
    %dma_start3A_38 = tpu.memref_slice %arg2[%add3A_36] : memref<1000448xf32, #tpu.memory_space<hbm>> -> memref<7816xf32, #tpu.memory_space<hbm>>
    tpu.enqueue_dma source(%dma_start3A_38 : memref<7816xf32, #tpu.memory_space<hbm>>) target(%arg10 : memref<7816xf32, #tpu.memory_space<vmem>>) target_semaphore(%arg12 : memref<!tpu.dma_semaphore, #tpu.memory_space<semaphore_mem>>)
    %dma_wait3A_39 = tpu.memref_slice %arg2[%add3A_36] : memref<1000448xf32, #tpu.memory_space<hbm>> -> memref<7816xf32, #tpu.memory_space<hbm>>
    %dma_wait3A_40 = tpu.memref_slice %arg2[%add3A_36] : memref<1000448xf32, #tpu.memory_space<hbm>> -> memref<7816xf32, #tpu.memory_space<hbm>>
    tpu.wait_dma2 semaphore(%arg12 : memref<!tpu.dma_semaphore, #tpu.memory_space<semaphore_mem>>) src(%dma_wait3A_40 : memref<7816xf32, #tpu.memory_space<hbm>>) dst(%arg10 : memref<7816xf32, #tpu.memory_space<vmem>>)
    %add3A_41 = arith.constant 23448 : i32
    %add3A_42 = arith.addi %mul3A_4, %add3A_41 : i32
    %dma_start3A_43 = tpu.memref_slice %arg8[%add3A_42] : memref<1000448xf32, #tpu.memory_space<vmem_shared>> -> memref<7816xf32, #tpu.memory_space<vmem_shared>>
    %dma_start3A_44 = tpu.memref_slice %arg8[%add3A_42] : memref<1000448xf32, #tpu.memory_space<vmem_shared>> -> memref<7816xf32, #tpu.memory_space<vmem_shared>>
    tpu.enqueue_dma source(%arg10 : memref<7816xf32, #tpu.memory_space<vmem>>) target(%dma_start3A_44 : memref<7816xf32, #tpu.memory_space<vmem_shared>>) target_semaphore(%arg13 : memref<!tpu.dma_semaphore, #tpu.memory_space<semaphore_mem>>)
    %dma_wait3A_45 = tpu.memref_slice %arg8[%add3A_30] : memref<1000448xf32, #tpu.memory_space<vmem_shared>> -> memref<7816xf32, #tpu.memory_space<vmem_shared>>
    %dma_wait3A_46 = tpu.memref_slice %arg8[%add3A_30] : memref<1000448xf32, #tpu.memory_space<vmem_shared>> -> memref<7816xf32, #tpu.memory_space<vmem_shared>>
    tpu.wait_dma2 semaphore(%arg13 : memref<!tpu.dma_semaphore, #tpu.memory_space<semaphore_mem>>) src(%arg9 : memref<7816xf32, #tpu.memory_space<vmem>>) dst(%dma_wait3A_46 : memref<7816xf32, #tpu.memory_space<vmem_shared>>)
    %add3A_47 = arith.constant 31264 : i32
    %add3A_48 = arith.addi %mul3A_4, %add3A_47 : i32
    %dma_start3A_49 = tpu.memref_slice %arg2[%add3A_48] : memref<1000448xf32, #tpu.memory_space<hbm>> -> memref<7816xf32, #tpu.memory_space<hbm>>
    %dma_start3A_50 = tpu.memref_slice %arg2[%add3A_48] : memref<1000448xf32, #tpu.memory_space<hbm>> -> memref<7816xf32, #tpu.memory_space<hbm>>
    tpu.enqueue_dma source(%dma_start3A_50 : memref<7816xf32, #tpu.memory_space<hbm>>) target(%arg9 : memref<7816xf32, #tpu.memory_space<vmem>>) target_semaphore(%arg12 : memref<!tpu.dma_semaphore, #tpu.memory_space<semaphore_mem>>)
    %dma_wait3A_51 = tpu.memref_slice %arg2[%add3A_48] : memref<1000448xf32, #tpu.memory_space<hbm>> -> memref<7816xf32, #tpu.memory_space<hbm>>
    %dma_wait3A_52 = tpu.memref_slice %arg2[%add3A_48] : memref<1000448xf32, #tpu.memory_space<hbm>> -> memref<7816xf32, #tpu.memory_space<hbm>>
    tpu.wait_dma2 semaphore(%arg12 : memref<!tpu.dma_semaphore, #tpu.memory_space<semaphore_mem>>) src(%dma_wait3A_52 : memref<7816xf32, #tpu.memory_space<hbm>>) dst(%arg9 : memref<7816xf32, #tpu.memory_space<vmem>>)
    %add3A_53 = arith.constant 31264 : i32
    %add3A_54 = arith.addi %mul3A_4, %add3A_53 : i32
    %dma_start3A_55 = tpu.memref_slice %arg8[%add3A_54] : memref<1000448xf32, #tpu.memory_space<vmem_shared>> -> memref<7816xf32, #tpu.memory_space<vmem_shared>>
    %dma_start3A_56 = tpu.memref_slice %arg8[%add3A_54] : memref<1000448xf32, #tpu.memory_space<vmem_shared>> -> memref<7816xf32, #tpu.memory_space<vmem_shared>>
    tpu.enqueue_dma source(%arg9 : memref<7816xf32, #tpu.memory_space<vmem>>) target(%dma_start3A_56 : memref<7816xf32, #tpu.memory_space<vmem_shared>>) target_semaphore(%arg13 : memref<!tpu.dma_semaphore, #tpu.memory_space<semaphore_mem>>)
    %dma_wait3A_57 = tpu.memref_slice %arg8[%add3A_42] : memref<1000448xf32, #tpu.memory_space<vmem_shared>> -> memref<7816xf32, #tpu.memory_space<vmem_shared>>
    %dma_wait3A_58 = tpu.memref_slice %arg8[%add3A_42] : memref<1000448xf32, #tpu.memory_space<vmem_shared>> -> memref<7816xf32, #tpu.memory_space<vmem_shared>>
    tpu.wait_dma2 semaphore(%arg13 : memref<!tpu.dma_semaphore, #tpu.memory_space<semaphore_mem>>) src(%arg10 : memref<7816xf32, #tpu.memory_space<vmem>>) dst(%dma_wait3A_58 : memref<7816xf32, #tpu.memory_space<vmem_shared>>)
    %add3A_59 = arith.constant 39080 : i32
    %add3A_60 = arith.addi %mul3A_4, %add3A_59 : i32
    %dma_start3A_61 = tpu.memref_slice %arg2[%add3A_60] : memref<1000448xf32, #tpu.memory_space<hbm>> -> memref<7816xf32, #tpu.memory_space<hbm>>
    %dma_start3A_62 = tpu.memref_slice %arg2[%add3A_60] : memref<1000448xf32, #tpu.memory_space<hbm>> -> memref<7816xf32, #tpu.memory_space<hbm>>
    tpu.enqueue_dma source(%dma_start3A_62 : memref<7816xf32, #tpu.memory_space<hbm>>) target(%arg10 : memref<7816xf32, #tpu.memory_space<vmem>>) target_semaphore(%arg12 : memref<!tpu.dma_semaphore, #tpu.memory_space<semaphore_mem>>)
    %dma_wait3A_63 = tpu.memref_slice %arg2[%add3A_60] : memref<1000448xf32, #tpu.memory_space<hbm>> -> memref<7816xf32, #tpu.memory_space<hbm>>
    %dma_wait3A_64 = tpu.memref_slice %arg2[%add3A_60] : memref<1000448xf32, #tpu.memory_space<hbm>> -> memref<7816xf32, #tpu.memory_space<hbm>>
    tpu.wait_dma2 semaphore(%arg12 : memref<!tpu.dma_semaphore, #tpu.memory_space<semaphore_mem>>) src(%dma_wait3A_64 : memref<7816xf32, #tpu.memory_space<hbm>>) dst(%arg10 : memref<7816xf32, #tpu.memory_space<vmem>>)
    %add3A_65 = arith.constant 39080 : i32
    %add3A_66 = arith.addi %mul3A_4, %add3A_65 : i32
    %dma_start3A_67 = tpu.memref_slice %arg8[%add3A_66] : memref<1000448xf32, #tpu.memory_space<vmem_shared>> -> memref<7816xf32, #tpu.memory_space<vmem_shared>>
    %dma_start3A_68 = tpu.memref_slice %arg8[%add3A_66] : memref<1000448xf32, #tpu.memory_space<vmem_shared>> -> memref<7816xf32, #tpu.memory_space<vmem_shared>>
    tpu.enqueue_dma source(%arg10 : memref<7816xf32, #tpu.memory_space<vmem>>) target(%dma_start3A_68 : memref<7816xf32, #tpu.memory_space<vmem_shared>>) target_semaphore(%arg13 : memref<!tpu.dma_semaphore, #tpu.memory_space<semaphore_mem>>)
    %dma_wait3A_69 = tpu.memref_slice %arg8[%add3A_54] : memref<1000448xf32, #tpu.memory_space<vmem_shared>> -> memref<7816xf32, #tpu.memory_space<vmem_shared>>
    %dma_wait3A_70 = tpu.memref_slice %arg8[%add3A_54] : memref<1000448xf32, #tpu.memory_space<vmem_shared>> -> memref<7816xf32, #tpu.memory_space<vmem_shared>>
    tpu.wait_dma2 semaphore(%arg13 : memref<!tpu.dma_semaphore, #tpu.memory_space<semaphore_mem>>) src(%arg9 : memref<7816xf32, #tpu.memory_space<vmem>>) dst(%dma_wait3A_70 : memref<7816xf32, #tpu.memory_space<vmem_shared>>)
    %add3A_71 = arith.constant 46896 : i32
    %add3A_72 = arith.addi %mul3A_4, %add3A_71 : i32
    %dma_start3A_73 = tpu.memref_slice %arg2[%add3A_72] : memref<1000448xf32, #tpu.memory_space<hbm>> -> memref<7816xf32, #tpu.memory_space<hbm>>
    %dma_start3A_74 = tpu.memref_slice %arg2[%add3A_72] : memref<1000448xf32, #tpu.memory_space<hbm>> -> memref<7816xf32, #tpu.memory_space<hbm>>
    tpu.enqueue_dma source(%dma_start3A_74 : memref<7816xf32, #tpu.memory_space<hbm>>) target(%arg9 : memref<7816xf32, #tpu.memory_space<vmem>>) target_semaphore(%arg12 : memref<!tpu.dma_semaphore, #tpu.memory_space<semaphore_mem>>)
    %dma_wait3A_75 = tpu.memref_slice %arg2[%add3A_72] : memref<1000448xf32, #tpu.memory_space<hbm>> -> memref<7816xf32, #tpu.memory_space<hbm>>
    %dma_wait3A_76 = tpu.memref_slice %arg2[%add3A_72] : memref<1000448xf32, #tpu.memory_space<hbm>> -> memref<7816xf32, #tpu.memory_space<hbm>>
    tpu.wait_dma2 semaphore(%arg12 : memref<!tpu.dma_semaphore, #tpu.memory_space<semaphore_mem>>) src(%dma_wait3A_76 : memref<7816xf32, #tpu.memory_space<hbm>>) dst(%arg9 : memref<7816xf32, #tpu.memory_space<vmem>>)
    %add3A_77 = arith.constant 46896 : i32
    %add3A_78 = arith.addi %mul3A_4, %add3A_77 : i32
    %dma_start3A_79 = tpu.memref_slice %arg8[%add3A_78] : memref<1000448xf32, #tpu.memory_space<vmem_shared>> -> memref<7816xf32, #tpu.memory_space<vmem_shared>>
    %dma_start3A_80 = tpu.memref_slice %arg8[%add3A_78] : memref<1000448xf32, #tpu.memory_space<vmem_shared>> -> memref<7816xf32, #tpu.memory_space<vmem_shared>>
    tpu.enqueue_dma source(%arg9 : memref<7816xf32, #tpu.memory_space<vmem>>) target(%dma_start3A_80 : memref<7816xf32, #tpu.memory_space<vmem_shared>>) target_semaphore(%arg13 : memref<!tpu.dma_semaphore, #tpu.memory_space<semaphore_mem>>)
    %dma_wait3A_81 = tpu.memref_slice %arg8[%add3A_66] : memref<1000448xf32, #tpu.memory_space<vmem_shared>> -> memref<7816xf32, #tpu.memory_space<vmem_shared>>
    %dma_wait3A_82 = tpu.memref_slice %arg8[%add3A_66] : memref<1000448xf32, #tpu.memory_space<vmem_shared>> -> memref<7816xf32, #tpu.memory_space<vmem_shared>>
    tpu.wait_dma2 semaphore(%arg13 : memref<!tpu.dma_semaphore, #tpu.memory_space<semaphore_mem>>) src(%arg10 : memref<7816xf32, #tpu.memory_space<vmem>>) dst(%dma_wait3A_82 : memref<7816xf32, #tpu.memory_space<vmem_shared>>)
    %add3A_83 = arith.constant 54712 : i32
    %add3A_84 = arith.addi %mul3A_4, %add3A_83 : i32
    %dma_start3A_85 = tpu.memref_slice %arg2[%add3A_84] : memref<1000448xf32, #tpu.memory_space<hbm>> -> memref<7816xf32, #tpu.memory_space<hbm>>
    %dma_start3A_86 = tpu.memref_slice %arg2[%add3A_84] : memref<1000448xf32, #tpu.memory_space<hbm>> -> memref<7816xf32, #tpu.memory_space<hbm>>
    tpu.enqueue_dma source(%dma_start3A_86 : memref<7816xf32, #tpu.memory_space<hbm>>) target(%arg10 : memref<7816xf32, #tpu.memory_space<vmem>>) target_semaphore(%arg12 : memref<!tpu.dma_semaphore, #tpu.memory_space<semaphore_mem>>)
    %dma_wait3A_87 = tpu.memref_slice %arg2[%add3A_84] : memref<1000448xf32, #tpu.memory_space<hbm>> -> memref<7816xf32, #tpu.memory_space<hbm>>
    %dma_wait3A_88 = tpu.memref_slice %arg2[%add3A_84] : memref<1000448xf32, #tpu.memory_space<hbm>> -> memref<7816xf32, #tpu.memory_space<hbm>>
    tpu.wait_dma2 semaphore(%arg12 : memref<!tpu.dma_semaphore, #tpu.memory_space<semaphore_mem>>) src(%dma_wait3A_88 : memref<7816xf32, #tpu.memory_space<hbm>>) dst(%arg10 : memref<7816xf32, #tpu.memory_space<vmem>>)
    %add3A_89 = arith.constant 54712 : i32
    %add3A_90 = arith.addi %mul3A_4, %add3A_89 : i32
    %dma_start3A_91 = tpu.memref_slice %arg8[%add3A_90] : memref<1000448xf32, #tpu.memory_space<vmem_shared>> -> memref<7816xf32, #tpu.memory_space<vmem_shared>>
    %dma_start3A_92 = tpu.memref_slice %arg8[%add3A_90] : memref<1000448xf32, #tpu.memory_space<vmem_shared>> -> memref<7816xf32, #tpu.memory_space<vmem_shared>>
    tpu.enqueue_dma source(%arg10 : memref<7816xf32, #tpu.memory_space<vmem>>) target(%dma_start3A_92 : memref<7816xf32, #tpu.memory_space<vmem_shared>>) target_semaphore(%arg13 : memref<!tpu.dma_semaphore, #tpu.memory_space<semaphore_mem>>)
    "tpu.region"() ({
      %run_scoped3A = tpu.sem_alloc : memref<!tpu.dma_semaphore, #tpu.memory_space<semaphore_mem>>
      %dma_start3A_2629 = tpu.memref_slice %arg3[%mul3A_2] : memref<425984xi32, #tpu.memory_space<hbm>> -> memref<13312xi32, #tpu.memory_space<hbm>>
      %dma_start3A_2630 = tpu.memref_slice %arg3[%mul3A_2] : memref<425984xi32, #tpu.memory_space<hbm>> -> memref<13312xi32, #tpu.memory_space<hbm>>
      tpu.enqueue_dma source(%dma_start3A_2630 : memref<13312xi32, #tpu.memory_space<hbm>>) target(%arg5 : memref<13312xi32, #tpu.memory_space<vmem>>) target_semaphore(%run_scoped3A : memref<!tpu.dma_semaphore, #tpu.memory_space<semaphore_mem>>)
      %dma_wait3A_2631 = tpu.memref_slice %arg3[%mul3A_2] : memref<425984xi32, #tpu.memory_space<hbm>> -> memref<13312xi32, #tpu.memory_space<hbm>>
      %dma_wait3A_2632 = tpu.memref_slice %arg3[%mul3A_2] : memref<425984xi32, #tpu.memory_space<hbm>> -> memref<13312xi32, #tpu.memory_space<hbm>>
      tpu.wait_dma2 semaphore(%run_scoped3A : memref<!tpu.dma_semaphore, #tpu.memory_space<semaphore_mem>>) src(%dma_wait3A_2632 : memref<13312xi32, #tpu.memory_space<hbm>>) dst(%arg5 : memref<13312xi32, #tpu.memory_space<vmem>>)
      tpu.yield
    }) : () -> ()
    %dma_wait3A_93 = tpu.memref_slice %arg8[%add3A_78] : memref<1000448xf32, #tpu.memory_space<vmem_shared>> -> memref<7816xf32, #tpu.memory_space<vmem_shared>>
    %dma_wait3A_94 = tpu.memref_slice %arg8[%add3A_78] : memref<1000448xf32, #tpu.memory_space<vmem_shared>> -> memref<7816xf32, #tpu.memory_space<vmem_shared>>
    tpu.wait_dma2 semaphore(%arg13 : memref<!tpu.dma_semaphore, #tpu.memory_space<semaphore_mem>>) src(%arg9 : memref<7816xf32, #tpu.memory_space<vmem>>) dst(%dma_wait3A_94 : memref<7816xf32, #tpu.memory_space<vmem_shared>>)
    %dma_wait3A_95 = tpu.memref_slice %arg8[%add3A_90] : memref<1000448xf32, #tpu.memory_space<vmem_shared>> -> memref<7816xf32, #tpu.memory_space<vmem_shared>>
    %dma_wait3A_96 = tpu.memref_slice %arg8[%add3A_90] : memref<1000448xf32, #tpu.memory_space<vmem_shared>> -> memref<7816xf32, #tpu.memory_space<vmem_shared>>
    tpu.wait_dma2 semaphore(%arg13 : memref<!tpu.dma_semaphore, #tpu.memory_space<semaphore_mem>>) src(%arg10 : memref<7816xf32, #tpu.memory_space<vmem>>) dst(%dma_wait3A_96 : memref<7816xf32, #tpu.memory_space<vmem_shared>>)
    %barrier3A = arith.constant 0 : index
    tpu.barrier barrier_id(%barrier3A)
    %dma_start3A_97 = arith.constant 0 : i32
    %dma_start3A_98 = tpu.memref_slice %arg8[%dma_start3A_97] : memref<1000448xf32, #tpu.memory_space<vmem_shared>> -> memref<1000448xf32, #tpu.memory_space<vmem_shared>>
    tpu.enqueue_indirect_dma source(%dma_start3A_98 : memref<1000448xf32, #tpu.memory_space<vmem_shared>>) target(%arg6 : memref<13312xf32, #tpu.memory_space<vmem>>) offsets(%arg5 : memref<13312xi32, #tpu.memory_space<vmem>>) semaphore(%arg11 : memref<!tpu.dma_semaphore, #tpu.memory_space<semaphore_mem>>)
    %dma_wait3A_99 = arith.constant 0 : i32
    %dma_wait3A_100 = tpu.memref_slice %arg8[%dma_wait3A_99] : memref<1000448xf32, #tpu.memory_space<vmem_shared>> -> memref<1000448xf32, #tpu.memory_space<vmem_shared>>
    tpu.wait_indirect_dma semaphore(%arg11 : memref<!tpu.dma_semaphore, #tpu.memory_space<semaphore_mem>>) src(%dma_wait3A_100 : memref<1000448xf32, #tpu.memory_space<vmem_shared>>) dst(%arg6 : memref<13312xf32, #tpu.memory_space<vmem>>)
    %get3A = arith.constant 0 : index
    %get3A_101 = tpu.vector_load %arg6[%get3A] {strides = array<i32>} : memref<13312xf32, #tpu.memory_space<vmem>>, vector<16xf32>,
    %get3A_102 = arith.constant 512 : index
    %get3A_103 = tpu.vector_load %arg6[%get3A_102] {strides = array<i32>} : memref<13312xf32, #tpu.memory_space<vmem>>, vector<16xf32>,
    %add3A_104 = arith.addf %get3A_101, %get3A_103 : vector<16xf32>
    %get3A_105 = arith.constant 1024 : index
    %get3A_106 = tpu.vector_load %arg6[%get3A_105] {strides = array<i32>} : memref<13312xf32, #tpu.memory_space<vmem>>, vector<16xf32>,
    %add3A_107 = arith.addf %add3A_104, %get3A_106 : vector<16xf32>
    %get3A_108 = arith.constant 1536 : index
    %get3A_109 = tpu.vector_load %arg6[%get3A_108] {strides = array<i32>} : memref<13312xf32, #tpu.memory_space<vmem>>, vector<16xf32>,
    %add3A_110 = arith.addf %add3A_107, %get3A_109 : vector<16xf32>
    %get3A_111 = arith.constant 2048 : index
    %get3A_112 = tpu.vector_load %arg6[%get3A_111] {strides = array<i32>} : memref<13312xf32, #tpu.memory_space<vmem>>, vector<16xf32>,
    %add3A_113 = arith.addf %add3A_110, %get3A_112 : vector<16xf32>
    %get3A_114 = arith.constant 2560 : index
    %get3A_115 = tpu.vector_load %arg6[%get3A_114] {strides = array<i32>} : memref<13312xf32, #tpu.memory_space<vmem>>, vector<16xf32>,
    %add3A_116 = arith.addf %add3A_113, %get3A_115 : vector<16xf32>
    %get3A_117 = arith.constant 3072 : index
    %get3A_118 = tpu.vector_load %arg6[%get3A_117] {strides = array<i32>} : memref<13312xf32, #tpu.memory_space<vmem>>, vector<16xf32>,
    %add3A_119 = arith.addf %add3A_116, %get3A_118 : vector<16xf32>
    %get3A_120 = arith.constant 3584 : index
    %get3A_121 = tpu.vector_load %arg6[%get3A_120] {strides = array<i32>} : memref<13312xf32, #tpu.memory_space<vmem>>, vector<16xf32>,
    %add3A_122 = arith.addf %add3A_119, %get3A_121 : vector<16xf32>
    %get3A_123 = arith.constant 4096 : index
    %get3A_124 = tpu.vector_load %arg6[%get3A_123] {strides = array<i32>} : memref<13312xf32, #tpu.memory_space<vmem>>, vector<16xf32>,
    %add3A_125 = arith.addf %add3A_122, %get3A_124 : vector<16xf32>
    %get3A_126 = arith.constant 4608 : index
    %get3A_127 = tpu.vector_load %arg6[%get3A_126] {strides = array<i32>} : memref<13312xf32, #tpu.memory_space<vmem>>, vector<16xf32>,
    %add3A_128 = arith.addf %add3A_125, %get3A_127 : vector<16xf32>
    %get3A_129 = arith.constant 5120 : index
    %get3A_130 = tpu.vector_load %arg6[%get3A_129] {strides = array<i32>} : memref<13312xf32, #tpu.memory_space<vmem>>, vector<16xf32>,
    %add3A_131 = arith.addf %add3A_128, %get3A_130 : vector<16xf32>
    %get3A_132 = arith.constant 5632 : index
    %get3A_133 = tpu.vector_load %arg6[%get3A_132] {strides = array<i32>} : memref<13312xf32, #tpu.memory_space<vmem>>, vector<16xf32>,
    %add3A_134 = arith.addf %add3A_131, %get3A_133 : vector<16xf32>
    %get3A_135 = arith.constant 6144 : index
    %get3A_136 = tpu.vector_load %arg6[%get3A_135] {strides = array<i32>} : memref<13312xf32, #tpu.memory_space<vmem>>, vector<16xf32>,
    %add3A_137 = arith.addf %add3A_134, %get3A_136 : vector<16xf32>
    %get3A_138 = arith.constant 6656 : index
    %get3A_139 = tpu.vector_load %arg6[%get3A_138] {strides = array<i32>} : memref<13312xf32, #tpu.memory_space<vmem>>, vector<16xf32>,
    %add3A_140 = arith.addf %add3A_137, %get3A_139 : vector<16xf32>
    %get3A_141 = arith.constant 7168 : index
    %get3A_142 = tpu.vector_load %arg6[%get3A_141] {strides = array<i32>} : memref<13312xf32, #tpu.memory_space<vmem>>, vector<16xf32>,
    %add3A_143 = arith.addf %add3A_140, %get3A_142 : vector<16xf32>
    %get3A_144 = arith.constant 7680 : index
    %get3A_145 = tpu.vector_load %arg6[%get3A_144] {strides = array<i32>} : memref<13312xf32, #tpu.memory_space<vmem>>, vector<16xf32>,
    %add3A_146 = arith.addf %add3A_143, %get3A_145 : vector<16xf32>
    %get3A_147 = arith.constant 8192 : index
    %get3A_148 = tpu.vector_load %arg6[%get3A_147] {strides = array<i32>} : memref<13312xf32, #tpu.memory_space<vmem>>, vector<16xf32>,
    %add3A_149 = arith.addf %add3A_146, %get3A_148 : vector<16xf32>
    %get3A_150 = arith.constant 8704 : index
    %get3A_151 = tpu.vector_load %arg6[%get3A_150] {strides = array<i32>} : memref<13312xf32, #tpu.memory_space<vmem>>, vector<16xf32>,
    %add3A_152 = arith.addf %add3A_149, %get3A_151 : vector<16xf32>
    %get3A_153 = arith.constant 9216 : index
    %get3A_154 = tpu.vector_load %arg6[%get3A_153] {strides = array<i32>} : memref<13312xf32, #tpu.memory_space<vmem>>, vector<16xf32>,
    %add3A_155 = arith.addf %add3A_152, %get3A_154 : vector<16xf32>
    %get3A_156 = arith.constant 9728 : index
    %get3A_157 = tpu.vector_load %arg6[%get3A_156] {strides = array<i32>} : memref<13312xf32, #tpu.memory_space<vmem>>, vector<16xf32>,
    %add3A_158 = arith.addf %add3A_155, %get3A_157 : vector<16xf32>
    %get3A_159 = arith.constant 10240 : index
    %get3A_160 = tpu.vector_load %arg6[%get3A_159] {strides = array<i32>} : memref<13312xf32, #tpu.memory_space<vmem>>, vector<16xf32>,
    %add3A_161 = arith.addf %add3A_158, %get3A_160 : vector<16xf32>
    %get3A_162 = arith.constant 10752 : index
    %get3A_163 = tpu.vector_load %arg6[%get3A_162] {strides = array<i32>} : memref<13312xf32, #tpu.memory_space<vmem>>, vector<16xf32>,
    %add3A_164 = arith.addf %add3A_161, %get3A_163 : vector<16xf32>
    %get3A_165 = arith.constant 11264 : index
    %get3A_166 = tpu.vector_load %arg6[%get3A_165] {strides = array<i32>} : memref<13312xf32, #tpu.memory_space<vmem>>, vector<16xf32>,
    %add3A_167 = arith.addf %add3A_164, %get3A_166 : vector<16xf32>
    %get3A_168 = arith.constant 11776 : index
    %get3A_169 = tpu.vector_load %arg6[%get3A_168] {strides = array<i32>} : memref<13312xf32, #tpu.memory_space<vmem>>, vector<16xf32>,
    %add3A_170 = arith.addf %add3A_167, %get3A_169 : vector<16xf32>
    %get3A_171 = arith.constant 12288 : index
    %get3A_172 = tpu.vector_load %arg6[%get3A_171] {strides = array<i32>} : memref<13312xf32, #tpu.memory_space<vmem>>, vector<16xf32>,
    %add3A_173 = arith.addf %add3A_170, %get3A_172 : vector<16xf32>
    %get3A_174 = arith.constant 12800 : index
    %get3A_175 = tpu.vector_load %arg6[%get3A_174] {strides = array<i32>} : memref<13312xf32, #tpu.memory_space<vmem>>, vector<16xf32>,
    %add3A_176 = arith.addf %add3A_173, %get3A_175 : vector<16xf32>
    %swap3A = arith.constant 0 : index
    %swap3A_177 = tpu.vector_load %arg7[%swap3A] {strides = array<i32>} : memref<512xf32, #tpu.memory_space<vmem>>, vector<16xf32>,
    tpu.vector_store %arg7[%swap3A], %add3A_176 {strides = array<i32>} : memref<512xf32, #tpu.memory_space<vmem>>, vector<16xf32>,
    %get3A_178 = arith.constant 16 : index
    %get3A_179 = tpu.vector_load %arg6[%get3A_178] {strides = array<i32>} : memref<13312xf32, #tpu.memory_space<vmem>>, vector<16xf32>,
    %get3A_180 = arith.constant 528 : index
    %get3A_181 = tpu.vector_load %arg6[%get3A_180] {strides = array<i32>} : memref<13312xf32, #tpu.memory_space<vmem>>, vector<16xf32>,
    %add3A_182 = arith.addf %get3A_179, %get3A_181 : vector<16xf32>
    %get3A_183 = arith.constant 1040 : index
    %get3A_184 = tpu.vector_load %arg6[%get3A_183] {strides = array<i32>} : memref<13312xf32, #tpu.memory_space<vmem>>, vector<16xf32>,
    %add3A_185 = arith.addf %add3A_182, %get3A_184 : vector<16xf32>
    %get3A_186 = arith.constant 1552 : index
    %get3A_187 = tpu.vector_load %arg6[%get3A_186] {strides = array<i32>} : memref<13312xf32, #tpu.memory_space<vmem>>, vector<16xf32>,
    %add3A_188 = arith.addf %add3A_185, %get3A_187 : vector<16xf32>
    %get3A_189 = arith.constant 2064 : index
    %get3A_190 = tpu.vector_load %arg6[%get3A_189] {strides = array<i32>} : memref<13312xf32, #tpu.memory_space<vmem>>, vector<16xf32>,
    %add3A_191 = arith.addf %add3A_188, %get3A_190 : vector<16xf32>
    %get3A_192 = arith.constant 2576 : index
    %get3A_193 = tpu.vector_load %arg6[%get3A_192] {strides = array<i32>} : memref<13312xf32, #tpu.memory_space<vmem>>, vector<16xf32>,
    %add3A_194 = arith.addf %add3A_191, %get3A_193 : vector<16xf32>
    %get3A_195 = arith.constant 3088 : index
    %get3A_196 = tpu.vector_load %arg6[%get3A_195] {strides = array<i32>} : memref<13312xf32, #tpu.memory_space<vmem>>, vector<16xf32>,
    %add3A_197 = arith.addf %add3A_194, %get3A_196 : vector<16xf32>
    %get3A_198 = arith.constant 3600 : index
    %get3A_199 = tpu.vector_load %arg6[%get3A_198] {strides = array<i32>} : memref<13312xf32, #tpu.memory_space<vmem>>, vector<16xf32>,
    %add3A_200 = arith.addf %add3A_197, %get3A_199 : vector<16xf32>
    %get3A_201 = arith.constant 4112 : index
    %get3A_202 = tpu.vector_load %arg6[%get3A_201] {strides = array<i32>} : memref<13312xf32, #tpu.memory_space<vmem>>, vector<16xf32>,
    %add3A_203 = arith.addf %add3A_200, %get3A_202 : vector<16xf32>
    %get3A_204 = arith.constant 4624 : index
    %get3A_205 = tpu.vector_load %arg6[%get3A_204] {strides = array<i32>} : memref<13312xf32, #tpu.memory_space<vmem>>, vector<16xf32>,
    %add3A_206 = arith.addf %add3A_203, %get3A_205 : vector<16xf32>
    %get3A_207 = arith.constant 5136 : index
    %get3A_208 = tpu.vector_load %arg6[%get3A_207] {strides = array<i32>} : memref<13312xf32, #tpu.memory_space<vmem>>, vector<16xf32>,
    %add3A_209 = arith.addf %add3A_206, %get3A_208 : vector<16xf32>
    %get3A_210 = arith.constant 5648 : index
    %get3A_211 = tpu.vector_load %arg6[%get3A_210] {strides = array<i32>} : memref<13312xf32, #tpu.memory_space<vmem>>, vector<16xf32>,
    %add3A_212 = arith.addf %add3A_209, %get3A_211 : vector<16xf32>
    %get3A_213 = arith.constant 6160 : index
    %get3A_214 = tpu.vector_load %arg6[%get3A_213] {strides = array<i32>} : memref<13312xf32, #tpu.memory_space<vmem>>, vector<16xf32>,
    %add3A_215 = arith.addf %add3A_212, %get3A_214 : vector<16xf32>
    %get3A_216 = arith.constant 6672 : index
    %get3A_217 = tpu.vector_load %arg6[%get3A_216] {strides = array<i32>} : memref<13312xf32, #tpu.memory_space<vmem>>, vector<16xf32>,
    %add3A_218 = arith.addf %add3A_215, %get3A_217 : vector<16xf32>
    %get3A_219 = arith.constant 7184 : index
    %get3A_220 = tpu.vector_load %arg6[%get3A_219] {strides = array<i32>} : memref<13312xf32, #tpu.memory_space<vmem>>, vector<16xf32>,
    %add3A_221 = arith.addf %add3A_218, %get3A_220 : vector<16xf32>
    %get3A_222 = arith.constant 7696 : index
    %get3A_223 = tpu.vector_load %arg6[%get3A_222] {strides = array<i32>} : memref<13312xf32, #tpu.memory_space<vmem>>, vector<16xf32>,
    %add3A_224 = arith.addf %add3A_221, %get3A_223 : vector<16xf32>
    %get3A_225 = arith.constant 8208 : index
    %get3A_226 = tpu.vector_load %arg6[%get3A_225] {strides = array<i32>} : memref<13312xf32, #tpu.memory_space<vmem>>, vector<16xf32>,
    %add3A_227 = arith.addf %add3A_224, %get3A_226 : vector<16xf32>
    %get3A_228 = arith.constant 8720 : index
    %get3A_229 = tpu.vector_load %arg6[%get3A_228] {strides = array<i32>} : memref<13312xf32, #tpu.memory_space<vmem>>, vector<16xf32>,
    %add3A_230 = arith.addf %add3A_227, %get3A_229 : vector<16xf32>
    %get3A_231 = arith.constant 9232 : index
    %get3A_232 = tpu.vector_load %arg6[%get3A_231] {strides = array<i32>} : memref<13312xf32, #tpu.memory_space<vmem>>, vector<16xf32>,
    %add3A_233 = arith.addf %add3A_230, %get3A_232 : vector<16xf32>
    %get3A_234 = arith.constant 9744 : index
    %get3A_235 = tpu.vector_load %arg6[%get3A_234] {strides = array<i32>} : memref<13312xf32, #tpu.memory_space<vmem>>, vector<16xf32>,
    %add3A_236 = arith.addf %add3A_233, %get3A_235 : vector<16xf32>
    %get3A_237 = arith.constant 10256 : index
    %get3A_238 = tpu.vector_load %arg6[%get3A_237] {strides = array<i32>} : memref<13312xf32, #tpu.memory_space<vmem>>, vector<16xf32>,
    %add3A_239 = arith.addf %add3A_236, %get3A_238 : vector<16xf32>
    %get3A_240 = arith.constant 10768 : index
    %get3A_241 = tpu.vector_load %arg6[%get3A_240] {strides = array<i32>} : memref<13312xf32, #tpu.memory_space<vmem>>, vector<16xf32>,
    %add3A_242 = arith.addf %add3A_239, %get3A_241 : vector<16xf32>
    %get3A_243 = arith.constant 11280 : index
    %get3A_244 = tpu.vector_load %arg6[%get3A_243] {strides = array<i32>} : memref<13312xf32, #tpu.memory_space<vmem>>, vector<16xf32>,
    %add3A_245 = arith.addf %add3A_242, %get3A_244 : vector<16xf32>
    %get3A_246 = arith.constant 11792 : index
    %get3A_247 = tpu.vector_load %arg6[%get3A_246] {strides = array<i32>} : memref<13312xf32, #tpu.memory_space<vmem>>, vector<16xf32>,
    %add3A_248 = arith.addf %add3A_245, %get3A_247 : vector<16xf32>
    %get3A_249 = arith.constant 12304 : index
    %get3A_250 = tpu.vector_load %arg6[%get3A_249] {strides = array<i32>} : memref<13312xf32, #tpu.memory_space<vmem>>, vector<16xf32>,
    %add3A_251 = arith.addf %add3A_248, %get3A_250 : vector<16xf32>
    %get3A_252 = arith.constant 12816 : index
    %get3A_253 = tpu.vector_load %arg6[%get3A_252] {strides = array<i32>} : memref<13312xf32, #tpu.memory_space<vmem>>, vector<16xf32>,
    %add3A_254 = arith.addf %add3A_251, %get3A_253 : vector<16xf32>
    %swap3A_255 = arith.constant 16 : index
    %swap3A_256 = tpu.vector_load %arg7[%swap3A_255] {strides = array<i32>} : memref<512xf32, #tpu.memory_space<vmem>>, vector<16xf32>,
    tpu.vector_store %arg7[%swap3A_255], %add3A_254 {strides = array<i32>} : memref<512xf32, #tpu.memory_space<vmem>>, vector<16xf32>,
    %get3A_257 = arith.constant 32 : index
    %get3A_258 = tpu.vector_load %arg6[%get3A_257] {strides = array<i32>} : memref<13312xf32, #tpu.memory_space<vmem>>, vector<16xf32>,
    %get3A_259 = arith.constant 544 : index
    %get3A_260 = tpu.vector_load %arg6[%get3A_259] {strides = array<i32>} : memref<13312xf32, #tpu.memory_space<vmem>>, vector<16xf32>,
    %add3A_261 = arith.addf %get3A_258, %get3A_260 : vector<16xf32>
    %get3A_262 = arith.constant 1056 : index
    %get3A_263 = tpu.vector_load %arg6[%get3A_262] {strides = array<i32>} : memref<13312xf32, #tpu.memory_space<vmem>>, vector<16xf32>,
    %add3A_264 = arith.addf %add3A_261, %get3A_263 : vector<16xf32>
    %get3A_265 = arith.constant 1568 : index
    %get3A_266 = tpu.vector_load %arg6[%get3A_265] {strides = array<i32>} : memref<13312xf32, #tpu.memory_space<vmem>>, vector<16xf32>,
    %add3A_267 = arith.addf %add3A_264, %get3A_266 : vector<16xf32>
    %get3A_268 = arith.constant 2080 : index
    %get3A_269 = tpu.vector_load %arg6[%get3A_268] {strides = array<i32>} : memref<13312xf32, #tpu.memory_space<vmem>>, vector<16xf32>,
    %add3A_270 = arith.addf %add3A_267, %get3A_269 : vector<16xf32>
    %get3A_271 = arith.constant 2592 : index
    %get3A_272 = tpu.vector_load %arg6[%get3A_271] {strides = array<i32>} : memref<13312xf32, #tpu.memory_space<vmem>>, vector<16xf32>,
    %add3A_273 = arith.addf %add3A_270, %get3A_272 : vector<16xf32>
    %get3A_274 = arith.constant 3104 : index
    %get3A_275 = tpu.vector_load %arg6[%get3A_274] {strides = array<i32>} : memref<13312xf32, #tpu.memory_space<vmem>>, vector<16xf32>,
    %add3A_276 = arith.addf %add3A_273, %get3A_275 : vector<16xf32>
    %get3A_277 = arith.constant 3616 : index
    %get3A_278 = tpu.vector_load %arg6[%get3A_277] {strides = array<i32>} : memref<13312xf32, #tpu.memory_space<vmem>>, vector<16xf32>,
    %add3A_279 = arith.addf %add3A_276, %get3A_278 : vector<16xf32>
    %get3A_280 = arith.constant 4128 : index
    %get3A_281 = tpu.vector_load %arg6[%get3A_280] {strides = array<i32>} : memref<13312xf32, #tpu.memory_space<vmem>>, vector<16xf32>,
    %add3A_282 = arith.addf %add3A_279, %get3A_281 : vector<16xf32>
    %get3A_283 = arith.constant 4640 : index
    %get3A_284 = tpu.vector_load %arg6[%get3A_283] {strides = array<i32>} : memref<13312xf32, #tpu.memory_space<vmem>>, vector<16xf32>,
    %add3A_285 = arith.addf %add3A_282, %get3A_284 : vector<16xf32>
    %get3A_286 = arith.constant 5152 : index
    %get3A_287 = tpu.vector_load %arg6[%get3A_286] {strides = array<i32>} : memref<13312xf32, #tpu.memory_space<vmem>>, vector<16xf32>,
    %add3A_288 = arith.addf %add3A_285, %get3A_287 : vector<16xf32>
    %get3A_289 = arith.constant 5664 : index
    %get3A_290 = tpu.vector_load %arg6[%get3A_289] {strides = array<i32>} : memref<13312xf32, #tpu.memory_space<vmem>>, vector<16xf32>,
    %add3A_291 = arith.addf %add3A_288, %get3A_290 : vector<16xf32>
    %get3A_292 = arith.constant 6176 : index
    %get3A_293 = tpu.vector_load %arg6[%get3A_292] {strides = array<i32>} : memref<13312xf32, #tpu.memory_space<vmem>>, vector<16xf32>,
    %add3A_294 = arith.addf %add3A_291, %get3A_293 : vector<16xf32>
    %get3A_295 = arith.constant 6688 : index
    %get3A_296 = tpu.vector_load %arg6[%get3A_295] {strides = array<i32>} : memref<13312xf32, #tpu.memory_space<vmem>>, vector<16xf32>,
    %add3A_297 = arith.addf %add3A_294, %get3A_296 : vector<16xf32>
    %get3A_298 = arith.constant 7200 : index
    %get3A_299 = tpu.vector_load %arg6[%get3A_298] {strides = array<i32>} : memref<13312xf32, #tpu.memory_space<vmem>>, vector<16xf32>,
    %add3A_300 = arith.addf %add3A_297, %get3A_299 : vector<16xf32>
    %get3A_301 = arith.constant 7712 : index
    %get3A_302 = tpu.vector_load %arg6[%get3A_301] {strides = array<i32>} : memref<13312xf32, #tpu.memory_space<vmem>>, vector<16xf32>,
    %add3A_303 = arith.addf %add3A_300, %get3A_302 : vector<16xf32>
    %get3A_304 = arith.constant 8224 : index
    %get3A_305 = tpu.vector_load %arg6[%get3A_304] {strides = array<i32>} : memref<13312xf32, #tpu.memory_space<vmem>>, vector<16xf32>,
    %add3A_306 = arith.addf %add3A_303, %get3A_305 : vector<16xf32>
    %get3A_307 = arith.constant 8736 : index
    %get3A_308 = tpu.vector_load %arg6[%get3A_307] {strides = array<i32>} : memref<13312xf32, #tpu.memory_space<vmem>>, vector<16xf32>,
    %add3A_309 = arith.addf %add3A_306, %get3A_308 : vector<16xf32>
    %get3A_310 = arith.constant 9248 : index
    %get3A_311 = tpu.vector_load %arg6[%get3A_310] {strides = array<i32>} : memref<13312xf32, #tpu.memory_space<vmem>>, vector<16xf32>,
    %add3A_312 = arith.addf %add3A_309, %get3A_311 : vector<16xf32>
    %get3A_313 = arith.constant 9760 : index
    %get3A_314 = tpu.vector_load %arg6[%get3A_313] {strides = array<i32>} : memref<13312xf32, #tpu.memory_space<vmem>>, vector<16xf32>,
    %add3A_315 = arith.addf %add3A_312, %get3A_314 : vector<16xf32>
    %get3A_316 = arith.constant 10272 : index
    %get3A_317 = tpu.vector_load %arg6[%get3A_316] {strides = array<i32>} : memref<13312xf32, #tpu.memory_space<vmem>>, vector<16xf32>,
    %add3A_318 = arith.addf %add3A_315, %get3A_317 : vector<16xf32>
    %get3A_319 = arith.constant 10784 : index
    %get3A_320 = tpu.vector_load %arg6[%get3A_319] {strides = array<i32>} : memref<13312xf32, #tpu.memory_space<vmem>>, vector<16xf32>,
    %add3A_321 = arith.addf %add3A_318, %get3A_320 : vector<16xf32>
    %get3A_322 = arith.constant 11296 : index
    %get3A_323 = tpu.vector_load %arg6[%get3A_322] {strides = array<i32>} : memref<13312xf32, #tpu.memory_space<vmem>>, vector<16xf32>,
    %add3A_324 = arith.addf %add3A_321, %get3A_323 : vector<16xf32>
    %get3A_325 = arith.constant 11808 : index
    %get3A_326 = tpu.vector_load %arg6[%get3A_325] {strides = array<i32>} : memref<13312xf32, #tpu.memory_space<vmem>>, vector<16xf32>,
    %add3A_327 = arith.addf %add3A_324, %get3A_326 : vector<16xf32>
    %get3A_328 = arith.constant 12320 : index
    %get3A_329 = tpu.vector_load %arg6[%get3A_328] {strides = array<i32>} : memref<13312xf32, #tpu.memory_space<vmem>>, vector<16xf32>,
    %add3A_330 = arith.addf %add3A_327, %get3A_329 : vector<16xf32>
    %get3A_331 = arith.constant 12832 : index
    %get3A_332 = tpu.vector_load %arg6[%get3A_331] {strides = array<i32>} : memref<13312xf32, #tpu.memory_space<vmem>>, vector<16xf32>,
    %add3A_333 = arith.addf %add3A_330, %get3A_332 : vector<16xf32>
    %swap3A_334 = arith.constant 32 : index
    %swap3A_335 = tpu.vector_load %arg7[%swap3A_334] {strides = array<i32>} : memref<512xf32, #tpu.memory_space<vmem>>, vector<16xf32>,
    tpu.vector_store %arg7[%swap3A_334], %add3A_333 {strides = array<i32>} : memref<512xf32, #tpu.memory_space<vmem>>, vector<16xf32>,
    %get3A_336 = arith.constant 48 : index
    %get3A_337 = tpu.vector_load %arg6[%get3A_336] {strides = array<i32>} : memref<13312xf32, #tpu.memory_space<vmem>>, vector<16xf32>,
    %get3A_338 = arith.constant 560 : index
    %get3A_339 = tpu.vector_load %arg6[%get3A_338] {strides = array<i32>} : memref<13312xf32, #tpu.memory_space<vmem>>, vector<16xf32>,
    %add3A_340 = arith.addf %get3A_337, %get3A_339 : vector<16xf32>
    %get3A_341 = arith.constant 1072 : index
    %get3A_342 = tpu.vector_load %arg6[%get3A_341] {strides = array<i32>} : memref<13312xf32, #tpu.memory_space<vmem>>, vector<16xf32>,
    %add3A_343 = arith.addf %add3A_340, %get3A_342 : vector<16xf32>
    %get3A_344 = arith.constant 1584 : index
    %get3A_345 = tpu.vector_load %arg6[%get3A_344] {strides = array<i32>} : memref<13312xf32, #tpu.memory_space<vmem>>, vector<16xf32>,
    %add3A_346 = arith.addf %add3A_343, %get3A_345 : vector<16xf32>
    %get3A_347 = arith.constant 2096 : index
    %get3A_348 = tpu.vector_load %arg6[%get3A_347] {strides = array<i32>} : memref<13312xf32, #tpu.memory_space<vmem>>, vector<16xf32>,
    %add3A_349 = arith.addf %add3A_346, %get3A_348 : vector<16xf32>
    %get3A_350 = arith.constant 2608 : index
    %get3A_351 = tpu.vector_load %arg6[%get3A_350] {strides = array<i32>} : memref<13312xf32, #tpu.memory_space<vmem>>, vector<16xf32>,
    %add3A_352 = arith.addf %add3A_349, %get3A_351 : vector<16xf32>
    %get3A_353 = arith.constant 3120 : index
    %get3A_354 = tpu.vector_load %arg6[%get3A_353] {strides = array<i32>} : memref<13312xf32, #tpu.memory_space<vmem>>, vector<16xf32>,
    %add3A_355 = arith.addf %add3A_352, %get3A_354 : vector<16xf32>
    %get3A_356 = arith.constant 3632 : index
    %get3A_357 = tpu.vector_load %arg6[%get3A_356] {strides = array<i32>} : memref<13312xf32, #tpu.memory_space<vmem>>, vector<16xf32>,
    %add3A_358 = arith.addf %add3A_355, %get3A_357 : vector<16xf32>
    %get3A_359 = arith.constant 4144 : index
    %get3A_360 = tpu.vector_load %arg6[%get3A_359] {strides = array<i32>} : memref<13312xf32, #tpu.memory_space<vmem>>, vector<16xf32>,
    %add3A_361 = arith.addf %add3A_358, %get3A_360 : vector<16xf32>
    %get3A_362 = arith.constant 4656 : index
    %get3A_363 = tpu.vector_load %arg6[%get3A_362] {strides = array<i32>} : memref<13312xf32, #tpu.memory_space<vmem>>, vector<16xf32>,
    %add3A_364 = arith.addf %add3A_361, %get3A_363 : vector<16xf32>
    %get3A_365 = arith.constant 5168 : index
    %get3A_366 = tpu.vector_load %arg6[%get3A_365] {strides = array<i32>} : memref<13312xf32, #tpu.memory_space<vmem>>, vector<16xf32>,
    %add3A_367 = arith.addf %add3A_364, %get3A_366 : vector<16xf32>
    %get3A_368 = arith.constant 5680 : index
    %get3A_369 = tpu.vector_load %arg6[%get3A_368] {strides = array<i32>} : memref<13312xf32, #tpu.memory_space<vmem>>, vector<16xf32>,
    %add3A_370 = arith.addf %add3A_367, %get3A_369 : vector<16xf32>
    %get3A_371 = arith.constant 6192 : index
    %get3A_372 = tpu.vector_load %arg6[%get3A_371] {strides = array<i32>} : memref<13312xf32, #tpu.memory_space<vmem>>, vector<16xf32>,
    %add3A_373 = arith.addf %add3A_370, %get3A_372 : vector<16xf32>
    %get3A_374 = arith.constant 6704 : index
    %get3A_375 = tpu.vector_load %arg6[%get3A_374] {strides = array<i32>} : memref<13312xf32, #tpu.memory_space<vmem>>, vector<16xf32>,
    %add3A_376 = arith.addf %add3A_373, %get3A_375 : vector<16xf32>
    %get3A_377 = arith.constant 7216 : index
    %get3A_378 = tpu.vector_load %arg6[%get3A_377] {strides = array<i32>} : memref<13312xf32, #tpu.memory_space<vmem>>, vector<16xf32>,
    %add3A_379 = arith.addf %add3A_376, %get3A_378 : vector<16xf32>
    %get3A_380 = arith.constant 7728 : index
    %get3A_381 = tpu.vector_load %arg6[%get3A_380] {strides = array<i32>} : memref<13312xf32, #tpu.memory_space<vmem>>, vector<16xf32>,
    %add3A_382 = arith.addf %add3A_379, %get3A_381 : vector<16xf32>
    %get3A_383 = arith.constant 8240 : index
    %get3A_384 = tpu.vector_load %arg6[%get3A_383] {strides = array<i32>} : memref<13312xf32, #tpu.memory_space<vmem>>, vector<16xf32>,
    %add3A_385 = arith.addf %add3A_382, %get3A_384 : vector<16xf32>
    %get3A_386 = arith.constant 8752 : index
    %get3A_387 = tpu.vector_load %arg6[%get3A_386] {strides = array<i32>} : memref<13312xf32, #tpu.memory_space<vmem>>, vector<16xf32>,
    %add3A_388 = arith.addf %add3A_385, %get3A_387 : vector<16xf32>
    %get3A_389 = arith.constant 9264 : index
    %get3A_390 = tpu.vector_load %arg6[%get3A_389] {strides = array<i32>} : memref<13312xf32, #tpu.memory_space<vmem>>, vector<16xf32>,
    %add3A_391 = arith.addf %add3A_388, %get3A_390 : vector<16xf32>
    %get3A_392 = arith.constant 9776 : index
    %get3A_393 = tpu.vector_load %arg6[%get3A_392] {strides = array<i32>} : memref<13312xf32, #tpu.memory_space<vmem>>, vector<16xf32>,
    %add3A_394 = arith.addf %add3A_391, %get3A_393 : vector<16xf32>
    %get3A_395 = arith.constant 10288 : index
    %get3A_396 = tpu.vector_load %arg6[%get3A_395] {strides = array<i32>} : memref<13312xf32, #tpu.memory_space<vmem>>, vector<16xf32>,
    %add3A_397 = arith.addf %add3A_394, %get3A_396 : vector<16xf32>
    %get3A_398 = arith.constant 10800 : index
    %get3A_399 = tpu.vector_load %arg6[%get3A_398] {strides = array<i32>} : memref<13312xf32, #tpu.memory_space<vmem>>, vector<16xf32>,
    %add3A_400 = arith.addf %add3A_397, %get3A_399 : vector<16xf32>
    %get3A_401 = arith.constant 11312 : index
    %get3A_402 = tpu.vector_load %arg6[%get3A_401] {strides = array<i32>} : memref<13312xf32, #tpu.memory_space<vmem>>, vector<16xf32>,
    %add3A_403 = arith.addf %add3A_400, %get3A_402 : vector<16xf32>
    %get3A_404 = arith.constant 11824 : index
    %get3A_405 = tpu.vector_load %arg6[%get3A_404] {strides = array<i32>} : memref<13312xf32, #tpu.memory_space<vmem>>, vector<16xf32>,
    %add3A_406 = arith.addf %add3A_403, %get3A_405 : vector<16xf32>
    %get3A_407 = arith.constant 12336 : index
    %get3A_408 = tpu.vector_load %arg6[%get3A_407] {strides = array<i32>} : memref<13312xf32, #tpu.memory_space<vmem>>, vector<16xf32>,
    %add3A_409 = arith.addf %add3A_406, %get3A_408 : vector<16xf32>
    %get3A_410 = arith.constant 12848 : index
    %get3A_411 = tpu.vector_load %arg6[%get3A_410] {strides = array<i32>} : memref<13312xf32, #tpu.memory_space<vmem>>, vector<16xf32>,
    %add3A_412 = arith.addf %add3A_409, %get3A_411 : vector<16xf32>
    %swap3A_413 = arith.constant 48 : index
    %swap3A_414 = tpu.vector_load %arg7[%swap3A_413] {strides = array<i32>} : memref<512xf32, #tpu.memory_space<vmem>>, vector<16xf32>,
    tpu.vector_store %arg7[%swap3A_413], %add3A_412 {strides = array<i32>} : memref<512xf32, #tpu.memory_space<vmem>>, vector<16xf32>,
    %get3A_415 = arith.constant 64 : index
    %get3A_416 = tpu.vector_load %arg6[%get3A_415] {strides = array<i32>} : memref<13312xf32, #tpu.memory_space<vmem>>, vector<16xf32>,
    %get3A_417 = arith.constant 576 : index
    %get3A_418 = tpu.vector_load %arg6[%get3A_417] {strides = array<i32>} : memref<13312xf32, #tpu.memory_space<vmem>>, vector<16xf32>,
    %add3A_419 = arith.addf %get3A_416, %get3A_418 : vector<16xf32>
    %get3A_420 = arith.constant 1088 : index
    %get3A_421 = tpu.vector_load %arg6[%get3A_420] {strides = array<i32>} : memref<13312xf32, #tpu.memory_space<vmem>>, vector<16xf32>,
    %add3A_422 = arith.addf %add3A_419, %get3A_421 : vector<16xf32>
    %get3A_423 = arith.constant 1600 : index
    %get3A_424 = tpu.vector_load %arg6[%get3A_423] {strides = array<i32>} : memref<13312xf32, #tpu.memory_space<vmem>>, vector<16xf32>,
    %add3A_425 = arith.addf %add3A_422, %get3A_424 : vector<16xf32>
    %get3A_426 = arith.constant 2112 : index
    %get3A_427 = tpu.vector_load %arg6[%get3A_426] {strides = array<i32>} : memref<13312xf32, #tpu.memory_space<vmem>>, vector<16xf32>,
    %add3A_428 = arith.addf %add3A_425, %get3A_427 : vector<16xf32>
    %get3A_429 = arith.constant 2624 : index
    %get3A_430 = tpu.vector_load %arg6[%get3A_429] {strides = array<i32>} : memref<13312xf32, #tpu.memory_space<vmem>>, vector<16xf32>,
    %add3A_431 = arith.addf %add3A_428, %get3A_430 : vector<16xf32>
    %get3A_432 = arith.constant 3136 : index
    %get3A_433 = tpu.vector_load %arg6[%get3A_432] {strides = array<i32>} : memref<13312xf32, #tpu.memory_space<vmem>>, vector<16xf32>,
    %add3A_434 = arith.addf %add3A_431, %get3A_433 : vector<16xf32>
    %get3A_435 = arith.constant 3648 : index
    %get3A_436 = tpu.vector_load %arg6[%get3A_435] {strides = array<i32>} : memref<13312xf32, #tpu.memory_space<vmem>>, vector<16xf32>,
    %add3A_437 = arith.addf %add3A_434, %get3A_436 : vector<16xf32>
    %get3A_438 = arith.constant 4160 : index
    %get3A_439 = tpu.vector_load %arg6[%get3A_438] {strides = array<i32>} : memref<13312xf32, #tpu.memory_space<vmem>>, vector<16xf32>,
    %add3A_440 = arith.addf %add3A_437, %get3A_439 : vector<16xf32>
    %get3A_441 = arith.constant 4672 : index
    %get3A_442 = tpu.vector_load %arg6[%get3A_441] {strides = array<i32>} : memref<13312xf32, #tpu.memory_space<vmem>>, vector<16xf32>,
    %add3A_443 = arith.addf %add3A_440, %get3A_442 : vector<16xf32>
    %get3A_444 = arith.constant 5184 : index
    %get3A_445 = tpu.vector_load %arg6[%get3A_444] {strides = array<i32>} : memref<13312xf32, #tpu.memory_space<vmem>>, vector<16xf32>,
    %add3A_446 = arith.addf %add3A_443, %get3A_445 : vector<16xf32>
    %get3A_447 = arith.constant 5696 : index
    %get3A_448 = tpu.vector_load %arg6[%get3A_447] {strides = array<i32>} : memref<13312xf32, #tpu.memory_space<vmem>>, vector<16xf32>,
    %add3A_449 = arith.addf %add3A_446, %get3A_448 : vector<16xf32>
    %get3A_450 = arith.constant 6208 : index
    %get3A_451 = tpu.vector_load %arg6[%get3A_450] {strides = array<i32>} : memref<13312xf32, #tpu.memory_space<vmem>>, vector<16xf32>,
    %add3A_452 = arith.addf %add3A_449, %get3A_451 : vector<16xf32>
    %get3A_453 = arith.constant 6720 : index
    %get3A_454 = tpu.vector_load %arg6[%get3A_453] {strides = array<i32>} : memref<13312xf32, #tpu.memory_space<vmem>>, vector<16xf32>,
    %add3A_455 = arith.addf %add3A_452, %get3A_454 : vector<16xf32>
    %get3A_456 = arith.constant 7232 : index
    %get3A_457 = tpu.vector_load %arg6[%get3A_456] {strides = array<i32>} : memref<13312xf32, #tpu.memory_space<vmem>>, vector<16xf32>,
    %add3A_458 = arith.addf %add3A_455, %get3A_457 : vector<16xf32>
    %get3A_459 = arith.constant 7744 : index
    %get3A_460 = tpu.vector_load %arg6[%get3A_459] {strides = array<i32>} : memref<13312xf32, #tpu.memory_space<vmem>>, vector<16xf32>,
    %add3A_461 = arith.addf %add3A_458, %get3A_460 : vector<16xf32>
    %get3A_462 = arith.constant 8256 : index
    %get3A_463 = tpu.vector_load %arg6[%get3A_462] {strides = array<i32>} : memref<13312xf32, #tpu.memory_space<vmem>>, vector<16xf32>,
    %add3A_464 = arith.addf %add3A_461, %get3A_463 : vector<16xf32>
    %get3A_465 = arith.constant 8768 : index
    %get3A_466 = tpu.vector_load %arg6[%get3A_465] {strides = array<i32>} : memref<13312xf32, #tpu.memory_space<vmem>>, vector<16xf32>,
    %add3A_467 = arith.addf %add3A_464, %get3A_466 : vector<16xf32>
    %get3A_468 = arith.constant 9280 : index
    %get3A_469 = tpu.vector_load %arg6[%get3A_468] {strides = array<i32>} : memref<13312xf32, #tpu.memory_space<vmem>>, vector<16xf32>,
    %add3A_470 = arith.addf %add3A_467, %get3A_469 : vector<16xf32>
    %get3A_471 = arith.constant 9792 : index
    %get3A_472 = tpu.vector_load %arg6[%get3A_471] {strides = array<i32>} : memref<13312xf32, #tpu.memory_space<vmem>>, vector<16xf32>,
    %add3A_473 = arith.addf %add3A_470, %get3A_472 : vector<16xf32>
    %get3A_474 = arith.constant 10304 : index
    %get3A_475 = tpu.vector_load %arg6[%get3A_474] {strides = array<i32>} : memref<13312xf32, #tpu.memory_space<vmem>>, vector<16xf32>,
    %add3A_476 = arith.addf %add3A_473, %get3A_475 : vector<16xf32>
    %get3A_477 = arith.constant 10816 : index
    %get3A_478 = tpu.vector_load %arg6[%get3A_477] {strides = array<i32>} : memref<13312xf32, #tpu.memory_space<vmem>>, vector<16xf32>,
    %add3A_479 = arith.addf %add3A_476, %get3A_478 : vector<16xf32>
    %get3A_480 = arith.constant 11328 : index
    %get3A_481 = tpu.vector_load %arg6[%get3A_480] {strides = array<i32>} : memref<13312xf32, #tpu.memory_space<vmem>>, vector<16xf32>,
    %add3A_482 = arith.addf %add3A_479, %get3A_481 : vector<16xf32>
    %get3A_483 = arith.constant 11840 : index
    %get3A_484 = tpu.vector_load %arg6[%get3A_483] {strides = array<i32>} : memref<13312xf32, #tpu.memory_space<vmem>>, vector<16xf32>,
    %add3A_485 = arith.addf %add3A_482, %get3A_484 : vector<16xf32>
    %get3A_486 = arith.constant 12352 : index
    %get3A_487 = tpu.vector_load %arg6[%get3A_486] {strides = array<i32>} : memref<13312xf32, #tpu.memory_space<vmem>>, vector<16xf32>,
    %add3A_488 = arith.addf %add3A_485, %get3A_487 : vector<16xf32>
    %get3A_489 = arith.constant 12864 : index
    %get3A_490 = tpu.vector_load %arg6[%get3A_489] {strides = array<i32>} : memref<13312xf32, #tpu.memory_space<vmem>>, vector<16xf32>,
    %add3A_491 = arith.addf %add3A_488, %get3A_490 : vector<16xf32>
    %swap3A_492 = arith.constant 64 : index
    %swap3A_493 = tpu.vector_load %arg7[%swap3A_492] {strides = array<i32>} : memref<512xf32, #tpu.memory_space<vmem>>, vector<16xf32>,
    tpu.vector_store %arg7[%swap3A_492], %add3A_491 {strides = array<i32>} : memref<512xf32, #tpu.memory_space<vmem>>, vector<16xf32>,
    %get3A_494 = arith.constant 80 : index
    %get3A_495 = tpu.vector_load %arg6[%get3A_494] {strides = array<i32>} : memref<13312xf32, #tpu.memory_space<vmem>>, vector<16xf32>,
    %get3A_496 = arith.constant 592 : index
    %get3A_497 = tpu.vector_load %arg6[%get3A_496] {strides = array<i32>} : memref<13312xf32, #tpu.memory_space<vmem>>, vector<16xf32>,
    %add3A_498 = arith.addf %get3A_495, %get3A_497 : vector<16xf32>
    %get3A_499 = arith.constant 1104 : index
    %get3A_500 = tpu.vector_load %arg6[%get3A_499] {strides = array<i32>} : memref<13312xf32, #tpu.memory_space<vmem>>, vector<16xf32>,
    %add3A_501 = arith.addf %add3A_498, %get3A_500 : vector<16xf32>
    %get3A_502 = arith.constant 1616 : index
    %get3A_503 = tpu.vector_load %arg6[%get3A_502] {strides = array<i32>} : memref<13312xf32, #tpu.memory_space<vmem>>, vector<16xf32>,
    %add3A_504 = arith.addf %add3A_501, %get3A_503 : vector<16xf32>
    %get3A_505 = arith.constant 2128 : index
    %get3A_506 = tpu.vector_load %arg6[%get3A_505] {strides = array<i32>} : memref<13312xf32, #tpu.memory_space<vmem>>, vector<16xf32>,
    %add3A_507 = arith.addf %add3A_504, %get3A_506 : vector<16xf32>
    %get3A_508 = arith.constant 2640 : index
    %get3A_509 = tpu.vector_load %arg6[%get3A_508] {strides = array<i32>} : memref<13312xf32, #tpu.memory_space<vmem>>, vector<16xf32>,
    %add3A_510 = arith.addf %add3A_507, %get3A_509 : vector<16xf32>
    %get3A_511 = arith.constant 3152 : index
    %get3A_512 = tpu.vector_load %arg6[%get3A_511] {strides = array<i32>} : memref<13312xf32, #tpu.memory_space<vmem>>, vector<16xf32>,
    %add3A_513 = arith.addf %add3A_510, %get3A_512 : vector<16xf32>
    %get3A_514 = arith.constant 3664 : index
    %get3A_515 = tpu.vector_load %arg6[%get3A_514] {strides = array<i32>} : memref<13312xf32, #tpu.memory_space<vmem>>, vector<16xf32>,
    %add3A_516 = arith.addf %add3A_513, %get3A_515 : vector<16xf32>
    %get3A_517 = arith.constant 4176 : index
    %get3A_518 = tpu.vector_load %arg6[%get3A_517] {strides = array<i32>} : memref<13312xf32, #tpu.memory_space<vmem>>, vector<16xf32>,
    %add3A_519 = arith.addf %add3A_516, %get3A_518 : vector<16xf32>
    %get3A_520 = arith.constant 4688 : index
    %get3A_521 = tpu.vector_load %arg6[%get3A_520] {strides = array<i32>} : memref<13312xf32, #tpu.memory_space<vmem>>, vector<16xf32>,
    %add3A_522 = arith.addf %add3A_519, %get3A_521 : vector<16xf32>
    %get3A_523 = arith.constant 5200 : index
    %get3A_524 = tpu.vector_load %arg6[%get3A_523] {strides = array<i32>} : memref<13312xf32, #tpu.memory_space<vmem>>, vector<16xf32>,
    %add3A_525 = arith.addf %add3A_522, %get3A_524 : vector<16xf32>
    %get3A_526 = arith.constant 5712 : index
    %get3A_527 = tpu.vector_load %arg6[%get3A_526] {strides = array<i32>} : memref<13312xf32, #tpu.memory_space<vmem>>, vector<16xf32>,
    %add3A_528 = arith.addf %add3A_525, %get3A_527 : vector<16xf32>
    %get3A_529 = arith.constant 6224 : index
    %get3A_530 = tpu.vector_load %arg6[%get3A_529] {strides = array<i32>} : memref<13312xf32, #tpu.memory_space<vmem>>, vector<16xf32>,
    %add3A_531 = arith.addf %add3A_528, %get3A_530 : vector<16xf32>
    %get3A_532 = arith.constant 6736 : index
    %get3A_533 = tpu.vector_load %arg6[%get3A_532] {strides = array<i32>} : memref<13312xf32, #tpu.memory_space<vmem>>, vector<16xf32>,
    %add3A_534 = arith.addf %add3A_531, %get3A_533 : vector<16xf32>
    %get3A_535 = arith.constant 7248 : index
    %get3A_536 = tpu.vector_load %arg6[%get3A_535] {strides = array<i32>} : memref<13312xf32, #tpu.memory_space<vmem>>, vector<16xf32>,
    %add3A_537 = arith.addf %add3A_534, %get3A_536 : vector<16xf32>
    %get3A_538 = arith.constant 7760 : index
    %get3A_539 = tpu.vector_load %arg6[%get3A_538] {strides = array<i32>} : memref<13312xf32, #tpu.memory_space<vmem>>, vector<16xf32>,
    %add3A_540 = arith.addf %add3A_537, %get3A_539 : vector<16xf32>
    %get3A_541 = arith.constant 8272 : index
    %get3A_542 = tpu.vector_load %arg6[%get3A_541] {strides = array<i32>} : memref<13312xf32, #tpu.memory_space<vmem>>, vector<16xf32>,
    %add3A_543 = arith.addf %add3A_540, %get3A_542 : vector<16xf32>
    %get3A_544 = arith.constant 8784 : index
    %get3A_545 = tpu.vector_load %arg6[%get3A_544] {strides = array<i32>} : memref<13312xf32, #tpu.memory_space<vmem>>, vector<16xf32>,
    %add3A_546 = arith.addf %add3A_543, %get3A_545 : vector<16xf32>
    %get3A_547 = arith.constant 9296 : index
    %get3A_548 = tpu.vector_load %arg6[%get3A_547] {strides = array<i32>} : memref<13312xf32, #tpu.memory_space<vmem>>, vector<16xf32>,
    %add3A_549 = arith.addf %add3A_546, %get3A_548 : vector<16xf32>
    %get3A_550 = arith.constant 9808 : index
    %get3A_551 = tpu.vector_load %arg6[%get3A_550] {strides = array<i32>} : memref<13312xf32, #tpu.memory_space<vmem>>, vector<16xf32>,
    %add3A_552 = arith.addf %add3A_549, %get3A_551 : vector<16xf32>
    %get3A_553 = arith.constant 10320 : index
    %get3A_554 = tpu.vector_load %arg6[%get3A_553] {strides = array<i32>} : memref<13312xf32, #tpu.memory_space<vmem>>, vector<16xf32>,
    %add3A_555 = arith.addf %add3A_552, %get3A_554 : vector<16xf32>
    %get3A_556 = arith.constant 10832 : index
    %get3A_557 = tpu.vector_load %arg6[%get3A_556] {strides = array<i32>} : memref<13312xf32, #tpu.memory_space<vmem>>, vector<16xf32>,
    %add3A_558 = arith.addf %add3A_555, %get3A_557 : vector<16xf32>
    %get3A_559 = arith.constant 11344 : index
    %get3A_560 = tpu.vector_load %arg6[%get3A_559] {strides = array<i32>} : memref<13312xf32, #tpu.memory_space<vmem>>, vector<16xf32>,
    %add3A_561 = arith.addf %add3A_558, %get3A_560 : vector<16xf32>
    %get3A_562 = arith.constant 11856 : index
    %get3A_563 = tpu.vector_load %arg6[%get3A_562] {strides = array<i32>} : memref<13312xf32, #tpu.memory_space<vmem>>, vector<16xf32>,
    %add3A_564 = arith.addf %add3A_561, %get3A_563 : vector<16xf32>
    %get3A_565 = arith.constant 12368 : index
    %get3A_566 = tpu.vector_load %arg6[%get3A_565] {strides = array<i32>} : memref<13312xf32, #tpu.memory_space<vmem>>, vector<16xf32>,
    %add3A_567 = arith.addf %add3A_564, %get3A_566 : vector<16xf32>
    %get3A_568 = arith.constant 12880 : index
    %get3A_569 = tpu.vector_load %arg6[%get3A_568] {strides = array<i32>} : memref<13312xf32, #tpu.memory_space<vmem>>, vector<16xf32>,
    %add3A_570 = arith.addf %add3A_567, %get3A_569 : vector<16xf32>
    %swap3A_571 = arith.constant 80 : index
    %swap3A_572 = tpu.vector_load %arg7[%swap3A_571] {strides = array<i32>} : memref<512xf32, #tpu.memory_space<vmem>>, vector<16xf32>,
    tpu.vector_store %arg7[%swap3A_571], %add3A_570 {strides = array<i32>} : memref<512xf32, #tpu.memory_space<vmem>>, vector<16xf32>,
    %get3A_573 = arith.constant 96 : index
    %get3A_574 = tpu.vector_load %arg6[%get3A_573] {strides = array<i32>} : memref<13312xf32, #tpu.memory_space<vmem>>, vector<16xf32>,
    %get3A_575 = arith.constant 608 : index
    %get3A_576 = tpu.vector_load %arg6[%get3A_575] {strides = array<i32>} : memref<13312xf32, #tpu.memory_space<vmem>>, vector<16xf32>,
    %add3A_577 = arith.addf %get3A_574, %get3A_576 : vector<16xf32>
    %get3A_578 = arith.constant 1120 : index
    %get3A_579 = tpu.vector_load %arg6[%get3A_578] {strides = array<i32>} : memref<13312xf32, #tpu.memory_space<vmem>>, vector<16xf32>,
    %add3A_580 = arith.addf %add3A_577, %get3A_579 : vector<16xf32>
    %get3A_581 = arith.constant 1632 : index
    %get3A_582 = tpu.vector_load %arg6[%get3A_581] {strides = array<i32>} : memref<13312xf32, #tpu.memory_space<vmem>>, vector<16xf32>,
    %add3A_583 = arith.addf %add3A_580, %get3A_582 : vector<16xf32>
    %get3A_584 = arith.constant 2144 : index
    %get3A_585 = tpu.vector_load %arg6[%get3A_584] {strides = array<i32>} : memref<13312xf32, #tpu.memory_space<vmem>>, vector<16xf32>,
    %add3A_586 = arith.addf %add3A_583, %get3A_585 : vector<16xf32>
    %get3A_587 = arith.constant 2656 : index
    %get3A_588 = tpu.vector_load %arg6[%get3A_587] {strides = array<i32>} : memref<13312xf32, #tpu.memory_space<vmem>>, vector<16xf32>,
    %add3A_589 = arith.addf %add3A_586, %get3A_588 : vector<16xf32>
    %get3A_590 = arith.constant 3168 : index
    %get3A_591 = tpu.vector_load %arg6[%get3A_590] {strides = array<i32>} : memref<13312xf32, #tpu.memory_space<vmem>>, vector<16xf32>,
    %add3A_592 = arith.addf %add3A_589, %get3A_591 : vector<16xf32>
    %get3A_593 = arith.constant 3680 : index
    %get3A_594 = tpu.vector_load %arg6[%get3A_593] {strides = array<i32>} : memref<13312xf32, #tpu.memory_space<vmem>>, vector<16xf32>,
    %add3A_595 = arith.addf %add3A_592, %get3A_594 : vector<16xf32>
    %get3A_596 = arith.constant 4192 : index
    %get3A_597 = tpu.vector_load %arg6[%get3A_596] {strides = array<i32>} : memref<13312xf32, #tpu.memory_space<vmem>>, vector<16xf32>,
    %add3A_598 = arith.addf %add3A_595, %get3A_597 : vector<16xf32>
    %get3A_599 = arith.constant 4704 : index
    %get3A_600 = tpu.vector_load %arg6[%get3A_599] {strides = array<i32>} : memref<13312xf32, #tpu.memory_space<vmem>>, vector<16xf32>,
    %add3A_601 = arith.addf %add3A_598, %get3A_600 : vector<16xf32>
    %get3A_602 = arith.constant 5216 : index
    %get3A_603 = tpu.vector_load %arg6[%get3A_602] {strides = array<i32>} : memref<13312xf32, #tpu.memory_space<vmem>>, vector<16xf32>,
    %add3A_604 = arith.addf %add3A_601, %get3A_603 : vector<16xf32>
    %get3A_605 = arith.constant 5728 : index
    %get3A_606 = tpu.vector_load %arg6[%get3A_605] {strides = array<i32>} : memref<13312xf32, #tpu.memory_space<vmem>>, vector<16xf32>,
    %add3A_607 = arith.addf %add3A_604, %get3A_606 : vector<16xf32>
    %get3A_608 = arith.constant 6240 : index
    %get3A_609 = tpu.vector_load %arg6[%get3A_608] {strides = array<i32>} : memref<13312xf32, #tpu.memory_space<vmem>>, vector<16xf32>,
    %add3A_610 = arith.addf %add3A_607, %get3A_609 : vector<16xf32>
    %get3A_611 = arith.constant 6752 : index
    %get3A_612 = tpu.vector_load %arg6[%get3A_611] {strides = array<i32>} : memref<13312xf32, #tpu.memory_space<vmem>>, vector<16xf32>,
    %add3A_613 = arith.addf %add3A_610, %get3A_612 : vector<16xf32>
    %get3A_614 = arith.constant 7264 : index
    %get3A_615 = tpu.vector_load %arg6[%get3A_614] {strides = array<i32>} : memref<13312xf32, #tpu.memory_space<vmem>>, vector<16xf32>,
    %add3A_616 = arith.addf %add3A_613, %get3A_615 : vector<16xf32>
    %get3A_617 = arith.constant 7776 : index
    %get3A_618 = tpu.vector_load %arg6[%get3A_617] {strides = array<i32>} : memref<13312xf32, #tpu.memory_space<vmem>>, vector<16xf32>,
    %add3A_619 = arith.addf %add3A_616, %get3A_618 : vector<16xf32>
    %get3A_620 = arith.constant 8288 : index
    %get3A_621 = tpu.vector_load %arg6[%get3A_620] {strides = array<i32>} : memref<13312xf32, #tpu.memory_space<vmem>>, vector<16xf32>,
    %add3A_622 = arith.addf %add3A_619, %get3A_621 : vector<16xf32>
    %get3A_623 = arith.constant 8800 : index
    %get3A_624 = tpu.vector_load %arg6[%get3A_623] {strides = array<i32>} : memref<13312xf32, #tpu.memory_space<vmem>>, vector<16xf32>,
    %add3A_625 = arith.addf %add3A_622, %get3A_624 : vector<16xf32>
    %get3A_626 = arith.constant 9312 : index
    %get3A_627 = tpu.vector_load %arg6[%get3A_626] {strides = array<i32>} : memref<13312xf32, #tpu.memory_space<vmem>>, vector<16xf32>,
    %add3A_628 = arith.addf %add3A_625, %get3A_627 : vector<16xf32>
    %get3A_629 = arith.constant 9824 : index
    %get3A_630 = tpu.vector_load %arg6[%get3A_629] {strides = array<i32>} : memref<13312xf32, #tpu.memory_space<vmem>>, vector<16xf32>,
    %add3A_631 = arith.addf %add3A_628, %get3A_630 : vector<16xf32>
    %get3A_632 = arith.constant 10336 : index
    %get3A_633 = tpu.vector_load %arg6[%get3A_632] {strides = array<i32>} : memref<13312xf32, #tpu.memory_space<vmem>>, vector<16xf32>,
    %add3A_634 = arith.addf %add3A_631, %get3A_633 : vector<16xf32>
    %get3A_635 = arith.constant 10848 : index
    %get3A_636 = tpu.vector_load %arg6[%get3A_635] {strides = array<i32>} : memref<13312xf32, #tpu.memory_space<vmem>>, vector<16xf32>,
    %add3A_637 = arith.addf %add3A_634, %get3A_636 : vector<16xf32>
    %get3A_638 = arith.constant 11360 : index
    %get3A_639 = tpu.vector_load %arg6[%get3A_638] {strides = array<i32>} : memref<13312xf32, #tpu.memory_space<vmem>>, vector<16xf32>,
    %add3A_640 = arith.addf %add3A_637, %get3A_639 : vector<16xf32>
    %get3A_641 = arith.constant 11872 : index
    %get3A_642 = tpu.vector_load %arg6[%get3A_641] {strides = array<i32>} : memref<13312xf32, #tpu.memory_space<vmem>>, vector<16xf32>,
    %add3A_643 = arith.addf %add3A_640, %get3A_642 : vector<16xf32>
    %get3A_644 = arith.constant 12384 : index
    %get3A_645 = tpu.vector_load %arg6[%get3A_644] {strides = array<i32>} : memref<13312xf32, #tpu.memory_space<vmem>>, vector<16xf32>,
    %add3A_646 = arith.addf %add3A_643, %get3A_645 : vector<16xf32>
    %get3A_647 = arith.constant 12896 : index
    %get3A_648 = tpu.vector_load %arg6[%get3A_647] {strides = array<i32>} : memref<13312xf32, #tpu.memory_space<vmem>>, vector<16xf32>,
    %add3A_649 = arith.addf %add3A_646, %get3A_648 : vector<16xf32>
    %swap3A_650 = arith.constant 96 : index
    %swap3A_651 = tpu.vector_load %arg7[%swap3A_650] {strides = array<i32>} : memref<512xf32, #tpu.memory_space<vmem>>, vector<16xf32>,
    tpu.vector_store %arg7[%swap3A_650], %add3A_649 {strides = array<i32>} : memref<512xf32, #tpu.memory_space<vmem>>, vector<16xf32>,
    %get3A_652 = arith.constant 112 : index
    %get3A_653 = tpu.vector_load %arg6[%get3A_652] {strides = array<i32>} : memref<13312xf32, #tpu.memory_space<vmem>>, vector<16xf32>,
    %get3A_654 = arith.constant 624 : index
    %get3A_655 = tpu.vector_load %arg6[%get3A_654] {strides = array<i32>} : memref<13312xf32, #tpu.memory_space<vmem>>, vector<16xf32>,
    %add3A_656 = arith.addf %get3A_653, %get3A_655 : vector<16xf32>
    %get3A_657 = arith.constant 1136 : index
    %get3A_658 = tpu.vector_load %arg6[%get3A_657] {strides = array<i32>} : memref<13312xf32, #tpu.memory_space<vmem>>, vector<16xf32>,
    %add3A_659 = arith.addf %add3A_656, %get3A_658 : vector<16xf32>
    %get3A_660 = arith.constant 1648 : index
    %get3A_661 = tpu.vector_load %arg6[%get3A_660] {strides = array<i32>} : memref<13312xf32, #tpu.memory_space<vmem>>, vector<16xf32>,
    %add3A_662 = arith.addf %add3A_659, %get3A_661 : vector<16xf32>
    %get3A_663 = arith.constant 2160 : index
    %get3A_664 = tpu.vector_load %arg6[%get3A_663] {strides = array<i32>} : memref<13312xf32, #tpu.memory_space<vmem>>, vector<16xf32>,
    %add3A_665 = arith.addf %add3A_662, %get3A_664 : vector<16xf32>
    %get3A_666 = arith.constant 2672 : index
    %get3A_667 = tpu.vector_load %arg6[%get3A_666] {strides = array<i32>} : memref<13312xf32, #tpu.memory_space<vmem>>, vector<16xf32>,
    %add3A_668 = arith.addf %add3A_665, %get3A_667 : vector<16xf32>
    %get3A_669 = arith.constant 3184 : index
    %get3A_670 = tpu.vector_load %arg6[%get3A_669] {strides = array<i32>} : memref<13312xf32, #tpu.memory_space<vmem>>, vector<16xf32>,
    %add3A_671 = arith.addf %add3A_668, %get3A_670 : vector<16xf32>
    %get3A_672 = arith.constant 3696 : index
    %get3A_673 = tpu.vector_load %arg6[%get3A_672] {strides = array<i32>} : memref<13312xf32, #tpu.memory_space<vmem>>, vector<16xf32>,
    %add3A_674 = arith.addf %add3A_671, %get3A_673 : vector<16xf32>
    %get3A_675 = arith.constant 4208 : index
    %get3A_676 = tpu.vector_load %arg6[%get3A_675] {strides = array<i32>} : memref<13312xf32, #tpu.memory_space<vmem>>, vector<16xf32>,
    %add3A_677 = arith.addf %add3A_674, %get3A_676 : vector<16xf32>
    %get3A_678 = arith.constant 4720 : index
    %get3A_679 = tpu.vector_load %arg6[%get3A_678] {strides = array<i32>} : memref<13312xf32, #tpu.memory_space<vmem>>, vector<16xf32>,
    %add3A_680 = arith.addf %add3A_677, %get3A_679 : vector<16xf32>
    %get3A_681 = arith.constant 5232 : index
    %get3A_682 = tpu.vector_load %arg6[%get3A_681] {strides = array<i32>} : memref<13312xf32, #tpu.memory_space<vmem>>, vector<16xf32>,
    %add3A_683 = arith.addf %add3A_680, %get3A_682 : vector<16xf32>
    %get3A_684 = arith.constant 5744 : index
    %get3A_685 = tpu.vector_load %arg6[%get3A_684] {strides = array<i32>} : memref<13312xf32, #tpu.memory_space<vmem>>, vector<16xf32>,
    %add3A_686 = arith.addf %add3A_683, %get3A_685 : vector<16xf32>
    %get3A_687 = arith.constant 6256 : index
    %get3A_688 = tpu.vector_load %arg6[%get3A_687] {strides = array<i32>} : memref<13312xf32, #tpu.memory_space<vmem>>, vector<16xf32>,
    %add3A_689 = arith.addf %add3A_686, %get3A_688 : vector<16xf32>
    %get3A_690 = arith.constant 6768 : index
    %get3A_691 = tpu.vector_load %arg6[%get3A_690] {strides = array<i32>} : memref<13312xf32, #tpu.memory_space<vmem>>, vector<16xf32>,
    %add3A_692 = arith.addf %add3A_689, %get3A_691 : vector<16xf32>
    %get3A_693 = arith.constant 7280 : index
    %get3A_694 = tpu.vector_load %arg6[%get3A_693] {strides = array<i32>} : memref<13312xf32, #tpu.memory_space<vmem>>, vector<16xf32>,
    %add3A_695 = arith.addf %add3A_692, %get3A_694 : vector<16xf32>
    %get3A_696 = arith.constant 7792 : index
    %get3A_697 = tpu.vector_load %arg6[%get3A_696] {strides = array<i32>} : memref<13312xf32, #tpu.memory_space<vmem>>, vector<16xf32>,
    %add3A_698 = arith.addf %add3A_695, %get3A_697 : vector<16xf32>
    %get3A_699 = arith.constant 8304 : index
    %get3A_700 = tpu.vector_load %arg6[%get3A_699] {strides = array<i32>} : memref<13312xf32, #tpu.memory_space<vmem>>, vector<16xf32>,
    %add3A_701 = arith.addf %add3A_698, %get3A_700 : vector<16xf32>
    %get3A_702 = arith.constant 8816 : index
    %get3A_703 = tpu.vector_load %arg6[%get3A_702] {strides = array<i32>} : memref<13312xf32, #tpu.memory_space<vmem>>, vector<16xf32>,
    %add3A_704 = arith.addf %add3A_701, %get3A_703 : vector<16xf32>
    %get3A_705 = arith.constant 9328 : index
    %get3A_706 = tpu.vector_load %arg6[%get3A_705] {strides = array<i32>} : memref<13312xf32, #tpu.memory_space<vmem>>, vector<16xf32>,
    %add3A_707 = arith.addf %add3A_704, %get3A_706 : vector<16xf32>
    %get3A_708 = arith.constant 9840 : index
    %get3A_709 = tpu.vector_load %arg6[%get3A_708] {strides = array<i32>} : memref<13312xf32, #tpu.memory_space<vmem>>, vector<16xf32>,
    %add3A_710 = arith.addf %add3A_707, %get3A_709 : vector<16xf32>
    %get3A_711 = arith.constant 10352 : index
    %get3A_712 = tpu.vector_load %arg6[%get3A_711] {strides = array<i32>} : memref<13312xf32, #tpu.memory_space<vmem>>, vector<16xf32>,
    %add3A_713 = arith.addf %add3A_710, %get3A_712 : vector<16xf32>
    %get3A_714 = arith.constant 10864 : index
    %get3A_715 = tpu.vector_load %arg6[%get3A_714] {strides = array<i32>} : memref<13312xf32, #tpu.memory_space<vmem>>, vector<16xf32>,
    %add3A_716 = arith.addf %add3A_713, %get3A_715 : vector<16xf32>
    %get3A_717 = arith.constant 11376 : index
    %get3A_718 = tpu.vector_load %arg6[%get3A_717] {strides = array<i32>} : memref<13312xf32, #tpu.memory_space<vmem>>, vector<16xf32>,
    %add3A_719 = arith.addf %add3A_716, %get3A_718 : vector<16xf32>
    %get3A_720 = arith.constant 11888 : index
    %get3A_721 = tpu.vector_load %arg6[%get3A_720] {strides = array<i32>} : memref<13312xf32, #tpu.memory_space<vmem>>, vector<16xf32>,
    %add3A_722 = arith.addf %add3A_719, %get3A_721 : vector<16xf32>
    %get3A_723 = arith.constant 12400 : index
    %get3A_724 = tpu.vector_load %arg6[%get3A_723] {strides = array<i32>} : memref<13312xf32, #tpu.memory_space<vmem>>, vector<16xf32>,
    %add3A_725 = arith.addf %add3A_722, %get3A_724 : vector<16xf32>
    %get3A_726 = arith.constant 12912 : index
    %get3A_727 = tpu.vector_load %arg6[%get3A_726] {strides = array<i32>} : memref<13312xf32, #tpu.memory_space<vmem>>, vector<16xf32>,
    %add3A_728 = arith.addf %add3A_725, %get3A_727 : vector<16xf32>
    %swap3A_729 = arith.constant 112 : index
    %swap3A_730 = tpu.vector_load %arg7[%swap3A_729] {strides = array<i32>} : memref<512xf32, #tpu.memory_space<vmem>>, vector<16xf32>,
    tpu.vector_store %arg7[%swap3A_729], %add3A_728 {strides = array<i32>} : memref<512xf32, #tpu.memory_space<vmem>>, vector<16xf32>,
    %get3A_731 = arith.constant 128 : index
    %get3A_732 = tpu.vector_load %arg6[%get3A_731] {strides = array<i32>} : memref<13312xf32, #tpu.memory_space<vmem>>, vector<16xf32>,
    %get3A_733 = arith.constant 640 : index
    %get3A_734 = tpu.vector_load %arg6[%get3A_733] {strides = array<i32>} : memref<13312xf32, #tpu.memory_space<vmem>>, vector<16xf32>,
    %add3A_735 = arith.addf %get3A_732, %get3A_734 : vector<16xf32>
    %get3A_736 = arith.constant 1152 : index
    %get3A_737 = tpu.vector_load %arg6[%get3A_736] {strides = array<i32>} : memref<13312xf32, #tpu.memory_space<vmem>>, vector<16xf32>,
    %add3A_738 = arith.addf %add3A_735, %get3A_737 : vector<16xf32>
    %get3A_739 = arith.constant 1664 : index
    %get3A_740 = tpu.vector_load %arg6[%get3A_739] {strides = array<i32>} : memref<13312xf32, #tpu.memory_space<vmem>>, vector<16xf32>,
    %add3A_741 = arith.addf %add3A_738, %get3A_740 : vector<16xf32>
    %get3A_742 = arith.constant 2176 : index
    %get3A_743 = tpu.vector_load %arg6[%get3A_742] {strides = array<i32>} : memref<13312xf32, #tpu.memory_space<vmem>>, vector<16xf32>,
    %add3A_744 = arith.addf %add3A_741, %get3A_743 : vector<16xf32>
    %get3A_745 = arith.constant 2688 : index
    %get3A_746 = tpu.vector_load %arg6[%get3A_745] {strides = array<i32>} : memref<13312xf32, #tpu.memory_space<vmem>>, vector<16xf32>,
    %add3A_747 = arith.addf %add3A_744, %get3A_746 : vector<16xf32>
    %get3A_748 = arith.constant 3200 : index
    %get3A_749 = tpu.vector_load %arg6[%get3A_748] {strides = array<i32>} : memref<13312xf32, #tpu.memory_space<vmem>>, vector<16xf32>,
    %add3A_750 = arith.addf %add3A_747, %get3A_749 : vector<16xf32>
    %get3A_751 = arith.constant 3712 : index
    %get3A_752 = tpu.vector_load %arg6[%get3A_751] {strides = array<i32>} : memref<13312xf32, #tpu.memory_space<vmem>>, vector<16xf32>,
    %add3A_753 = arith.addf %add3A_750, %get3A_752 : vector<16xf32>
    %get3A_754 = arith.constant 4224 : index
    %get3A_755 = tpu.vector_load %arg6[%get3A_754] {strides = array<i32>} : memref<13312xf32, #tpu.memory_space<vmem>>, vector<16xf32>,
    %add3A_756 = arith.addf %add3A_753, %get3A_755 : vector<16xf32>
    %get3A_757 = arith.constant 4736 : index
    %get3A_758 = tpu.vector_load %arg6[%get3A_757] {strides = array<i32>} : memref<13312xf32, #tpu.memory_space<vmem>>, vector<16xf32>,
    %add3A_759 = arith.addf %add3A_756, %get3A_758 : vector<16xf32>
    %get3A_760 = arith.constant 5248 : index
    %get3A_761 = tpu.vector_load %arg6[%get3A_760] {strides = array<i32>} : memref<13312xf32, #tpu.memory_space<vmem>>, vector<16xf32>,
    %add3A_762 = arith.addf %add3A_759, %get3A_761 : vector<16xf32>
    %get3A_763 = arith.constant 5760 : index
    %get3A_764 = tpu.vector_load %arg6[%get3A_763] {strides = array<i32>} : memref<13312xf32, #tpu.memory_space<vmem>>, vector<16xf32>,
    %add3A_765 = arith.addf %add3A_762, %get3A_764 : vector<16xf32>
    %get3A_766 = arith.constant 6272 : index
    %get3A_767 = tpu.vector_load %arg6[%get3A_766] {strides = array<i32>} : memref<13312xf32, #tpu.memory_space<vmem>>, vector<16xf32>,
    %add3A_768 = arith.addf %add3A_765, %get3A_767 : vector<16xf32>
    %get3A_769 = arith.constant 6784 : index
    %get3A_770 = tpu.vector_load %arg6[%get3A_769] {strides = array<i32>} : memref<13312xf32, #tpu.memory_space<vmem>>, vector<16xf32>,
    %add3A_771 = arith.addf %add3A_768, %get3A_770 : vector<16xf32>
    %get3A_772 = arith.constant 7296 : index
    %get3A_773 = tpu.vector_load %arg6[%get3A_772] {strides = array<i32>} : memref<13312xf32, #tpu.memory_space<vmem>>, vector<16xf32>,
    %add3A_774 = arith.addf %add3A_771, %get3A_773 : vector<16xf32>
    %get3A_775 = arith.constant 7808 : index
    %get3A_776 = tpu.vector_load %arg6[%get3A_775] {strides = array<i32>} : memref<13312xf32, #tpu.memory_space<vmem>>, vector<16xf32>,
    %add3A_777 = arith.addf %add3A_774, %get3A_776 : vector<16xf32>
    %get3A_778 = arith.constant 8320 : index
    %get3A_779 = tpu.vector_load %arg6[%get3A_778] {strides = array<i32>} : memref<13312xf32, #tpu.memory_space<vmem>>, vector<16xf32>,
    %add3A_780 = arith.addf %add3A_777, %get3A_779 : vector<16xf32>
    %get3A_781 = arith.constant 8832 : index
    %get3A_782 = tpu.vector_load %arg6[%get3A_781] {strides = array<i32>} : memref<13312xf32, #tpu.memory_space<vmem>>, vector<16xf32>,
    %add3A_783 = arith.addf %add3A_780, %get3A_782 : vector<16xf32>
    %get3A_784 = arith.constant 9344 : index
    %get3A_785 = tpu.vector_load %arg6[%get3A_784] {strides = array<i32>} : memref<13312xf32, #tpu.memory_space<vmem>>, vector<16xf32>,
    %add3A_786 = arith.addf %add3A_783, %get3A_785 : vector<16xf32>
    %get3A_787 = arith.constant 9856 : index
    %get3A_788 = tpu.vector_load %arg6[%get3A_787] {strides = array<i32>} : memref<13312xf32, #tpu.memory_space<vmem>>, vector<16xf32>,
    %add3A_789 = arith.addf %add3A_786, %get3A_788 : vector<16xf32>
    %get3A_790 = arith.constant 10368 : index
    %get3A_791 = tpu.vector_load %arg6[%get3A_790] {strides = array<i32>} : memref<13312xf32, #tpu.memory_space<vmem>>, vector<16xf32>,
    %add3A_792 = arith.addf %add3A_789, %get3A_791 : vector<16xf32>
    %get3A_793 = arith.constant 10880 : index
    %get3A_794 = tpu.vector_load %arg6[%get3A_793] {strides = array<i32>} : memref<13312xf32, #tpu.memory_space<vmem>>, vector<16xf32>,
    %add3A_795 = arith.addf %add3A_792, %get3A_794 : vector<16xf32>
    %get3A_796 = arith.constant 11392 : index
    %get3A_797 = tpu.vector_load %arg6[%get3A_796] {strides = array<i32>} : memref<13312xf32, #tpu.memory_space<vmem>>, vector<16xf32>,
    %add3A_798 = arith.addf %add3A_795, %get3A_797 : vector<16xf32>
    %get3A_799 = arith.constant 11904 : index
    %get3A_800 = tpu.vector_load %arg6[%get3A_799] {strides = array<i32>} : memref<13312xf32, #tpu.memory_space<vmem>>, vector<16xf32>,
    %add3A_801 = arith.addf %add3A_798, %get3A_800 : vector<16xf32>
    %get3A_802 = arith.constant 12416 : index
    %get3A_803 = tpu.vector_load %arg6[%get3A_802] {strides = array<i32>} : memref<13312xf32, #tpu.memory_space<vmem>>, vector<16xf32>,
    %add3A_804 = arith.addf %add3A_801, %get3A_803 : vector<16xf32>
    %get3A_805 = arith.constant 12928 : index
    %get3A_806 = tpu.vector_load %arg6[%get3A_805] {strides = array<i32>} : memref<13312xf32, #tpu.memory_space<vmem>>, vector<16xf32>,
    %add3A_807 = arith.addf %add3A_804, %get3A_806 : vector<16xf32>
    %swap3A_808 = arith.constant 128 : index
    %swap3A_809 = tpu.vector_load %arg7[%swap3A_808] {strides = array<i32>} : memref<512xf32, #tpu.memory_space<vmem>>, vector<16xf32>,
    tpu.vector_store %arg7[%swap3A_808], %add3A_807 {strides = array<i32>} : memref<512xf32, #tpu.memory_space<vmem>>, vector<16xf32>,
    %get3A_810 = arith.constant 144 : index
    %get3A_811 = tpu.vector_load %arg6[%get3A_810] {strides = array<i32>} : memref<13312xf32, #tpu.memory_space<vmem>>, vector<16xf32>,
    %get3A_812 = arith.constant 656 : index
    %get3A_813 = tpu.vector_load %arg6[%get3A_812] {strides = array<i32>} : memref<13312xf32, #tpu.memory_space<vmem>>, vector<16xf32>,
    %add3A_814 = arith.addf %get3A_811, %get3A_813 : vector<16xf32>
    %get3A_815 = arith.constant 1168 : index
    %get3A_816 = tpu.vector_load %arg6[%get3A_815] {strides = array<i32>} : memref<13312xf32, #tpu.memory_space<vmem>>, vector<16xf32>,
    %add3A_817 = arith.addf %add3A_814, %get3A_816 : vector<16xf32>
    %get3A_818 = arith.constant 1680 : index
    %get3A_819 = tpu.vector_load %arg6[%get3A_818] {strides = array<i32>} : memref<13312xf32, #tpu.memory_space<vmem>>, vector<16xf32>,
    %add3A_820 = arith.addf %add3A_817, %get3A_819 : vector<16xf32>
    %get3A_821 = arith.constant 2192 : index
    %get3A_822 = tpu.vector_load %arg6[%get3A_821] {strides = array<i32>} : memref<13312xf32, #tpu.memory_space<vmem>>, vector<16xf32>,
    %add3A_823 = arith.addf %add3A_820, %get3A_822 : vector<16xf32>
    %get3A_824 = arith.constant 2704 : index
    %get3A_825 = tpu.vector_load %arg6[%get3A_824] {strides = array<i32>} : memref<13312xf32, #tpu.memory_space<vmem>>, vector<16xf32>,
    %add3A_826 = arith.addf %add3A_823, %get3A_825 : vector<16xf32>
    %get3A_827 = arith.constant 3216 : index
    %get3A_828 = tpu.vector_load %arg6[%get3A_827] {strides = array<i32>} : memref<13312xf32, #tpu.memory_space<vmem>>, vector<16xf32>,
    %add3A_829 = arith.addf %add3A_826, %get3A_828 : vector<16xf32>
    %get3A_830 = arith.constant 3728 : index
    %get3A_831 = tpu.vector_load %arg6[%get3A_830] {strides = array<i32>} : memref<13312xf32, #tpu.memory_space<vmem>>, vector<16xf32>,
    %add3A_832 = arith.addf %add3A_829, %get3A_831 : vector<16xf32>
    %get3A_833 = arith.constant 4240 : index
    %get3A_834 = tpu.vector_load %arg6[%get3A_833] {strides = array<i32>} : memref<13312xf32, #tpu.memory_space<vmem>>, vector<16xf32>,
    %add3A_835 = arith.addf %add3A_832, %get3A_834 : vector<16xf32>
    %get3A_836 = arith.constant 4752 : index
    %get3A_837 = tpu.vector_load %arg6[%get3A_836] {strides = array<i32>} : memref<13312xf32, #tpu.memory_space<vmem>>, vector<16xf32>,
    %add3A_838 = arith.addf %add3A_835, %get3A_837 : vector<16xf32>
    %get3A_839 = arith.constant 5264 : index
    %get3A_840 = tpu.vector_load %arg6[%get3A_839] {strides = array<i32>} : memref<13312xf32, #tpu.memory_space<vmem>>, vector<16xf32>,
    %add3A_841 = arith.addf %add3A_838, %get3A_840 : vector<16xf32>
    %get3A_842 = arith.constant 5776 : index
    %get3A_843 = tpu.vector_load %arg6[%get3A_842] {strides = array<i32>} : memref<13312xf32, #tpu.memory_space<vmem>>, vector<16xf32>,
    %add3A_844 = arith.addf %add3A_841, %get3A_843 : vector<16xf32>
    %get3A_845 = arith.constant 6288 : index
    %get3A_846 = tpu.vector_load %arg6[%get3A_845] {strides = array<i32>} : memref<13312xf32, #tpu.memory_space<vmem>>, vector<16xf32>,
    %add3A_847 = arith.addf %add3A_844, %get3A_846 : vector<16xf32>
    %get3A_848 = arith.constant 6800 : index
    %get3A_849 = tpu.vector_load %arg6[%get3A_848] {strides = array<i32>} : memref<13312xf32, #tpu.memory_space<vmem>>, vector<16xf32>,
    %add3A_850 = arith.addf %add3A_847, %get3A_849 : vector<16xf32>
    %get3A_851 = arith.constant 7312 : index
    %get3A_852 = tpu.vector_load %arg6[%get3A_851] {strides = array<i32>} : memref<13312xf32, #tpu.memory_space<vmem>>, vector<16xf32>,
    %add3A_853 = arith.addf %add3A_850, %get3A_852 : vector<16xf32>
    %get3A_854 = arith.constant 7824 : index
    %get3A_855 = tpu.vector_load %arg6[%get3A_854] {strides = array<i32>} : memref<13312xf32, #tpu.memory_space<vmem>>, vector<16xf32>,
    %add3A_856 = arith.addf %add3A_853, %get3A_855 : vector<16xf32>
    %get3A_857 = arith.constant 8336 : index
    %get3A_858 = tpu.vector_load %arg6[%get3A_857] {strides = array<i32>} : memref<13312xf32, #tpu.memory_space<vmem>>, vector<16xf32>,
    %add3A_859 = arith.addf %add3A_856, %get3A_858 : vector<16xf32>
    %get3A_860 = arith.constant 8848 : index
    %get3A_861 = tpu.vector_load %arg6[%get3A_860] {strides = array<i32>} : memref<13312xf32, #tpu.memory_space<vmem>>, vector<16xf32>,
    %add3A_862 = arith.addf %add3A_859, %get3A_861 : vector<16xf32>
    %get3A_863 = arith.constant 9360 : index
    %get3A_864 = tpu.vector_load %arg6[%get3A_863] {strides = array<i32>} : memref<13312xf32, #tpu.memory_space<vmem>>, vector<16xf32>,
    %add3A_865 = arith.addf %add3A_862, %get3A_864 : vector<16xf32>
    %get3A_866 = arith.constant 9872 : index
    %get3A_867 = tpu.vector_load %arg6[%get3A_866] {strides = array<i32>} : memref<13312xf32, #tpu.memory_space<vmem>>, vector<16xf32>,
    %add3A_868 = arith.addf %add3A_865, %get3A_867 : vector<16xf32>
    %get3A_869 = arith.constant 10384 : index
    %get3A_870 = tpu.vector_load %arg6[%get3A_869] {strides = array<i32>} : memref<13312xf32, #tpu.memory_space<vmem>>, vector<16xf32>,
    %add3A_871 = arith.addf %add3A_868, %get3A_870 : vector<16xf32>
    %get3A_872 = arith.constant 10896 : index
    %get3A_873 = tpu.vector_load %arg6[%get3A_872] {strides = array<i32>} : memref<13312xf32, #tpu.memory_space<vmem>>, vector<16xf32>,
    %add3A_874 = arith.addf %add3A_871, %get3A_873 : vector<16xf32>
    %get3A_875 = arith.constant 11408 : index
    %get3A_876 = tpu.vector_load %arg6[%get3A_875] {strides = array<i32>} : memref<13312xf32, #tpu.memory_space<vmem>>, vector<16xf32>,
    %add3A_877 = arith.addf %add3A_874, %get3A_876 : vector<16xf32>
    %get3A_878 = arith.constant 11920 : index
    %get3A_879 = tpu.vector_load %arg6[%get3A_878] {strides = array<i32>} : memref<13312xf32, #tpu.memory_space<vmem>>, vector<16xf32>,
    %add3A_880 = arith.addf %add3A_877, %get3A_879 : vector<16xf32>
    %get3A_881 = arith.constant 12432 : index
    %get3A_882 = tpu.vector_load %arg6[%get3A_881] {strides = array<i32>} : memref<13312xf32, #tpu.memory_space<vmem>>, vector<16xf32>,
    %add3A_883 = arith.addf %add3A_880, %get3A_882 : vector<16xf32>
    %get3A_884 = arith.constant 12944 : index
    %get3A_885 = tpu.vector_load %arg6[%get3A_884] {strides = array<i32>} : memref<13312xf32, #tpu.memory_space<vmem>>, vector<16xf32>,
    %add3A_886 = arith.addf %add3A_883, %get3A_885 : vector<16xf32>
    %swap3A_887 = arith.constant 144 : index
    %swap3A_888 = tpu.vector_load %arg7[%swap3A_887] {strides = array<i32>} : memref<512xf32, #tpu.memory_space<vmem>>, vector<16xf32>,
    tpu.vector_store %arg7[%swap3A_887], %add3A_886 {strides = array<i32>} : memref<512xf32, #tpu.memory_space<vmem>>, vector<16xf32>,
    %get3A_889 = arith.constant 160 : index
    %get3A_890 = tpu.vector_load %arg6[%get3A_889] {strides = array<i32>} : memref<13312xf32, #tpu.memory_space<vmem>>, vector<16xf32>,
    %get3A_891 = arith.constant 672 : index
    %get3A_892 = tpu.vector_load %arg6[%get3A_891] {strides = array<i32>} : memref<13312xf32, #tpu.memory_space<vmem>>, vector<16xf32>,
    %add3A_893 = arith.addf %get3A_890, %get3A_892 : vector<16xf32>
    %get3A_894 = arith.constant 1184 : index
    %get3A_895 = tpu.vector_load %arg6[%get3A_894] {strides = array<i32>} : memref<13312xf32, #tpu.memory_space<vmem>>, vector<16xf32>,
    %add3A_896 = arith.addf %add3A_893, %get3A_895 : vector<16xf32>
    %get3A_897 = arith.constant 1696 : index
    %get3A_898 = tpu.vector_load %arg6[%get3A_897] {strides = array<i32>} : memref<13312xf32, #tpu.memory_space<vmem>>, vector<16xf32>,
    %add3A_899 = arith.addf %add3A_896, %get3A_898 : vector<16xf32>
    %get3A_900 = arith.constant 2208 : index
    %get3A_901 = tpu.vector_load %arg6[%get3A_900] {strides = array<i32>} : memref<13312xf32, #tpu.memory_space<vmem>>, vector<16xf32>,
    %add3A_902 = arith.addf %add3A_899, %get3A_901 : vector<16xf32>
    %get3A_903 = arith.constant 2720 : index
    %get3A_904 = tpu.vector_load %arg6[%get3A_903] {strides = array<i32>} : memref<13312xf32, #tpu.memory_space<vmem>>, vector<16xf32>,
    %add3A_905 = arith.addf %add3A_902, %get3A_904 : vector<16xf32>
    %get3A_906 = arith.constant 3232 : index
    %get3A_907 = tpu.vector_load %arg6[%get3A_906] {strides = array<i32>} : memref<13312xf32, #tpu.memory_space<vmem>>, vector<16xf32>,
    %add3A_908 = arith.addf %add3A_905, %get3A_907 : vector<16xf32>
    %get3A_909 = arith.constant 3744 : index
    %get3A_910 = tpu.vector_load %arg6[%get3A_909] {strides = array<i32>} : memref<13312xf32, #tpu.memory_space<vmem>>, vector<16xf32>,
    %add3A_911 = arith.addf %add3A_908, %get3A_910 : vector<16xf32>
    %get3A_912 = arith.constant 4256 : index
    %get3A_913 = tpu.vector_load %arg6[%get3A_912] {strides = array<i32>} : memref<13312xf32, #tpu.memory_space<vmem>>, vector<16xf32>,
    %add3A_914 = arith.addf %add3A_911, %get3A_913 : vector<16xf32>
    %get3A_915 = arith.constant 4768 : index
    %get3A_916 = tpu.vector_load %arg6[%get3A_915] {strides = array<i32>} : memref<13312xf32, #tpu.memory_space<vmem>>, vector<16xf32>,
    %add3A_917 = arith.addf %add3A_914, %get3A_916 : vector<16xf32>
    %get3A_918 = arith.constant 5280 : index
    %get3A_919 = tpu.vector_load %arg6[%get3A_918] {strides = array<i32>} : memref<13312xf32, #tpu.memory_space<vmem>>, vector<16xf32>,
    %add3A_920 = arith.addf %add3A_917, %get3A_919 : vector<16xf32>
    %get3A_921 = arith.constant 5792 : index
    %get3A_922 = tpu.vector_load %arg6[%get3A_921] {strides = array<i32>} : memref<13312xf32, #tpu.memory_space<vmem>>, vector<16xf32>,
    %add3A_923 = arith.addf %add3A_920, %get3A_922 : vector<16xf32>
    %get3A_924 = arith.constant 6304 : index
    %get3A_925 = tpu.vector_load %arg6[%get3A_924] {strides = array<i32>} : memref<13312xf32, #tpu.memory_space<vmem>>, vector<16xf32>,
    %add3A_926 = arith.addf %add3A_923, %get3A_925 : vector<16xf32>
    %get3A_927 = arith.constant 6816 : index
    %get3A_928 = tpu.vector_load %arg6[%get3A_927] {strides = array<i32>} : memref<13312xf32, #tpu.memory_space<vmem>>, vector<16xf32>,
    %add3A_929 = arith.addf %add3A_926, %get3A_928 : vector<16xf32>
    %get3A_930 = arith.constant 7328 : index
    %get3A_931 = tpu.vector_load %arg6[%get3A_930] {strides = array<i32>} : memref<13312xf32, #tpu.memory_space<vmem>>, vector<16xf32>,
    %add3A_932 = arith.addf %add3A_929, %get3A_931 : vector<16xf32>
    %get3A_933 = arith.constant 7840 : index
    %get3A_934 = tpu.vector_load %arg6[%get3A_933] {strides = array<i32>} : memref<13312xf32, #tpu.memory_space<vmem>>, vector<16xf32>,
    %add3A_935 = arith.addf %add3A_932, %get3A_934 : vector<16xf32>
    %get3A_936 = arith.constant 8352 : index
    %get3A_937 = tpu.vector_load %arg6[%get3A_936] {strides = array<i32>} : memref<13312xf32, #tpu.memory_space<vmem>>, vector<16xf32>,
    %add3A_938 = arith.addf %add3A_935, %get3A_937 : vector<16xf32>
    %get3A_939 = arith.constant 8864 : index
    %get3A_940 = tpu.vector_load %arg6[%get3A_939] {strides = array<i32>} : memref<13312xf32, #tpu.memory_space<vmem>>, vector<16xf32>,
    %add3A_941 = arith.addf %add3A_938, %get3A_940 : vector<16xf32>
    %get3A_942 = arith.constant 9376 : index
    %get3A_943 = tpu.vector_load %arg6[%get3A_942] {strides = array<i32>} : memref<13312xf32, #tpu.memory_space<vmem>>, vector<16xf32>,
    %add3A_944 = arith.addf %add3A_941, %get3A_943 : vector<16xf32>
    %get3A_945 = arith.constant 9888 : index
    %get3A_946 = tpu.vector_load %arg6[%get3A_945] {strides = array<i32>} : memref<13312xf32, #tpu.memory_space<vmem>>, vector<16xf32>,
    %add3A_947 = arith.addf %add3A_944, %get3A_946 : vector<16xf32>
    %get3A_948 = arith.constant 10400 : index
    %get3A_949 = tpu.vector_load %arg6[%get3A_948] {strides = array<i32>} : memref<13312xf32, #tpu.memory_space<vmem>>, vector<16xf32>,
    %add3A_950 = arith.addf %add3A_947, %get3A_949 : vector<16xf32>
    %get3A_951 = arith.constant 10912 : index
    %get3A_952 = tpu.vector_load %arg6[%get3A_951] {strides = array<i32>} : memref<13312xf32, #tpu.memory_space<vmem>>, vector<16xf32>,
    %add3A_953 = arith.addf %add3A_950, %get3A_952 : vector<16xf32>
    %get3A_954 = arith.constant 11424 : index
    %get3A_955 = tpu.vector_load %arg6[%get3A_954] {strides = array<i32>} : memref<13312xf32, #tpu.memory_space<vmem>>, vector<16xf32>,
    %add3A_956 = arith.addf %add3A_953, %get3A_955 : vector<16xf32>
    %get3A_957 = arith.constant 11936 : index
    %get3A_958 = tpu.vector_load %arg6[%get3A_957] {strides = array<i32>} : memref<13312xf32, #tpu.memory_space<vmem>>, vector<16xf32>,
    %add3A_959 = arith.addf %add3A_956, %get3A_958 : vector<16xf32>
    %get3A_960 = arith.constant 12448 : index
    %get3A_961 = tpu.vector_load %arg6[%get3A_960] {strides = array<i32>} : memref<13312xf32, #tpu.memory_space<vmem>>, vector<16xf32>,
    %add3A_962 = arith.addf %add3A_959, %get3A_961 : vector<16xf32>
    %get3A_963 = arith.constant 12960 : index
    %get3A_964 = tpu.vector_load %arg6[%get3A_963] {strides = array<i32>} : memref<13312xf32, #tpu.memory_space<vmem>>, vector<16xf32>,
    %add3A_965 = arith.addf %add3A_962, %get3A_964 : vector<16xf32>
    %swap3A_966 = arith.constant 160 : index
    %swap3A_967 = tpu.vector_load %arg7[%swap3A_966] {strides = array<i32>} : memref<512xf32, #tpu.memory_space<vmem>>, vector<16xf32>,
    tpu.vector_store %arg7[%swap3A_966], %add3A_965 {strides = array<i32>} : memref<512xf32, #tpu.memory_space<vmem>>, vector<16xf32>,
    %get3A_968 = arith.constant 176 : index
    %get3A_969 = tpu.vector_load %arg6[%get3A_968] {strides = array<i32>} : memref<13312xf32, #tpu.memory_space<vmem>>, vector<16xf32>,
    %get3A_970 = arith.constant 688 : index
    %get3A_971 = tpu.vector_load %arg6[%get3A_970] {strides = array<i32>} : memref<13312xf32, #tpu.memory_space<vmem>>, vector<16xf32>,
    %add3A_972 = arith.addf %get3A_969, %get3A_971 : vector<16xf32>
    %get3A_973 = arith.constant 1200 : index
    %get3A_974 = tpu.vector_load %arg6[%get3A_973] {strides = array<i32>} : memref<13312xf32, #tpu.memory_space<vmem>>, vector<16xf32>,
    %add3A_975 = arith.addf %add3A_972, %get3A_974 : vector<16xf32>
    %get3A_976 = arith.constant 1712 : index
    %get3A_977 = tpu.vector_load %arg6[%get3A_976] {strides = array<i32>} : memref<13312xf32, #tpu.memory_space<vmem>>, vector<16xf32>,
    %add3A_978 = arith.addf %add3A_975, %get3A_977 : vector<16xf32>
    %get3A_979 = arith.constant 2224 : index
    %get3A_980 = tpu.vector_load %arg6[%get3A_979] {strides = array<i32>} : memref<13312xf32, #tpu.memory_space<vmem>>, vector<16xf32>,
    %add3A_981 = arith.addf %add3A_978, %get3A_980 : vector<16xf32>
    %get3A_982 = arith.constant 2736 : index
    %get3A_983 = tpu.vector_load %arg6[%get3A_982] {strides = array<i32>} : memref<13312xf32, #tpu.memory_space<vmem>>, vector<16xf32>,
    %add3A_984 = arith.addf %add3A_981, %get3A_983 : vector<16xf32>
    %get3A_985 = arith.constant 3248 : index
    %get3A_986 = tpu.vector_load %arg6[%get3A_985] {strides = array<i32>} : memref<13312xf32, #tpu.memory_space<vmem>>, vector<16xf32>,
    %add3A_987 = arith.addf %add3A_984, %get3A_986 : vector<16xf32>
    %get3A_988 = arith.constant 3760 : index
    %get3A_989 = tpu.vector_load %arg6[%get3A_988] {strides = array<i32>} : memref<13312xf32, #tpu.memory_space<vmem>>, vector<16xf32>,
    %add3A_990 = arith.addf %add3A_987, %get3A_989 : vector<16xf32>
    %get3A_991 = arith.constant 4272 : index
    %get3A_992 = tpu.vector_load %arg6[%get3A_991] {strides = array<i32>} : memref<13312xf32, #tpu.memory_space<vmem>>, vector<16xf32>,
    %add3A_993 = arith.addf %add3A_990, %get3A_992 : vector<16xf32>
    %get3A_994 = arith.constant 4784 : index
    %get3A_995 = tpu.vector_load %arg6[%get3A_994] {strides = array<i32>} : memref<13312xf32, #tpu.memory_space<vmem>>, vector<16xf32>,
    %add3A_996 = arith.addf %add3A_993, %get3A_995 : vector<16xf32>
    %get3A_997 = arith.constant 5296 : index
    %get3A_998 = tpu.vector_load %arg6[%get3A_997] {strides = array<i32>} : memref<13312xf32, #tpu.memory_space<vmem>>, vector<16xf32>,
    %add3A_999 = arith.addf %add3A_996, %get3A_998 : vector<16xf32>
    %get3A_1000 = arith.constant 5808 : index
    %get3A_1001 = tpu.vector_load %arg6[%get3A_1000] {strides = array<i32>} : memref<13312xf32, #tpu.memory_space<vmem>>, vector<16xf32>,
    %add3A_1002 = arith.addf %add3A_999, %get3A_1001 : vector<16xf32>
    %get3A_1003 = arith.constant 6320 : index
    %get3A_1004 = tpu.vector_load %arg6[%get3A_1003] {strides = array<i32>} : memref<13312xf32, #tpu.memory_space<vmem>>, vector<16xf32>,
    %add3A_1005 = arith.addf %add3A_1002, %get3A_1004 : vector<16xf32>
    %get3A_1006 = arith.constant 6832 : index
    %get3A_1007 = tpu.vector_load %arg6[%get3A_1006] {strides = array<i32>} : memref<13312xf32, #tpu.memory_space<vmem>>, vector<16xf32>,
    %add3A_1008 = arith.addf %add3A_1005, %get3A_1007 : vector<16xf32>
    %get3A_1009 = arith.constant 7344 : index
    %get3A_1010 = tpu.vector_load %arg6[%get3A_1009] {strides = array<i32>} : memref<13312xf32, #tpu.memory_space<vmem>>, vector<16xf32>,
    %add3A_1011 = arith.addf %add3A_1008, %get3A_1010 : vector<16xf32>
    %get3A_1012 = arith.constant 7856 : index
    %get3A_1013 = tpu.vector_load %arg6[%get3A_1012] {strides = array<i32>} : memref<13312xf32, #tpu.memory_space<vmem>>, vector<16xf32>,
    %add3A_1014 = arith.addf %add3A_1011, %get3A_1013 : vector<16xf32>
    %get3A_1015 = arith.constant 8368 : index
    %get3A_1016 = tpu.vector_load %arg6[%get3A_1015] {strides = array<i32>} : memref<13312xf32, #tpu.memory_space<vmem>>, vector<16xf32>,
    %add3A_1017 = arith.addf %add3A_1014, %get3A_1016 : vector<16xf32>
    %get3A_1018 = arith.constant 8880 : index
    %get3A_1019 = tpu.vector_load %arg6[%get3A_1018] {strides = array<i32>} : memref<13312xf32, #tpu.memory_space<vmem>>, vector<16xf32>,
    %add3A_1020 = arith.addf %add3A_1017, %get3A_1019 : vector<16xf32>
    %get3A_1021 = arith.constant 9392 : index
    %get3A_1022 = tpu.vector_load %arg6[%get3A_1021] {strides = array<i32>} : memref<13312xf32, #tpu.memory_space<vmem>>, vector<16xf32>,
    %add3A_1023 = arith.addf %add3A_1020, %get3A_1022 : vector<16xf32>
    %get3A_1024 = arith.constant 9904 : index
    %get3A_1025 = tpu.vector_load %arg6[%get3A_1024] {strides = array<i32>} : memref<13312xf32, #tpu.memory_space<vmem>>, vector<16xf32>,
    %add3A_1026 = arith.addf %add3A_1023, %get3A_1025 : vector<16xf32>
    %get3A_1027 = arith.constant 10416 : index
    %get3A_1028 = tpu.vector_load %arg6[%get3A_1027] {strides = array<i32>} : memref<13312xf32, #tpu.memory_space<vmem>>, vector<16xf32>,
    %add3A_1029 = arith.addf %add3A_1026, %get3A_1028 : vector<16xf32>
    %get3A_1030 = arith.constant 10928 : index
    %get3A_1031 = tpu.vector_load %arg6[%get3A_1030] {strides = array<i32>} : memref<13312xf32, #tpu.memory_space<vmem>>, vector<16xf32>,
    %add3A_1032 = arith.addf %add3A_1029, %get3A_1031 : vector<16xf32>
    %get3A_1033 = arith.constant 11440 : index
    %get3A_1034 = tpu.vector_load %arg6[%get3A_1033] {strides = array<i32>} : memref<13312xf32, #tpu.memory_space<vmem>>, vector<16xf32>,
    %add3A_1035 = arith.addf %add3A_1032, %get3A_1034 : vector<16xf32>
    %get3A_1036 = arith.constant 11952 : index
    %get3A_1037 = tpu.vector_load %arg6[%get3A_1036] {strides = array<i32>} : memref<13312xf32, #tpu.memory_space<vmem>>, vector<16xf32>,
    %add3A_1038 = arith.addf %add3A_1035, %get3A_1037 : vector<16xf32>
    %get3A_1039 = arith.constant 12464 : index
    %get3A_1040 = tpu.vector_load %arg6[%get3A_1039] {strides = array<i32>} : memref<13312xf32, #tpu.memory_space<vmem>>, vector<16xf32>,
    %add3A_1041 = arith.addf %add3A_1038, %get3A_1040 : vector<16xf32>
    %get3A_1042 = arith.constant 12976 : index
    %get3A_1043 = tpu.vector_load %arg6[%get3A_1042] {strides = array<i32>} : memref<13312xf32, #tpu.memory_space<vmem>>, vector<16xf32>,
    %add3A_1044 = arith.addf %add3A_1041, %get3A_1043 : vector<16xf32>
    %swap3A_1045 = arith.constant 176 : index
    %swap3A_1046 = tpu.vector_load %arg7[%swap3A_1045] {strides = array<i32>} : memref<512xf32, #tpu.memory_space<vmem>>, vector<16xf32>,
    tpu.vector_store %arg7[%swap3A_1045], %add3A_1044 {strides = array<i32>} : memref<512xf32, #tpu.memory_space<vmem>>, vector<16xf32>,
    %get3A_1047 = arith.constant 192 : index
    %get3A_1048 = tpu.vector_load %arg6[%get3A_1047] {strides = array<i32>} : memref<13312xf32, #tpu.memory_space<vmem>>, vector<16xf32>,
    %get3A_1049 = arith.constant 704 : index
    %get3A_1050 = tpu.vector_load %arg6[%get3A_1049] {strides = array<i32>} : memref<13312xf32, #tpu.memory_space<vmem>>, vector<16xf32>,
    %add3A_1051 = arith.addf %get3A_1048, %get3A_1050 : vector<16xf32>
    %get3A_1052 = arith.constant 1216 : index
    %get3A_1053 = tpu.vector_load %arg6[%get3A_1052] {strides = array<i32>} : memref<13312xf32, #tpu.memory_space<vmem>>, vector<16xf32>,
    %add3A_1054 = arith.addf %add3A_1051, %get3A_1053 : vector<16xf32>
    %get3A_1055 = arith.constant 1728 : index
    %get3A_1056 = tpu.vector_load %arg6[%get3A_1055] {strides = array<i32>} : memref<13312xf32, #tpu.memory_space<vmem>>, vector<16xf32>,
    %add3A_1057 = arith.addf %add3A_1054, %get3A_1056 : vector<16xf32>
    %get3A_1058 = arith.constant 2240 : index
    %get3A_1059 = tpu.vector_load %arg6[%get3A_1058] {strides = array<i32>} : memref<13312xf32, #tpu.memory_space<vmem>>, vector<16xf32>,
    %add3A_1060 = arith.addf %add3A_1057, %get3A_1059 : vector<16xf32>
    %get3A_1061 = arith.constant 2752 : index
    %get3A_1062 = tpu.vector_load %arg6[%get3A_1061] {strides = array<i32>} : memref<13312xf32, #tpu.memory_space<vmem>>, vector<16xf32>,
    %add3A_1063 = arith.addf %add3A_1060, %get3A_1062 : vector<16xf32>
    %get3A_1064 = arith.constant 3264 : index
    %get3A_1065 = tpu.vector_load %arg6[%get3A_1064] {strides = array<i32>} : memref<13312xf32, #tpu.memory_space<vmem>>, vector<16xf32>,
    %add3A_1066 = arith.addf %add3A_1063, %get3A_1065 : vector<16xf32>
    %get3A_1067 = arith.constant 3776 : index
    %get3A_1068 = tpu.vector_load %arg6[%get3A_1067] {strides = array<i32>} : memref<13312xf32, #tpu.memory_space<vmem>>, vector<16xf32>,
    %add3A_1069 = arith.addf %add3A_1066, %get3A_1068 : vector<16xf32>
    %get3A_1070 = arith.constant 4288 : index
    %get3A_1071 = tpu.vector_load %arg6[%get3A_1070] {strides = array<i32>} : memref<13312xf32, #tpu.memory_space<vmem>>, vector<16xf32>,
    %add3A_1072 = arith.addf %add3A_1069, %get3A_1071 : vector<16xf32>
    %get3A_1073 = arith.constant 4800 : index
    %get3A_1074 = tpu.vector_load %arg6[%get3A_1073] {strides = array<i32>} : memref<13312xf32, #tpu.memory_space<vmem>>, vector<16xf32>,
    %add3A_1075 = arith.addf %add3A_1072, %get3A_1074 : vector<16xf32>
    %get3A_1076 = arith.constant 5312 : index
    %get3A_1077 = tpu.vector_load %arg6[%get3A_1076] {strides = array<i32>} : memref<13312xf32, #tpu.memory_space<vmem>>, vector<16xf32>,
    %add3A_1078 = arith.addf %add3A_1075, %get3A_1077 : vector<16xf32>
    %get3A_1079 = arith.constant 5824 : index
    %get3A_1080 = tpu.vector_load %arg6[%get3A_1079] {strides = array<i32>} : memref<13312xf32, #tpu.memory_space<vmem>>, vector<16xf32>,
    %add3A_1081 = arith.addf %add3A_1078, %get3A_1080 : vector<16xf32>
    %get3A_1082 = arith.constant 6336 : index
    %get3A_1083 = tpu.vector_load %arg6[%get3A_1082] {strides = array<i32>} : memref<13312xf32, #tpu.memory_space<vmem>>, vector<16xf32>,
    %add3A_1084 = arith.addf %add3A_1081, %get3A_1083 : vector<16xf32>
    %get3A_1085 = arith.constant 6848 : index
    %get3A_1086 = tpu.vector_load %arg6[%get3A_1085] {strides = array<i32>} : memref<13312xf32, #tpu.memory_space<vmem>>, vector<16xf32>,
    %add3A_1087 = arith.addf %add3A_1084, %get3A_1086 : vector<16xf32>
    %get3A_1088 = arith.constant 7360 : index
    %get3A_1089 = tpu.vector_load %arg6[%get3A_1088] {strides = array<i32>} : memref<13312xf32, #tpu.memory_space<vmem>>, vector<16xf32>,
    %add3A_1090 = arith.addf %add3A_1087, %get3A_1089 : vector<16xf32>
    %get3A_1091 = arith.constant 7872 : index
    %get3A_1092 = tpu.vector_load %arg6[%get3A_1091] {strides = array<i32>} : memref<13312xf32, #tpu.memory_space<vmem>>, vector<16xf32>,
    %add3A_1093 = arith.addf %add3A_1090, %get3A_1092 : vector<16xf32>
    %get3A_1094 = arith.constant 8384 : index
    %get3A_1095 = tpu.vector_load %arg6[%get3A_1094] {strides = array<i32>} : memref<13312xf32, #tpu.memory_space<vmem>>, vector<16xf32>,
    %add3A_1096 = arith.addf %add3A_1093, %get3A_1095 : vector<16xf32>
    %get3A_1097 = arith.constant 8896 : index
    %get3A_1098 = tpu.vector_load %arg6[%get3A_1097] {strides = array<i32>} : memref<13312xf32, #tpu.memory_space<vmem>>, vector<16xf32>,
    %add3A_1099 = arith.addf %add3A_1096, %get3A_1098 : vector<16xf32>
    %get3A_1100 = arith.constant 9408 : index
    %get3A_1101 = tpu.vector_load %arg6[%get3A_1100] {strides = array<i32>} : memref<13312xf32, #tpu.memory_space<vmem>>, vector<16xf32>,
    %add3A_1102 = arith.addf %add3A_1099, %get3A_1101 : vector<16xf32>
    %get3A_1103 = arith.constant 9920 : index
    %get3A_1104 = tpu.vector_load %arg6[%get3A_1103] {strides = array<i32>} : memref<13312xf32, #tpu.memory_space<vmem>>, vector<16xf32>,
    %add3A_1105 = arith.addf %add3A_1102, %get3A_1104 : vector<16xf32>
    %get3A_1106 = arith.constant 10432 : index
    %get3A_1107 = tpu.vector_load %arg6[%get3A_1106] {strides = array<i32>} : memref<13312xf32, #tpu.memory_space<vmem>>, vector<16xf32>,
    %add3A_1108 = arith.addf %add3A_1105, %get3A_1107 : vector<16xf32>
    %get3A_1109 = arith.constant 10944 : index
    %get3A_1110 = tpu.vector_load %arg6[%get3A_1109] {strides = array<i32>} : memref<13312xf32, #tpu.memory_space<vmem>>, vector<16xf32>,
    %add3A_1111 = arith.addf %add3A_1108, %get3A_1110 : vector<16xf32>
    %get3A_1112 = arith.constant 11456 : index
    %get3A_1113 = tpu.vector_load %arg6[%get3A_1112] {strides = array<i32>} : memref<13312xf32, #tpu.memory_space<vmem>>, vector<16xf32>,
    %add3A_1114 = arith.addf %add3A_1111, %get3A_1113 : vector<16xf32>
    %get3A_1115 = arith.constant 11968 : index
    %get3A_1116 = tpu.vector_load %arg6[%get3A_1115] {strides = array<i32>} : memref<13312xf32, #tpu.memory_space<vmem>>, vector<16xf32>,
    %add3A_1117 = arith.addf %add3A_1114, %get3A_1116 : vector<16xf32>
    %get3A_1118 = arith.constant 12480 : index
    %get3A_1119 = tpu.vector_load %arg6[%get3A_1118] {strides = array<i32>} : memref<13312xf32, #tpu.memory_space<vmem>>, vector<16xf32>,
    %add3A_1120 = arith.addf %add3A_1117, %get3A_1119 : vector<16xf32>
    %get3A_1121 = arith.constant 12992 : index
    %get3A_1122 = tpu.vector_load %arg6[%get3A_1121] {strides = array<i32>} : memref<13312xf32, #tpu.memory_space<vmem>>, vector<16xf32>,
    %add3A_1123 = arith.addf %add3A_1120, %get3A_1122 : vector<16xf32>
    %swap3A_1124 = arith.constant 192 : index
    %swap3A_1125 = tpu.vector_load %arg7[%swap3A_1124] {strides = array<i32>} : memref<512xf32, #tpu.memory_space<vmem>>, vector<16xf32>,
    tpu.vector_store %arg7[%swap3A_1124], %add3A_1123 {strides = array<i32>} : memref<512xf32, #tpu.memory_space<vmem>>, vector<16xf32>,
    %get3A_1126 = arith.constant 208 : index
    %get3A_1127 = tpu.vector_load %arg6[%get3A_1126] {strides = array<i32>} : memref<13312xf32, #tpu.memory_space<vmem>>, vector<16xf32>,
    %get3A_1128 = arith.constant 720 : index
    %get3A_1129 = tpu.vector_load %arg6[%get3A_1128] {strides = array<i32>} : memref<13312xf32, #tpu.memory_space<vmem>>, vector<16xf32>,
    %add3A_1130 = arith.addf %get3A_1127, %get3A_1129 : vector<16xf32>
    %get3A_1131 = arith.constant 1232 : index
    %get3A_1132 = tpu.vector_load %arg6[%get3A_1131] {strides = array<i32>} : memref<13312xf32, #tpu.memory_space<vmem>>, vector<16xf32>,
    %add3A_1133 = arith.addf %add3A_1130, %get3A_1132 : vector<16xf32>
    %get3A_1134 = arith.constant 1744 : index
    %get3A_1135 = tpu.vector_load %arg6[%get3A_1134] {strides = array<i32>} : memref<13312xf32, #tpu.memory_space<vmem>>, vector<16xf32>,
    %add3A_1136 = arith.addf %add3A_1133, %get3A_1135 : vector<16xf32>
    %get3A_1137 = arith.constant 2256 : index
    %get3A_1138 = tpu.vector_load %arg6[%get3A_1137] {strides = array<i32>} : memref<13312xf32, #tpu.memory_space<vmem>>, vector<16xf32>,
    %add3A_1139 = arith.addf %add3A_1136, %get3A_1138 : vector<16xf32>
    %get3A_1140 = arith.constant 2768 : index
    %get3A_1141 = tpu.vector_load %arg6[%get3A_1140] {strides = array<i32>} : memref<13312xf32, #tpu.memory_space<vmem>>, vector<16xf32>,
    %add3A_1142 = arith.addf %add3A_1139, %get3A_1141 : vector<16xf32>
    %get3A_1143 = arith.constant 3280 : index
    %get3A_1144 = tpu.vector_load %arg6[%get3A_1143] {strides = array<i32>} : memref<13312xf32, #tpu.memory_space<vmem>>, vector<16xf32>,
    %add3A_1145 = arith.addf %add3A_1142, %get3A_1144 : vector<16xf32>
    %get3A_1146 = arith.constant 3792 : index
    %get3A_1147 = tpu.vector_load %arg6[%get3A_1146] {strides = array<i32>} : memref<13312xf32, #tpu.memory_space<vmem>>, vector<16xf32>,
    %add3A_1148 = arith.addf %add3A_1145, %get3A_1147 : vector<16xf32>
    %get3A_1149 = arith.constant 4304 : index
    %get3A_1150 = tpu.vector_load %arg6[%get3A_1149] {strides = array<i32>} : memref<13312xf32, #tpu.memory_space<vmem>>, vector<16xf32>,
    %add3A_1151 = arith.addf %add3A_1148, %get3A_1150 : vector<16xf32>
    %get3A_1152 = arith.constant 4816 : index
    %get3A_1153 = tpu.vector_load %arg6[%get3A_1152] {strides = array<i32>} : memref<13312xf32, #tpu.memory_space<vmem>>, vector<16xf32>,
    %add3A_1154 = arith.addf %add3A_1151, %get3A_1153 : vector<16xf32>
    %get3A_1155 = arith.constant 5328 : index
    %get3A_1156 = tpu.vector_load %arg6[%get3A_1155] {strides = array<i32>} : memref<13312xf32, #tpu.memory_space<vmem>>, vector<16xf32>,
    %add3A_1157 = arith.addf %add3A_1154, %get3A_1156 : vector<16xf32>
    %get3A_1158 = arith.constant 5840 : index
    %get3A_1159 = tpu.vector_load %arg6[%get3A_1158] {strides = array<i32>} : memref<13312xf32, #tpu.memory_space<vmem>>, vector<16xf32>,
    %add3A_1160 = arith.addf %add3A_1157, %get3A_1159 : vector<16xf32>
    %get3A_1161 = arith.constant 6352 : index
    %get3A_1162 = tpu.vector_load %arg6[%get3A_1161] {strides = array<i32>} : memref<13312xf32, #tpu.memory_space<vmem>>, vector<16xf32>,
    %add3A_1163 = arith.addf %add3A_1160, %get3A_1162 : vector<16xf32>
    %get3A_1164 = arith.constant 6864 : index
    %get3A_1165 = tpu.vector_load %arg6[%get3A_1164] {strides = array<i32>} : memref<13312xf32, #tpu.memory_space<vmem>>, vector<16xf32>,
    %add3A_1166 = arith.addf %add3A_1163, %get3A_1165 : vector<16xf32>
    %get3A_1167 = arith.constant 7376 : index
    %get3A_1168 = tpu.vector_load %arg6[%get3A_1167] {strides = array<i32>} : memref<13312xf32, #tpu.memory_space<vmem>>, vector<16xf32>,
    %add3A_1169 = arith.addf %add3A_1166, %get3A_1168 : vector<16xf32>
    %get3A_1170 = arith.constant 7888 : index
    %get3A_1171 = tpu.vector_load %arg6[%get3A_1170] {strides = array<i32>} : memref<13312xf32, #tpu.memory_space<vmem>>, vector<16xf32>,
    %add3A_1172 = arith.addf %add3A_1169, %get3A_1171 : vector<16xf32>
    %get3A_1173 = arith.constant 8400 : index
    %get3A_1174 = tpu.vector_load %arg6[%get3A_1173] {strides = array<i32>} : memref<13312xf32, #tpu.memory_space<vmem>>, vector<16xf32>,
    %add3A_1175 = arith.addf %add3A_1172, %get3A_1174 : vector<16xf32>
    %get3A_1176 = arith.constant 8912 : index
    %get3A_1177 = tpu.vector_load %arg6[%get3A_1176] {strides = array<i32>} : memref<13312xf32, #tpu.memory_space<vmem>>, vector<16xf32>,
    %add3A_1178 = arith.addf %add3A_1175, %get3A_1177 : vector<16xf32>
    %get3A_1179 = arith.constant 9424 : index
    %get3A_1180 = tpu.vector_load %arg6[%get3A_1179] {strides = array<i32>} : memref<13312xf32, #tpu.memory_space<vmem>>, vector<16xf32>,
    %add3A_1181 = arith.addf %add3A_1178, %get3A_1180 : vector<16xf32>
    %get3A_1182 = arith.constant 9936 : index
    %get3A_1183 = tpu.vector_load %arg6[%get3A_1182] {strides = array<i32>} : memref<13312xf32, #tpu.memory_space<vmem>>, vector<16xf32>,
    %add3A_1184 = arith.addf %add3A_1181, %get3A_1183 : vector<16xf32>
    %get3A_1185 = arith.constant 10448 : index
    %get3A_1186 = tpu.vector_load %arg6[%get3A_1185] {strides = array<i32>} : memref<13312xf32, #tpu.memory_space<vmem>>, vector<16xf32>,
    %add3A_1187 = arith.addf %add3A_1184, %get3A_1186 : vector<16xf32>
    %get3A_1188 = arith.constant 10960 : index
    %get3A_1189 = tpu.vector_load %arg6[%get3A_1188] {strides = array<i32>} : memref<13312xf32, #tpu.memory_space<vmem>>, vector<16xf32>,
    %add3A_1190 = arith.addf %add3A_1187, %get3A_1189 : vector<16xf32>
    %get3A_1191 = arith.constant 11472 : index
    %get3A_1192 = tpu.vector_load %arg6[%get3A_1191] {strides = array<i32>} : memref<13312xf32, #tpu.memory_space<vmem>>, vector<16xf32>,
    %add3A_1193 = arith.addf %add3A_1190, %get3A_1192 : vector<16xf32>
    %get3A_1194 = arith.constant 11984 : index
    %get3A_1195 = tpu.vector_load %arg6[%get3A_1194] {strides = array<i32>} : memref<13312xf32, #tpu.memory_space<vmem>>, vector<16xf32>,
    %add3A_1196 = arith.addf %add3A_1193, %get3A_1195 : vector<16xf32>
    %get3A_1197 = arith.constant 12496 : index
    %get3A_1198 = tpu.vector_load %arg6[%get3A_1197] {strides = array<i32>} : memref<13312xf32, #tpu.memory_space<vmem>>, vector<16xf32>,
    %add3A_1199 = arith.addf %add3A_1196, %get3A_1198 : vector<16xf32>
    %get3A_1200 = arith.constant 13008 : index
    %get3A_1201 = tpu.vector_load %arg6[%get3A_1200] {strides = array<i32>} : memref<13312xf32, #tpu.memory_space<vmem>>, vector<16xf32>,
    %add3A_1202 = arith.addf %add3A_1199, %get3A_1201 : vector<16xf32>
    %swap3A_1203 = arith.constant 208 : index
    %swap3A_1204 = tpu.vector_load %arg7[%swap3A_1203] {strides = array<i32>} : memref<512xf32, #tpu.memory_space<vmem>>, vector<16xf32>,
    tpu.vector_store %arg7[%swap3A_1203], %add3A_1202 {strides = array<i32>} : memref<512xf32, #tpu.memory_space<vmem>>, vector<16xf32>,
    %get3A_1205 = arith.constant 224 : index
    %get3A_1206 = tpu.vector_load %arg6[%get3A_1205] {strides = array<i32>} : memref<13312xf32, #tpu.memory_space<vmem>>, vector<16xf32>,
    %get3A_1207 = arith.constant 736 : index
    %get3A_1208 = tpu.vector_load %arg6[%get3A_1207] {strides = array<i32>} : memref<13312xf32, #tpu.memory_space<vmem>>, vector<16xf32>,
    %add3A_1209 = arith.addf %get3A_1206, %get3A_1208 : vector<16xf32>
    %get3A_1210 = arith.constant 1248 : index
    %get3A_1211 = tpu.vector_load %arg6[%get3A_1210] {strides = array<i32>} : memref<13312xf32, #tpu.memory_space<vmem>>, vector<16xf32>,
    %add3A_1212 = arith.addf %add3A_1209, %get3A_1211 : vector<16xf32>
    %get3A_1213 = arith.constant 1760 : index
    %get3A_1214 = tpu.vector_load %arg6[%get3A_1213] {strides = array<i32>} : memref<13312xf32, #tpu.memory_space<vmem>>, vector<16xf32>,
    %add3A_1215 = arith.addf %add3A_1212, %get3A_1214 : vector<16xf32>
    %get3A_1216 = arith.constant 2272 : index
    %get3A_1217 = tpu.vector_load %arg6[%get3A_1216] {strides = array<i32>} : memref<13312xf32, #tpu.memory_space<vmem>>, vector<16xf32>,
    %add3A_1218 = arith.addf %add3A_1215, %get3A_1217 : vector<16xf32>
    %get3A_1219 = arith.constant 2784 : index
    %get3A_1220 = tpu.vector_load %arg6[%get3A_1219] {strides = array<i32>} : memref<13312xf32, #tpu.memory_space<vmem>>, vector<16xf32>,
    %add3A_1221 = arith.addf %add3A_1218, %get3A_1220 : vector<16xf32>
    %get3A_1222 = arith.constant 3296 : index
    %get3A_1223 = tpu.vector_load %arg6[%get3A_1222] {strides = array<i32>} : memref<13312xf32, #tpu.memory_space<vmem>>, vector<16xf32>,
    %add3A_1224 = arith.addf %add3A_1221, %get3A_1223 : vector<16xf32>
    %get3A_1225 = arith.constant 3808 : index
    %get3A_1226 = tpu.vector_load %arg6[%get3A_1225] {strides = array<i32>} : memref<13312xf32, #tpu.memory_space<vmem>>, vector<16xf32>,
    %add3A_1227 = arith.addf %add3A_1224, %get3A_1226 : vector<16xf32>
    %get3A_1228 = arith.constant 4320 : index
    %get3A_1229 = tpu.vector_load %arg6[%get3A_1228] {strides = array<i32>} : memref<13312xf32, #tpu.memory_space<vmem>>, vector<16xf32>,
    %add3A_1230 = arith.addf %add3A_1227, %get3A_1229 : vector<16xf32>
    %get3A_1231 = arith.constant 4832 : index
    %get3A_1232 = tpu.vector_load %arg6[%get3A_1231] {strides = array<i32>} : memref<13312xf32, #tpu.memory_space<vmem>>, vector<16xf32>,
    %add3A_1233 = arith.addf %add3A_1230, %get3A_1232 : vector<16xf32>
    %get3A_1234 = arith.constant 5344 : index
    %get3A_1235 = tpu.vector_load %arg6[%get3A_1234] {strides = array<i32>} : memref<13312xf32, #tpu.memory_space<vmem>>, vector<16xf32>,
    %add3A_1236 = arith.addf %add3A_1233, %get3A_1235 : vector<16xf32>
    %get3A_1237 = arith.constant 5856 : index
    %get3A_1238 = tpu.vector_load %arg6[%get3A_1237] {strides = array<i32>} : memref<13312xf32, #tpu.memory_space<vmem>>, vector<16xf32>,
    %add3A_1239 = arith.addf %add3A_1236, %get3A_1238 : vector<16xf32>
    %get3A_1240 = arith.constant 6368 : index
    %get3A_1241 = tpu.vector_load %arg6[%get3A_1240] {strides = array<i32>} : memref<13312xf32, #tpu.memory_space<vmem>>, vector<16xf32>,
    %add3A_1242 = arith.addf %add3A_1239, %get3A_1241 : vector<16xf32>
    %get3A_1243 = arith.constant 6880 : index
    %get3A_1244 = tpu.vector_load %arg6[%get3A_1243] {strides = array<i32>} : memref<13312xf32, #tpu.memory_space<vmem>>, vector<16xf32>,
    %add3A_1245 = arith.addf %add3A_1242, %get3A_1244 : vector<16xf32>
    %get3A_1246 = arith.constant 7392 : index
    %get3A_1247 = tpu.vector_load %arg6[%get3A_1246] {strides = array<i32>} : memref<13312xf32, #tpu.memory_space<vmem>>, vector<16xf32>,
    %add3A_1248 = arith.addf %add3A_1245, %get3A_1247 : vector<16xf32>
    %get3A_1249 = arith.constant 7904 : index
    %get3A_1250 = tpu.vector_load %arg6[%get3A_1249] {strides = array<i32>} : memref<13312xf32, #tpu.memory_space<vmem>>, vector<16xf32>,
    %add3A_1251 = arith.addf %add3A_1248, %get3A_1250 : vector<16xf32>
    %get3A_1252 = arith.constant 8416 : index
    %get3A_1253 = tpu.vector_load %arg6[%get3A_1252] {strides = array<i32>} : memref<13312xf32, #tpu.memory_space<vmem>>, vector<16xf32>,
    %add3A_1254 = arith.addf %add3A_1251, %get3A_1253 : vector<16xf32>
    %get3A_1255 = arith.constant 8928 : index
    %get3A_1256 = tpu.vector_load %arg6[%get3A_1255] {strides = array<i32>} : memref<13312xf32, #tpu.memory_space<vmem>>, vector<16xf32>,
    %add3A_1257 = arith.addf %add3A_1254, %get3A_1256 : vector<16xf32>
    %get3A_1258 = arith.constant 9440 : index
    %get3A_1259 = tpu.vector_load %arg6[%get3A_1258] {strides = array<i32>} : memref<13312xf32, #tpu.memory_space<vmem>>, vector<16xf32>,
    %add3A_1260 = arith.addf %add3A_1257, %get3A_1259 : vector<16xf32>
    %get3A_1261 = arith.constant 9952 : index
    %get3A_1262 = tpu.vector_load %arg6[%get3A_1261] {strides = array<i32>} : memref<13312xf32, #tpu.memory_space<vmem>>, vector<16xf32>,
    %add3A_1263 = arith.addf %add3A_1260, %get3A_1262 : vector<16xf32>
    %get3A_1264 = arith.constant 10464 : index
    %get3A_1265 = tpu.vector_load %arg6[%get3A_1264] {strides = array<i32>} : memref<13312xf32, #tpu.memory_space<vmem>>, vector<16xf32>,
    %add3A_1266 = arith.addf %add3A_1263, %get3A_1265 : vector<16xf32>
    %get3A_1267 = arith.constant 10976 : index
    %get3A_1268 = tpu.vector_load %arg6[%get3A_1267] {strides = array<i32>} : memref<13312xf32, #tpu.memory_space<vmem>>, vector<16xf32>,
    %add3A_1269 = arith.addf %add3A_1266, %get3A_1268 : vector<16xf32>
    %get3A_1270 = arith.constant 11488 : index
    %get3A_1271 = tpu.vector_load %arg6[%get3A_1270] {strides = array<i32>} : memref<13312xf32, #tpu.memory_space<vmem>>, vector<16xf32>,
    %add3A_1272 = arith.addf %add3A_1269, %get3A_1271 : vector<16xf32>
    %get3A_1273 = arith.constant 12000 : index
    %get3A_1274 = tpu.vector_load %arg6[%get3A_1273] {strides = array<i32>} : memref<13312xf32, #tpu.memory_space<vmem>>, vector<16xf32>,
    %add3A_1275 = arith.addf %add3A_1272, %get3A_1274 : vector<16xf32>
    %get3A_1276 = arith.constant 12512 : index
    %get3A_1277 = tpu.vector_load %arg6[%get3A_1276] {strides = array<i32>} : memref<13312xf32, #tpu.memory_space<vmem>>, vector<16xf32>,
    %add3A_1278 = arith.addf %add3A_1275, %get3A_1277 : vector<16xf32>
    %get3A_1279 = arith.constant 13024 : index
    %get3A_1280 = tpu.vector_load %arg6[%get3A_1279] {strides = array<i32>} : memref<13312xf32, #tpu.memory_space<vmem>>, vector<16xf32>,
    %add3A_1281 = arith.addf %add3A_1278, %get3A_1280 : vector<16xf32>
    %swap3A_1282 = arith.constant 224 : index
    %swap3A_1283 = tpu.vector_load %arg7[%swap3A_1282] {strides = array<i32>} : memref<512xf32, #tpu.memory_space<vmem>>, vector<16xf32>,
    tpu.vector_store %arg7[%swap3A_1282], %add3A_1281 {strides = array<i32>} : memref<512xf32, #tpu.memory_space<vmem>>, vector<16xf32>,
    %get3A_1284 = arith.constant 240 : index
    %get3A_1285 = tpu.vector_load %arg6[%get3A_1284] {strides = array<i32>} : memref<13312xf32, #tpu.memory_space<vmem>>, vector<16xf32>,
    %get3A_1286 = arith.constant 752 : index
    %get3A_1287 = tpu.vector_load %arg6[%get3A_1286] {strides = array<i32>} : memref<13312xf32, #tpu.memory_space<vmem>>, vector<16xf32>,
    %add3A_1288 = arith.addf %get3A_1285, %get3A_1287 : vector<16xf32>
    %get3A_1289 = arith.constant 1264 : index
    %get3A_1290 = tpu.vector_load %arg6[%get3A_1289] {strides = array<i32>} : memref<13312xf32, #tpu.memory_space<vmem>>, vector<16xf32>,
    %add3A_1291 = arith.addf %add3A_1288, %get3A_1290 : vector<16xf32>
    %get3A_1292 = arith.constant 1776 : index
    %get3A_1293 = tpu.vector_load %arg6[%get3A_1292] {strides = array<i32>} : memref<13312xf32, #tpu.memory_space<vmem>>, vector<16xf32>,
    %add3A_1294 = arith.addf %add3A_1291, %get3A_1293 : vector<16xf32>
    %get3A_1295 = arith.constant 2288 : index
    %get3A_1296 = tpu.vector_load %arg6[%get3A_1295] {strides = array<i32>} : memref<13312xf32, #tpu.memory_space<vmem>>, vector<16xf32>,
    %add3A_1297 = arith.addf %add3A_1294, %get3A_1296 : vector<16xf32>
    %get3A_1298 = arith.constant 2800 : index
    %get3A_1299 = tpu.vector_load %arg6[%get3A_1298] {strides = array<i32>} : memref<13312xf32, #tpu.memory_space<vmem>>, vector<16xf32>,
    %add3A_1300 = arith.addf %add3A_1297, %get3A_1299 : vector<16xf32>
    %get3A_1301 = arith.constant 3312 : index
    %get3A_1302 = tpu.vector_load %arg6[%get3A_1301] {strides = array<i32>} : memref<13312xf32, #tpu.memory_space<vmem>>, vector<16xf32>,
    %add3A_1303 = arith.addf %add3A_1300, %get3A_1302 : vector<16xf32>
    %get3A_1304 = arith.constant 3824 : index
    %get3A_1305 = tpu.vector_load %arg6[%get3A_1304] {strides = array<i32>} : memref<13312xf32, #tpu.memory_space<vmem>>, vector<16xf32>,
    %add3A_1306 = arith.addf %add3A_1303, %get3A_1305 : vector<16xf32>
    %get3A_1307 = arith.constant 4336 : index
    %get3A_1308 = tpu.vector_load %arg6[%get3A_1307] {strides = array<i32>} : memref<13312xf32, #tpu.memory_space<vmem>>, vector<16xf32>,
    %add3A_1309 = arith.addf %add3A_1306, %get3A_1308 : vector<16xf32>
    %get3A_1310 = arith.constant 4848 : index
    %get3A_1311 = tpu.vector_load %arg6[%get3A_1310] {strides = array<i32>} : memref<13312xf32, #tpu.memory_space<vmem>>, vector<16xf32>,
    %add3A_1312 = arith.addf %add3A_1309, %get3A_1311 : vector<16xf32>
    %get3A_1313 = arith.constant 5360 : index
    %get3A_1314 = tpu.vector_load %arg6[%get3A_1313] {strides = array<i32>} : memref<13312xf32, #tpu.memory_space<vmem>>, vector<16xf32>,
    %add3A_1315 = arith.addf %add3A_1312, %get3A_1314 : vector<16xf32>
    %get3A_1316 = arith.constant 5872 : index
    %get3A_1317 = tpu.vector_load %arg6[%get3A_1316] {strides = array<i32>} : memref<13312xf32, #tpu.memory_space<vmem>>, vector<16xf32>,
    %add3A_1318 = arith.addf %add3A_1315, %get3A_1317 : vector<16xf32>
    %get3A_1319 = arith.constant 6384 : index
    %get3A_1320 = tpu.vector_load %arg6[%get3A_1319] {strides = array<i32>} : memref<13312xf32, #tpu.memory_space<vmem>>, vector<16xf32>,
    %add3A_1321 = arith.addf %add3A_1318, %get3A_1320 : vector<16xf32>
    %get3A_1322 = arith.constant 6896 : index
    %get3A_1323 = tpu.vector_load %arg6[%get3A_1322] {strides = array<i32>} : memref<13312xf32, #tpu.memory_space<vmem>>, vector<16xf32>,
    %add3A_1324 = arith.addf %add3A_1321, %get3A_1323 : vector<16xf32>
    %get3A_1325 = arith.constant 7408 : index
    %get3A_1326 = tpu.vector_load %arg6[%get3A_1325] {strides = array<i32>} : memref<13312xf32, #tpu.memory_space<vmem>>, vector<16xf32>,
    %add3A_1327 = arith.addf %add3A_1324, %get3A_1326 : vector<16xf32>
    %get3A_1328 = arith.constant 7920 : index
    %get3A_1329 = tpu.vector_load %arg6[%get3A_1328] {strides = array<i32>} : memref<13312xf32, #tpu.memory_space<vmem>>, vector<16xf32>,
    %add3A_1330 = arith.addf %add3A_1327, %get3A_1329 : vector<16xf32>
    %get3A_1331 = arith.constant 8432 : index
    %get3A_1332 = tpu.vector_load %arg6[%get3A_1331] {strides = array<i32>} : memref<13312xf32, #tpu.memory_space<vmem>>, vector<16xf32>,
    %add3A_1333 = arith.addf %add3A_1330, %get3A_1332 : vector<16xf32>
    %get3A_1334 = arith.constant 8944 : index
    %get3A_1335 = tpu.vector_load %arg6[%get3A_1334] {strides = array<i32>} : memref<13312xf32, #tpu.memory_space<vmem>>, vector<16xf32>,
    %add3A_1336 = arith.addf %add3A_1333, %get3A_1335 : vector<16xf32>
    %get3A_1337 = arith.constant 9456 : index
    %get3A_1338 = tpu.vector_load %arg6[%get3A_1337] {strides = array<i32>} : memref<13312xf32, #tpu.memory_space<vmem>>, vector<16xf32>,
    %add3A_1339 = arith.addf %add3A_1336, %get3A_1338 : vector<16xf32>
    %get3A_1340 = arith.constant 9968 : index
    %get3A_1341 = tpu.vector_load %arg6[%get3A_1340] {strides = array<i32>} : memref<13312xf32, #tpu.memory_space<vmem>>, vector<16xf32>,
    %add3A_1342 = arith.addf %add3A_1339, %get3A_1341 : vector<16xf32>
    %get3A_1343 = arith.constant 10480 : index
    %get3A_1344 = tpu.vector_load %arg6[%get3A_1343] {strides = array<i32>} : memref<13312xf32, #tpu.memory_space<vmem>>, vector<16xf32>,
    %add3A_1345 = arith.addf %add3A_1342, %get3A_1344 : vector<16xf32>
    %get3A_1346 = arith.constant 10992 : index
    %get3A_1347 = tpu.vector_load %arg6[%get3A_1346] {strides = array<i32>} : memref<13312xf32, #tpu.memory_space<vmem>>, vector<16xf32>,
    %add3A_1348 = arith.addf %add3A_1345, %get3A_1347 : vector<16xf32>
    %get3A_1349 = arith.constant 11504 : index
    %get3A_1350 = tpu.vector_load %arg6[%get3A_1349] {strides = array<i32>} : memref<13312xf32, #tpu.memory_space<vmem>>, vector<16xf32>,
    %add3A_1351 = arith.addf %add3A_1348, %get3A_1350 : vector<16xf32>
    %get3A_1352 = arith.constant 12016 : index
    %get3A_1353 = tpu.vector_load %arg6[%get3A_1352] {strides = array<i32>} : memref<13312xf32, #tpu.memory_space<vmem>>, vector<16xf32>,
    %add3A_1354 = arith.addf %add3A_1351, %get3A_1353 : vector<16xf32>
    %get3A_1355 = arith.constant 12528 : index
    %get3A_1356 = tpu.vector_load %arg6[%get3A_1355] {strides = array<i32>} : memref<13312xf32, #tpu.memory_space<vmem>>, vector<16xf32>,
    %add3A_1357 = arith.addf %add3A_1354, %get3A_1356 : vector<16xf32>
    %get3A_1358 = arith.constant 13040 : index
    %get3A_1359 = tpu.vector_load %arg6[%get3A_1358] {strides = array<i32>} : memref<13312xf32, #tpu.memory_space<vmem>>, vector<16xf32>,
    %add3A_1360 = arith.addf %add3A_1357, %get3A_1359 : vector<16xf32>
    %swap3A_1361 = arith.constant 240 : index
    %swap3A_1362 = tpu.vector_load %arg7[%swap3A_1361] {strides = array<i32>} : memref<512xf32, #tpu.memory_space<vmem>>, vector<16xf32>,
    tpu.vector_store %arg7[%swap3A_1361], %add3A_1360 {strides = array<i32>} : memref<512xf32, #tpu.memory_space<vmem>>, vector<16xf32>,
    %get3A_1363 = arith.constant 256 : index
    %get3A_1364 = tpu.vector_load %arg6[%get3A_1363] {strides = array<i32>} : memref<13312xf32, #tpu.memory_space<vmem>>, vector<16xf32>,
    %get3A_1365 = arith.constant 768 : index
    %get3A_1366 = tpu.vector_load %arg6[%get3A_1365] {strides = array<i32>} : memref<13312xf32, #tpu.memory_space<vmem>>, vector<16xf32>,
    %add3A_1367 = arith.addf %get3A_1364, %get3A_1366 : vector<16xf32>
    %get3A_1368 = arith.constant 1280 : index
    %get3A_1369 = tpu.vector_load %arg6[%get3A_1368] {strides = array<i32>} : memref<13312xf32, #tpu.memory_space<vmem>>, vector<16xf32>,
    %add3A_1370 = arith.addf %add3A_1367, %get3A_1369 : vector<16xf32>
    %get3A_1371 = arith.constant 1792 : index
    %get3A_1372 = tpu.vector_load %arg6[%get3A_1371] {strides = array<i32>} : memref<13312xf32, #tpu.memory_space<vmem>>, vector<16xf32>,
    %add3A_1373 = arith.addf %add3A_1370, %get3A_1372 : vector<16xf32>
    %get3A_1374 = arith.constant 2304 : index
    %get3A_1375 = tpu.vector_load %arg6[%get3A_1374] {strides = array<i32>} : memref<13312xf32, #tpu.memory_space<vmem>>, vector<16xf32>,
    %add3A_1376 = arith.addf %add3A_1373, %get3A_1375 : vector<16xf32>
    %get3A_1377 = arith.constant 2816 : index
    %get3A_1378 = tpu.vector_load %arg6[%get3A_1377] {strides = array<i32>} : memref<13312xf32, #tpu.memory_space<vmem>>, vector<16xf32>,
    %add3A_1379 = arith.addf %add3A_1376, %get3A_1378 : vector<16xf32>
    %get3A_1380 = arith.constant 3328 : index
    %get3A_1381 = tpu.vector_load %arg6[%get3A_1380] {strides = array<i32>} : memref<13312xf32, #tpu.memory_space<vmem>>, vector<16xf32>,
    %add3A_1382 = arith.addf %add3A_1379, %get3A_1381 : vector<16xf32>
    %get3A_1383 = arith.constant 3840 : index
    %get3A_1384 = tpu.vector_load %arg6[%get3A_1383] {strides = array<i32>} : memref<13312xf32, #tpu.memory_space<vmem>>, vector<16xf32>,
    %add3A_1385 = arith.addf %add3A_1382, %get3A_1384 : vector<16xf32>
    %get3A_1386 = arith.constant 4352 : index
    %get3A_1387 = tpu.vector_load %arg6[%get3A_1386] {strides = array<i32>} : memref<13312xf32, #tpu.memory_space<vmem>>, vector<16xf32>,
    %add3A_1388 = arith.addf %add3A_1385, %get3A_1387 : vector<16xf32>
    %get3A_1389 = arith.constant 4864 : index
    %get3A_1390 = tpu.vector_load %arg6[%get3A_1389] {strides = array<i32>} : memref<13312xf32, #tpu.memory_space<vmem>>, vector<16xf32>,
    %add3A_1391 = arith.addf %add3A_1388, %get3A_1390 : vector<16xf32>
    %get3A_1392 = arith.constant 5376 : index
    %get3A_1393 = tpu.vector_load %arg6[%get3A_1392] {strides = array<i32>} : memref<13312xf32, #tpu.memory_space<vmem>>, vector<16xf32>,
    %add3A_1394 = arith.addf %add3A_1391, %get3A_1393 : vector<16xf32>
    %get3A_1395 = arith.constant 5888 : index
    %get3A_1396 = tpu.vector_load %arg6[%get3A_1395] {strides = array<i32>} : memref<13312xf32, #tpu.memory_space<vmem>>, vector<16xf32>,
    %add3A_1397 = arith.addf %add3A_1394, %get3A_1396 : vector<16xf32>
    %get3A_1398 = arith.constant 6400 : index
    %get3A_1399 = tpu.vector_load %arg6[%get3A_1398] {strides = array<i32>} : memref<13312xf32, #tpu.memory_space<vmem>>, vector<16xf32>,
    %add3A_1400 = arith.addf %add3A_1397, %get3A_1399 : vector<16xf32>
    %get3A_1401 = arith.constant 6912 : index
    %get3A_1402 = tpu.vector_load %arg6[%get3A_1401] {strides = array<i32>} : memref<13312xf32, #tpu.memory_space<vmem>>, vector<16xf32>,
    %add3A_1403 = arith.addf %add3A_1400, %get3A_1402 : vector<16xf32>
    %get3A_1404 = arith.constant 7424 : index
    %get3A_1405 = tpu.vector_load %arg6[%get3A_1404] {strides = array<i32>} : memref<13312xf32, #tpu.memory_space<vmem>>, vector<16xf32>,
    %add3A_1406 = arith.addf %add3A_1403, %get3A_1405 : vector<16xf32>
    %get3A_1407 = arith.constant 7936 : index
    %get3A_1408 = tpu.vector_load %arg6[%get3A_1407] {strides = array<i32>} : memref<13312xf32, #tpu.memory_space<vmem>>, vector<16xf32>,
    %add3A_1409 = arith.addf %add3A_1406, %get3A_1408 : vector<16xf32>
    %get3A_1410 = arith.constant 8448 : index
    %get3A_1411 = tpu.vector_load %arg6[%get3A_1410] {strides = array<i32>} : memref<13312xf32, #tpu.memory_space<vmem>>, vector<16xf32>,
    %add3A_1412 = arith.addf %add3A_1409, %get3A_1411 : vector<16xf32>
    %get3A_1413 = arith.constant 8960 : index
    %get3A_1414 = tpu.vector_load %arg6[%get3A_1413] {strides = array<i32>} : memref<13312xf32, #tpu.memory_space<vmem>>, vector<16xf32>,
    %add3A_1415 = arith.addf %add3A_1412, %get3A_1414 : vector<16xf32>
    %get3A_1416 = arith.constant 9472 : index
    %get3A_1417 = tpu.vector_load %arg6[%get3A_1416] {strides = array<i32>} : memref<13312xf32, #tpu.memory_space<vmem>>, vector<16xf32>,
    %add3A_1418 = arith.addf %add3A_1415, %get3A_1417 : vector<16xf32>
    %get3A_1419 = arith.constant 9984 : index
    %get3A_1420 = tpu.vector_load %arg6[%get3A_1419] {strides = array<i32>} : memref<13312xf32, #tpu.memory_space<vmem>>, vector<16xf32>,
    %add3A_1421 = arith.addf %add3A_1418, %get3A_1420 : vector<16xf32>
    %get3A_1422 = arith.constant 10496 : index
    %get3A_1423 = tpu.vector_load %arg6[%get3A_1422] {strides = array<i32>} : memref<13312xf32, #tpu.memory_space<vmem>>, vector<16xf32>,
    %add3A_1424 = arith.addf %add3A_1421, %get3A_1423 : vector<16xf32>
    %get3A_1425 = arith.constant 11008 : index
    %get3A_1426 = tpu.vector_load %arg6[%get3A_1425] {strides = array<i32>} : memref<13312xf32, #tpu.memory_space<vmem>>, vector<16xf32>,
    %add3A_1427 = arith.addf %add3A_1424, %get3A_1426 : vector<16xf32>
    %get3A_1428 = arith.constant 11520 : index
    %get3A_1429 = tpu.vector_load %arg6[%get3A_1428] {strides = array<i32>} : memref<13312xf32, #tpu.memory_space<vmem>>, vector<16xf32>,
    %add3A_1430 = arith.addf %add3A_1427, %get3A_1429 : vector<16xf32>
    %get3A_1431 = arith.constant 12032 : index
    %get3A_1432 = tpu.vector_load %arg6[%get3A_1431] {strides = array<i32>} : memref<13312xf32, #tpu.memory_space<vmem>>, vector<16xf32>,
    %add3A_1433 = arith.addf %add3A_1430, %get3A_1432 : vector<16xf32>
    %get3A_1434 = arith.constant 12544 : index
    %get3A_1435 = tpu.vector_load %arg6[%get3A_1434] {strides = array<i32>} : memref<13312xf32, #tpu.memory_space<vmem>>, vector<16xf32>,
    %add3A_1436 = arith.addf %add3A_1433, %get3A_1435 : vector<16xf32>
    %get3A_1437 = arith.constant 13056 : index
    %get3A_1438 = tpu.vector_load %arg6[%get3A_1437] {strides = array<i32>} : memref<13312xf32, #tpu.memory_space<vmem>>, vector<16xf32>,
    %add3A_1439 = arith.addf %add3A_1436, %get3A_1438 : vector<16xf32>
    %swap3A_1440 = arith.constant 256 : index
    %swap3A_1441 = tpu.vector_load %arg7[%swap3A_1440] {strides = array<i32>} : memref<512xf32, #tpu.memory_space<vmem>>, vector<16xf32>,
    tpu.vector_store %arg7[%swap3A_1440], %add3A_1439 {strides = array<i32>} : memref<512xf32, #tpu.memory_space<vmem>>, vector<16xf32>,
    %get3A_1442 = arith.constant 272 : index
    %get3A_1443 = tpu.vector_load %arg6[%get3A_1442] {strides = array<i32>} : memref<13312xf32, #tpu.memory_space<vmem>>, vector<16xf32>,
    %get3A_1444 = arith.constant 784 : index
    %get3A_1445 = tpu.vector_load %arg6[%get3A_1444] {strides = array<i32>} : memref<13312xf32, #tpu.memory_space<vmem>>, vector<16xf32>,
    %add3A_1446 = arith.addf %get3A_1443, %get3A_1445 : vector<16xf32>
    %get3A_1447 = arith.constant 1296 : index
    %get3A_1448 = tpu.vector_load %arg6[%get3A_1447] {strides = array<i32>} : memref<13312xf32, #tpu.memory_space<vmem>>, vector<16xf32>,
    %add3A_1449 = arith.addf %add3A_1446, %get3A_1448 : vector<16xf32>
    %get3A_1450 = arith.constant 1808 : index
    %get3A_1451 = tpu.vector_load %arg6[%get3A_1450] {strides = array<i32>} : memref<13312xf32, #tpu.memory_space<vmem>>, vector<16xf32>,
    %add3A_1452 = arith.addf %add3A_1449, %get3A_1451 : vector<16xf32>
    %get3A_1453 = arith.constant 2320 : index
    %get3A_1454 = tpu.vector_load %arg6[%get3A_1453] {strides = array<i32>} : memref<13312xf32, #tpu.memory_space<vmem>>, vector<16xf32>,
    %add3A_1455 = arith.addf %add3A_1452, %get3A_1454 : vector<16xf32>
    %get3A_1456 = arith.constant 2832 : index
    %get3A_1457 = tpu.vector_load %arg6[%get3A_1456] {strides = array<i32>} : memref<13312xf32, #tpu.memory_space<vmem>>, vector<16xf32>,
    %add3A_1458 = arith.addf %add3A_1455, %get3A_1457 : vector<16xf32>
    %get3A_1459 = arith.constant 3344 : index
    %get3A_1460 = tpu.vector_load %arg6[%get3A_1459] {strides = array<i32>} : memref<13312xf32, #tpu.memory_space<vmem>>, vector<16xf32>,
    %add3A_1461 = arith.addf %add3A_1458, %get3A_1460 : vector<16xf32>
    %get3A_1462 = arith.constant 3856 : index
    %get3A_1463 = tpu.vector_load %arg6[%get3A_1462] {strides = array<i32>} : memref<13312xf32, #tpu.memory_space<vmem>>, vector<16xf32>,
    %add3A_1464 = arith.addf %add3A_1461, %get3A_1463 : vector<16xf32>
    %get3A_1465 = arith.constant 4368 : index
    %get3A_1466 = tpu.vector_load %arg6[%get3A_1465] {strides = array<i32>} : memref<13312xf32, #tpu.memory_space<vmem>>, vector<16xf32>,
    %add3A_1467 = arith.addf %add3A_1464, %get3A_1466 : vector<16xf32>
    %get3A_1468 = arith.constant 4880 : index
    %get3A_1469 = tpu.vector_load %arg6[%get3A_1468] {strides = array<i32>} : memref<13312xf32, #tpu.memory_space<vmem>>, vector<16xf32>,
    %add3A_1470 = arith.addf %add3A_1467, %get3A_1469 : vector<16xf32>
    %get3A_1471 = arith.constant 5392 : index
    %get3A_1472 = tpu.vector_load %arg6[%get3A_1471] {strides = array<i32>} : memref<13312xf32, #tpu.memory_space<vmem>>, vector<16xf32>,
    %add3A_1473 = arith.addf %add3A_1470, %get3A_1472 : vector<16xf32>
    %get3A_1474 = arith.constant 5904 : index
    %get3A_1475 = tpu.vector_load %arg6[%get3A_1474] {strides = array<i32>} : memref<13312xf32, #tpu.memory_space<vmem>>, vector<16xf32>,
    %add3A_1476 = arith.addf %add3A_1473, %get3A_1475 : vector<16xf32>
    %get3A_1477 = arith.constant 6416 : index
    %get3A_1478 = tpu.vector_load %arg6[%get3A_1477] {strides = array<i32>} : memref<13312xf32, #tpu.memory_space<vmem>>, vector<16xf32>,
    %add3A_1479 = arith.addf %add3A_1476, %get3A_1478 : vector<16xf32>
    %get3A_1480 = arith.constant 6928 : index
    %get3A_1481 = tpu.vector_load %arg6[%get3A_1480] {strides = array<i32>} : memref<13312xf32, #tpu.memory_space<vmem>>, vector<16xf32>,
    %add3A_1482 = arith.addf %add3A_1479, %get3A_1481 : vector<16xf32>
    %get3A_1483 = arith.constant 7440 : index
    %get3A_1484 = tpu.vector_load %arg6[%get3A_1483] {strides = array<i32>} : memref<13312xf32, #tpu.memory_space<vmem>>, vector<16xf32>,
    %add3A_1485 = arith.addf %add3A_1482, %get3A_1484 : vector<16xf32>
    %get3A_1486 = arith.constant 7952 : index
    %get3A_1487 = tpu.vector_load %arg6[%get3A_1486] {strides = array<i32>} : memref<13312xf32, #tpu.memory_space<vmem>>, vector<16xf32>,
    %add3A_1488 = arith.addf %add3A_1485, %get3A_1487 : vector<16xf32>
    %get3A_1489 = arith.constant 8464 : index
    %get3A_1490 = tpu.vector_load %arg6[%get3A_1489] {strides = array<i32>} : memref<13312xf32, #tpu.memory_space<vmem>>, vector<16xf32>,
    %add3A_1491 = arith.addf %add3A_1488, %get3A_1490 : vector<16xf32>
    %get3A_1492 = arith.constant 8976 : index
    %get3A_1493 = tpu.vector_load %arg6[%get3A_1492] {strides = array<i32>} : memref<13312xf32, #tpu.memory_space<vmem>>, vector<16xf32>,
    %add3A_1494 = arith.addf %add3A_1491, %get3A_1493 : vector<16xf32>
    %get3A_1495 = arith.constant 9488 : index
    %get3A_1496 = tpu.vector_load %arg6[%get3A_1495] {strides = array<i32>} : memref<13312xf32, #tpu.memory_space<vmem>>, vector<16xf32>,
    %add3A_1497 = arith.addf %add3A_1494, %get3A_1496 : vector<16xf32>
    %get3A_1498 = arith.constant 10000 : index
    %get3A_1499 = tpu.vector_load %arg6[%get3A_1498] {strides = array<i32>} : memref<13312xf32, #tpu.memory_space<vmem>>, vector<16xf32>,
    %add3A_1500 = arith.addf %add3A_1497, %get3A_1499 : vector<16xf32>
    %get3A_1501 = arith.constant 10512 : index
    %get3A_1502 = tpu.vector_load %arg6[%get3A_1501] {strides = array<i32>} : memref<13312xf32, #tpu.memory_space<vmem>>, vector<16xf32>,
    %add3A_1503 = arith.addf %add3A_1500, %get3A_1502 : vector<16xf32>
    %get3A_1504 = arith.constant 11024 : index
    %get3A_1505 = tpu.vector_load %arg6[%get3A_1504] {strides = array<i32>} : memref<13312xf32, #tpu.memory_space<vmem>>, vector<16xf32>,
    %add3A_1506 = arith.addf %add3A_1503, %get3A_1505 : vector<16xf32>
    %get3A_1507 = arith.constant 11536 : index
    %get3A_1508 = tpu.vector_load %arg6[%get3A_1507] {strides = array<i32>} : memref<13312xf32, #tpu.memory_space<vmem>>, vector<16xf32>,
    %add3A_1509 = arith.addf %add3A_1506, %get3A_1508 : vector<16xf32>
    %get3A_1510 = arith.constant 12048 : index
    %get3A_1511 = tpu.vector_load %arg6[%get3A_1510] {strides = array<i32>} : memref<13312xf32, #tpu.memory_space<vmem>>, vector<16xf32>,
    %add3A_1512 = arith.addf %add3A_1509, %get3A_1511 : vector<16xf32>
    %get3A_1513 = arith.constant 12560 : index
    %get3A_1514 = tpu.vector_load %arg6[%get3A_1513] {strides = array<i32>} : memref<13312xf32, #tpu.memory_space<vmem>>, vector<16xf32>,
    %add3A_1515 = arith.addf %add3A_1512, %get3A_1514 : vector<16xf32>
    %get3A_1516 = arith.constant 13072 : index
    %get3A_1517 = tpu.vector_load %arg6[%get3A_1516] {strides = array<i32>} : memref<13312xf32, #tpu.memory_space<vmem>>, vector<16xf32>,
    %add3A_1518 = arith.addf %add3A_1515, %get3A_1517 : vector<16xf32>
    %swap3A_1519 = arith.constant 272 : index
    %swap3A_1520 = tpu.vector_load %arg7[%swap3A_1519] {strides = array<i32>} : memref<512xf32, #tpu.memory_space<vmem>>, vector<16xf32>,
    tpu.vector_store %arg7[%swap3A_1519], %add3A_1518 {strides = array<i32>} : memref<512xf32, #tpu.memory_space<vmem>>, vector<16xf32>,
    %get3A_1521 = arith.constant 288 : index
    %get3A_1522 = tpu.vector_load %arg6[%get3A_1521] {strides = array<i32>} : memref<13312xf32, #tpu.memory_space<vmem>>, vector<16xf32>,
    %get3A_1523 = arith.constant 800 : index
    %get3A_1524 = tpu.vector_load %arg6[%get3A_1523] {strides = array<i32>} : memref<13312xf32, #tpu.memory_space<vmem>>, vector<16xf32>,
    %add3A_1525 = arith.addf %get3A_1522, %get3A_1524 : vector<16xf32>
    %get3A_1526 = arith.constant 1312 : index
    %get3A_1527 = tpu.vector_load %arg6[%get3A_1526] {strides = array<i32>} : memref<13312xf32, #tpu.memory_space<vmem>>, vector<16xf32>,
    %add3A_1528 = arith.addf %add3A_1525, %get3A_1527 : vector<16xf32>
    %get3A_1529 = arith.constant 1824 : index
    %get3A_1530 = tpu.vector_load %arg6[%get3A_1529] {strides = array<i32>} : memref<13312xf32, #tpu.memory_space<vmem>>, vector<16xf32>,
    %add3A_1531 = arith.addf %add3A_1528, %get3A_1530 : vector<16xf32>
    %get3A_1532 = arith.constant 2336 : index
    %get3A_1533 = tpu.vector_load %arg6[%get3A_1532] {strides = array<i32>} : memref<13312xf32, #tpu.memory_space<vmem>>, vector<16xf32>,
    %add3A_1534 = arith.addf %add3A_1531, %get3A_1533 : vector<16xf32>
    %get3A_1535 = arith.constant 2848 : index
    %get3A_1536 = tpu.vector_load %arg6[%get3A_1535] {strides = array<i32>} : memref<13312xf32, #tpu.memory_space<vmem>>, vector<16xf32>,
    %add3A_1537 = arith.addf %add3A_1534, %get3A_1536 : vector<16xf32>
    %get3A_1538 = arith.constant 3360 : index
    %get3A_1539 = tpu.vector_load %arg6[%get3A_1538] {strides = array<i32>} : memref<13312xf32, #tpu.memory_space<vmem>>, vector<16xf32>,
    %add3A_1540 = arith.addf %add3A_1537, %get3A_1539 : vector<16xf32>
    %get3A_1541 = arith.constant 3872 : index
    %get3A_1542 = tpu.vector_load %arg6[%get3A_1541] {strides = array<i32>} : memref<13312xf32, #tpu.memory_space<vmem>>, vector<16xf32>,
    %add3A_1543 = arith.addf %add3A_1540, %get3A_1542 : vector<16xf32>
    %get3A_1544 = arith.constant 4384 : index
    %get3A_1545 = tpu.vector_load %arg6[%get3A_1544] {strides = array<i32>} : memref<13312xf32, #tpu.memory_space<vmem>>, vector<16xf32>,
    %add3A_1546 = arith.addf %add3A_1543, %get3A_1545 : vector<16xf32>
    %get3A_1547 = arith.constant 4896 : index
    %get3A_1548 = tpu.vector_load %arg6[%get3A_1547] {strides = array<i32>} : memref<13312xf32, #tpu.memory_space<vmem>>, vector<16xf32>,
    %add3A_1549 = arith.addf %add3A_1546, %get3A_1548 : vector<16xf32>
    %get3A_1550 = arith.constant 5408 : index
    %get3A_1551 = tpu.vector_load %arg6[%get3A_1550] {strides = array<i32>} : memref<13312xf32, #tpu.memory_space<vmem>>, vector<16xf32>,
    %add3A_1552 = arith.addf %add3A_1549, %get3A_1551 : vector<16xf32>
    %get3A_1553 = arith.constant 5920 : index
    %get3A_1554 = tpu.vector_load %arg6[%get3A_1553] {strides = array<i32>} : memref<13312xf32, #tpu.memory_space<vmem>>, vector<16xf32>,
    %add3A_1555 = arith.addf %add3A_1552, %get3A_1554 : vector<16xf32>
    %get3A_1556 = arith.constant 6432 : index
    %get3A_1557 = tpu.vector_load %arg6[%get3A_1556] {strides = array<i32>} : memref<13312xf32, #tpu.memory_space<vmem>>, vector<16xf32>,
    %add3A_1558 = arith.addf %add3A_1555, %get3A_1557 : vector<16xf32>
    %get3A_1559 = arith.constant 6944 : index
    %get3A_1560 = tpu.vector_load %arg6[%get3A_1559] {strides = array<i32>} : memref<13312xf32, #tpu.memory_space<vmem>>, vector<16xf32>,
    %add3A_1561 = arith.addf %add3A_1558, %get3A_1560 : vector<16xf32>
    %get3A_1562 = arith.constant 7456 : index
    %get3A_1563 = tpu.vector_load %arg6[%get3A_1562] {strides = array<i32>} : memref<13312xf32, #tpu.memory_space<vmem>>, vector<16xf32>,
    %add3A_1564 = arith.addf %add3A_1561, %get3A_1563 : vector<16xf32>
    %get3A_1565 = arith.constant 7968 : index
    %get3A_1566 = tpu.vector_load %arg6[%get3A_1565] {strides = array<i32>} : memref<13312xf32, #tpu.memory_space<vmem>>, vector<16xf32>,
    %add3A_1567 = arith.addf %add3A_1564, %get3A_1566 : vector<16xf32>
    %get3A_1568 = arith.constant 8480 : index
    %get3A_1569 = tpu.vector_load %arg6[%get3A_1568] {strides = array<i32>} : memref<13312xf32, #tpu.memory_space<vmem>>, vector<16xf32>,
    %add3A_1570 = arith.addf %add3A_1567, %get3A_1569 : vector<16xf32>
    %get3A_1571 = arith.constant 8992 : index
    %get3A_1572 = tpu.vector_load %arg6[%get3A_1571] {strides = array<i32>} : memref<13312xf32, #tpu.memory_space<vmem>>, vector<16xf32>,
    %add3A_1573 = arith.addf %add3A_1570, %get3A_1572 : vector<16xf32>
    %get3A_1574 = arith.constant 9504 : index
    %get3A_1575 = tpu.vector_load %arg6[%get3A_1574] {strides = array<i32>} : memref<13312xf32, #tpu.memory_space<vmem>>, vector<16xf32>,
    %add3A_1576 = arith.addf %add3A_1573, %get3A_1575 : vector<16xf32>
    %get3A_1577 = arith.constant 10016 : index
    %get3A_1578 = tpu.vector_load %arg6[%get3A_1577] {strides = array<i32>} : memref<13312xf32, #tpu.memory_space<vmem>>, vector<16xf32>,
    %add3A_1579 = arith.addf %add3A_1576, %get3A_1578 : vector<16xf32>
    %get3A_1580 = arith.constant 10528 : index
    %get3A_1581 = tpu.vector_load %arg6[%get3A_1580] {strides = array<i32>} : memref<13312xf32, #tpu.memory_space<vmem>>, vector<16xf32>,
    %add3A_1582 = arith.addf %add3A_1579, %get3A_1581 : vector<16xf32>
    %get3A_1583 = arith.constant 11040 : index
    %get3A_1584 = tpu.vector_load %arg6[%get3A_1583] {strides = array<i32>} : memref<13312xf32, #tpu.memory_space<vmem>>, vector<16xf32>,
    %add3A_1585 = arith.addf %add3A_1582, %get3A_1584 : vector<16xf32>
    %get3A_1586 = arith.constant 11552 : index
    %get3A_1587 = tpu.vector_load %arg6[%get3A_1586] {strides = array<i32>} : memref<13312xf32, #tpu.memory_space<vmem>>, vector<16xf32>,
    %add3A_1588 = arith.addf %add3A_1585, %get3A_1587 : vector<16xf32>
    %get3A_1589 = arith.constant 12064 : index
    %get3A_1590 = tpu.vector_load %arg6[%get3A_1589] {strides = array<i32>} : memref<13312xf32, #tpu.memory_space<vmem>>, vector<16xf32>,
    %add3A_1591 = arith.addf %add3A_1588, %get3A_1590 : vector<16xf32>
    %get3A_1592 = arith.constant 12576 : index
    %get3A_1593 = tpu.vector_load %arg6[%get3A_1592] {strides = array<i32>} : memref<13312xf32, #tpu.memory_space<vmem>>, vector<16xf32>,
    %add3A_1594 = arith.addf %add3A_1591, %get3A_1593 : vector<16xf32>
    %get3A_1595 = arith.constant 13088 : index
    %get3A_1596 = tpu.vector_load %arg6[%get3A_1595] {strides = array<i32>} : memref<13312xf32, #tpu.memory_space<vmem>>, vector<16xf32>,
    %add3A_1597 = arith.addf %add3A_1594, %get3A_1596 : vector<16xf32>
    %swap3A_1598 = arith.constant 288 : index
    %swap3A_1599 = tpu.vector_load %arg7[%swap3A_1598] {strides = array<i32>} : memref<512xf32, #tpu.memory_space<vmem>>, vector<16xf32>,
    tpu.vector_store %arg7[%swap3A_1598], %add3A_1597 {strides = array<i32>} : memref<512xf32, #tpu.memory_space<vmem>>, vector<16xf32>,
    %get3A_1600 = arith.constant 304 : index
    %get3A_1601 = tpu.vector_load %arg6[%get3A_1600] {strides = array<i32>} : memref<13312xf32, #tpu.memory_space<vmem>>, vector<16xf32>,
    %get3A_1602 = arith.constant 816 : index
    %get3A_1603 = tpu.vector_load %arg6[%get3A_1602] {strides = array<i32>} : memref<13312xf32, #tpu.memory_space<vmem>>, vector<16xf32>,
    %add3A_1604 = arith.addf %get3A_1601, %get3A_1603 : vector<16xf32>
    %get3A_1605 = arith.constant 1328 : index
    %get3A_1606 = tpu.vector_load %arg6[%get3A_1605] {strides = array<i32>} : memref<13312xf32, #tpu.memory_space<vmem>>, vector<16xf32>,
    %add3A_1607 = arith.addf %add3A_1604, %get3A_1606 : vector<16xf32>
    %get3A_1608 = arith.constant 1840 : index
    %get3A_1609 = tpu.vector_load %arg6[%get3A_1608] {strides = array<i32>} : memref<13312xf32, #tpu.memory_space<vmem>>, vector<16xf32>,
    %add3A_1610 = arith.addf %add3A_1607, %get3A_1609 : vector<16xf32>
    %get3A_1611 = arith.constant 2352 : index
    %get3A_1612 = tpu.vector_load %arg6[%get3A_1611] {strides = array<i32>} : memref<13312xf32, #tpu.memory_space<vmem>>, vector<16xf32>,
    %add3A_1613 = arith.addf %add3A_1610, %get3A_1612 : vector<16xf32>
    %get3A_1614 = arith.constant 2864 : index
    %get3A_1615 = tpu.vector_load %arg6[%get3A_1614] {strides = array<i32>} : memref<13312xf32, #tpu.memory_space<vmem>>, vector<16xf32>,
    %add3A_1616 = arith.addf %add3A_1613, %get3A_1615 : vector<16xf32>
    %get3A_1617 = arith.constant 3376 : index
    %get3A_1618 = tpu.vector_load %arg6[%get3A_1617] {strides = array<i32>} : memref<13312xf32, #tpu.memory_space<vmem>>, vector<16xf32>,
    %add3A_1619 = arith.addf %add3A_1616, %get3A_1618 : vector<16xf32>
    %get3A_1620 = arith.constant 3888 : index
    %get3A_1621 = tpu.vector_load %arg6[%get3A_1620] {strides = array<i32>} : memref<13312xf32, #tpu.memory_space<vmem>>, vector<16xf32>,
    %add3A_1622 = arith.addf %add3A_1619, %get3A_1621 : vector<16xf32>
    %get3A_1623 = arith.constant 4400 : index
    %get3A_1624 = tpu.vector_load %arg6[%get3A_1623] {strides = array<i32>} : memref<13312xf32, #tpu.memory_space<vmem>>, vector<16xf32>,
    %add3A_1625 = arith.addf %add3A_1622, %get3A_1624 : vector<16xf32>
    %get3A_1626 = arith.constant 4912 : index
    %get3A_1627 = tpu.vector_load %arg6[%get3A_1626] {strides = array<i32>} : memref<13312xf32, #tpu.memory_space<vmem>>, vector<16xf32>,
    %add3A_1628 = arith.addf %add3A_1625, %get3A_1627 : vector<16xf32>
    %get3A_1629 = arith.constant 5424 : index
    %get3A_1630 = tpu.vector_load %arg6[%get3A_1629] {strides = array<i32>} : memref<13312xf32, #tpu.memory_space<vmem>>, vector<16xf32>,
    %add3A_1631 = arith.addf %add3A_1628, %get3A_1630 : vector<16xf32>
    %get3A_1632 = arith.constant 5936 : index
    %get3A_1633 = tpu.vector_load %arg6[%get3A_1632] {strides = array<i32>} : memref<13312xf32, #tpu.memory_space<vmem>>, vector<16xf32>,
    %add3A_1634 = arith.addf %add3A_1631, %get3A_1633 : vector<16xf32>
    %get3A_1635 = arith.constant 6448 : index
    %get3A_1636 = tpu.vector_load %arg6[%get3A_1635] {strides = array<i32>} : memref<13312xf32, #tpu.memory_space<vmem>>, vector<16xf32>,
    %add3A_1637 = arith.addf %add3A_1634, %get3A_1636 : vector<16xf32>
    %get3A_1638 = arith.constant 6960 : index
    %get3A_1639 = tpu.vector_load %arg6[%get3A_1638] {strides = array<i32>} : memref<13312xf32, #tpu.memory_space<vmem>>, vector<16xf32>,
    %add3A_1640 = arith.addf %add3A_1637, %get3A_1639 : vector<16xf32>
    %get3A_1641 = arith.constant 7472 : index
    %get3A_1642 = tpu.vector_load %arg6[%get3A_1641] {strides = array<i32>} : memref<13312xf32, #tpu.memory_space<vmem>>, vector<16xf32>,
    %add3A_1643 = arith.addf %add3A_1640, %get3A_1642 : vector<16xf32>
    %get3A_1644 = arith.constant 7984 : index
    %get3A_1645 = tpu.vector_load %arg6[%get3A_1644] {strides = array<i32>} : memref<13312xf32, #tpu.memory_space<vmem>>, vector<16xf32>,
    %add3A_1646 = arith.addf %add3A_1643, %get3A_1645 : vector<16xf32>
    %get3A_1647 = arith.constant 8496 : index
    %get3A_1648 = tpu.vector_load %arg6[%get3A_1647] {strides = array<i32>} : memref<13312xf32, #tpu.memory_space<vmem>>, vector<16xf32>,
    %add3A_1649 = arith.addf %add3A_1646, %get3A_1648 : vector<16xf32>
    %get3A_1650 = arith.constant 9008 : index
    %get3A_1651 = tpu.vector_load %arg6[%get3A_1650] {strides = array<i32>} : memref<13312xf32, #tpu.memory_space<vmem>>, vector<16xf32>,
    %add3A_1652 = arith.addf %add3A_1649, %get3A_1651 : vector<16xf32>
    %get3A_1653 = arith.constant 9520 : index
    %get3A_1654 = tpu.vector_load %arg6[%get3A_1653] {strides = array<i32>} : memref<13312xf32, #tpu.memory_space<vmem>>, vector<16xf32>,
    %add3A_1655 = arith.addf %add3A_1652, %get3A_1654 : vector<16xf32>
    %get3A_1656 = arith.constant 10032 : index
    %get3A_1657 = tpu.vector_load %arg6[%get3A_1656] {strides = array<i32>} : memref<13312xf32, #tpu.memory_space<vmem>>, vector<16xf32>,
    %add3A_1658 = arith.addf %add3A_1655, %get3A_1657 : vector<16xf32>
    %get3A_1659 = arith.constant 10544 : index
    %get3A_1660 = tpu.vector_load %arg6[%get3A_1659] {strides = array<i32>} : memref<13312xf32, #tpu.memory_space<vmem>>, vector<16xf32>,
    %add3A_1661 = arith.addf %add3A_1658, %get3A_1660 : vector<16xf32>
    %get3A_1662 = arith.constant 11056 : index
    %get3A_1663 = tpu.vector_load %arg6[%get3A_1662] {strides = array<i32>} : memref<13312xf32, #tpu.memory_space<vmem>>, vector<16xf32>,
    %add3A_1664 = arith.addf %add3A_1661, %get3A_1663 : vector<16xf32>
    %get3A_1665 = arith.constant 11568 : index
    %get3A_1666 = tpu.vector_load %arg6[%get3A_1665] {strides = array<i32>} : memref<13312xf32, #tpu.memory_space<vmem>>, vector<16xf32>,
    %add3A_1667 = arith.addf %add3A_1664, %get3A_1666 : vector<16xf32>
    %get3A_1668 = arith.constant 12080 : index
    %get3A_1669 = tpu.vector_load %arg6[%get3A_1668] {strides = array<i32>} : memref<13312xf32, #tpu.memory_space<vmem>>, vector<16xf32>,
    %add3A_1670 = arith.addf %add3A_1667, %get3A_1669 : vector<16xf32>
    %get3A_1671 = arith.constant 12592 : index
    %get3A_1672 = tpu.vector_load %arg6[%get3A_1671] {strides = array<i32>} : memref<13312xf32, #tpu.memory_space<vmem>>, vector<16xf32>,
    %add3A_1673 = arith.addf %add3A_1670, %get3A_1672 : vector<16xf32>
    %get3A_1674 = arith.constant 13104 : index
    %get3A_1675 = tpu.vector_load %arg6[%get3A_1674] {strides = array<i32>} : memref<13312xf32, #tpu.memory_space<vmem>>, vector<16xf32>,
    %add3A_1676 = arith.addf %add3A_1673, %get3A_1675 : vector<16xf32>
    %swap3A_1677 = arith.constant 304 : index
    %swap3A_1678 = tpu.vector_load %arg7[%swap3A_1677] {strides = array<i32>} : memref<512xf32, #tpu.memory_space<vmem>>, vector<16xf32>,
    tpu.vector_store %arg7[%swap3A_1677], %add3A_1676 {strides = array<i32>} : memref<512xf32, #tpu.memory_space<vmem>>, vector<16xf32>,
    %get3A_1679 = arith.constant 320 : index
    %get3A_1680 = tpu.vector_load %arg6[%get3A_1679] {strides = array<i32>} : memref<13312xf32, #tpu.memory_space<vmem>>, vector<16xf32>,
    %get3A_1681 = arith.constant 832 : index
    %get3A_1682 = tpu.vector_load %arg6[%get3A_1681] {strides = array<i32>} : memref<13312xf32, #tpu.memory_space<vmem>>, vector<16xf32>,
    %add3A_1683 = arith.addf %get3A_1680, %get3A_1682 : vector<16xf32>
    %get3A_1684 = arith.constant 1344 : index
    %get3A_1685 = tpu.vector_load %arg6[%get3A_1684] {strides = array<i32>} : memref<13312xf32, #tpu.memory_space<vmem>>, vector<16xf32>,
    %add3A_1686 = arith.addf %add3A_1683, %get3A_1685 : vector<16xf32>
    %get3A_1687 = arith.constant 1856 : index
    %get3A_1688 = tpu.vector_load %arg6[%get3A_1687] {strides = array<i32>} : memref<13312xf32, #tpu.memory_space<vmem>>, vector<16xf32>,
    %add3A_1689 = arith.addf %add3A_1686, %get3A_1688 : vector<16xf32>
    %get3A_1690 = arith.constant 2368 : index
    %get3A_1691 = tpu.vector_load %arg6[%get3A_1690] {strides = array<i32>} : memref<13312xf32, #tpu.memory_space<vmem>>, vector<16xf32>,
    %add3A_1692 = arith.addf %add3A_1689, %get3A_1691 : vector<16xf32>
    %get3A_1693 = arith.constant 2880 : index
    %get3A_1694 = tpu.vector_load %arg6[%get3A_1693] {strides = array<i32>} : memref<13312xf32, #tpu.memory_space<vmem>>, vector<16xf32>,
    %add3A_1695 = arith.addf %add3A_1692, %get3A_1694 : vector<16xf32>
    %get3A_1696 = arith.constant 3392 : index
    %get3A_1697 = tpu.vector_load %arg6[%get3A_1696] {strides = array<i32>} : memref<13312xf32, #tpu.memory_space<vmem>>, vector<16xf32>,
    %add3A_1698 = arith.addf %add3A_1695, %get3A_1697 : vector<16xf32>
    %get3A_1699 = arith.constant 3904 : index
    %get3A_1700 = tpu.vector_load %arg6[%get3A_1699] {strides = array<i32>} : memref<13312xf32, #tpu.memory_space<vmem>>, vector<16xf32>,
    %add3A_1701 = arith.addf %add3A_1698, %get3A_1700 : vector<16xf32>
    %get3A_1702 = arith.constant 4416 : index
    %get3A_1703 = tpu.vector_load %arg6[%get3A_1702] {strides = array<i32>} : memref<13312xf32, #tpu.memory_space<vmem>>, vector<16xf32>,
    %add3A_1704 = arith.addf %add3A_1701, %get3A_1703 : vector<16xf32>
    %get3A_1705 = arith.constant 4928 : index
    %get3A_1706 = tpu.vector_load %arg6[%get3A_1705] {strides = array<i32>} : memref<13312xf32, #tpu.memory_space<vmem>>, vector<16xf32>,
    %add3A_1707 = arith.addf %add3A_1704, %get3A_1706 : vector<16xf32>
    %get3A_1708 = arith.constant 5440 : index
    %get3A_1709 = tpu.vector_load %arg6[%get3A_1708] {strides = array<i32>} : memref<13312xf32, #tpu.memory_space<vmem>>, vector<16xf32>,
    %add3A_1710 = arith.addf %add3A_1707, %get3A_1709 : vector<16xf32>
    %get3A_1711 = arith.constant 5952 : index
    %get3A_1712 = tpu.vector_load %arg6[%get3A_1711] {strides = array<i32>} : memref<13312xf32, #tpu.memory_space<vmem>>, vector<16xf32>,
    %add3A_1713 = arith.addf %add3A_1710, %get3A_1712 : vector<16xf32>
    %get3A_1714 = arith.constant 6464 : index
    %get3A_1715 = tpu.vector_load %arg6[%get3A_1714] {strides = array<i32>} : memref<13312xf32, #tpu.memory_space<vmem>>, vector<16xf32>,
    %add3A_1716 = arith.addf %add3A_1713, %get3A_1715 : vector<16xf32>
    %get3A_1717 = arith.constant 6976 : index
    %get3A_1718 = tpu.vector_load %arg6[%get3A_1717] {strides = array<i32>} : memref<13312xf32, #tpu.memory_space<vmem>>, vector<16xf32>,
    %add3A_1719 = arith.addf %add3A_1716, %get3A_1718 : vector<16xf32>
    %get3A_1720 = arith.constant 7488 : index
    %get3A_1721 = tpu.vector_load %arg6[%get3A_1720] {strides = array<i32>} : memref<13312xf32, #tpu.memory_space<vmem>>, vector<16xf32>,
    %add3A_1722 = arith.addf %add3A_1719, %get3A_1721 : vector<16xf32>
    %get3A_1723 = arith.constant 8000 : index
    %get3A_1724 = tpu.vector_load %arg6[%get3A_1723] {strides = array<i32>} : memref<13312xf32, #tpu.memory_space<vmem>>, vector<16xf32>,
    %add3A_1725 = arith.addf %add3A_1722, %get3A_1724 : vector<16xf32>
    %get3A_1726 = arith.constant 8512 : index
    %get3A_1727 = tpu.vector_load %arg6[%get3A_1726] {strides = array<i32>} : memref<13312xf32, #tpu.memory_space<vmem>>, vector<16xf32>,
    %add3A_1728 = arith.addf %add3A_1725, %get3A_1727 : vector<16xf32>
    %get3A_1729 = arith.constant 9024 : index
    %get3A_1730 = tpu.vector_load %arg6[%get3A_1729] {strides = array<i32>} : memref<13312xf32, #tpu.memory_space<vmem>>, vector<16xf32>,
    %add3A_1731 = arith.addf %add3A_1728, %get3A_1730 : vector<16xf32>
    %get3A_1732 = arith.constant 9536 : index
    %get3A_1733 = tpu.vector_load %arg6[%get3A_1732] {strides = array<i32>} : memref<13312xf32, #tpu.memory_space<vmem>>, vector<16xf32>,
    %add3A_1734 = arith.addf %add3A_1731, %get3A_1733 : vector<16xf32>
    %get3A_1735 = arith.constant 10048 : index
    %get3A_1736 = tpu.vector_load %arg6[%get3A_1735] {strides = array<i32>} : memref<13312xf32, #tpu.memory_space<vmem>>, vector<16xf32>,
    %add3A_1737 = arith.addf %add3A_1734, %get3A_1736 : vector<16xf32>
    %get3A_1738 = arith.constant 10560 : index
    %get3A_1739 = tpu.vector_load %arg6[%get3A_1738] {strides = array<i32>} : memref<13312xf32, #tpu.memory_space<vmem>>, vector<16xf32>,
    %add3A_1740 = arith.addf %add3A_1737, %get3A_1739 : vector<16xf32>
    %get3A_1741 = arith.constant 11072 : index
    %get3A_1742 = tpu.vector_load %arg6[%get3A_1741] {strides = array<i32>} : memref<13312xf32, #tpu.memory_space<vmem>>, vector<16xf32>,
    %add3A_1743 = arith.addf %add3A_1740, %get3A_1742 : vector<16xf32>
    %get3A_1744 = arith.constant 11584 : index
    %get3A_1745 = tpu.vector_load %arg6[%get3A_1744] {strides = array<i32>} : memref<13312xf32, #tpu.memory_space<vmem>>, vector<16xf32>,
    %add3A_1746 = arith.addf %add3A_1743, %get3A_1745 : vector<16xf32>
    %get3A_1747 = arith.constant 12096 : index
    %get3A_1748 = tpu.vector_load %arg6[%get3A_1747] {strides = array<i32>} : memref<13312xf32, #tpu.memory_space<vmem>>, vector<16xf32>,
    %add3A_1749 = arith.addf %add3A_1746, %get3A_1748 : vector<16xf32>
    %get3A_1750 = arith.constant 12608 : index
    %get3A_1751 = tpu.vector_load %arg6[%get3A_1750] {strides = array<i32>} : memref<13312xf32, #tpu.memory_space<vmem>>, vector<16xf32>,
    %add3A_1752 = arith.addf %add3A_1749, %get3A_1751 : vector<16xf32>
    %get3A_1753 = arith.constant 13120 : index
    %get3A_1754 = tpu.vector_load %arg6[%get3A_1753] {strides = array<i32>} : memref<13312xf32, #tpu.memory_space<vmem>>, vector<16xf32>,
    %add3A_1755 = arith.addf %add3A_1752, %get3A_1754 : vector<16xf32>
    %swap3A_1756 = arith.constant 320 : index
    %swap3A_1757 = tpu.vector_load %arg7[%swap3A_1756] {strides = array<i32>} : memref<512xf32, #tpu.memory_space<vmem>>, vector<16xf32>,
    tpu.vector_store %arg7[%swap3A_1756], %add3A_1755 {strides = array<i32>} : memref<512xf32, #tpu.memory_space<vmem>>, vector<16xf32>,
    %get3A_1758 = arith.constant 336 : index
    %get3A_1759 = tpu.vector_load %arg6[%get3A_1758] {strides = array<i32>} : memref<13312xf32, #tpu.memory_space<vmem>>, vector<16xf32>,
    %get3A_1760 = arith.constant 848 : index
    %get3A_1761 = tpu.vector_load %arg6[%get3A_1760] {strides = array<i32>} : memref<13312xf32, #tpu.memory_space<vmem>>, vector<16xf32>,
    %add3A_1762 = arith.addf %get3A_1759, %get3A_1761 : vector<16xf32>
    %get3A_1763 = arith.constant 1360 : index
    %get3A_1764 = tpu.vector_load %arg6[%get3A_1763] {strides = array<i32>} : memref<13312xf32, #tpu.memory_space<vmem>>, vector<16xf32>,
    %add3A_1765 = arith.addf %add3A_1762, %get3A_1764 : vector<16xf32>
    %get3A_1766 = arith.constant 1872 : index
    %get3A_1767 = tpu.vector_load %arg6[%get3A_1766] {strides = array<i32>} : memref<13312xf32, #tpu.memory_space<vmem>>, vector<16xf32>,
    %add3A_1768 = arith.addf %add3A_1765, %get3A_1767 : vector<16xf32>
    %get3A_1769 = arith.constant 2384 : index
    %get3A_1770 = tpu.vector_load %arg6[%get3A_1769] {strides = array<i32>} : memref<13312xf32, #tpu.memory_space<vmem>>, vector<16xf32>,
    %add3A_1771 = arith.addf %add3A_1768, %get3A_1770 : vector<16xf32>
    %get3A_1772 = arith.constant 2896 : index
    %get3A_1773 = tpu.vector_load %arg6[%get3A_1772] {strides = array<i32>} : memref<13312xf32, #tpu.memory_space<vmem>>, vector<16xf32>,
    %add3A_1774 = arith.addf %add3A_1771, %get3A_1773 : vector<16xf32>
    %get3A_1775 = arith.constant 3408 : index
    %get3A_1776 = tpu.vector_load %arg6[%get3A_1775] {strides = array<i32>} : memref<13312xf32, #tpu.memory_space<vmem>>, vector<16xf32>,
    %add3A_1777 = arith.addf %add3A_1774, %get3A_1776 : vector<16xf32>
    %get3A_1778 = arith.constant 3920 : index
    %get3A_1779 = tpu.vector_load %arg6[%get3A_1778] {strides = array<i32>} : memref<13312xf32, #tpu.memory_space<vmem>>, vector<16xf32>,
    %add3A_1780 = arith.addf %add3A_1777, %get3A_1779 : vector<16xf32>
    %get3A_1781 = arith.constant 4432 : index
    %get3A_1782 = tpu.vector_load %arg6[%get3A_1781] {strides = array<i32>} : memref<13312xf32, #tpu.memory_space<vmem>>, vector<16xf32>,
    %add3A_1783 = arith.addf %add3A_1780, %get3A_1782 : vector<16xf32>
    %get3A_1784 = arith.constant 4944 : index
    %get3A_1785 = tpu.vector_load %arg6[%get3A_1784] {strides = array<i32>} : memref<13312xf32, #tpu.memory_space<vmem>>, vector<16xf32>,
    %add3A_1786 = arith.addf %add3A_1783, %get3A_1785 : vector<16xf32>
    %get3A_1787 = arith.constant 5456 : index
    %get3A_1788 = tpu.vector_load %arg6[%get3A_1787] {strides = array<i32>} : memref<13312xf32, #tpu.memory_space<vmem>>, vector<16xf32>,
    %add3A_1789 = arith.addf %add3A_1786, %get3A_1788 : vector<16xf32>
    %get3A_1790 = arith.constant 5968 : index
    %get3A_1791 = tpu.vector_load %arg6[%get3A_1790] {strides = array<i32>} : memref<13312xf32, #tpu.memory_space<vmem>>, vector<16xf32>,
    %add3A_1792 = arith.addf %add3A_1789, %get3A_1791 : vector<16xf32>
    %get3A_1793 = arith.constant 6480 : index
    %get3A_1794 = tpu.vector_load %arg6[%get3A_1793] {strides = array<i32>} : memref<13312xf32, #tpu.memory_space<vmem>>, vector<16xf32>,
    %add3A_1795 = arith.addf %add3A_1792, %get3A_1794 : vector<16xf32>
    %get3A_1796 = arith.constant 6992 : index
    %get3A_1797 = tpu.vector_load %arg6[%get3A_1796] {strides = array<i32>} : memref<13312xf32, #tpu.memory_space<vmem>>, vector<16xf32>,
    %add3A_1798 = arith.addf %add3A_1795, %get3A_1797 : vector<16xf32>
    %get3A_1799 = arith.constant 7504 : index
    %get3A_1800 = tpu.vector_load %arg6[%get3A_1799] {strides = array<i32>} : memref<13312xf32, #tpu.memory_space<vmem>>, vector<16xf32>,
    %add3A_1801 = arith.addf %add3A_1798, %get3A_1800 : vector<16xf32>
    %get3A_1802 = arith.constant 8016 : index
    %get3A_1803 = tpu.vector_load %arg6[%get3A_1802] {strides = array<i32>} : memref<13312xf32, #tpu.memory_space<vmem>>, vector<16xf32>,
    %add3A_1804 = arith.addf %add3A_1801, %get3A_1803 : vector<16xf32>
    %get3A_1805 = arith.constant 8528 : index
    %get3A_1806 = tpu.vector_load %arg6[%get3A_1805] {strides = array<i32>} : memref<13312xf32, #tpu.memory_space<vmem>>, vector<16xf32>,
    %add3A_1807 = arith.addf %add3A_1804, %get3A_1806 : vector<16xf32>
    %get3A_1808 = arith.constant 9040 : index
    %get3A_1809 = tpu.vector_load %arg6[%get3A_1808] {strides = array<i32>} : memref<13312xf32, #tpu.memory_space<vmem>>, vector<16xf32>,
    %add3A_1810 = arith.addf %add3A_1807, %get3A_1809 : vector<16xf32>
    %get3A_1811 = arith.constant 9552 : index
    %get3A_1812 = tpu.vector_load %arg6[%get3A_1811] {strides = array<i32>} : memref<13312xf32, #tpu.memory_space<vmem>>, vector<16xf32>,
    %add3A_1813 = arith.addf %add3A_1810, %get3A_1812 : vector<16xf32>
    %get3A_1814 = arith.constant 10064 : index
    %get3A_1815 = tpu.vector_load %arg6[%get3A_1814] {strides = array<i32>} : memref<13312xf32, #tpu.memory_space<vmem>>, vector<16xf32>,
    %add3A_1816 = arith.addf %add3A_1813, %get3A_1815 : vector<16xf32>
    %get3A_1817 = arith.constant 10576 : index
    %get3A_1818 = tpu.vector_load %arg6[%get3A_1817] {strides = array<i32>} : memref<13312xf32, #tpu.memory_space<vmem>>, vector<16xf32>,
    %add3A_1819 = arith.addf %add3A_1816, %get3A_1818 : vector<16xf32>
    %get3A_1820 = arith.constant 11088 : index
    %get3A_1821 = tpu.vector_load %arg6[%get3A_1820] {strides = array<i32>} : memref<13312xf32, #tpu.memory_space<vmem>>, vector<16xf32>,
    %add3A_1822 = arith.addf %add3A_1819, %get3A_1821 : vector<16xf32>
    %get3A_1823 = arith.constant 11600 : index
    %get3A_1824 = tpu.vector_load %arg6[%get3A_1823] {strides = array<i32>} : memref<13312xf32, #tpu.memory_space<vmem>>, vector<16xf32>,
    %add3A_1825 = arith.addf %add3A_1822, %get3A_1824 : vector<16xf32>
    %get3A_1826 = arith.constant 12112 : index
    %get3A_1827 = tpu.vector_load %arg6[%get3A_1826] {strides = array<i32>} : memref<13312xf32, #tpu.memory_space<vmem>>, vector<16xf32>,
    %add3A_1828 = arith.addf %add3A_1825, %get3A_1827 : vector<16xf32>
    %get3A_1829 = arith.constant 12624 : index
    %get3A_1830 = tpu.vector_load %arg6[%get3A_1829] {strides = array<i32>} : memref<13312xf32, #tpu.memory_space<vmem>>, vector<16xf32>,
    %add3A_1831 = arith.addf %add3A_1828, %get3A_1830 : vector<16xf32>
    %get3A_1832 = arith.constant 13136 : index
    %get3A_1833 = tpu.vector_load %arg6[%get3A_1832] {strides = array<i32>} : memref<13312xf32, #tpu.memory_space<vmem>>, vector<16xf32>,
    %add3A_1834 = arith.addf %add3A_1831, %get3A_1833 : vector<16xf32>
    %swap3A_1835 = arith.constant 336 : index
    %swap3A_1836 = tpu.vector_load %arg7[%swap3A_1835] {strides = array<i32>} : memref<512xf32, #tpu.memory_space<vmem>>, vector<16xf32>,
    tpu.vector_store %arg7[%swap3A_1835], %add3A_1834 {strides = array<i32>} : memref<512xf32, #tpu.memory_space<vmem>>, vector<16xf32>,
    %get3A_1837 = arith.constant 352 : index
    %get3A_1838 = tpu.vector_load %arg6[%get3A_1837] {strides = array<i32>} : memref<13312xf32, #tpu.memory_space<vmem>>, vector<16xf32>,
    %get3A_1839 = arith.constant 864 : index
    %get3A_1840 = tpu.vector_load %arg6[%get3A_1839] {strides = array<i32>} : memref<13312xf32, #tpu.memory_space<vmem>>, vector<16xf32>,
    %add3A_1841 = arith.addf %get3A_1838, %get3A_1840 : vector<16xf32>
    %get3A_1842 = arith.constant 1376 : index
    %get3A_1843 = tpu.vector_load %arg6[%get3A_1842] {strides = array<i32>} : memref<13312xf32, #tpu.memory_space<vmem>>, vector<16xf32>,
    %add3A_1844 = arith.addf %add3A_1841, %get3A_1843 : vector<16xf32>
    %get3A_1845 = arith.constant 1888 : index
    %get3A_1846 = tpu.vector_load %arg6[%get3A_1845] {strides = array<i32>} : memref<13312xf32, #tpu.memory_space<vmem>>, vector<16xf32>,
    %add3A_1847 = arith.addf %add3A_1844, %get3A_1846 : vector<16xf32>
    %get3A_1848 = arith.constant 2400 : index
    %get3A_1849 = tpu.vector_load %arg6[%get3A_1848] {strides = array<i32>} : memref<13312xf32, #tpu.memory_space<vmem>>, vector<16xf32>,
    %add3A_1850 = arith.addf %add3A_1847, %get3A_1849 : vector<16xf32>
    %get3A_1851 = arith.constant 2912 : index
    %get3A_1852 = tpu.vector_load %arg6[%get3A_1851] {strides = array<i32>} : memref<13312xf32, #tpu.memory_space<vmem>>, vector<16xf32>,
    %add3A_1853 = arith.addf %add3A_1850, %get3A_1852 : vector<16xf32>
    %get3A_1854 = arith.constant 3424 : index
    %get3A_1855 = tpu.vector_load %arg6[%get3A_1854] {strides = array<i32>} : memref<13312xf32, #tpu.memory_space<vmem>>, vector<16xf32>,
    %add3A_1856 = arith.addf %add3A_1853, %get3A_1855 : vector<16xf32>
    %get3A_1857 = arith.constant 3936 : index
    %get3A_1858 = tpu.vector_load %arg6[%get3A_1857] {strides = array<i32>} : memref<13312xf32, #tpu.memory_space<vmem>>, vector<16xf32>,
    %add3A_1859 = arith.addf %add3A_1856, %get3A_1858 : vector<16xf32>
    %get3A_1860 = arith.constant 4448 : index
    %get3A_1861 = tpu.vector_load %arg6[%get3A_1860] {strides = array<i32>} : memref<13312xf32, #tpu.memory_space<vmem>>, vector<16xf32>,
    %add3A_1862 = arith.addf %add3A_1859, %get3A_1861 : vector<16xf32>
    %get3A_1863 = arith.constant 4960 : index
    %get3A_1864 = tpu.vector_load %arg6[%get3A_1863] {strides = array<i32>} : memref<13312xf32, #tpu.memory_space<vmem>>, vector<16xf32>,
    %add3A_1865 = arith.addf %add3A_1862, %get3A_1864 : vector<16xf32>
    %get3A_1866 = arith.constant 5472 : index
    %get3A_1867 = tpu.vector_load %arg6[%get3A_1866] {strides = array<i32>} : memref<13312xf32, #tpu.memory_space<vmem>>, vector<16xf32>,
    %add3A_1868 = arith.addf %add3A_1865, %get3A_1867 : vector<16xf32>
    %get3A_1869 = arith.constant 5984 : index
    %get3A_1870 = tpu.vector_load %arg6[%get3A_1869] {strides = array<i32>} : memref<13312xf32, #tpu.memory_space<vmem>>, vector<16xf32>,
    %add3A_1871 = arith.addf %add3A_1868, %get3A_1870 : vector<16xf32>
    %get3A_1872 = arith.constant 6496 : index
    %get3A_1873 = tpu.vector_load %arg6[%get3A_1872] {strides = array<i32>} : memref<13312xf32, #tpu.memory_space<vmem>>, vector<16xf32>,
    %add3A_1874 = arith.addf %add3A_1871, %get3A_1873 : vector<16xf32>
    %get3A_1875 = arith.constant 7008 : index
    %get3A_1876 = tpu.vector_load %arg6[%get3A_1875] {strides = array<i32>} : memref<13312xf32, #tpu.memory_space<vmem>>, vector<16xf32>,
    %add3A_1877 = arith.addf %add3A_1874, %get3A_1876 : vector<16xf32>
    %get3A_1878 = arith.constant 7520 : index
    %get3A_1879 = tpu.vector_load %arg6[%get3A_1878] {strides = array<i32>} : memref<13312xf32, #tpu.memory_space<vmem>>, vector<16xf32>,
    %add3A_1880 = arith.addf %add3A_1877, %get3A_1879 : vector<16xf32>
    %get3A_1881 = arith.constant 8032 : index
    %get3A_1882 = tpu.vector_load %arg6[%get3A_1881] {strides = array<i32>} : memref<13312xf32, #tpu.memory_space<vmem>>, vector<16xf32>,
    %add3A_1883 = arith.addf %add3A_1880, %get3A_1882 : vector<16xf32>
    %get3A_1884 = arith.constant 8544 : index
    %get3A_1885 = tpu.vector_load %arg6[%get3A_1884] {strides = array<i32>} : memref<13312xf32, #tpu.memory_space<vmem>>, vector<16xf32>,
    %add3A_1886 = arith.addf %add3A_1883, %get3A_1885 : vector<16xf32>
    %get3A_1887 = arith.constant 9056 : index
    %get3A_1888 = tpu.vector_load %arg6[%get3A_1887] {strides = array<i32>} : memref<13312xf32, #tpu.memory_space<vmem>>, vector<16xf32>,
    %add3A_1889 = arith.addf %add3A_1886, %get3A_1888 : vector<16xf32>
    %get3A_1890 = arith.constant 9568 : index
    %get3A_1891 = tpu.vector_load %arg6[%get3A_1890] {strides = array<i32>} : memref<13312xf32, #tpu.memory_space<vmem>>, vector<16xf32>,
    %add3A_1892 = arith.addf %add3A_1889, %get3A_1891 : vector<16xf32>
    %get3A_1893 = arith.constant 10080 : index
    %get3A_1894 = tpu.vector_load %arg6[%get3A_1893] {strides = array<i32>} : memref<13312xf32, #tpu.memory_space<vmem>>, vector<16xf32>,
    %add3A_1895 = arith.addf %add3A_1892, %get3A_1894 : vector<16xf32>
    %get3A_1896 = arith.constant 10592 : index
    %get3A_1897 = tpu.vector_load %arg6[%get3A_1896] {strides = array<i32>} : memref<13312xf32, #tpu.memory_space<vmem>>, vector<16xf32>,
    %add3A_1898 = arith.addf %add3A_1895, %get3A_1897 : vector<16xf32>
    %get3A_1899 = arith.constant 11104 : index
    %get3A_1900 = tpu.vector_load %arg6[%get3A_1899] {strides = array<i32>} : memref<13312xf32, #tpu.memory_space<vmem>>, vector<16xf32>,
    %add3A_1901 = arith.addf %add3A_1898, %get3A_1900 : vector<16xf32>
    %get3A_1902 = arith.constant 11616 : index
    %get3A_1903 = tpu.vector_load %arg6[%get3A_1902] {strides = array<i32>} : memref<13312xf32, #tpu.memory_space<vmem>>, vector<16xf32>,
    %add3A_1904 = arith.addf %add3A_1901, %get3A_1903 : vector<16xf32>
    %get3A_1905 = arith.constant 12128 : index
    %get3A_1906 = tpu.vector_load %arg6[%get3A_1905] {strides = array<i32>} : memref<13312xf32, #tpu.memory_space<vmem>>, vector<16xf32>,
    %add3A_1907 = arith.addf %add3A_1904, %get3A_1906 : vector<16xf32>
    %get3A_1908 = arith.constant 12640 : index
    %get3A_1909 = tpu.vector_load %arg6[%get3A_1908] {strides = array<i32>} : memref<13312xf32, #tpu.memory_space<vmem>>, vector<16xf32>,
    %add3A_1910 = arith.addf %add3A_1907, %get3A_1909 : vector<16xf32>
    %get3A_1911 = arith.constant 13152 : index
    %get3A_1912 = tpu.vector_load %arg6[%get3A_1911] {strides = array<i32>} : memref<13312xf32, #tpu.memory_space<vmem>>, vector<16xf32>,
    %add3A_1913 = arith.addf %add3A_1910, %get3A_1912 : vector<16xf32>
    %swap3A_1914 = arith.constant 352 : index
    %swap3A_1915 = tpu.vector_load %arg7[%swap3A_1914] {strides = array<i32>} : memref<512xf32, #tpu.memory_space<vmem>>, vector<16xf32>,
    tpu.vector_store %arg7[%swap3A_1914], %add3A_1913 {strides = array<i32>} : memref<512xf32, #tpu.memory_space<vmem>>, vector<16xf32>,
    %get3A_1916 = arith.constant 368 : index
    %get3A_1917 = tpu.vector_load %arg6[%get3A_1916] {strides = array<i32>} : memref<13312xf32, #tpu.memory_space<vmem>>, vector<16xf32>,
    %get3A_1918 = arith.constant 880 : index
    %get3A_1919 = tpu.vector_load %arg6[%get3A_1918] {strides = array<i32>} : memref<13312xf32, #tpu.memory_space<vmem>>, vector<16xf32>,
    %add3A_1920 = arith.addf %get3A_1917, %get3A_1919 : vector<16xf32>
    %get3A_1921 = arith.constant 1392 : index
    %get3A_1922 = tpu.vector_load %arg6[%get3A_1921] {strides = array<i32>} : memref<13312xf32, #tpu.memory_space<vmem>>, vector<16xf32>,
    %add3A_1923 = arith.addf %add3A_1920, %get3A_1922 : vector<16xf32>
    %get3A_1924 = arith.constant 1904 : index
    %get3A_1925 = tpu.vector_load %arg6[%get3A_1924] {strides = array<i32>} : memref<13312xf32, #tpu.memory_space<vmem>>, vector<16xf32>,
    %add3A_1926 = arith.addf %add3A_1923, %get3A_1925 : vector<16xf32>
    %get3A_1927 = arith.constant 2416 : index
    %get3A_1928 = tpu.vector_load %arg6[%get3A_1927] {strides = array<i32>} : memref<13312xf32, #tpu.memory_space<vmem>>, vector<16xf32>,
    %add3A_1929 = arith.addf %add3A_1926, %get3A_1928 : vector<16xf32>
    %get3A_1930 = arith.constant 2928 : index
    %get3A_1931 = tpu.vector_load %arg6[%get3A_1930] {strides = array<i32>} : memref<13312xf32, #tpu.memory_space<vmem>>, vector<16xf32>,
    %add3A_1932 = arith.addf %add3A_1929, %get3A_1931 : vector<16xf32>
    %get3A_1933 = arith.constant 3440 : index
    %get3A_1934 = tpu.vector_load %arg6[%get3A_1933] {strides = array<i32>} : memref<13312xf32, #tpu.memory_space<vmem>>, vector<16xf32>,
    %add3A_1935 = arith.addf %add3A_1932, %get3A_1934 : vector<16xf32>
    %get3A_1936 = arith.constant 3952 : index
    %get3A_1937 = tpu.vector_load %arg6[%get3A_1936] {strides = array<i32>} : memref<13312xf32, #tpu.memory_space<vmem>>, vector<16xf32>,
    %add3A_1938 = arith.addf %add3A_1935, %get3A_1937 : vector<16xf32>
    %get3A_1939 = arith.constant 4464 : index
    %get3A_1940 = tpu.vector_load %arg6[%get3A_1939] {strides = array<i32>} : memref<13312xf32, #tpu.memory_space<vmem>>, vector<16xf32>,
    %add3A_1941 = arith.addf %add3A_1938, %get3A_1940 : vector<16xf32>
    %get3A_1942 = arith.constant 4976 : index
    %get3A_1943 = tpu.vector_load %arg6[%get3A_1942] {strides = array<i32>} : memref<13312xf32, #tpu.memory_space<vmem>>, vector<16xf32>,
    %add3A_1944 = arith.addf %add3A_1941, %get3A_1943 : vector<16xf32>
    %get3A_1945 = arith.constant 5488 : index
    %get3A_1946 = tpu.vector_load %arg6[%get3A_1945] {strides = array<i32>} : memref<13312xf32, #tpu.memory_space<vmem>>, vector<16xf32>,
    %add3A_1947 = arith.addf %add3A_1944, %get3A_1946 : vector<16xf32>
    %get3A_1948 = arith.constant 6000 : index
    %get3A_1949 = tpu.vector_load %arg6[%get3A_1948] {strides = array<i32>} : memref<13312xf32, #tpu.memory_space<vmem>>, vector<16xf32>,
    %add3A_1950 = arith.addf %add3A_1947, %get3A_1949 : vector<16xf32>
    %get3A_1951 = arith.constant 6512 : index
    %get3A_1952 = tpu.vector_load %arg6[%get3A_1951] {strides = array<i32>} : memref<13312xf32, #tpu.memory_space<vmem>>, vector<16xf32>,
    %add3A_1953 = arith.addf %add3A_1950, %get3A_1952 : vector<16xf32>
    %get3A_1954 = arith.constant 7024 : index
    %get3A_1955 = tpu.vector_load %arg6[%get3A_1954] {strides = array<i32>} : memref<13312xf32, #tpu.memory_space<vmem>>, vector<16xf32>,
    %add3A_1956 = arith.addf %add3A_1953, %get3A_1955 : vector<16xf32>
    %get3A_1957 = arith.constant 7536 : index
    %get3A_1958 = tpu.vector_load %arg6[%get3A_1957] {strides = array<i32>} : memref<13312xf32, #tpu.memory_space<vmem>>, vector<16xf32>,
    %add3A_1959 = arith.addf %add3A_1956, %get3A_1958 : vector<16xf32>
    %get3A_1960 = arith.constant 8048 : index
    %get3A_1961 = tpu.vector_load %arg6[%get3A_1960] {strides = array<i32>} : memref<13312xf32, #tpu.memory_space<vmem>>, vector<16xf32>,
    %add3A_1962 = arith.addf %add3A_1959, %get3A_1961 : vector<16xf32>
    %get3A_1963 = arith.constant 8560 : index
    %get3A_1964 = tpu.vector_load %arg6[%get3A_1963] {strides = array<i32>} : memref<13312xf32, #tpu.memory_space<vmem>>, vector<16xf32>,
    %add3A_1965 = arith.addf %add3A_1962, %get3A_1964 : vector<16xf32>
    %get3A_1966 = arith.constant 9072 : index
    %get3A_1967 = tpu.vector_load %arg6[%get3A_1966] {strides = array<i32>} : memref<13312xf32, #tpu.memory_space<vmem>>, vector<16xf32>,
    %add3A_1968 = arith.addf %add3A_1965, %get3A_1967 : vector<16xf32>
    %get3A_1969 = arith.constant 9584 : index
    %get3A_1970 = tpu.vector_load %arg6[%get3A_1969] {strides = array<i32>} : memref<13312xf32, #tpu.memory_space<vmem>>, vector<16xf32>,
    %add3A_1971 = arith.addf %add3A_1968, %get3A_1970 : vector<16xf32>
    %get3A_1972 = arith.constant 10096 : index
    %get3A_1973 = tpu.vector_load %arg6[%get3A_1972] {strides = array<i32>} : memref<13312xf32, #tpu.memory_space<vmem>>, vector<16xf32>,
    %add3A_1974 = arith.addf %add3A_1971, %get3A_1973 : vector<16xf32>
    %get3A_1975 = arith.constant 10608 : index
    %get3A_1976 = tpu.vector_load %arg6[%get3A_1975] {strides = array<i32>} : memref<13312xf32, #tpu.memory_space<vmem>>, vector<16xf32>,
    %add3A_1977 = arith.addf %add3A_1974, %get3A_1976 : vector<16xf32>
    %get3A_1978 = arith.constant 11120 : index
    %get3A_1979 = tpu.vector_load %arg6[%get3A_1978] {strides = array<i32>} : memref<13312xf32, #tpu.memory_space<vmem>>, vector<16xf32>,
    %add3A_1980 = arith.addf %add3A_1977, %get3A_1979 : vector<16xf32>
    %get3A_1981 = arith.constant 11632 : index
    %get3A_1982 = tpu.vector_load %arg6[%get3A_1981] {strides = array<i32>} : memref<13312xf32, #tpu.memory_space<vmem>>, vector<16xf32>,
    %add3A_1983 = arith.addf %add3A_1980, %get3A_1982 : vector<16xf32>
    %get3A_1984 = arith.constant 12144 : index
    %get3A_1985 = tpu.vector_load %arg6[%get3A_1984] {strides = array<i32>} : memref<13312xf32, #tpu.memory_space<vmem>>, vector<16xf32>,
    %add3A_1986 = arith.addf %add3A_1983, %get3A_1985 : vector<16xf32>
    %get3A_1987 = arith.constant 12656 : index
    %get3A_1988 = tpu.vector_load %arg6[%get3A_1987] {strides = array<i32>} : memref<13312xf32, #tpu.memory_space<vmem>>, vector<16xf32>,
    %add3A_1989 = arith.addf %add3A_1986, %get3A_1988 : vector<16xf32>
    %get3A_1990 = arith.constant 13168 : index
    %get3A_1991 = tpu.vector_load %arg6[%get3A_1990] {strides = array<i32>} : memref<13312xf32, #tpu.memory_space<vmem>>, vector<16xf32>,
    %add3A_1992 = arith.addf %add3A_1989, %get3A_1991 : vector<16xf32>
    %swap3A_1993 = arith.constant 368 : index
    %swap3A_1994 = tpu.vector_load %arg7[%swap3A_1993] {strides = array<i32>} : memref<512xf32, #tpu.memory_space<vmem>>, vector<16xf32>,
    tpu.vector_store %arg7[%swap3A_1993], %add3A_1992 {strides = array<i32>} : memref<512xf32, #tpu.memory_space<vmem>>, vector<16xf32>,
    %get3A_1995 = arith.constant 384 : index
    %get3A_1996 = tpu.vector_load %arg6[%get3A_1995] {strides = array<i32>} : memref<13312xf32, #tpu.memory_space<vmem>>, vector<16xf32>,
    %get3A_1997 = arith.constant 896 : index
    %get3A_1998 = tpu.vector_load %arg6[%get3A_1997] {strides = array<i32>} : memref<13312xf32, #tpu.memory_space<vmem>>, vector<16xf32>,
    %add3A_1999 = arith.addf %get3A_1996, %get3A_1998 : vector<16xf32>
    %get3A_2000 = arith.constant 1408 : index
    %get3A_2001 = tpu.vector_load %arg6[%get3A_2000] {strides = array<i32>} : memref<13312xf32, #tpu.memory_space<vmem>>, vector<16xf32>,
    %add3A_2002 = arith.addf %add3A_1999, %get3A_2001 : vector<16xf32>
    %get3A_2003 = arith.constant 1920 : index
    %get3A_2004 = tpu.vector_load %arg6[%get3A_2003] {strides = array<i32>} : memref<13312xf32, #tpu.memory_space<vmem>>, vector<16xf32>,
    %add3A_2005 = arith.addf %add3A_2002, %get3A_2004 : vector<16xf32>
    %get3A_2006 = arith.constant 2432 : index
    %get3A_2007 = tpu.vector_load %arg6[%get3A_2006] {strides = array<i32>} : memref<13312xf32, #tpu.memory_space<vmem>>, vector<16xf32>,
    %add3A_2008 = arith.addf %add3A_2005, %get3A_2007 : vector<16xf32>
    %get3A_2009 = arith.constant 2944 : index
    %get3A_2010 = tpu.vector_load %arg6[%get3A_2009] {strides = array<i32>} : memref<13312xf32, #tpu.memory_space<vmem>>, vector<16xf32>,
    %add3A_2011 = arith.addf %add3A_2008, %get3A_2010 : vector<16xf32>
    %get3A_2012 = arith.constant 3456 : index
    %get3A_2013 = tpu.vector_load %arg6[%get3A_2012] {strides = array<i32>} : memref<13312xf32, #tpu.memory_space<vmem>>, vector<16xf32>,
    %add3A_2014 = arith.addf %add3A_2011, %get3A_2013 : vector<16xf32>
    %get3A_2015 = arith.constant 3968 : index
    %get3A_2016 = tpu.vector_load %arg6[%get3A_2015] {strides = array<i32>} : memref<13312xf32, #tpu.memory_space<vmem>>, vector<16xf32>,
    %add3A_2017 = arith.addf %add3A_2014, %get3A_2016 : vector<16xf32>
    %get3A_2018 = arith.constant 4480 : index
    %get3A_2019 = tpu.vector_load %arg6[%get3A_2018] {strides = array<i32>} : memref<13312xf32, #tpu.memory_space<vmem>>, vector<16xf32>,
    %add3A_2020 = arith.addf %add3A_2017, %get3A_2019 : vector<16xf32>
    %get3A_2021 = arith.constant 4992 : index
    %get3A_2022 = tpu.vector_load %arg6[%get3A_2021] {strides = array<i32>} : memref<13312xf32, #tpu.memory_space<vmem>>, vector<16xf32>,
    %add3A_2023 = arith.addf %add3A_2020, %get3A_2022 : vector<16xf32>
    %get3A_2024 = arith.constant 5504 : index
    %get3A_2025 = tpu.vector_load %arg6[%get3A_2024] {strides = array<i32>} : memref<13312xf32, #tpu.memory_space<vmem>>, vector<16xf32>,
    %add3A_2026 = arith.addf %add3A_2023, %get3A_2025 : vector<16xf32>
    %get3A_2027 = arith.constant 6016 : index
    %get3A_2028 = tpu.vector_load %arg6[%get3A_2027] {strides = array<i32>} : memref<13312xf32, #tpu.memory_space<vmem>>, vector<16xf32>,
    %add3A_2029 = arith.addf %add3A_2026, %get3A_2028 : vector<16xf32>
    %get3A_2030 = arith.constant 6528 : index
    %get3A_2031 = tpu.vector_load %arg6[%get3A_2030] {strides = array<i32>} : memref<13312xf32, #tpu.memory_space<vmem>>, vector<16xf32>,
    %add3A_2032 = arith.addf %add3A_2029, %get3A_2031 : vector<16xf32>
    %get3A_2033 = arith.constant 7040 : index
    %get3A_2034 = tpu.vector_load %arg6[%get3A_2033] {strides = array<i32>} : memref<13312xf32, #tpu.memory_space<vmem>>, vector<16xf32>,
    %add3A_2035 = arith.addf %add3A_2032, %get3A_2034 : vector<16xf32>
    %get3A_2036 = arith.constant 7552 : index
    %get3A_2037 = tpu.vector_load %arg6[%get3A_2036] {strides = array<i32>} : memref<13312xf32, #tpu.memory_space<vmem>>, vector<16xf32>,
    %add3A_2038 = arith.addf %add3A_2035, %get3A_2037 : vector<16xf32>
    %get3A_2039 = arith.constant 8064 : index
    %get3A_2040 = tpu.vector_load %arg6[%get3A_2039] {strides = array<i32>} : memref<13312xf32, #tpu.memory_space<vmem>>, vector<16xf32>,
    %add3A_2041 = arith.addf %add3A_2038, %get3A_2040 : vector<16xf32>
    %get3A_2042 = arith.constant 8576 : index
    %get3A_2043 = tpu.vector_load %arg6[%get3A_2042] {strides = array<i32>} : memref<13312xf32, #tpu.memory_space<vmem>>, vector<16xf32>,
    %add3A_2044 = arith.addf %add3A_2041, %get3A_2043 : vector<16xf32>
    %get3A_2045 = arith.constant 9088 : index
    %get3A_2046 = tpu.vector_load %arg6[%get3A_2045] {strides = array<i32>} : memref<13312xf32, #tpu.memory_space<vmem>>, vector<16xf32>,
    %add3A_2047 = arith.addf %add3A_2044, %get3A_2046 : vector<16xf32>
    %get3A_2048 = arith.constant 9600 : index
    %get3A_2049 = tpu.vector_load %arg6[%get3A_2048] {strides = array<i32>} : memref<13312xf32, #tpu.memory_space<vmem>>, vector<16xf32>,
    %add3A_2050 = arith.addf %add3A_2047, %get3A_2049 : vector<16xf32>
    %get3A_2051 = arith.constant 10112 : index
    %get3A_2052 = tpu.vector_load %arg6[%get3A_2051] {strides = array<i32>} : memref<13312xf32, #tpu.memory_space<vmem>>, vector<16xf32>,
    %add3A_2053 = arith.addf %add3A_2050, %get3A_2052 : vector<16xf32>
    %get3A_2054 = arith.constant 10624 : index
    %get3A_2055 = tpu.vector_load %arg6[%get3A_2054] {strides = array<i32>} : memref<13312xf32, #tpu.memory_space<vmem>>, vector<16xf32>,
    %add3A_2056 = arith.addf %add3A_2053, %get3A_2055 : vector<16xf32>
    %get3A_2057 = arith.constant 11136 : index
    %get3A_2058 = tpu.vector_load %arg6[%get3A_2057] {strides = array<i32>} : memref<13312xf32, #tpu.memory_space<vmem>>, vector<16xf32>,
    %add3A_2059 = arith.addf %add3A_2056, %get3A_2058 : vector<16xf32>
    %get3A_2060 = arith.constant 11648 : index
    %get3A_2061 = tpu.vector_load %arg6[%get3A_2060] {strides = array<i32>} : memref<13312xf32, #tpu.memory_space<vmem>>, vector<16xf32>,
    %add3A_2062 = arith.addf %add3A_2059, %get3A_2061 : vector<16xf32>
    %get3A_2063 = arith.constant 12160 : index
    %get3A_2064 = tpu.vector_load %arg6[%get3A_2063] {strides = array<i32>} : memref<13312xf32, #tpu.memory_space<vmem>>, vector<16xf32>,
    %add3A_2065 = arith.addf %add3A_2062, %get3A_2064 : vector<16xf32>
    %get3A_2066 = arith.constant 12672 : index
    %get3A_2067 = tpu.vector_load %arg6[%get3A_2066] {strides = array<i32>} : memref<13312xf32, #tpu.memory_space<vmem>>, vector<16xf32>,
    %add3A_2068 = arith.addf %add3A_2065, %get3A_2067 : vector<16xf32>
    %get3A_2069 = arith.constant 13184 : index
    %get3A_2070 = tpu.vector_load %arg6[%get3A_2069] {strides = array<i32>} : memref<13312xf32, #tpu.memory_space<vmem>>, vector<16xf32>,
    %add3A_2071 = arith.addf %add3A_2068, %get3A_2070 : vector<16xf32>
    %swap3A_2072 = arith.constant 384 : index
    %swap3A_2073 = tpu.vector_load %arg7[%swap3A_2072] {strides = array<i32>} : memref<512xf32, #tpu.memory_space<vmem>>, vector<16xf32>,
    tpu.vector_store %arg7[%swap3A_2072], %add3A_2071 {strides = array<i32>} : memref<512xf32, #tpu.memory_space<vmem>>, vector<16xf32>,
    %get3A_2074 = arith.constant 400 : index
    %get3A_2075 = tpu.vector_load %arg6[%get3A_2074] {strides = array<i32>} : memref<13312xf32, #tpu.memory_space<vmem>>, vector<16xf32>,
    %get3A_2076 = arith.constant 912 : index
    %get3A_2077 = tpu.vector_load %arg6[%get3A_2076] {strides = array<i32>} : memref<13312xf32, #tpu.memory_space<vmem>>, vector<16xf32>,
    %add3A_2078 = arith.addf %get3A_2075, %get3A_2077 : vector<16xf32>
    %get3A_2079 = arith.constant 1424 : index
    %get3A_2080 = tpu.vector_load %arg6[%get3A_2079] {strides = array<i32>} : memref<13312xf32, #tpu.memory_space<vmem>>, vector<16xf32>,
    %add3A_2081 = arith.addf %add3A_2078, %get3A_2080 : vector<16xf32>
    %get3A_2082 = arith.constant 1936 : index
    %get3A_2083 = tpu.vector_load %arg6[%get3A_2082] {strides = array<i32>} : memref<13312xf32, #tpu.memory_space<vmem>>, vector<16xf32>,
    %add3A_2084 = arith.addf %add3A_2081, %get3A_2083 : vector<16xf32>
    %get3A_2085 = arith.constant 2448 : index
    %get3A_2086 = tpu.vector_load %arg6[%get3A_2085] {strides = array<i32>} : memref<13312xf32, #tpu.memory_space<vmem>>, vector<16xf32>,
    %add3A_2087 = arith.addf %add3A_2084, %get3A_2086 : vector<16xf32>
    %get3A_2088 = arith.constant 2960 : index
    %get3A_2089 = tpu.vector_load %arg6[%get3A_2088] {strides = array<i32>} : memref<13312xf32, #tpu.memory_space<vmem>>, vector<16xf32>,
    %add3A_2090 = arith.addf %add3A_2087, %get3A_2089 : vector<16xf32>
    %get3A_2091 = arith.constant 3472 : index
    %get3A_2092 = tpu.vector_load %arg6[%get3A_2091] {strides = array<i32>} : memref<13312xf32, #tpu.memory_space<vmem>>, vector<16xf32>,
    %add3A_2093 = arith.addf %add3A_2090, %get3A_2092 : vector<16xf32>
    %get3A_2094 = arith.constant 3984 : index
    %get3A_2095 = tpu.vector_load %arg6[%get3A_2094] {strides = array<i32>} : memref<13312xf32, #tpu.memory_space<vmem>>, vector<16xf32>,
    %add3A_2096 = arith.addf %add3A_2093, %get3A_2095 : vector<16xf32>
    %get3A_2097 = arith.constant 4496 : index
    %get3A_2098 = tpu.vector_load %arg6[%get3A_2097] {strides = array<i32>} : memref<13312xf32, #tpu.memory_space<vmem>>, vector<16xf32>,
    %add3A_2099 = arith.addf %add3A_2096, %get3A_2098 : vector<16xf32>
    %get3A_2100 = arith.constant 5008 : index
    %get3A_2101 = tpu.vector_load %arg6[%get3A_2100] {strides = array<i32>} : memref<13312xf32, #tpu.memory_space<vmem>>, vector<16xf32>,
    %add3A_2102 = arith.addf %add3A_2099, %get3A_2101 : vector<16xf32>
    %get3A_2103 = arith.constant 5520 : index
    %get3A_2104 = tpu.vector_load %arg6[%get3A_2103] {strides = array<i32>} : memref<13312xf32, #tpu.memory_space<vmem>>, vector<16xf32>,
    %add3A_2105 = arith.addf %add3A_2102, %get3A_2104 : vector<16xf32>
    %get3A_2106 = arith.constant 6032 : index
    %get3A_2107 = tpu.vector_load %arg6[%get3A_2106] {strides = array<i32>} : memref<13312xf32, #tpu.memory_space<vmem>>, vector<16xf32>,
    %add3A_2108 = arith.addf %add3A_2105, %get3A_2107 : vector<16xf32>
    %get3A_2109 = arith.constant 6544 : index
    %get3A_2110 = tpu.vector_load %arg6[%get3A_2109] {strides = array<i32>} : memref<13312xf32, #tpu.memory_space<vmem>>, vector<16xf32>,
    %add3A_2111 = arith.addf %add3A_2108, %get3A_2110 : vector<16xf32>
    %get3A_2112 = arith.constant 7056 : index
    %get3A_2113 = tpu.vector_load %arg6[%get3A_2112] {strides = array<i32>} : memref<13312xf32, #tpu.memory_space<vmem>>, vector<16xf32>,
    %add3A_2114 = arith.addf %add3A_2111, %get3A_2113 : vector<16xf32>
    %get3A_2115 = arith.constant 7568 : index
    %get3A_2116 = tpu.vector_load %arg6[%get3A_2115] {strides = array<i32>} : memref<13312xf32, #tpu.memory_space<vmem>>, vector<16xf32>,
    %add3A_2117 = arith.addf %add3A_2114, %get3A_2116 : vector<16xf32>
    %get3A_2118 = arith.constant 8080 : index
    %get3A_2119 = tpu.vector_load %arg6[%get3A_2118] {strides = array<i32>} : memref<13312xf32, #tpu.memory_space<vmem>>, vector<16xf32>,
    %add3A_2120 = arith.addf %add3A_2117, %get3A_2119 : vector<16xf32>
    %get3A_2121 = arith.constant 8592 : index
    %get3A_2122 = tpu.vector_load %arg6[%get3A_2121] {strides = array<i32>} : memref<13312xf32, #tpu.memory_space<vmem>>, vector<16xf32>,
    %add3A_2123 = arith.addf %add3A_2120, %get3A_2122 : vector<16xf32>
    %get3A_2124 = arith.constant 9104 : index
    %get3A_2125 = tpu.vector_load %arg6[%get3A_2124] {strides = array<i32>} : memref<13312xf32, #tpu.memory_space<vmem>>, vector<16xf32>,
    %add3A_2126 = arith.addf %add3A_2123, %get3A_2125 : vector<16xf32>
    %get3A_2127 = arith.constant 9616 : index
    %get3A_2128 = tpu.vector_load %arg6[%get3A_2127] {strides = array<i32>} : memref<13312xf32, #tpu.memory_space<vmem>>, vector<16xf32>,
    %add3A_2129 = arith.addf %add3A_2126, %get3A_2128 : vector<16xf32>
    %get3A_2130 = arith.constant 10128 : index
    %get3A_2131 = tpu.vector_load %arg6[%get3A_2130] {strides = array<i32>} : memref<13312xf32, #tpu.memory_space<vmem>>, vector<16xf32>,
    %add3A_2132 = arith.addf %add3A_2129, %get3A_2131 : vector<16xf32>
    %get3A_2133 = arith.constant 10640 : index
    %get3A_2134 = tpu.vector_load %arg6[%get3A_2133] {strides = array<i32>} : memref<13312xf32, #tpu.memory_space<vmem>>, vector<16xf32>,
    %add3A_2135 = arith.addf %add3A_2132, %get3A_2134 : vector<16xf32>
    %get3A_2136 = arith.constant 11152 : index
    %get3A_2137 = tpu.vector_load %arg6[%get3A_2136] {strides = array<i32>} : memref<13312xf32, #tpu.memory_space<vmem>>, vector<16xf32>,
    %add3A_2138 = arith.addf %add3A_2135, %get3A_2137 : vector<16xf32>
    %get3A_2139 = arith.constant 11664 : index
    %get3A_2140 = tpu.vector_load %arg6[%get3A_2139] {strides = array<i32>} : memref<13312xf32, #tpu.memory_space<vmem>>, vector<16xf32>,
    %add3A_2141 = arith.addf %add3A_2138, %get3A_2140 : vector<16xf32>
    %get3A_2142 = arith.constant 12176 : index
    %get3A_2143 = tpu.vector_load %arg6[%get3A_2142] {strides = array<i32>} : memref<13312xf32, #tpu.memory_space<vmem>>, vector<16xf32>,
    %add3A_2144 = arith.addf %add3A_2141, %get3A_2143 : vector<16xf32>
    %get3A_2145 = arith.constant 12688 : index
    %get3A_2146 = tpu.vector_load %arg6[%get3A_2145] {strides = array<i32>} : memref<13312xf32, #tpu.memory_space<vmem>>, vector<16xf32>,
    %add3A_2147 = arith.addf %add3A_2144, %get3A_2146 : vector<16xf32>
    %get3A_2148 = arith.constant 13200 : index
    %get3A_2149 = tpu.vector_load %arg6[%get3A_2148] {strides = array<i32>} : memref<13312xf32, #tpu.memory_space<vmem>>, vector<16xf32>,
    %add3A_2150 = arith.addf %add3A_2147, %get3A_2149 : vector<16xf32>
    %swap3A_2151 = arith.constant 400 : index
    %swap3A_2152 = tpu.vector_load %arg7[%swap3A_2151] {strides = array<i32>} : memref<512xf32, #tpu.memory_space<vmem>>, vector<16xf32>,
    tpu.vector_store %arg7[%swap3A_2151], %add3A_2150 {strides = array<i32>} : memref<512xf32, #tpu.memory_space<vmem>>, vector<16xf32>,
    %get3A_2153 = arith.constant 416 : index
    %get3A_2154 = tpu.vector_load %arg6[%get3A_2153] {strides = array<i32>} : memref<13312xf32, #tpu.memory_space<vmem>>, vector<16xf32>,
    %get3A_2155 = arith.constant 928 : index
    %get3A_2156 = tpu.vector_load %arg6[%get3A_2155] {strides = array<i32>} : memref<13312xf32, #tpu.memory_space<vmem>>, vector<16xf32>,
    %add3A_2157 = arith.addf %get3A_2154, %get3A_2156 : vector<16xf32>
    %get3A_2158 = arith.constant 1440 : index
    %get3A_2159 = tpu.vector_load %arg6[%get3A_2158] {strides = array<i32>} : memref<13312xf32, #tpu.memory_space<vmem>>, vector<16xf32>,
    %add3A_2160 = arith.addf %add3A_2157, %get3A_2159 : vector<16xf32>
    %get3A_2161 = arith.constant 1952 : index
    %get3A_2162 = tpu.vector_load %arg6[%get3A_2161] {strides = array<i32>} : memref<13312xf32, #tpu.memory_space<vmem>>, vector<16xf32>,
    %add3A_2163 = arith.addf %add3A_2160, %get3A_2162 : vector<16xf32>
    %get3A_2164 = arith.constant 2464 : index
    %get3A_2165 = tpu.vector_load %arg6[%get3A_2164] {strides = array<i32>} : memref<13312xf32, #tpu.memory_space<vmem>>, vector<16xf32>,
    %add3A_2166 = arith.addf %add3A_2163, %get3A_2165 : vector<16xf32>
    %get3A_2167 = arith.constant 2976 : index
    %get3A_2168 = tpu.vector_load %arg6[%get3A_2167] {strides = array<i32>} : memref<13312xf32, #tpu.memory_space<vmem>>, vector<16xf32>,
    %add3A_2169 = arith.addf %add3A_2166, %get3A_2168 : vector<16xf32>
    %get3A_2170 = arith.constant 3488 : index
    %get3A_2171 = tpu.vector_load %arg6[%get3A_2170] {strides = array<i32>} : memref<13312xf32, #tpu.memory_space<vmem>>, vector<16xf32>,
    %add3A_2172 = arith.addf %add3A_2169, %get3A_2171 : vector<16xf32>
    %get3A_2173 = arith.constant 4000 : index
    %get3A_2174 = tpu.vector_load %arg6[%get3A_2173] {strides = array<i32>} : memref<13312xf32, #tpu.memory_space<vmem>>, vector<16xf32>,
    %add3A_2175 = arith.addf %add3A_2172, %get3A_2174 : vector<16xf32>
    %get3A_2176 = arith.constant 4512 : index
    %get3A_2177 = tpu.vector_load %arg6[%get3A_2176] {strides = array<i32>} : memref<13312xf32, #tpu.memory_space<vmem>>, vector<16xf32>,
    %add3A_2178 = arith.addf %add3A_2175, %get3A_2177 : vector<16xf32>
    %get3A_2179 = arith.constant 5024 : index
    %get3A_2180 = tpu.vector_load %arg6[%get3A_2179] {strides = array<i32>} : memref<13312xf32, #tpu.memory_space<vmem>>, vector<16xf32>,
    %add3A_2181 = arith.addf %add3A_2178, %get3A_2180 : vector<16xf32>
    %get3A_2182 = arith.constant 5536 : index
    %get3A_2183 = tpu.vector_load %arg6[%get3A_2182] {strides = array<i32>} : memref<13312xf32, #tpu.memory_space<vmem>>, vector<16xf32>,
    %add3A_2184 = arith.addf %add3A_2181, %get3A_2183 : vector<16xf32>
    %get3A_2185 = arith.constant 6048 : index
    %get3A_2186 = tpu.vector_load %arg6[%get3A_2185] {strides = array<i32>} : memref<13312xf32, #tpu.memory_space<vmem>>, vector<16xf32>,
    %add3A_2187 = arith.addf %add3A_2184, %get3A_2186 : vector<16xf32>
    %get3A_2188 = arith.constant 6560 : index
    %get3A_2189 = tpu.vector_load %arg6[%get3A_2188] {strides = array<i32>} : memref<13312xf32, #tpu.memory_space<vmem>>, vector<16xf32>,
    %add3A_2190 = arith.addf %add3A_2187, %get3A_2189 : vector<16xf32>
    %get3A_2191 = arith.constant 7072 : index
    %get3A_2192 = tpu.vector_load %arg6[%get3A_2191] {strides = array<i32>} : memref<13312xf32, #tpu.memory_space<vmem>>, vector<16xf32>,
    %add3A_2193 = arith.addf %add3A_2190, %get3A_2192 : vector<16xf32>
    %get3A_2194 = arith.constant 7584 : index
    %get3A_2195 = tpu.vector_load %arg6[%get3A_2194] {strides = array<i32>} : memref<13312xf32, #tpu.memory_space<vmem>>, vector<16xf32>,
    %add3A_2196 = arith.addf %add3A_2193, %get3A_2195 : vector<16xf32>
    %get3A_2197 = arith.constant 8096 : index
    %get3A_2198 = tpu.vector_load %arg6[%get3A_2197] {strides = array<i32>} : memref<13312xf32, #tpu.memory_space<vmem>>, vector<16xf32>,
    %add3A_2199 = arith.addf %add3A_2196, %get3A_2198 : vector<16xf32>
    %get3A_2200 = arith.constant 8608 : index
    %get3A_2201 = tpu.vector_load %arg6[%get3A_2200] {strides = array<i32>} : memref<13312xf32, #tpu.memory_space<vmem>>, vector<16xf32>,
    %add3A_2202 = arith.addf %add3A_2199, %get3A_2201 : vector<16xf32>
    %get3A_2203 = arith.constant 9120 : index
    %get3A_2204 = tpu.vector_load %arg6[%get3A_2203] {strides = array<i32>} : memref<13312xf32, #tpu.memory_space<vmem>>, vector<16xf32>,
    %add3A_2205 = arith.addf %add3A_2202, %get3A_2204 : vector<16xf32>
    %get3A_2206 = arith.constant 9632 : index
    %get3A_2207 = tpu.vector_load %arg6[%get3A_2206] {strides = array<i32>} : memref<13312xf32, #tpu.memory_space<vmem>>, vector<16xf32>,
    %add3A_2208 = arith.addf %add3A_2205, %get3A_2207 : vector<16xf32>
    %get3A_2209 = arith.constant 10144 : index
    %get3A_2210 = tpu.vector_load %arg6[%get3A_2209] {strides = array<i32>} : memref<13312xf32, #tpu.memory_space<vmem>>, vector<16xf32>,
    %add3A_2211 = arith.addf %add3A_2208, %get3A_2210 : vector<16xf32>
    %get3A_2212 = arith.constant 10656 : index
    %get3A_2213 = tpu.vector_load %arg6[%get3A_2212] {strides = array<i32>} : memref<13312xf32, #tpu.memory_space<vmem>>, vector<16xf32>,
    %add3A_2214 = arith.addf %add3A_2211, %get3A_2213 : vector<16xf32>
    %get3A_2215 = arith.constant 11168 : index
    %get3A_2216 = tpu.vector_load %arg6[%get3A_2215] {strides = array<i32>} : memref<13312xf32, #tpu.memory_space<vmem>>, vector<16xf32>,
    %add3A_2217 = arith.addf %add3A_2214, %get3A_2216 : vector<16xf32>
    %get3A_2218 = arith.constant 11680 : index
    %get3A_2219 = tpu.vector_load %arg6[%get3A_2218] {strides = array<i32>} : memref<13312xf32, #tpu.memory_space<vmem>>, vector<16xf32>,
    %add3A_2220 = arith.addf %add3A_2217, %get3A_2219 : vector<16xf32>
    %get3A_2221 = arith.constant 12192 : index
    %get3A_2222 = tpu.vector_load %arg6[%get3A_2221] {strides = array<i32>} : memref<13312xf32, #tpu.memory_space<vmem>>, vector<16xf32>,
    %add3A_2223 = arith.addf %add3A_2220, %get3A_2222 : vector<16xf32>
    %get3A_2224 = arith.constant 12704 : index
    %get3A_2225 = tpu.vector_load %arg6[%get3A_2224] {strides = array<i32>} : memref<13312xf32, #tpu.memory_space<vmem>>, vector<16xf32>,
    %add3A_2226 = arith.addf %add3A_2223, %get3A_2225 : vector<16xf32>
    %get3A_2227 = arith.constant 13216 : index
    %get3A_2228 = tpu.vector_load %arg6[%get3A_2227] {strides = array<i32>} : memref<13312xf32, #tpu.memory_space<vmem>>, vector<16xf32>,
    %add3A_2229 = arith.addf %add3A_2226, %get3A_2228 : vector<16xf32>
    %swap3A_2230 = arith.constant 416 : index
    %swap3A_2231 = tpu.vector_load %arg7[%swap3A_2230] {strides = array<i32>} : memref<512xf32, #tpu.memory_space<vmem>>, vector<16xf32>,
    tpu.vector_store %arg7[%swap3A_2230], %add3A_2229 {strides = array<i32>} : memref<512xf32, #tpu.memory_space<vmem>>, vector<16xf32>,
    %get3A_2232 = arith.constant 432 : index
    %get3A_2233 = tpu.vector_load %arg6[%get3A_2232] {strides = array<i32>} : memref<13312xf32, #tpu.memory_space<vmem>>, vector<16xf32>,
    %get3A_2234 = arith.constant 944 : index
    %get3A_2235 = tpu.vector_load %arg6[%get3A_2234] {strides = array<i32>} : memref<13312xf32, #tpu.memory_space<vmem>>, vector<16xf32>,
    %add3A_2236 = arith.addf %get3A_2233, %get3A_2235 : vector<16xf32>
    %get3A_2237 = arith.constant 1456 : index
    %get3A_2238 = tpu.vector_load %arg6[%get3A_2237] {strides = array<i32>} : memref<13312xf32, #tpu.memory_space<vmem>>, vector<16xf32>,
    %add3A_2239 = arith.addf %add3A_2236, %get3A_2238 : vector<16xf32>
    %get3A_2240 = arith.constant 1968 : index
    %get3A_2241 = tpu.vector_load %arg6[%get3A_2240] {strides = array<i32>} : memref<13312xf32, #tpu.memory_space<vmem>>, vector<16xf32>,
    %add3A_2242 = arith.addf %add3A_2239, %get3A_2241 : vector<16xf32>
    %get3A_2243 = arith.constant 2480 : index
    %get3A_2244 = tpu.vector_load %arg6[%get3A_2243] {strides = array<i32>} : memref<13312xf32, #tpu.memory_space<vmem>>, vector<16xf32>,
    %add3A_2245 = arith.addf %add3A_2242, %get3A_2244 : vector<16xf32>
    %get3A_2246 = arith.constant 2992 : index
    %get3A_2247 = tpu.vector_load %arg6[%get3A_2246] {strides = array<i32>} : memref<13312xf32, #tpu.memory_space<vmem>>, vector<16xf32>,
    %add3A_2248 = arith.addf %add3A_2245, %get3A_2247 : vector<16xf32>
    %get3A_2249 = arith.constant 3504 : index
    %get3A_2250 = tpu.vector_load %arg6[%get3A_2249] {strides = array<i32>} : memref<13312xf32, #tpu.memory_space<vmem>>, vector<16xf32>,
    %add3A_2251 = arith.addf %add3A_2248, %get3A_2250 : vector<16xf32>
    %get3A_2252 = arith.constant 4016 : index
    %get3A_2253 = tpu.vector_load %arg6[%get3A_2252] {strides = array<i32>} : memref<13312xf32, #tpu.memory_space<vmem>>, vector<16xf32>,
    %add3A_2254 = arith.addf %add3A_2251, %get3A_2253 : vector<16xf32>
    %get3A_2255 = arith.constant 4528 : index
    %get3A_2256 = tpu.vector_load %arg6[%get3A_2255] {strides = array<i32>} : memref<13312xf32, #tpu.memory_space<vmem>>, vector<16xf32>,
    %add3A_2257 = arith.addf %add3A_2254, %get3A_2256 : vector<16xf32>
    %get3A_2258 = arith.constant 5040 : index
    %get3A_2259 = tpu.vector_load %arg6[%get3A_2258] {strides = array<i32>} : memref<13312xf32, #tpu.memory_space<vmem>>, vector<16xf32>,
    %add3A_2260 = arith.addf %add3A_2257, %get3A_2259 : vector<16xf32>
    %get3A_2261 = arith.constant 5552 : index
    %get3A_2262 = tpu.vector_load %arg6[%get3A_2261] {strides = array<i32>} : memref<13312xf32, #tpu.memory_space<vmem>>, vector<16xf32>,
    %add3A_2263 = arith.addf %add3A_2260, %get3A_2262 : vector<16xf32>
    %get3A_2264 = arith.constant 6064 : index
    %get3A_2265 = tpu.vector_load %arg6[%get3A_2264] {strides = array<i32>} : memref<13312xf32, #tpu.memory_space<vmem>>, vector<16xf32>,
    %add3A_2266 = arith.addf %add3A_2263, %get3A_2265 : vector<16xf32>
    %get3A_2267 = arith.constant 6576 : index
    %get3A_2268 = tpu.vector_load %arg6[%get3A_2267] {strides = array<i32>} : memref<13312xf32, #tpu.memory_space<vmem>>, vector<16xf32>,
    %add3A_2269 = arith.addf %add3A_2266, %get3A_2268 : vector<16xf32>
    %get3A_2270 = arith.constant 7088 : index
    %get3A_2271 = tpu.vector_load %arg6[%get3A_2270] {strides = array<i32>} : memref<13312xf32, #tpu.memory_space<vmem>>, vector<16xf32>,
    %add3A_2272 = arith.addf %add3A_2269, %get3A_2271 : vector<16xf32>
    %get3A_2273 = arith.constant 7600 : index
    %get3A_2274 = tpu.vector_load %arg6[%get3A_2273] {strides = array<i32>} : memref<13312xf32, #tpu.memory_space<vmem>>, vector<16xf32>,
    %add3A_2275 = arith.addf %add3A_2272, %get3A_2274 : vector<16xf32>
    %get3A_2276 = arith.constant 8112 : index
    %get3A_2277 = tpu.vector_load %arg6[%get3A_2276] {strides = array<i32>} : memref<13312xf32, #tpu.memory_space<vmem>>, vector<16xf32>,
    %add3A_2278 = arith.addf %add3A_2275, %get3A_2277 : vector<16xf32>
    %get3A_2279 = arith.constant 8624 : index
    %get3A_2280 = tpu.vector_load %arg6[%get3A_2279] {strides = array<i32>} : memref<13312xf32, #tpu.memory_space<vmem>>, vector<16xf32>,
    %add3A_2281 = arith.addf %add3A_2278, %get3A_2280 : vector<16xf32>
    %get3A_2282 = arith.constant 9136 : index
    %get3A_2283 = tpu.vector_load %arg6[%get3A_2282] {strides = array<i32>} : memref<13312xf32, #tpu.memory_space<vmem>>, vector<16xf32>,
    %add3A_2284 = arith.addf %add3A_2281, %get3A_2283 : vector<16xf32>
    %get3A_2285 = arith.constant 9648 : index
    %get3A_2286 = tpu.vector_load %arg6[%get3A_2285] {strides = array<i32>} : memref<13312xf32, #tpu.memory_space<vmem>>, vector<16xf32>,
    %add3A_2287 = arith.addf %add3A_2284, %get3A_2286 : vector<16xf32>
    %get3A_2288 = arith.constant 10160 : index
    %get3A_2289 = tpu.vector_load %arg6[%get3A_2288] {strides = array<i32>} : memref<13312xf32, #tpu.memory_space<vmem>>, vector<16xf32>,
    %add3A_2290 = arith.addf %add3A_2287, %get3A_2289 : vector<16xf32>
    %get3A_2291 = arith.constant 10672 : index
    %get3A_2292 = tpu.vector_load %arg6[%get3A_2291] {strides = array<i32>} : memref<13312xf32, #tpu.memory_space<vmem>>, vector<16xf32>,
    %add3A_2293 = arith.addf %add3A_2290, %get3A_2292 : vector<16xf32>
    %get3A_2294 = arith.constant 11184 : index
    %get3A_2295 = tpu.vector_load %arg6[%get3A_2294] {strides = array<i32>} : memref<13312xf32, #tpu.memory_space<vmem>>, vector<16xf32>,
    %add3A_2296 = arith.addf %add3A_2293, %get3A_2295 : vector<16xf32>
    %get3A_2297 = arith.constant 11696 : index
    %get3A_2298 = tpu.vector_load %arg6[%get3A_2297] {strides = array<i32>} : memref<13312xf32, #tpu.memory_space<vmem>>, vector<16xf32>,
    %add3A_2299 = arith.addf %add3A_2296, %get3A_2298 : vector<16xf32>
    %get3A_2300 = arith.constant 12208 : index
    %get3A_2301 = tpu.vector_load %arg6[%get3A_2300] {strides = array<i32>} : memref<13312xf32, #tpu.memory_space<vmem>>, vector<16xf32>,
    %add3A_2302 = arith.addf %add3A_2299, %get3A_2301 : vector<16xf32>
    %get3A_2303 = arith.constant 12720 : index
    %get3A_2304 = tpu.vector_load %arg6[%get3A_2303] {strides = array<i32>} : memref<13312xf32, #tpu.memory_space<vmem>>, vector<16xf32>,
    %add3A_2305 = arith.addf %add3A_2302, %get3A_2304 : vector<16xf32>
    %get3A_2306 = arith.constant 13232 : index
    %get3A_2307 = tpu.vector_load %arg6[%get3A_2306] {strides = array<i32>} : memref<13312xf32, #tpu.memory_space<vmem>>, vector<16xf32>,
    %add3A_2308 = arith.addf %add3A_2305, %get3A_2307 : vector<16xf32>
    %swap3A_2309 = arith.constant 432 : index
    %swap3A_2310 = tpu.vector_load %arg7[%swap3A_2309] {strides = array<i32>} : memref<512xf32, #tpu.memory_space<vmem>>, vector<16xf32>,
    tpu.vector_store %arg7[%swap3A_2309], %add3A_2308 {strides = array<i32>} : memref<512xf32, #tpu.memory_space<vmem>>, vector<16xf32>,
    %get3A_2311 = arith.constant 448 : index
    %get3A_2312 = tpu.vector_load %arg6[%get3A_2311] {strides = array<i32>} : memref<13312xf32, #tpu.memory_space<vmem>>, vector<16xf32>,
    %get3A_2313 = arith.constant 960 : index
    %get3A_2314 = tpu.vector_load %arg6[%get3A_2313] {strides = array<i32>} : memref<13312xf32, #tpu.memory_space<vmem>>, vector<16xf32>,
    %add3A_2315 = arith.addf %get3A_2312, %get3A_2314 : vector<16xf32>
    %get3A_2316 = arith.constant 1472 : index
    %get3A_2317 = tpu.vector_load %arg6[%get3A_2316] {strides = array<i32>} : memref<13312xf32, #tpu.memory_space<vmem>>, vector<16xf32>,
    %add3A_2318 = arith.addf %add3A_2315, %get3A_2317 : vector<16xf32>
    %get3A_2319 = arith.constant 1984 : index
    %get3A_2320 = tpu.vector_load %arg6[%get3A_2319] {strides = array<i32>} : memref<13312xf32, #tpu.memory_space<vmem>>, vector<16xf32>,
    %add3A_2321 = arith.addf %add3A_2318, %get3A_2320 : vector<16xf32>
    %get3A_2322 = arith.constant 2496 : index
    %get3A_2323 = tpu.vector_load %arg6[%get3A_2322] {strides = array<i32>} : memref<13312xf32, #tpu.memory_space<vmem>>, vector<16xf32>,
    %add3A_2324 = arith.addf %add3A_2321, %get3A_2323 : vector<16xf32>
    %get3A_2325 = arith.constant 3008 : index
    %get3A_2326 = tpu.vector_load %arg6[%get3A_2325] {strides = array<i32>} : memref<13312xf32, #tpu.memory_space<vmem>>, vector<16xf32>,
    %add3A_2327 = arith.addf %add3A_2324, %get3A_2326 : vector<16xf32>
    %get3A_2328 = arith.constant 3520 : index
    %get3A_2329 = tpu.vector_load %arg6[%get3A_2328] {strides = array<i32>} : memref<13312xf32, #tpu.memory_space<vmem>>, vector<16xf32>,
    %add3A_2330 = arith.addf %add3A_2327, %get3A_2329 : vector<16xf32>
    %get3A_2331 = arith.constant 4032 : index
    %get3A_2332 = tpu.vector_load %arg6[%get3A_2331] {strides = array<i32>} : memref<13312xf32, #tpu.memory_space<vmem>>, vector<16xf32>,
    %add3A_2333 = arith.addf %add3A_2330, %get3A_2332 : vector<16xf32>
    %get3A_2334 = arith.constant 4544 : index
    %get3A_2335 = tpu.vector_load %arg6[%get3A_2334] {strides = array<i32>} : memref<13312xf32, #tpu.memory_space<vmem>>, vector<16xf32>,
    %add3A_2336 = arith.addf %add3A_2333, %get3A_2335 : vector<16xf32>
    %get3A_2337 = arith.constant 5056 : index
    %get3A_2338 = tpu.vector_load %arg6[%get3A_2337] {strides = array<i32>} : memref<13312xf32, #tpu.memory_space<vmem>>, vector<16xf32>,
    %add3A_2339 = arith.addf %add3A_2336, %get3A_2338 : vector<16xf32>
    %get3A_2340 = arith.constant 5568 : index
    %get3A_2341 = tpu.vector_load %arg6[%get3A_2340] {strides = array<i32>} : memref<13312xf32, #tpu.memory_space<vmem>>, vector<16xf32>,
    %add3A_2342 = arith.addf %add3A_2339, %get3A_2341 : vector<16xf32>
    %get3A_2343 = arith.constant 6080 : index
    %get3A_2344 = tpu.vector_load %arg6[%get3A_2343] {strides = array<i32>} : memref<13312xf32, #tpu.memory_space<vmem>>, vector<16xf32>,
    %add3A_2345 = arith.addf %add3A_2342, %get3A_2344 : vector<16xf32>
    %get3A_2346 = arith.constant 6592 : index
    %get3A_2347 = tpu.vector_load %arg6[%get3A_2346] {strides = array<i32>} : memref<13312xf32, #tpu.memory_space<vmem>>, vector<16xf32>,
    %add3A_2348 = arith.addf %add3A_2345, %get3A_2347 : vector<16xf32>
    %get3A_2349 = arith.constant 7104 : index
    %get3A_2350 = tpu.vector_load %arg6[%get3A_2349] {strides = array<i32>} : memref<13312xf32, #tpu.memory_space<vmem>>, vector<16xf32>,
    %add3A_2351 = arith.addf %add3A_2348, %get3A_2350 : vector<16xf32>
    %get3A_2352 = arith.constant 7616 : index
    %get3A_2353 = tpu.vector_load %arg6[%get3A_2352] {strides = array<i32>} : memref<13312xf32, #tpu.memory_space<vmem>>, vector<16xf32>,
    %add3A_2354 = arith.addf %add3A_2351, %get3A_2353 : vector<16xf32>
    %get3A_2355 = arith.constant 8128 : index
    %get3A_2356 = tpu.vector_load %arg6[%get3A_2355] {strides = array<i32>} : memref<13312xf32, #tpu.memory_space<vmem>>, vector<16xf32>,
    %add3A_2357 = arith.addf %add3A_2354, %get3A_2356 : vector<16xf32>
    %get3A_2358 = arith.constant 8640 : index
    %get3A_2359 = tpu.vector_load %arg6[%get3A_2358] {strides = array<i32>} : memref<13312xf32, #tpu.memory_space<vmem>>, vector<16xf32>,
    %add3A_2360 = arith.addf %add3A_2357, %get3A_2359 : vector<16xf32>
    %get3A_2361 = arith.constant 9152 : index
    %get3A_2362 = tpu.vector_load %arg6[%get3A_2361] {strides = array<i32>} : memref<13312xf32, #tpu.memory_space<vmem>>, vector<16xf32>,
    %add3A_2363 = arith.addf %add3A_2360, %get3A_2362 : vector<16xf32>
    %get3A_2364 = arith.constant 9664 : index
    %get3A_2365 = tpu.vector_load %arg6[%get3A_2364] {strides = array<i32>} : memref<13312xf32, #tpu.memory_space<vmem>>, vector<16xf32>,
    %add3A_2366 = arith.addf %add3A_2363, %get3A_2365 : vector<16xf32>
    %get3A_2367 = arith.constant 10176 : index
    %get3A_2368 = tpu.vector_load %arg6[%get3A_2367] {strides = array<i32>} : memref<13312xf32, #tpu.memory_space<vmem>>, vector<16xf32>,
    %add3A_2369 = arith.addf %add3A_2366, %get3A_2368 : vector<16xf32>
    %get3A_2370 = arith.constant 10688 : index
    %get3A_2371 = tpu.vector_load %arg6[%get3A_2370] {strides = array<i32>} : memref<13312xf32, #tpu.memory_space<vmem>>, vector<16xf32>,
    %add3A_2372 = arith.addf %add3A_2369, %get3A_2371 : vector<16xf32>
    %get3A_2373 = arith.constant 11200 : index
    %get3A_2374 = tpu.vector_load %arg6[%get3A_2373] {strides = array<i32>} : memref<13312xf32, #tpu.memory_space<vmem>>, vector<16xf32>,
    %add3A_2375 = arith.addf %add3A_2372, %get3A_2374 : vector<16xf32>
    %get3A_2376 = arith.constant 11712 : index
    %get3A_2377 = tpu.vector_load %arg6[%get3A_2376] {strides = array<i32>} : memref<13312xf32, #tpu.memory_space<vmem>>, vector<16xf32>,
    %add3A_2378 = arith.addf %add3A_2375, %get3A_2377 : vector<16xf32>
    %get3A_2379 = arith.constant 12224 : index
    %get3A_2380 = tpu.vector_load %arg6[%get3A_2379] {strides = array<i32>} : memref<13312xf32, #tpu.memory_space<vmem>>, vector<16xf32>,
    %add3A_2381 = arith.addf %add3A_2378, %get3A_2380 : vector<16xf32>
    %get3A_2382 = arith.constant 12736 : index
    %get3A_2383 = tpu.vector_load %arg6[%get3A_2382] {strides = array<i32>} : memref<13312xf32, #tpu.memory_space<vmem>>, vector<16xf32>,
    %add3A_2384 = arith.addf %add3A_2381, %get3A_2383 : vector<16xf32>
    %get3A_2385 = arith.constant 13248 : index
    %get3A_2386 = tpu.vector_load %arg6[%get3A_2385] {strides = array<i32>} : memref<13312xf32, #tpu.memory_space<vmem>>, vector<16xf32>,
    %add3A_2387 = arith.addf %add3A_2384, %get3A_2386 : vector<16xf32>
    %swap3A_2388 = arith.constant 448 : index
    %swap3A_2389 = tpu.vector_load %arg7[%swap3A_2388] {strides = array<i32>} : memref<512xf32, #tpu.memory_space<vmem>>, vector<16xf32>,
    tpu.vector_store %arg7[%swap3A_2388], %add3A_2387 {strides = array<i32>} : memref<512xf32, #tpu.memory_space<vmem>>, vector<16xf32>,
    %get3A_2390 = arith.constant 464 : index
    %get3A_2391 = tpu.vector_load %arg6[%get3A_2390] {strides = array<i32>} : memref<13312xf32, #tpu.memory_space<vmem>>, vector<16xf32>,
    %get3A_2392 = arith.constant 976 : index
    %get3A_2393 = tpu.vector_load %arg6[%get3A_2392] {strides = array<i32>} : memref<13312xf32, #tpu.memory_space<vmem>>, vector<16xf32>,
    %add3A_2394 = arith.addf %get3A_2391, %get3A_2393 : vector<16xf32>
    %get3A_2395 = arith.constant 1488 : index
    %get3A_2396 = tpu.vector_load %arg6[%get3A_2395] {strides = array<i32>} : memref<13312xf32, #tpu.memory_space<vmem>>, vector<16xf32>,
    %add3A_2397 = arith.addf %add3A_2394, %get3A_2396 : vector<16xf32>
    %get3A_2398 = arith.constant 2000 : index
    %get3A_2399 = tpu.vector_load %arg6[%get3A_2398] {strides = array<i32>} : memref<13312xf32, #tpu.memory_space<vmem>>, vector<16xf32>,
    %add3A_2400 = arith.addf %add3A_2397, %get3A_2399 : vector<16xf32>
    %get3A_2401 = arith.constant 2512 : index
    %get3A_2402 = tpu.vector_load %arg6[%get3A_2401] {strides = array<i32>} : memref<13312xf32, #tpu.memory_space<vmem>>, vector<16xf32>,
    %add3A_2403 = arith.addf %add3A_2400, %get3A_2402 : vector<16xf32>
    %get3A_2404 = arith.constant 3024 : index
    %get3A_2405 = tpu.vector_load %arg6[%get3A_2404] {strides = array<i32>} : memref<13312xf32, #tpu.memory_space<vmem>>, vector<16xf32>,
    %add3A_2406 = arith.addf %add3A_2403, %get3A_2405 : vector<16xf32>
    %get3A_2407 = arith.constant 3536 : index
    %get3A_2408 = tpu.vector_load %arg6[%get3A_2407] {strides = array<i32>} : memref<13312xf32, #tpu.memory_space<vmem>>, vector<16xf32>,
    %add3A_2409 = arith.addf %add3A_2406, %get3A_2408 : vector<16xf32>
    %get3A_2410 = arith.constant 4048 : index
    %get3A_2411 = tpu.vector_load %arg6[%get3A_2410] {strides = array<i32>} : memref<13312xf32, #tpu.memory_space<vmem>>, vector<16xf32>,
    %add3A_2412 = arith.addf %add3A_2409, %get3A_2411 : vector<16xf32>
    %get3A_2413 = arith.constant 4560 : index
    %get3A_2414 = tpu.vector_load %arg6[%get3A_2413] {strides = array<i32>} : memref<13312xf32, #tpu.memory_space<vmem>>, vector<16xf32>,
    %add3A_2415 = arith.addf %add3A_2412, %get3A_2414 : vector<16xf32>
    %get3A_2416 = arith.constant 5072 : index
    %get3A_2417 = tpu.vector_load %arg6[%get3A_2416] {strides = array<i32>} : memref<13312xf32, #tpu.memory_space<vmem>>, vector<16xf32>,
    %add3A_2418 = arith.addf %add3A_2415, %get3A_2417 : vector<16xf32>
    %get3A_2419 = arith.constant 5584 : index
    %get3A_2420 = tpu.vector_load %arg6[%get3A_2419] {strides = array<i32>} : memref<13312xf32, #tpu.memory_space<vmem>>, vector<16xf32>,
    %add3A_2421 = arith.addf %add3A_2418, %get3A_2420 : vector<16xf32>
    %get3A_2422 = arith.constant 6096 : index
    %get3A_2423 = tpu.vector_load %arg6[%get3A_2422] {strides = array<i32>} : memref<13312xf32, #tpu.memory_space<vmem>>, vector<16xf32>,
    %add3A_2424 = arith.addf %add3A_2421, %get3A_2423 : vector<16xf32>
    %get3A_2425 = arith.constant 6608 : index
    %get3A_2426 = tpu.vector_load %arg6[%get3A_2425] {strides = array<i32>} : memref<13312xf32, #tpu.memory_space<vmem>>, vector<16xf32>,
    %add3A_2427 = arith.addf %add3A_2424, %get3A_2426 : vector<16xf32>
    %get3A_2428 = arith.constant 7120 : index
    %get3A_2429 = tpu.vector_load %arg6[%get3A_2428] {strides = array<i32>} : memref<13312xf32, #tpu.memory_space<vmem>>, vector<16xf32>,
    %add3A_2430 = arith.addf %add3A_2427, %get3A_2429 : vector<16xf32>
    %get3A_2431 = arith.constant 7632 : index
    %get3A_2432 = tpu.vector_load %arg6[%get3A_2431] {strides = array<i32>} : memref<13312xf32, #tpu.memory_space<vmem>>, vector<16xf32>,
    %add3A_2433 = arith.addf %add3A_2430, %get3A_2432 : vector<16xf32>
    %get3A_2434 = arith.constant 8144 : index
    %get3A_2435 = tpu.vector_load %arg6[%get3A_2434] {strides = array<i32>} : memref<13312xf32, #tpu.memory_space<vmem>>, vector<16xf32>,
    %add3A_2436 = arith.addf %add3A_2433, %get3A_2435 : vector<16xf32>
    %get3A_2437 = arith.constant 8656 : index
    %get3A_2438 = tpu.vector_load %arg6[%get3A_2437] {strides = array<i32>} : memref<13312xf32, #tpu.memory_space<vmem>>, vector<16xf32>,
    %add3A_2439 = arith.addf %add3A_2436, %get3A_2438 : vector<16xf32>
    %get3A_2440 = arith.constant 9168 : index
    %get3A_2441 = tpu.vector_load %arg6[%get3A_2440] {strides = array<i32>} : memref<13312xf32, #tpu.memory_space<vmem>>, vector<16xf32>,
    %add3A_2442 = arith.addf %add3A_2439, %get3A_2441 : vector<16xf32>
    %get3A_2443 = arith.constant 9680 : index
    %get3A_2444 = tpu.vector_load %arg6[%get3A_2443] {strides = array<i32>} : memref<13312xf32, #tpu.memory_space<vmem>>, vector<16xf32>,
    %add3A_2445 = arith.addf %add3A_2442, %get3A_2444 : vector<16xf32>
    %get3A_2446 = arith.constant 10192 : index
    %get3A_2447 = tpu.vector_load %arg6[%get3A_2446] {strides = array<i32>} : memref<13312xf32, #tpu.memory_space<vmem>>, vector<16xf32>,
    %add3A_2448 = arith.addf %add3A_2445, %get3A_2447 : vector<16xf32>
    %get3A_2449 = arith.constant 10704 : index
    %get3A_2450 = tpu.vector_load %arg6[%get3A_2449] {strides = array<i32>} : memref<13312xf32, #tpu.memory_space<vmem>>, vector<16xf32>,
    %add3A_2451 = arith.addf %add3A_2448, %get3A_2450 : vector<16xf32>
    %get3A_2452 = arith.constant 11216 : index
    %get3A_2453 = tpu.vector_load %arg6[%get3A_2452] {strides = array<i32>} : memref<13312xf32, #tpu.memory_space<vmem>>, vector<16xf32>,
    %add3A_2454 = arith.addf %add3A_2451, %get3A_2453 : vector<16xf32>
    %get3A_2455 = arith.constant 11728 : index
    %get3A_2456 = tpu.vector_load %arg6[%get3A_2455] {strides = array<i32>} : memref<13312xf32, #tpu.memory_space<vmem>>, vector<16xf32>,
    %add3A_2457 = arith.addf %add3A_2454, %get3A_2456 : vector<16xf32>
    %get3A_2458 = arith.constant 12240 : index
    %get3A_2459 = tpu.vector_load %arg6[%get3A_2458] {strides = array<i32>} : memref<13312xf32, #tpu.memory_space<vmem>>, vector<16xf32>,
    %add3A_2460 = arith.addf %add3A_2457, %get3A_2459 : vector<16xf32>
    %get3A_2461 = arith.constant 12752 : index
    %get3A_2462 = tpu.vector_load %arg6[%get3A_2461] {strides = array<i32>} : memref<13312xf32, #tpu.memory_space<vmem>>, vector<16xf32>,
    %add3A_2463 = arith.addf %add3A_2460, %get3A_2462 : vector<16xf32>
    %get3A_2464 = arith.constant 13264 : index
    %get3A_2465 = tpu.vector_load %arg6[%get3A_2464] {strides = array<i32>} : memref<13312xf32, #tpu.memory_space<vmem>>, vector<16xf32>,
    %add3A_2466 = arith.addf %add3A_2463, %get3A_2465 : vector<16xf32>
    %swap3A_2467 = arith.constant 464 : index
    %swap3A_2468 = tpu.vector_load %arg7[%swap3A_2467] {strides = array<i32>} : memref<512xf32, #tpu.memory_space<vmem>>, vector<16xf32>,
    tpu.vector_store %arg7[%swap3A_2467], %add3A_2466 {strides = array<i32>} : memref<512xf32, #tpu.memory_space<vmem>>, vector<16xf32>,
    %get3A_2469 = arith.constant 480 : index
    %get3A_2470 = tpu.vector_load %arg6[%get3A_2469] {strides = array<i32>} : memref<13312xf32, #tpu.memory_space<vmem>>, vector<16xf32>,
    %get3A_2471 = arith.constant 992 : index
    %get3A_2472 = tpu.vector_load %arg6[%get3A_2471] {strides = array<i32>} : memref<13312xf32, #tpu.memory_space<vmem>>, vector<16xf32>,
    %add3A_2473 = arith.addf %get3A_2470, %get3A_2472 : vector<16xf32>
    %get3A_2474 = arith.constant 1504 : index
    %get3A_2475 = tpu.vector_load %arg6[%get3A_2474] {strides = array<i32>} : memref<13312xf32, #tpu.memory_space<vmem>>, vector<16xf32>,
    %add3A_2476 = arith.addf %add3A_2473, %get3A_2475 : vector<16xf32>
    %get3A_2477 = arith.constant 2016 : index
    %get3A_2478 = tpu.vector_load %arg6[%get3A_2477] {strides = array<i32>} : memref<13312xf32, #tpu.memory_space<vmem>>, vector<16xf32>,
    %add3A_2479 = arith.addf %add3A_2476, %get3A_2478 : vector<16xf32>
    %get3A_2480 = arith.constant 2528 : index
    %get3A_2481 = tpu.vector_load %arg6[%get3A_2480] {strides = array<i32>} : memref<13312xf32, #tpu.memory_space<vmem>>, vector<16xf32>,
    %add3A_2482 = arith.addf %add3A_2479, %get3A_2481 : vector<16xf32>
    %get3A_2483 = arith.constant 3040 : index
    %get3A_2484 = tpu.vector_load %arg6[%get3A_2483] {strides = array<i32>} : memref<13312xf32, #tpu.memory_space<vmem>>, vector<16xf32>,
    %add3A_2485 = arith.addf %add3A_2482, %get3A_2484 : vector<16xf32>
    %get3A_2486 = arith.constant 3552 : index
    %get3A_2487 = tpu.vector_load %arg6[%get3A_2486] {strides = array<i32>} : memref<13312xf32, #tpu.memory_space<vmem>>, vector<16xf32>,
    %add3A_2488 = arith.addf %add3A_2485, %get3A_2487 : vector<16xf32>
    %get3A_2489 = arith.constant 4064 : index
    %get3A_2490 = tpu.vector_load %arg6[%get3A_2489] {strides = array<i32>} : memref<13312xf32, #tpu.memory_space<vmem>>, vector<16xf32>,
    %add3A_2491 = arith.addf %add3A_2488, %get3A_2490 : vector<16xf32>
    %get3A_2492 = arith.constant 4576 : index
    %get3A_2493 = tpu.vector_load %arg6[%get3A_2492] {strides = array<i32>} : memref<13312xf32, #tpu.memory_space<vmem>>, vector<16xf32>,
    %add3A_2494 = arith.addf %add3A_2491, %get3A_2493 : vector<16xf32>
    %get3A_2495 = arith.constant 5088 : index
    %get3A_2496 = tpu.vector_load %arg6[%get3A_2495] {strides = array<i32>} : memref<13312xf32, #tpu.memory_space<vmem>>, vector<16xf32>,
    %add3A_2497 = arith.addf %add3A_2494, %get3A_2496 : vector<16xf32>
    %get3A_2498 = arith.constant 5600 : index
    %get3A_2499 = tpu.vector_load %arg6[%get3A_2498] {strides = array<i32>} : memref<13312xf32, #tpu.memory_space<vmem>>, vector<16xf32>,
    %add3A_2500 = arith.addf %add3A_2497, %get3A_2499 : vector<16xf32>
    %get3A_2501 = arith.constant 6112 : index
    %get3A_2502 = tpu.vector_load %arg6[%get3A_2501] {strides = array<i32>} : memref<13312xf32, #tpu.memory_space<vmem>>, vector<16xf32>,
    %add3A_2503 = arith.addf %add3A_2500, %get3A_2502 : vector<16xf32>
    %get3A_2504 = arith.constant 6624 : index
    %get3A_2505 = tpu.vector_load %arg6[%get3A_2504] {strides = array<i32>} : memref<13312xf32, #tpu.memory_space<vmem>>, vector<16xf32>,
    %add3A_2506 = arith.addf %add3A_2503, %get3A_2505 : vector<16xf32>
    %get3A_2507 = arith.constant 7136 : index
    %get3A_2508 = tpu.vector_load %arg6[%get3A_2507] {strides = array<i32>} : memref<13312xf32, #tpu.memory_space<vmem>>, vector<16xf32>,
    %add3A_2509 = arith.addf %add3A_2506, %get3A_2508 : vector<16xf32>
    %get3A_2510 = arith.constant 7648 : index
    %get3A_2511 = tpu.vector_load %arg6[%get3A_2510] {strides = array<i32>} : memref<13312xf32, #tpu.memory_space<vmem>>, vector<16xf32>,
    %add3A_2512 = arith.addf %add3A_2509, %get3A_2511 : vector<16xf32>
    %get3A_2513 = arith.constant 8160 : index
    %get3A_2514 = tpu.vector_load %arg6[%get3A_2513] {strides = array<i32>} : memref<13312xf32, #tpu.memory_space<vmem>>, vector<16xf32>,
    %add3A_2515 = arith.addf %add3A_2512, %get3A_2514 : vector<16xf32>
    %get3A_2516 = arith.constant 8672 : index
    %get3A_2517 = tpu.vector_load %arg6[%get3A_2516] {strides = array<i32>} : memref<13312xf32, #tpu.memory_space<vmem>>, vector<16xf32>,
    %add3A_2518 = arith.addf %add3A_2515, %get3A_2517 : vector<16xf32>
    %get3A_2519 = arith.constant 9184 : index
    %get3A_2520 = tpu.vector_load %arg6[%get3A_2519] {strides = array<i32>} : memref<13312xf32, #tpu.memory_space<vmem>>, vector<16xf32>,
    %add3A_2521 = arith.addf %add3A_2518, %get3A_2520 : vector<16xf32>
    %get3A_2522 = arith.constant 9696 : index
    %get3A_2523 = tpu.vector_load %arg6[%get3A_2522] {strides = array<i32>} : memref<13312xf32, #tpu.memory_space<vmem>>, vector<16xf32>,
    %add3A_2524 = arith.addf %add3A_2521, %get3A_2523 : vector<16xf32>
    %get3A_2525 = arith.constant 10208 : index
    %get3A_2526 = tpu.vector_load %arg6[%get3A_2525] {strides = array<i32>} : memref<13312xf32, #tpu.memory_space<vmem>>, vector<16xf32>,
    %add3A_2527 = arith.addf %add3A_2524, %get3A_2526 : vector<16xf32>
    %get3A_2528 = arith.constant 10720 : index
    %get3A_2529 = tpu.vector_load %arg6[%get3A_2528] {strides = array<i32>} : memref<13312xf32, #tpu.memory_space<vmem>>, vector<16xf32>,
    %add3A_2530 = arith.addf %add3A_2527, %get3A_2529 : vector<16xf32>
    %get3A_2531 = arith.constant 11232 : index
    %get3A_2532 = tpu.vector_load %arg6[%get3A_2531] {strides = array<i32>} : memref<13312xf32, #tpu.memory_space<vmem>>, vector<16xf32>,
    %add3A_2533 = arith.addf %add3A_2530, %get3A_2532 : vector<16xf32>
    %get3A_2534 = arith.constant 11744 : index
    %get3A_2535 = tpu.vector_load %arg6[%get3A_2534] {strides = array<i32>} : memref<13312xf32, #tpu.memory_space<vmem>>, vector<16xf32>,
    %add3A_2536 = arith.addf %add3A_2533, %get3A_2535 : vector<16xf32>
    %get3A_2537 = arith.constant 12256 : index
    %get3A_2538 = tpu.vector_load %arg6[%get3A_2537] {strides = array<i32>} : memref<13312xf32, #tpu.memory_space<vmem>>, vector<16xf32>,
    %add3A_2539 = arith.addf %add3A_2536, %get3A_2538 : vector<16xf32>
    %get3A_2540 = arith.constant 12768 : index
    %get3A_2541 = tpu.vector_load %arg6[%get3A_2540] {strides = array<i32>} : memref<13312xf32, #tpu.memory_space<vmem>>, vector<16xf32>,
    %add3A_2542 = arith.addf %add3A_2539, %get3A_2541 : vector<16xf32>
    %get3A_2543 = arith.constant 13280 : index
    %get3A_2544 = tpu.vector_load %arg6[%get3A_2543] {strides = array<i32>} : memref<13312xf32, #tpu.memory_space<vmem>>, vector<16xf32>,
    %add3A_2545 = arith.addf %add3A_2542, %get3A_2544 : vector<16xf32>
    %swap3A_2546 = arith.constant 480 : index
    %swap3A_2547 = tpu.vector_load %arg7[%swap3A_2546] {strides = array<i32>} : memref<512xf32, #tpu.memory_space<vmem>>, vector<16xf32>,
    tpu.vector_store %arg7[%swap3A_2546], %add3A_2545 {strides = array<i32>} : memref<512xf32, #tpu.memory_space<vmem>>, vector<16xf32>,
    %get3A_2548 = arith.constant 496 : index
    %get3A_2549 = tpu.vector_load %arg6[%get3A_2548] {strides = array<i32>} : memref<13312xf32, #tpu.memory_space<vmem>>, vector<16xf32>,
    %get3A_2550 = arith.constant 1008 : index
    %get3A_2551 = tpu.vector_load %arg6[%get3A_2550] {strides = array<i32>} : memref<13312xf32, #tpu.memory_space<vmem>>, vector<16xf32>,
    %add3A_2552 = arith.addf %get3A_2549, %get3A_2551 : vector<16xf32>
    %get3A_2553 = arith.constant 1520 : index
    %get3A_2554 = tpu.vector_load %arg6[%get3A_2553] {strides = array<i32>} : memref<13312xf32, #tpu.memory_space<vmem>>, vector<16xf32>,
    %add3A_2555 = arith.addf %add3A_2552, %get3A_2554 : vector<16xf32>
    %get3A_2556 = arith.constant 2032 : index
    %get3A_2557 = tpu.vector_load %arg6[%get3A_2556] {strides = array<i32>} : memref<13312xf32, #tpu.memory_space<vmem>>, vector<16xf32>,
    %add3A_2558 = arith.addf %add3A_2555, %get3A_2557 : vector<16xf32>
    %get3A_2559 = arith.constant 2544 : index
    %get3A_2560 = tpu.vector_load %arg6[%get3A_2559] {strides = array<i32>} : memref<13312xf32, #tpu.memory_space<vmem>>, vector<16xf32>,
    %add3A_2561 = arith.addf %add3A_2558, %get3A_2560 : vector<16xf32>
    %get3A_2562 = arith.constant 3056 : index
    %get3A_2563 = tpu.vector_load %arg6[%get3A_2562] {strides = array<i32>} : memref<13312xf32, #tpu.memory_space<vmem>>, vector<16xf32>,
    %add3A_2564 = arith.addf %add3A_2561, %get3A_2563 : vector<16xf32>
    %get3A_2565 = arith.constant 3568 : index
    %get3A_2566 = tpu.vector_load %arg6[%get3A_2565] {strides = array<i32>} : memref<13312xf32, #tpu.memory_space<vmem>>, vector<16xf32>,
    %add3A_2567 = arith.addf %add3A_2564, %get3A_2566 : vector<16xf32>
    %get3A_2568 = arith.constant 4080 : index
    %get3A_2569 = tpu.vector_load %arg6[%get3A_2568] {strides = array<i32>} : memref<13312xf32, #tpu.memory_space<vmem>>, vector<16xf32>,
    %add3A_2570 = arith.addf %add3A_2567, %get3A_2569 : vector<16xf32>
    %get3A_2571 = arith.constant 4592 : index
    %get3A_2572 = tpu.vector_load %arg6[%get3A_2571] {strides = array<i32>} : memref<13312xf32, #tpu.memory_space<vmem>>, vector<16xf32>,
    %add3A_2573 = arith.addf %add3A_2570, %get3A_2572 : vector<16xf32>
    %get3A_2574 = arith.constant 5104 : index
    %get3A_2575 = tpu.vector_load %arg6[%get3A_2574] {strides = array<i32>} : memref<13312xf32, #tpu.memory_space<vmem>>, vector<16xf32>,
    %add3A_2576 = arith.addf %add3A_2573, %get3A_2575 : vector<16xf32>
    %get3A_2577 = arith.constant 5616 : index
    %get3A_2578 = tpu.vector_load %arg6[%get3A_2577] {strides = array<i32>} : memref<13312xf32, #tpu.memory_space<vmem>>, vector<16xf32>,
    %add3A_2579 = arith.addf %add3A_2576, %get3A_2578 : vector<16xf32>
    %get3A_2580 = arith.constant 6128 : index
    %get3A_2581 = tpu.vector_load %arg6[%get3A_2580] {strides = array<i32>} : memref<13312xf32, #tpu.memory_space<vmem>>, vector<16xf32>,
    %add3A_2582 = arith.addf %add3A_2579, %get3A_2581 : vector<16xf32>
    %get3A_2583 = arith.constant 6640 : index
    %get3A_2584 = tpu.vector_load %arg6[%get3A_2583] {strides = array<i32>} : memref<13312xf32, #tpu.memory_space<vmem>>, vector<16xf32>,
    %add3A_2585 = arith.addf %add3A_2582, %get3A_2584 : vector<16xf32>
    %get3A_2586 = arith.constant 7152 : index
    %get3A_2587 = tpu.vector_load %arg6[%get3A_2586] {strides = array<i32>} : memref<13312xf32, #tpu.memory_space<vmem>>, vector<16xf32>,
    %add3A_2588 = arith.addf %add3A_2585, %get3A_2587 : vector<16xf32>
    %get3A_2589 = arith.constant 7664 : index
    %get3A_2590 = tpu.vector_load %arg6[%get3A_2589] {strides = array<i32>} : memref<13312xf32, #tpu.memory_space<vmem>>, vector<16xf32>,
    %add3A_2591 = arith.addf %add3A_2588, %get3A_2590 : vector<16xf32>
    %get3A_2592 = arith.constant 8176 : index
    %get3A_2593 = tpu.vector_load %arg6[%get3A_2592] {strides = array<i32>} : memref<13312xf32, #tpu.memory_space<vmem>>, vector<16xf32>,
    %add3A_2594 = arith.addf %add3A_2591, %get3A_2593 : vector<16xf32>
    %get3A_2595 = arith.constant 8688 : index
    %get3A_2596 = tpu.vector_load %arg6[%get3A_2595] {strides = array<i32>} : memref<13312xf32, #tpu.memory_space<vmem>>, vector<16xf32>,
    %add3A_2597 = arith.addf %add3A_2594, %get3A_2596 : vector<16xf32>
    %get3A_2598 = arith.constant 9200 : index
    %get3A_2599 = tpu.vector_load %arg6[%get3A_2598] {strides = array<i32>} : memref<13312xf32, #tpu.memory_space<vmem>>, vector<16xf32>,
    %add3A_2600 = arith.addf %add3A_2597, %get3A_2599 : vector<16xf32>
    %get3A_2601 = arith.constant 9712 : index
    %get3A_2602 = tpu.vector_load %arg6[%get3A_2601] {strides = array<i32>} : memref<13312xf32, #tpu.memory_space<vmem>>, vector<16xf32>,
    %add3A_2603 = arith.addf %add3A_2600, %get3A_2602 : vector<16xf32>
    %get3A_2604 = arith.constant 10224 : index
    %get3A_2605 = tpu.vector_load %arg6[%get3A_2604] {strides = array<i32>} : memref<13312xf32, #tpu.memory_space<vmem>>, vector<16xf32>,
    %add3A_2606 = arith.addf %add3A_2603, %get3A_2605 : vector<16xf32>
    %get3A_2607 = arith.constant 10736 : index
    %get3A_2608 = tpu.vector_load %arg6[%get3A_2607] {strides = array<i32>} : memref<13312xf32, #tpu.memory_space<vmem>>, vector<16xf32>,
    %add3A_2609 = arith.addf %add3A_2606, %get3A_2608 : vector<16xf32>
    %get3A_2610 = arith.constant 11248 : index
    %get3A_2611 = tpu.vector_load %arg6[%get3A_2610] {strides = array<i32>} : memref<13312xf32, #tpu.memory_space<vmem>>, vector<16xf32>,
    %add3A_2612 = arith.addf %add3A_2609, %get3A_2611 : vector<16xf32>
    %get3A_2613 = arith.constant 11760 : index
    %get3A_2614 = tpu.vector_load %arg6[%get3A_2613] {strides = array<i32>} : memref<13312xf32, #tpu.memory_space<vmem>>, vector<16xf32>,
    %add3A_2615 = arith.addf %add3A_2612, %get3A_2614 : vector<16xf32>
    %get3A_2616 = arith.constant 12272 : index
    %get3A_2617 = tpu.vector_load %arg6[%get3A_2616] {strides = array<i32>} : memref<13312xf32, #tpu.memory_space<vmem>>, vector<16xf32>,
    %add3A_2618 = arith.addf %add3A_2615, %get3A_2617 : vector<16xf32>
    %get3A_2619 = arith.constant 12784 : index
    %get3A_2620 = tpu.vector_load %arg6[%get3A_2619] {strides = array<i32>} : memref<13312xf32, #tpu.memory_space<vmem>>, vector<16xf32>,
    %add3A_2621 = arith.addf %add3A_2618, %get3A_2620 : vector<16xf32>
    %get3A_2622 = arith.constant 13296 : index
    %get3A_2623 = tpu.vector_load %arg6[%get3A_2622] {strides = array<i32>} : memref<13312xf32, #tpu.memory_space<vmem>>, vector<16xf32>,
    %add3A_2624 = arith.addf %add3A_2621, %get3A_2623 : vector<16xf32>
    %swap3A_2625 = arith.constant 496 : index
    %swap3A_2626 = tpu.vector_load %arg7[%swap3A_2625] {strides = array<i32>} : memref<512xf32, #tpu.memory_space<vmem>>, vector<16xf32>,
    tpu.vector_store %arg7[%swap3A_2625], %add3A_2624 {strides = array<i32>} : memref<512xf32, #tpu.memory_space<vmem>>, vector<16xf32>,
    %mul3A_2627 = arith.constant 512 : i32
    %mul3A_2628 = arith.muli %add3A, %mul3A_2627 : i32
    "tpu.region"() ({
      %run_scoped3A = tpu.sem_alloc : memref<!tpu.dma_semaphore, #tpu.memory_space<semaphore_mem>>
      %dma_start3A_2629 = tpu.memref_slice %arg4[%mul3A_2628] : memref<16384xf32, #tpu.memory_space<hbm>> -> memref<512xf32, #tpu.memory_space<hbm>>
      %dma_start3A_2630 = tpu.memref_slice %arg4[%mul3A_2628] : memref<16384xf32, #tpu.memory_space<hbm>> -> memref<512xf32, #tpu.memory_space<hbm>>
      tpu.enqueue_dma source(%arg7 : memref<512xf32, #tpu.memory_space<vmem>>) target(%dma_start3A_2630 : memref<512xf32, #tpu.memory_space<hbm>>) target_semaphore(%run_scoped3A : memref<!tpu.dma_semaphore, #tpu.memory_space<semaphore_mem>>)
      %dma_wait3A_2631 = tpu.memref_slice %arg4[%mul3A_2628] : memref<16384xf32, #tpu.memory_space<hbm>> -> memref<512xf32, #tpu.memory_space<hbm>>
      %dma_wait3A_2632 = tpu.memref_slice %arg4[%mul3A_2628] : memref<16384xf32, #tpu.memory_space<hbm>> -> memref<512xf32, #tpu.memory_space<hbm>>
      tpu.wait_dma2 semaphore(%run_scoped3A : memref<!tpu.dma_semaphore, #tpu.memory_space<semaphore_mem>>) src(%arg7 : memref<512xf32, #tpu.memory_space<vmem>>) dst(%dma_wait3A_2632 : memref<512xf32, #tpu.memory_space<hbm>>)
      tpu.yield
    }) : () -> ()
    return
  }
}

module attributes {stable_mosaic.version = 14 : i64} {
  func.func @_tc_body(%arg0: memref<1x1xf32, #tpu.memory_space<smem>>, %arg1: memref<128x128xf32, #tpu.memory_space<vmem>>, %arg2: memref<128x128xf32, #tpu.memory_space<vmem>>, %arg3: memref<128x128xf32, #tpu.memory_space<vmem>>, %arg4: memref<1x1xf32, #tpu.memory_space<smem>>) attributes {dimension_semantics = [], scalar_prefetch = 0 : i64, scratch_operands = 0 : i64, tpu.core_type = #tpu.core_type<tc>} {
    %get3A = arith.constant 0 : index
    %get3A_0 = arith.constant 0 : index
    %get3A_1 = vector.load %arg1[%get3A, %get3A_0] : memref<128x128xf32, #tpu.memory_space<vmem>>, vector<128x128xf32>
    %get3A_2 = arith.constant 0 : index
    %get3A_3 = arith.constant 0 : index
    %get3A_4 = memref.load %arg0[%get3A_2, %get3A_3] : memref<1x1xf32, #tpu.memory_space<smem>>
    %add3A = vector.broadcast %get3A_4 : f32 to vector<128x128xf32>
    %add3A_5 = arith.addf %get3A_1, %add3A : vector<128x128xf32>
    %neg3A = arith.constant 0.000000e+00 : f32
    %neg3A_6 = vector.broadcast %neg3A : f32 to vector<128x128xf32>
    %neg3A_7 = arith.subf %neg3A_6, %add3A_5 : vector<128x128xf32>
    %exp3A = math.exp %neg3A_7 : vector<128x128xf32>
    %add3A_8 = arith.constant 1.000000e+00 : f32
    %add3A_9 = vector.broadcast %add3A_8 : f32 to vector<128x128xf32>
    %add3A_10 = arith.addf %add3A_9, %exp3A : vector<128x128xf32>
    %div3A = arith.constant 1.000000e+00 : f32
    %div3A_11 = vector.broadcast %div3A : f32 to vector<128x128xf32>
    %div3A_12 = arith.divf %div3A_11, %add3A_10 : vector<128x128xf32>
    %swap3A = arith.constant 0 : index
    %swap3A_13 = arith.constant 0 : index
    %swap3A_14 = vector.load %arg3[%swap3A, %swap3A_13] : memref<128x128xf32, #tpu.memory_space<vmem>>, vector<128x128xf32>
    tpu.vector_store %arg3[%swap3A, %swap3A_13], %div3A_12 {strides = array<i32>} : memref<128x128xf32, #tpu.memory_space<vmem>>, vector<128x128xf32>,
    %max3A = arith.constant 0.000000e+00 : f32
    %max3A_15 = vector.broadcast %max3A : f32 to vector<128x128xf32>
    %max3A_16 = arith.maximumf %add3A_5, %max3A_15 : vector<128x128xf32>
    %get3A_17 = arith.constant 0 : index
    %get3A_18 = arith.constant 0 : index
    %get3A_19 = vector.load %arg2[%get3A_17, %get3A_18] : memref<128x128xf32, #tpu.memory_space<vmem>>, vector<128x128xf32>
    %mul3A = arith.mulf %add3A_5, %get3A_19 : vector<128x128xf32>
    %sub3A = arith.subf %max3A_16, %mul3A : vector<128x128xf32>
    %abs3A = math.absf %add3A_5 : vector<128x128xf32>
    %neg3A_20 = arith.constant 0.000000e+00 : f32
    %neg3A_21 = vector.broadcast %neg3A_20 : f32 to vector<128x128xf32>
    %neg3A_22 = arith.subf %neg3A_21, %abs3A : vector<128x128xf32>
    %exp3A_23 = math.exp %neg3A_22 : vector<128x128xf32>
    %add3A_24 = arith.constant 1.000000e+00 : f32
    %add3A_25 = vector.broadcast %add3A_24 : f32 to vector<128x128xf32>
    %add3A_26 = arith.addf %add3A_25, %exp3A_23 : vector<128x128xf32>
    %log3A = math.log %add3A_26 : vector<128x128xf32>
    %add3A_27 = arith.addf %sub3A, %log3A : vector<128x128xf32>
    %reduce_sum3A = vector.shape_cast %add3A_27 : vector<128x128xf32> to vector<1x128x128xf32>
    %reduce_sum3A_28 = arith.constant dense<0.000000e+00> : vector<1xf32>
    %reduce_sum3A_29 = vector.multi_reduction <add>, %reduce_sum3A, %reduce_sum3A_28 [1, 2] : vector<1x128x128xf32> to vector<1xf32>
    %reduce_sum3A_30 = vector.shape_cast %reduce_sum3A_29 : vector<1xf32> to vector<1x1x1xf32>
    %reduce_sum3A_31 = vector.extract %reduce_sum3A_30[0, 0, 0] : f32 from vector<1x1x1xf32>
    %mul3A_32 = arith.constant 6.10351563E-5 : f32
    %mul3A_33 = arith.mulf %reduce_sum3A_31, %mul3A_32 : f32
    %swap3A_34 = arith.constant 0 : index
    %swap3A_35 = arith.constant 0 : index
    %swap3A_36 = memref.load %arg4[%swap3A_34, %swap3A_35] : memref<1x1xf32, #tpu.memory_space<smem>>
    memref.store %mul3A_33, %arg4[%swap3A_34, %swap3A_35] : memref<1x1xf32, #tpu.memory_space<smem>>
    return
  }
}

</mosaic_0001>

<sc_bundles>
// kernel: kernel.4.cloned.1.call-start
scs
__scs_entry_jumppad:
0x0: {  	(pc) =	sbr.rel $0x88, $3  }
0x1: {  	(tag) =	ssettag $0x0;
	lr =	simm.s32 $0x1  }
0x2: {  	[smem:$0x3F9D] =	sst lr;
	_ =	strace $0xD0000000  }
0x3: {  	_ = 	snop  }
0x4: {  	_ = 	snop  }
0x5: {  	_ = 	snop  }
0x6: {  	_ = 	snop  }
0x7: {  	_ = 	snop  }
__scs_overlays_trampoline_lowered:
0x8: {  	[smem:$0x3FAC] =	sst s0  }
0x9: {  	[smem:$0x3FAD] =	sst s1  }
0xa: {  	[smem:$0x3FAE] =	sst s2  }
0xb: {  	[smem:$0x3FAF] =	sst s3  }
0xc: {  	[smem:$0x3FB0] =	sst s4  }
0xd: {  	[smem:$0x3FB1] =	sst s5  }
0xe: {  	[smem:$0x3FB2] =	sst s6  }
0xf: {  	[smem:$0x3FB3] =	sst s7  }
0x10: {  	[smem:$0x3FB4] =	sst s8  }
0x11: {  	[smem:$0x3FB5] =	sst s9;
	s0 =	simm.s32 @!p0 $0x0  }
0x12: {  	s1 =	sld [smem:$0x3F9B];
	s0 =	simm.s32 @p0 $0x1  }
0x13: {  	[smem:$0x3FB6] =	sst s0;
	s0 =	simm.s32 @!p1 $0x0  }
0x14: {  	s2 =	sld [smem:$0x3F9A];
	s0 =	simm.s32 @p1 $0x1  }
0x15: {  	[smem:$0x3FB7] =	sst s0;
	s0 =	simm.s32 @!p2 $0x0  }
0x16: {  	s3 =	sld [smem:$0x3FDB];
	s0 =	simm.s32 @p2 $0x1  }
0x17: {  	s4 =	simm.s32 $0x1BF5;
	[smem:$0x3FB9] =	sst s0  }
0x18: {  	s0 =	sld [smem:$0x3F9C];
	_ =	swait.ge [sflag:s4], $0x0  }
0x19: {  	s7 =	sld [smem:$0x3F9D]  }
0x1a: {  	s8 =	sadd.s32 $0xFFFFE003, lr  }
0x1b: {  	s9 =	sadd.s32 $0xFFFFFEF7, lr;
	s5 =	simm.s32 $0xFFFFFFFF;
	p2 =	slt.u32 s8, $0xFFFFF086  }
0x1c: {  	p1 =	slt.u32 s9, $0xF7A;
	s5 =	simm.s32 @!p2 $0x0  }
0x1d: {  	s5 =	simm.s32 @p1 $0x1;
	p0 =	seq.s32 s7, s2  }
0x1e: {  	s7 =	smul.u32 @!p0 $0xF7A, s2;
	p2 =	seq.s32 @!p0 s5, $0x0  }
0x1f: {  	s9 =	smul.u32 $0xF7A, s1;
	s8 =	simm.s32 @!p0 $0x1BF5;
	p2 =	por !p2, p0  }
0x20: {  	[sflag:s8] =	ssyncset.s32 @!p0 $0xFFFFF086;
	s6 =	sadd.s32 @!p0 s3, s7;
	s7 =	simm.s32 @!p0 $0x108  }
0x21: {  	s3 =	sadd.s32 s3, s9;
	s6 =	sadd.s32 @!p0 $0x88, s6;
	s7 =	simm.s32 @p2 $0x1082  }
0x22: {  	[simem:s7], [sflag:s8] =	dma.local @!p0 [hbm:s6], $0xF7A  }
0x23: {  	s9 =	sor.u32 $0xD0000000, s2;
	s6 =	simm.s32 $0x108;
	_ =	swait.ge @!p0 [sflag:s8], $0x0  }
0x24: {  	s3 =	sadd.s32 $0x88, s3;
	s6 =	simm.s32 @!p1 $0x1082;
	[sflag:s4] =	ssyncset.s32 $0xFFFFF086  }
0x25: {  	[simem:s6], [sflag:s4] =	dma.local [hbm:s3], $0xF7A  }
0x26: {  	[smem:$0x3F9D] =	sst s1;
	(tag) =	ssettag s2;
	_ =	strace s9  }
0x27: {  	s1 =	sld [smem:$0x3FAD]  }
0x28: {  	s2 =	sld [smem:$0x3FAE]  }
0x29: {  	s4 =	sld [smem:$0x3FB0]  }
0x2a: {  	p0 =	seq.s32 s5, $0x0;
	s5 =	sld [smem:$0x3FB1]  }
0x2b: {  	s6 =	sld [smem:$0x3FB2]  }
0x2c: {  	s7 =	sld [smem:$0x3FB3]  }
0x2d: {  	s3 =	simm.s32 $0x108;
	s8 =	sld [smem:$0x3FB4]  }
0x2e: {  	s3 =	simm.s32 @!p0 $0x1082;
	s9 =	sld [smem:$0x3FB5]  }
0x2f: {  	lr =	sadd.s32 s0, s3;
	s0 =	sld [smem:$0x3FAC]  }
0x30: {  	s3 =	sld [smem:$0x3FAF]  }
0x31: {  	[smem:$0x3FB8] =	sst s10  }
0x32: {  	s10 =	sld [smem:$0x3FB6];
	_ =	sdelay $0x3  }
0x33: {  	p0 =	seq.s32 s10, $0x1;
	s10 =	sld [smem:$0x3FB8];
	_ =	sdelay $0x3  }
0x34: {  	[smem:$0x3FB8] =	sst s10  }
0x35: {  	s10 =	sld [smem:$0x3FB7];
	_ =	sdelay $0x3  }
0x36: {  	p1 =	seq.s32 s10, $0x1;
	s10 =	sld [smem:$0x3FB8];
	_ =	sdelay $0x3  }
0x37: {  	[smem:$0x3FB8] =	sst s10  }
0x38: {  	s10 =	sld [smem:$0x3FB9]  }
0x39: {  	_ = 	snop;
	(pc) =	sbr.ind lr, $3  }
0x3a: {  	_ = 	snop  }
0x3b: {  	_ = 	snop  }
0x3c: {  	p2 =	seq.s32 s10, $0x1;
	s10 =	sld [smem:$0x3FB8]  }
0x3d: {  	_ =	shalt  }
0x3e: {  	_ =	shalt  }
0x3f: {  	_ =	shalt  }
0x40: {  	_ =	shalt  }
0x41: {  	_ =	shalt  }
0x42: {  	_ =	shalt  }
0x43: {  	_ =	shalt  }
0x44: {  	_ =	shalt  }
0x45: {  	_ =	shalt  }
0x46: {  	_ =	shalt  }
0x47: {  	_ =	shalt  }
0x48: {  	_ =	shalt  }
0x49: {  	_ =	shalt  }
0x4a: {  	_ =	shalt  }
0x4b: {  	_ =	shalt  }
0x4c: {  	_ =	shalt  }
0x4d: {  	_ =	shalt  }
0x4e: {  	_ =	shalt  }
0x4f: {  	_ =	shalt  }
0x50: {  	_ =	shalt  }
0x51: {  	_ =	shalt  }
0x52: {  	_ =	shalt  }
0x53: {  	_ =	shalt  }
0x54: {  	_ =	shalt  }
0x55: {  	_ =	shalt  }
0x56: {  	_ =	shalt  }
0x57: {  	_ =	shalt  }
0x58: {  	_ =	shalt  }
0x59: {  	_ =	shalt  }
0x5a: {  	_ =	shalt  }
0x5b: {  	_ =	shalt  }
0x5c: {  	_ =	shalt  }
0x5d: {  	_ =	shalt  }
0x5e: {  	_ =	shalt  }
0x5f: {  	_ =	shalt  }
0x60: {  	_ =	shalt  }
0x61: {  	_ =	shalt  }
0x62: {  	_ =	shalt  }
0x63: {  	_ =	shalt  }
0x64: {  	_ =	shalt  }
0x65: {  	_ =	shalt  }
0x66: {  	_ =	shalt  }
0x67: {  	_ =	shalt  }
0x68: {  	_ =	shalt  }
0x69: {  	_ =	shalt  }
0x6a: {  	_ =	shalt  }
0x6b: {  	_ =	shalt  }
0x6c: {  	_ =	shalt  }
0x6d: {  	_ =	shalt  }
0x6e: {  	_ =	shalt  }
0x6f: {  	_ =	shalt  }
0x70: {  	_ =	shalt  }
0x71: {  	_ =	shalt  }
0x72: {  	_ =	shalt  }
0x73: {  	_ =	shalt  }
0x74: {  	_ =	shalt  }
0x75: {  	_ =	shalt  }
0x76: {  	_ =	shalt  }
0x77: {  	_ =	shalt  }
0x78: {  	_ =	shalt  }
0x79: {  	_ =	shalt  }
0x7a: {  	_ =	shalt  }
0x7b: {  	_ =	shalt  }
0x7c: {  	_ =	shalt  }
0x7d: {  	_ =	shalt  }
0x7e: {  	_ =	shalt  }
0x7f: {  	_ =	shalt  }
0x80: {  	_ =	shalt  }
0x81: {  	_ =	shalt  }
0x82: {  	_ =	shalt  }
0x83: {  	_ =	shalt  }
0x84: {  	_ =	shalt  }
0x85: {  	_ =	shalt  }
0x86: {  	_ =	shalt  }
0x87: {  	_ =	shalt  }
.Lfunc_end0:
.L_simem_size_0:
called_computation_lowered:
.L_overlay_start_0:
0x88: {  	s2 =	sld [smem:$0x3FD9]  }
0x89: {  	s3 =	sld [smem:$0x3FFE];
	_ =	sdelay $0x1  }
0x8a: {  	s1 =	srdreg.scid  }
0x8b: {  	s0 =	sand.u32 $0x1, s1  }
0x8c: {  	s14 =	sshll.u32 s0, $0xA;
	s2 =	sadd.s32 s3, s2  }
0x8d: {  	s2 =	sadd.s32 s2, s14  }
0x8e: {  	[smem:$0x3FC4] =	sst s2  }
0x8f: {  	_ = 	snop  }
0x90: {  	s2 =	sld [smem:$0x3FD0];
	_ =	sdelay $0x2  }
0x91: {  	s15 =	simm.s32 $0xA;
	s4 =	simm.s32 $0x10  }
0x92: {  	[smem:s4], [sflag:s15] =	dma.local [hbm:s2], $0x1  }
0x93: {  	_ =	swait.eq [sflag:s15], $0x1  }
0x94: {  	[sflag:s15] =	ssyncset.done $0x0  }
0x95: {  	[sflag:s15] =	ssyncadd.s32 $0xFFFFFFFF  }
0x96: {  	s16 =	sld [smem:$0x10];
	(tm) =	ssettm $0x1  }
0x97: {  	s17 =	sld [smem:$0x3FFB];
	_ =	sdelay $0x3  }
0x98: {  	_ =	strace s17  }
0x99: {  	s3 =	sld [smem:$0x3FFC];
	_ =	sdelay $0x3  }
0x9a: {  	_ =	strace s3  }
0x9b: {  	s3 =	sld [smem:$0x3FFD];
	_ =	sdelay $0x3  }
0x9c: {  	_ =	strace s3  }
0x9d: {  	_ =	strace $0x8FFFFFFF  }
0x9e: {  	s18 =	sld [smem:$0x3FDB];
	_ =	sdelay $0x1  }
0x9f: {  	s19 =	simm.s32 $_scs_section_size  }
0xa0: {  	s5 =	simm.s32 $_size__tile_overlayer_lowered;
	s6 =	simm.s32 $_tile_overlayer_lowered  }
0xa1: {  	s22 =	simm.s32 $0x1BFF;
	s21 =	sshll.u32 s6, $0x1;
	s3 =	sadd.s32 s19, s18  }
0xa2: {  	s7 =	simm.s32 $0x0;
	s20 =	sshll.u32 s5, $0x1;
	s5 =	sadd.s32 s21, s3  }
0xa3: {  	[timem:s7], [sflag:s22] =	dma.local [hbm:s5], s20  }
0xa4: {  	_ =	swait.ge [sflag:s22], s20  }
0xa5: {  	s4 =	ssub.s32 $0x0, s20;
	[sflag:s22] =	ssyncset.done $0x0  }
0xa6: {  	[sflag:s22] =	ssyncadd.s32 s4;
	_ =	sdelay $0x1  }
0xa7: {  	s23 =	simm.s32 $0x1B8B  }
0xa8: {  	_ =	swait.ge [sflag:s23], $0x1  }
0xa9: {  	[sflag:s23] =	ssyncset.done $0x0  }
0xaa: {  	s25 =	simm.s32 $0x1B8E;
	s24 =	sld [smem:$0x3FFE];
	[sflag:s23] =	ssyncadd.s32 $0xFFFFFFFF  }
0xab: {  	s26 =	simm.s32 $execute0_lowered;
	[smem:$0x3FD2] =	sst s25  }
0xac: {  	s5 =	sshll.u32 s26, $0x1;
	_ =	strace $0x80000046;
	[dreg:$0x1] =	wrdreg $0xFFFFFFFF  }
0xad: {  	s28 =	simm.s32 $_size_execute0_lowered;
	s3 =	sadd.s32 s3, s5;
	[dreg:$0x0] =	wrdreg $0x0  }
0xae: {  	s5 =	sshll.u32 s28, $0x1;
	[dreg:$0x2] =	wrdreg s3  }
0xaf: {  	[dreg:$0x3] =	wrdreg s5  }
0xb0: {  	[dreg:$0x4] =	wrdreg $0xC0  }
0xb1: {  	_ =	task [dreg:s7], $0x5FFFF  }
0xb2: {  	[dreg:$0x1] =	wrdreg $0xFFFFFFFF  }
0xb3: {  	[dreg:$0x0] =	wrdreg $0x60  }
0xb4: {  	[dreg:$0x2] =	wrdreg s24  }
0xb5: {  	[dreg:$0x3] =	wrdreg s16  }
0xb6: {  	[dreg:$0x4] =	wrdreg $0x6A000  }
0xb7: {  	[dreg:$0x5] =	wrdreg $0x9  }
0xb8: {  	_ =	task.clear_ibuf [dreg:s7], $0x6FFFF;
	_ =	strace $0x90000046  }
0xb9: {  	s29 =	simm.s32 $0x9;
	_ =	strace $0x80000048  }
0xba: {  	_ =	swait.ge [sflag:s29], $0x1  }
0xbb: {  	[sflag:s29] =	ssyncadd.s32 $0xFFFFFFFF  }
0xbc: {  	_ =	strace $0x90000048  }
0xbd: {  	_ =	sfence  }
0xbe: {  	s30 =	sld [smem:$0x0];
	_ =	sdelay $0x2  }
0xbf: {  	s31 =	sshll.u32 s1, $0xD;
	s1 =	sshrl.u32 s1, $0x2  }
0xc0: {  	s3 =	sand.u32 $0x4000, s31;
	s1 =	sadd.s32 s1, s30  }
0xc1: {  	s0 =	sor.u32 s3, s0;
	s1 =	sshll.u32 s1, $0x11  }
0xc2: {  	s0 =	sor.u32 s1, s0  }
0xc3: {  	s0 =	sadd.s32 $0x8F2B, s0  }
0xc4: {  	[sflag:s0] =	ssyncadd.remote.s32 $0x1  }
0xc5: {  	_ =	sfence.sel $0xFFFF  }
0xc6: {  	[dreg:$0x0] =	wrdreg $0xFFFFFFFF;
	(pc) =	sbr.abs _section_cstart, $3  }
0xc7: {  	[dreg:$0x1] =	wrdreg $0xFFFFFFFF  }
0xc8: {  	_ =	task.clear_ibuf [dreg:s7], $0x2FFFF;
	_ =	strace $0x9FFFFFFF  }
0xc9: {  	(tm) =	ssettm $0x7FFFFFFF  }
tec
execute0_lowered:
.L_overlay_start_1:
0x0: {  	(tag) =	ssettag $0x1  }
0x1: {  	s4 =	rddreg [dreg:$0x0]  }
0x2: {  	s21 =	rddreg [dreg:$0x1];
	s1 =	srdreg.scid  }
0x3: {  	s0 =	stileid.u32;
	s2 =	rddreg [dreg:$0x2]  }
0x4: {  	s3 =	simm.s32 $0x0;
	s28 =	simm.s32 $0x4;
	s29 =	simm.s32 $0x3400  }
0x5: {  	s30 =	simm.s32 $0x1;
	s5 =	sand.u32 $0x1, s1;
	s1 =	rddreg [dreg:$0x3]  }
0x6: {  	s31 =	simm.s32 $0x6800;
	s6 =	sshll.u32 s0, $0x1;
	[smem:$0x7FF] =	sst s3  }
0x7: {  	s15 =	smul.u32 $0xF440, s0;
	s18 =	sadd.s32 $0xDC00, s4;
	s19 =	sor.u32 s5, s6  }
0x8: {  	_ =	strace $0x80000047;
	s22 =	ssub.s32 $0x2, s5;
	s6 =	smul.u32 $0x680, s19  }
0x9: {  	s5 =	sshrl.u32 s22, $0x1;
	s23 =	sshrl.u32 s15, $0x3;
	s7 =	sadd.s32 $0x1E88, s15  }
0xa: {  	s9 =	sadd.s32 $0x3D10, s15;
	s11 =	sadd.s32 $0x5B98, s15;
	s13 =	sadd.s32 $0x7A20, s15  }
0xb: {  	s16 =	sadd.s32 $0x98A8, s15;
	s17 =	sadd.s32 $0xB730, s15;
	s26 =	sshll.u32 s19, $0x6  }
0xc: {  	s22 =	ssub.s32 s22, s5;
	s24 =	sshrl.u32 s7, $0x3;
	s5 =	sadd.s32 s15, s2  }
0xd: {  	s7 =	sadd.s32 s7, s2;
	s8 =	sshrl.u32 s9, $0x3;
	s10 =	sshrl.u32 s11, $0x3  }
0xe: {  	s9 =	sadd.s32 s9, s2;
	s12 =	sshrl.u32 s13, $0x3;
	s11 =	sadd.s32 s11, s2  }
0xf: {  	s13 =	sadd.s32 s13, s2;
	s14 =	sshrl.u32 s16, $0x3;
	s21 =	sadd.s32 s21, s26  }
0x10: {  	s26 =	simm.s32 $0x3;
	s20 =	sadd.s32 s6, s4;
	s4 =	sadd.s32 s18, s23  }
0x11: {  	s6 =	sadd.s32 s18, s24;
	s8 =	sadd.s32 s18, s8;
	s10 =	sadd.s32 s18, s10  }
0x12: {  	s12 =	sadd.s32 s18, s12;
	s14 =	sadd.s32 s18, s14;
	s23 =	sshrl.u32 s17, $0x3  }
0x13: {  	s24 =	sadd.s32 $0xD5B8, s15;
	s15 =	sadd.s32 s16, s2;
	s17 =	sadd.s32 s17, s2  }
0x14: {  	s22 =	smax.u32 s22, $0x1;
	s16 =	sadd.s32 s18, s23;
	s25 =	sshrl.u32 s24, $0x3  }
0x15: {  	s19 =	sadd.s32 s24, s2;
	s20 =	sadd.s32 $0xC00, s20;
	s23 =	simm.s32 $0x15E40  }
0x16: {  	s24 =	simm.s32 $0x2;
	s18 =	sadd.s32 s18, s25;
	s25 =	simm.s32 $0x17D40  }
.LBB2_1:
0x17: {  	[tilespmem:s23], [sflag:$0x2] =	stream.linear.gather [hbm4b:s4+s3], $0x1E88, $0x38;
	[tilespmem:$0x19C40] =	vst v63  }
0x18: {  	_ =	swait.ge [sflag:s24], $0x1E88  }
0x19: {  	[sflag:s24] =	ssyncset.done $0x0  }
0x1a: {  	[sflag:s24] =	ssyncadd.s32 $0xFFFFE178  }
0x1b: {  	[spmem:s5] =	stream.linear.scatter [tilespmem:s23], [sflag:$0x3], $0x1E88, $0x38;
	[tilespmem:$0x19C40] =	vst v63  }
0x1c: {  	_ = 	snop  }
0x1d: {  	[tilespmem:s25], [sflag:$0x2] =	stream.linear.gather [hbm4b:s6+s3], $0x1E88, $0x38;
	[tilespmem:$0x19C40] =	vst v63  }
0x1e: {  	_ =	swait.ge [sflag:s24], $0x1E88  }
0x1f: {  	[sflag:s24] =	ssyncset.done $0x0  }
0x20: {  	[sflag:s24] =	ssyncadd.s32 $0xFFFFE178  }
0x21: {  	[spmem:s7] =	stream.linear.scatter [tilespmem:s25], [sflag:$0x3], $0x1E88, $0x38;
	[tilespmem:$0x19C40] =	vst v63  }
0x22: {  	_ =	swait.ge [sflag:s26], $0x1E88  }
0x23: {  	[sflag:s26] =	ssyncset.done $0x0  }
0x24: {  	[sflag:s26] =	ssyncadd.s32 $0xFFFFE178  }
0x25: {  	[tilespmem:s23], [sflag:$0x2] =	stream.linear.gather [hbm4b:s8+s3], $0x1E88, $0x38;
	[tilespmem:$0x19C40] =	vst v63  }
0x26: {  	_ =	swait.ge [sflag:s24], $0x1E88  }
0x27: {  	[sflag:s24] =	ssyncset.done $0x0  }
0x28: {  	[sflag:s24] =	ssyncadd.s32 $0xFFFFE178  }
0x29: {  	[spmem:s9] =	stream.linear.scatter [tilespmem:s23], [sflag:$0x3], $0x1E88, $0x38;
	[tilespmem:$0x19C40] =	vst v63  }
0x2a: {  	_ =	swait.ge [sflag:s26], $0x1E88  }
0x2b: {  	[sflag:s26] =	ssyncset.done $0x0  }
0x2c: {  	[sflag:s26] =	ssyncadd.s32 $0xFFFFE178  }
0x2d: {  	[tilespmem:s25], [sflag:$0x2] =	stream.linear.gather [hbm4b:s10+s3], $0x1E88, $0x38;
	[tilespmem:$0x19C40] =	vst v63  }
0x2e: {  	_ =	swait.ge [sflag:s24], $0x1E88  }
0x2f: {  	[sflag:s24] =	ssyncset.done $0x0  }
0x30: {  	[sflag:s24] =	ssyncadd.s32 $0xFFFFE178  }
0x31: {  	[spmem:s11] =	stream.linear.scatter [tilespmem:s25], [sflag:$0x3], $0x1E88, $0x38;
	[tilespmem:$0x19C40] =	vst v63  }
0x32: {  	_ =	swait.ge [sflag:s26], $0x1E88  }
0x33: {  	[sflag:s26] =	ssyncset.done $0x0  }
0x34: {  	[sflag:s26] =	ssyncadd.s32 $0xFFFFE178  }
0x35: {  	[tilespmem:s23], [sflag:$0x2] =	stream.linear.gather [hbm4b:s12+s3], $0x1E88, $0x38;
	[tilespmem:$0x19C40] =	vst v63  }
0x36: {  	_ =	swait.ge [sflag:s24], $0x1E88  }
0x37: {  	[sflag:s24] =	ssyncset.done $0x0  }
0x38: {  	[sflag:s24] =	ssyncadd.s32 $0xFFFFE178  }
0x39: {  	[spmem:s13] =	stream.linear.scatter [tilespmem:s23], [sflag:$0x3], $0x1E88, $0x38;
	[tilespmem:$0x19C40] =	vst v63  }
0x3a: {  	_ =	swait.ge [sflag:s26], $0x1E88  }
0x3b: {  	[sflag:s26] =	ssyncset.done $0x0  }
0x3c: {  	[sflag:s26] =	ssyncadd.s32 $0xFFFFE178  }
0x3d: {  	[tilespmem:s25], [sflag:$0x2] =	stream.linear.gather [hbm4b:s14+s3], $0x1E88, $0x38;
	[tilespmem:$0x19C40] =	vst v63  }
0x3e: {  	_ =	swait.ge [sflag:s24], $0x1E88  }
0x3f: {  	[sflag:s24] =	ssyncset.done $0x0  }
0x40: {  	[sflag:s24] =	ssyncadd.s32 $0xFFFFE178  }
0x41: {  	[spmem:s15] =	stream.linear.scatter [tilespmem:s25], [sflag:$0x3], $0x1E88, $0x38;
	[tilespmem:$0x19C40] =	vst v63  }
0x42: {  	_ =	swait.ge [sflag:s26], $0x1E88  }
0x43: {  	[sflag:s26] =	ssyncset.done $0x0  }
0x44: {  	[sflag:s26] =	ssyncadd.s32 $0xFFFFE178  }
0x45: {  	[tilespmem:s23], [sflag:$0x2] =	stream.linear.gather [hbm4b:s16+s3], $0x1E88, $0x38;
	[tilespmem:$0x19C40] =	vst v63  }
0x46: {  	_ =	swait.ge [sflag:s24], $0x1E88  }
0x47: {  	[sflag:s24] =	ssyncset.done $0x0  }
0x48: {  	[sflag:s24] =	ssyncadd.s32 $0xFFFFE178  }
0x49: {  	[spmem:s17] =	stream.linear.scatter [tilespmem:s23], [sflag:$0x3], $0x1E88, $0x38;
	[tilespmem:$0x19C40] =	vst v63  }
0x4a: {  	_ =	swait.ge [sflag:s26], $0x1E88  }
0x4b: {  	[sflag:s26] =	ssyncset.done $0x0  }
0x4c: {  	[sflag:s26] =	ssyncadd.s32 $0xFFFFE178  }
0x4d: {  	[tilespmem:s25], [sflag:$0x2] =	stream.linear.gather [hbm4b:s18+s3], $0x1E88, $0x38;
	[tilespmem:$0x19C40] =	vst v63  }
0x4e: {  	_ =	swait.ge [sflag:s24], $0x1E88  }
0x4f: {  	[sflag:s24] =	ssyncset.done $0x0  }
0x50: {  	[sflag:s24] =	ssyncadd.s32 $0xFFFFE178  }
0x51: {  	[spmem:s19] =	stream.linear.scatter [tilespmem:s25], [sflag:$0x3], $0x1E88, $0x38;
	[tilespmem:$0x19C40] =	vst v63  }
0x52: {  	_ = 	snop  }
0x53: {  	[tilespmem:s3], [sflag:$0x4] =	stream.linear.gather [hbm4b:s20+s3], $0x3400, $0x38;
	[tilespmem:$0x19C40] =	vst v63  }
0x54: {  	_ =	swait.ge [sflag:s28], $0x3400  }
0x55: {  	[sflag:s28] =	ssyncset.done $0x0  }
0x56: {  	[sflag:s28] =	ssyncadd.s32 $0xFFFFCC00  }
0x57: {  	_ =	swait.ge [sflag:s26], $0x1E88  }
0x58: {  	[sflag:s26] =	ssyncset.done $0x0  }
0x59: {  	[sflag:s26] =	ssyncadd.s32 $0xFFFFE178  }
0x5a: {  	_ =	swait.ge [sflag:s26], $0x1E88  }
0x5b: {  	[sflag:s26] =	ssyncset.done $0x0  }
0x5c: {  	[sflag:s26] =	ssyncadd.s32 $0xFFFFE178  }
0x5d: {  	[bflag:$0x0] =	sbarrier.arrive $0xFFFF  }
0x5e: {  	[tilespmem:s29], [sflag:$0x1] =	stream.indirect.gather [spmem:s2], $0x1, s3, s29, $0xb8;
	[tilespmem:$0x19C40] =	vst v63  }
0x5f: {  	_ =	swait.ge [sflag:s30], $0x3400  }
0x60: {  	[sflag:s30] =	ssyncset.done $0x0  }
0x61: {  	[sflag:s30] =	ssyncadd.s32 $0xFFFFCC00  }
0x62: {  	v9 =	vld [tilespmem:$0x3400]  }
0x63: {  	v8 =	vld [tilespmem:$0x3600]  }
0x64: {  	v11 =	vld [tilespmem:$0x3800]  }
0x65: {  	v62 =	vld [tilespmem:$0x3A00]  }
0x66: {  	v14 =	vld [tilespmem:$0x3C00]  }
0x67: {  	v15 =	vld [tilespmem:$0x3E00]  }
0x68: {  	v17 =	vld [tilespmem:$0x4000]  }
0x69: {  	v19 =	vld [tilespmem:$0x4200]  }
0x6a: {  	v20 =	vld [tilespmem:$0x4400]  }
0x6b: {  	v23 =	vld [tilespmem:$0x4600]  }
0x6c: {  	v58 =	vld [tilespmem:$0x4800]  }
0x6d: {  	v47 =	vld [tilespmem:$0x4A00]  }
0x6e: {  	v32 =	vld [tilespmem:$0x4C00]  }
0x6f: {  	v28 =	vld [tilespmem:$0x4E00]  }
0x70: {  	v33 =	vld [tilespmem:$0x5000]  }
0x71: {  	v60 =	vld [tilespmem:$0x5200]  }
0x72: {  	v34 =	vld [tilespmem:$0x5400]  }
0x73: {  	v38 =	vld [tilespmem:$0x5600]  }
0x74: {  	v40 =	vld [tilespmem:$0x5800]  }
0x75: {  	v42 =	vld [tilespmem:$0x5A00]  }
0x76: {  	v44 =	vld [tilespmem:$0x5C00]  }
0x77: {  	v46 =	vld [tilespmem:$0x5E00]  }
0x78: {  	v50 =	vld [tilespmem:$0x6000]  }
0x79: {  	v61 =	vld [tilespmem:$0x6200]  }
0x7a: {  	v55 =	vld [tilespmem:$0x6400]  }
0x7b: {  	v63 =	vld [tilespmem:$0x6600]  }
0x7c: {  	v53 =	vld [tilespmem:$0x3410]  }
0x7d: {  	v52 =	vld [tilespmem:$0x3610]  }
0x7e: {  	v59 =	vld [tilespmem:$0x3810]  }
0x7f: {  	v0 =	vld [tilespmem:$0x3A10]  }
0x80: {  	v22 =	vld [tilespmem:$0x3C10]  }
0x81: {  	v24 =	vld [tilespmem:$0x3E10]  }
0x82: {  	v25 =	vld [tilespmem:$0x4010]  }
0x83: {  	v26 =	vld [tilespmem:$0x4210]  }
0x84: {  	v27 =	vld [tilespmem:$0x4410]  }
0x85: {  	v29 =	vld [tilespmem:$0x4610]  }
0x86: {  	v30 =	vld [tilespmem:$0x4810]  }
0x87: {  	v31 =	vld [tilespmem:$0x4A10]  }
0x88: {  	v35 =	vld [tilespmem:$0x4C10]  }
0x89: {  	v36 =	vld [tilespmem:$0x4E10]  }
0x8a: {  	v37 =	vld [tilespmem:$0x5010]  }
0x8b: {  	v39 =	vld [tilespmem:$0x5210]  }
0x8c: {  	v41 =	vld [tilespmem:$0x5410]  }
0x8d: {  	v43 =	vld [tilespmem:$0x5610]  }
0x8e: {  	v45 =	vld [tilespmem:$0x5810]  }
0x8f: {  	v48 =	vld [tilespmem:$0x5A10]  }
0x90: {  	v49 =	vld [tilespmem:$0x5C10]  }
0x91: {  	v51 =	vld [tilespmem:$0x5E10]  }
0x92: {  	v54 =	vld [tilespmem:$0x6010]  }
0x93: {  	v56 =	vld [tilespmem:$0x6210]  }
0x94: {  	v57 =	vld [tilespmem:$0x6410]  }
0x95: {  	v4 =	vld [tilespmem:$0x6610]  }
0x96: {  	v5 =	vld [tilespmem:$0x4220]  }
0x97: {  	v6 =	vld [tilespmem:$0x4420]  }
0x98: {  	v7 =	vld [tilespmem:$0x4620]  }
0x99: {  	v10 =	vld [tilespmem:$0x4820]  }
0x9a: {  	v12 =	vld [tilespmem:$0x4A20]  }
0x9b: {  	v13 =	vld [tilespmem:$0x4C20]  }
0x9c: {  	v16 =	vld [tilespmem:$0x4E20]  }
0x9d: {  	v18 =	vld [tilespmem:$0x5020]  }
0x9e: {  	v21 =	vld [tilespmem:$0x5220]  }
0x9f: {  	v1 =	vld [tilespmem:$0x3440]  }
0xa0: {  	v2 =	vld [tilespmem:$0x3840]  }
0xa1: {  	v3 =	vld [tilespmem:$0x3A40];
	[tilespmem:$0x1E620] =	vst v0  }
0xa2: {  	[tilespmem:$0x1E680] =	vst v27;
	v27 =	vld [tilespmem:$0x3420]  }
0xa3: {  	[tilespmem:$0x1E660] =	vst v26;
	v26 =	vld [tilespmem:$0x3620]  }
0xa4: {  	[tilespmem:$0x1E6E0] =	vst v31;
	v31 =	vld [tilespmem:$0x3820]  }
0xa5: {  	[tilespmem:$0x1E760] =	vst v37;
	v37 =	vld [tilespmem:$0x3A20]  }
0xa6: {  	[tilespmem:$0x1E7F0] =	vst v43;
	v43 =	vld [tilespmem:$0x3C20]  }
0xa7: {  	[tilespmem:$0x1E8B0] =	vst v49;
	v49 =	vld [tilespmem:$0x3E20]  }
0xa8: {  	[tilespmem:$0x1E930] =	vst v54;
	v54 =	vld [tilespmem:$0x4020]  }
0xa9: {  	[tilespmem:$0x1E630] =	vst v22;
	v22 =	vld [tilespmem:$0x5420]  }
0xaa: {  	[tilespmem:$0x1E640] =	vst v24;
	v24 =	vld [tilespmem:$0x5620]  }
0xab: {  	[tilespmem:$0x1E650] =	vst v25;
	v25 =	vld [tilespmem:$0x5820]  }
0xac: {  	[tilespmem:$0x1E6A0] =	vst v29;
	v29 =	vld [tilespmem:$0x5A20]  }
0xad: {  	[tilespmem:$0x1E6C0] =	vst v30;
	v30 =	vld [tilespmem:$0x5C20]  }
0xae: {  	[tilespmem:$0x1E700] =	vst v35;
	v35 =	vld [tilespmem:$0x5E20]  }
0xaf: {  	[tilespmem:$0x1E730] =	vst v36;
	v36 =	vld [tilespmem:$0x6020]  }
0xb0: {  	[tilespmem:$0x1E9B0] =	vst v57;
	v57 =	vld [tilespmem:$0x4E30]  }
0xb1: {  	[tilespmem:$0x1E790] =	vst v39;
	v39 =	vld [tilespmem:$0x6220]  }
0xb2: {  	[tilespmem:$0x1E7C0] =	vst v41;
	v41 =	vld [tilespmem:$0x6420]  }
0xb3: {  	[tilespmem:$0x1E830] =	vst v45;
	v45 =	vld [tilespmem:$0x6620]  }
0xb4: {  	[tilespmem:$0x1E6B0] =	vst v7;
	v7 =	vld [tilespmem:$0x3430]  }
0xb5: {  	[tilespmem:$0x1E770] =	vst v57;
	v57 =	vld [tilespmem:$0x5440]  }
0xb6: {  	[tilespmem:$0x1E690] =	vst v6;
	v6 =	vld [tilespmem:$0x3630]  }
0xb7: {  	[tilespmem:$0x1E6F0] =	vst v12;
	v12 =	vld [tilespmem:$0x3830]  }
0xb8: {  	[tilespmem:$0x1E750] =	vst v16;
	v16 =	vld [tilespmem:$0x3A30]  }
0xb9: {  	[tilespmem:$0x1E7B0] =	vst v21;
	v21 =	vld [tilespmem:$0x3C30]  }
0xba: {  	[tilespmem:$0x1E820] =	vst v57;
	v57 =	vld [tilespmem:$0x5640]  }
0xbb: {  	[tilespmem:$0x1E8F0] =	vst v51;
	v51 =	vld [tilespmem:$0x4830]  }
0xbc: {  	[tilespmem:$0x1E870] =	vst v48;
	v48 =	vld [tilespmem:$0x4A30]  }
0xbd: {  	[tilespmem:$0x1E970] =	vst v56;
	v56 =	vld [tilespmem:$0x4C30]  }
0xbe: {  	[tilespmem:$0x1E9F0] =	vst v4;
	v4 =	vld [tilespmem:$0x5030]  }
0xbf: {  	[tilespmem:$0x1E860] =	vst v57;
	v57 =	vld [tilespmem:$0x5840]  }
0xc0: {  	[tilespmem:$0x1E670] =	vst v5;
	v5 =	vld [tilespmem:$0x5230]  }
0xc1: {  	[tilespmem:$0x1E6D0] =	vst v10;
	v10 =	vld [tilespmem:$0x5430]  }
0xc2: {  	[tilespmem:$0x1E720] =	vst v13;
	v13 =	vld [tilespmem:$0x5630]  }
0xc3: {  	[tilespmem:$0x1E780] =	vst v18;
	v18 =	vld [tilespmem:$0x5830]  }
0xc4: {  	[tilespmem:$0x1E8A0] =	vst v57;
	v57 =	vld [tilespmem:$0x5A40]  }
0xc5: {  	v0 =	vld [tilespmem:$0x3640];
	[tilespmem:$0x1E7E0] =	vst v22  }
0xc6: {  	[tilespmem:$0x1E810] =	vst v24;
	v24 =	vld [tilespmem:$0x3E30]  }
0xc7: {  	v8 =	vadd.f32 v8, v9;
	[tilespmem:$0x1E890] =	vst v29;
	v29 =	vld [tilespmem:$0x4030]  }
0xc8: {  	[tilespmem:$0x1E910] =	vst v35;
	v35 =	vld [tilespmem:$0x4230]  }
0xc9: {  	v8 =	vadd.f32 v11, v8;
	[tilespmem:$0x1E8E0] =	vst v57;
	v57 =	vld [tilespmem:$0x5C40]  }
0xca: {  	[tilespmem:$0x1E990] =	vst v39;
	v39 =	vld [tilespmem:$0x4430]  }
0xcb: {  	v8 =	vadd.f32 v62, v8;
	[tilespmem:$0x1EA10] =	vst v45;
	v45 =	vld [tilespmem:$0x4630]  }
0xcc: {  	[tilespmem:$0x1E850] =	vst v25;
	v22 =	vld [tilespmem:$0x5A30]  }
0xcd: {  	[tilespmem:$0x1E8D0] =	vst v30;
	v25 =	vld [tilespmem:$0x5C30];
	v8 =	vadd.f32 v14, v8  }
0xce: {  	[tilespmem:$0x1E920] =	vst v57;
	v57 =	vld [tilespmem:$0x5E40]  }
0xcf: {  	[tilespmem:$0x1E950] =	vst v36;
	v30 =	vld [tilespmem:$0x5E30];
	v8 =	vadd.f32 v15, v8  }
0xd0: {  	[tilespmem:$0x1E9D0] =	vst v41;
	v36 =	vld [tilespmem:$0x6030]  }
0xd1: {  	[tilespmem:$0x1E710] =	vst v48;
	v41 =	vld [tilespmem:$0x6230];
	v8 =	vadd.f32 v17, v8  }
0xd2: {  	[tilespmem:$0x1E740] =	vst v56;
	v48 =	vld [tilespmem:$0x6430]  }
0xd3: {  	v8 =	vadd.f32 v19, v8;
	[tilespmem:$0x1E960] =	vst v57;
	v57 =	vld [tilespmem:$0x6040]  }
0xd4: {  	[tilespmem:$0x1E7A0] =	vst v4;
	v56 =	vld [tilespmem:$0x6630]  }
0xd5: {  	[tilespmem:$0x1E7D0] =	vst v5;
	v4 =	vld [tilespmem:$0x3C40];
	v8 =	vadd.f32 v20, v8  }
0xd6: {  	[tilespmem:$0x1E800] =	vst v10;
	v5 =	vld [tilespmem:$0x3E40]  }
0xd7: {  	[tilespmem:$0x1E840] =	vst v13;
	v10 =	vld [tilespmem:$0x4040];
	v8 =	vadd.f32 v23, v8  }
0xd8: {  	[tilespmem:$0x1E9A0] =	vst v57;
	v57 =	vld [tilespmem:$0x6240]  }
0xd9: {  	[tilespmem:$0x1E880] =	vst v18;
	v13 =	vld [tilespmem:$0x4240];
	v8 =	vadd.f32 v58, v8  }
0xda: {  	v18 =	vld [tilespmem:$0x4440];
	[tilespmem:$0x1E8C0] =	vst v22  }
0xdb: {  	[tilespmem:$0x1E900] =	vst v25;
	v22 =	vld [tilespmem:$0x4640];
	v8 =	vadd.f32 v47, v8  }
0xdc: {  	[tilespmem:$0x1E940] =	vst v30;
	v25 =	vld [tilespmem:$0x4840]  }
0xdd: {  	v8 =	vadd.f32 v32, v8;
	[tilespmem:$0x1E9E0] =	vst v57;
	v57 =	vld [tilespmem:$0x6440]  }
0xde: {  	[tilespmem:$0x1E980] =	vst v36;
	v30 =	vld [tilespmem:$0x4A40]  }
0xdf: {  	[tilespmem:$0x1E9C0] =	vst v41;
	v36 =	vld [tilespmem:$0x4C40];
	v8 =	vadd.f32 v28, v8  }
0xe0: {  	[tilespmem:$0x1EA00] =	vst v48;
	v41 =	vld [tilespmem:$0x4E40]  }
0xe1: {  	[tilespmem:$0x1EA30] =	vst v56;
	v48 =	vld [tilespmem:$0x5040];
	v8 =	vadd.f32 v33, v8  }
0xe2: {  	v56 =	vld [tilespmem:$0x5240];
	[tilespmem:$0x1EA20] =	vst v57  }
0xe3: {  	v8 =	vadd.f32 v60, v8;
	v57 =	vld [tilespmem:$0x6640]  }
0xe4: {  	v62 =	vld [tilespmem:$0x3660]  }
0xe5: {  	v8 =	vadd.f32 v34, v8;
	v14 =	vld [tilespmem:$0x3C60]  }
0xe6: {  	v15 =	vld [tilespmem:$0x3E60]  }
0xe7: {  	v8 =	vadd.f32 v38, v8;
	v17 =	vld [tilespmem:$0x4860]  }
0xe8: {  	v19 =	vld [tilespmem:$0x4A60]  }
0xe9: {  	v8 =	vadd.f32 v40, v8;
	v20 =	vld [tilespmem:$0x4C60]  }
0xea: {  	v23 =	vld [tilespmem:$0x5C60]  }
0xeb: {  	v8 =	vadd.f32 v42, v8;
	v32 =	vld [tilespmem:$0x5E60]  }
0xec: {  	v47 =	vld [tilespmem:$0x6060]  }
0xed: {  	v8 =	vadd.f32 v44, v8;
	v58 =	vld [tilespmem:$0x6460]  }
0xee: {  	v34 =	vld [tilespmem:$0x3870]  }
0xef: {  	v8 =	vadd.f32 v46, v8;
	v38 =	vld [tilespmem:$0x3E70]  }
0xf0: {  	v60 =	vld [tilespmem:$0x4270]  }
0xf1: {  	v8 =	vadd.f32 v50, v8;
	v50 =	vld [tilespmem:$0x4E70]  }
0xf2: {  	v28 =	vld [tilespmem:$0x5070]  }
0xf3: {  	v8 =	vadd.f32 v61, v8;
	v61 =	vld [tilespmem:$0x5270]  }
0xf4: {  	v33 =	vld [tilespmem:$0x5470]  }
0xf5: {  	v40 =	vld [tilespmem:$0x5670]  }
0xf6: {  	[tilespmem:$0x1EA60] =	vst v57;
	v57 =	vld [tilespmem:$0x3450]  }
0xf7: {  	v44 =	vld [tilespmem:$0x5870]  }
0xf8: {  	v42 =	vadd.f32 v52, v53;
	v52 =	vld [tilespmem:$0x5A70]  }
0xf9: {  	v6 =	vadd.f32 v6, v7;
	v0 =	vadd.f32 v0, v1;
	v53 =	vld [tilespmem:$0x5C70]  }
0xfa: {  	v9 =	vadd.f32 v59, v42;
	v8 =	vadd.f32 v55, v8;
	v59 =	vld [tilespmem:$0x1E620]  }
0xfb: {  	v6 =	vadd.f32 v12, v6;
	[tilespmem:$0x1EA40] =	vst v57;
	v57 =	vld [tilespmem:$0x3650]  }
0xfc: {  	v0 =	vadd.f32 v2, v0;
	v8 =	vadd.f32 v63, v8;
	v63 =	vld [tilespmem:$0x6070]  }
0xfd: {  	v46 =	vadd.f32 v26, v27;
	v11 =	vld [tilespmem:$0x1E630]  }
0xfe: {  	v12 =	vadd.f32 v16, v6;
	v0 =	vadd.f32 v3, v0;
	v26 =	vld [tilespmem:$0x1E650]  }
0xff: {  	v55 =	vadd.f32 v31, v46;
	v31 =	vld [tilespmem:$0x3880]  }
0x100: {  	v2 =	vadd.f32 v21, v12;
	v0 =	vadd.f32 v4, v0;
	[tilespmem:$0x1EA50] =	vst v57;
	v57 =	vld [tilespmem:$0x3850]  }
0x101: {  	v21 =	vld [tilespmem:$0x3A80]  }
0x102: {  	v2 =	vadd.f32 v24, v2;
	v0 =	vadd.f32 v5, v0;
	v27 =	vld [tilespmem:$0x1E660]  }
0x103: {  	v42 =	vld [tilespmem:$0x3C80]  }
0x104: {  	v2 =	vadd.f32 v29, v2;
	v29 =	vadd.f32 v10, v0;
	v0 =	vld [tilespmem:$0x3E80]  }
0x105: {  	[tilespmem:$0x1EA90] =	vst v57;
	v57 =	vld [tilespmem:$0x3A50]  }
0x106: {  	v7 =	vadd.f32 v37, v55;
	v37 =	vld [tilespmem:$0x1E690]  }
0x107: {  	v46 =	vld [tilespmem:$0x4280]  }
0x108: {  	v4 =	vadd.f32 v13, v29;
	v13 =	vld [tilespmem:$0x4480]  }
0x109: {  	v16 =	vadd.f32 v43, v7;
	v43 =	vld [tilespmem:$0x1E6B0]  }
0x10a: {  	[tilespmem:$0x1EAB0] =	vst v57;
	v57 =	vld [tilespmem:$0x3C50]  }
0x10b: {  	v12 =	vld [tilespmem:$0x4680]  }
0x10c: {  	v6 =	vld [tilespmem:$0x4880]  }
0x10d: {  	[tilespmem:$0x1EEC0] =	vst v8;
	v8 =	vld [tilespmem:$0x4C80]  }
0x10e: {  	v2 =	vadd.f32 v35, v2;
	v55 =	vld [tilespmem:$0x1E710]  }
0x10f: {  	[tilespmem:$0x1EAD0] =	vst v57;
	v57 =	vld [tilespmem:$0x3E50]  }
0x110: {  	v2 =	vadd.f32 v39, v2;
	v39 =	vld [tilespmem:$0x5080]  }
0x111: {  	v4 =	vadd.f32 v18, v4;
	v7 =	vld [tilespmem:$0x5280]  }
0x112: {  	v18 =	vld [tilespmem:$0x1E730]  }
0x113: {  	v4 =	vadd.f32 v22, v4;
	v22 =	vld [tilespmem:$0x1E750]  }
0x114: {  	[tilespmem:$0x1EAF0] =	vst v57;
	v57 =	vld [tilespmem:$0x4050]  }
0x115: {  	v24 =	vld [tilespmem:$0x5680]  }
0x116: {  	v4 =	vadd.f32 v25, v4;
	v25 =	vld [tilespmem:$0x1E770]  }
0x117: {  	v29 =	vld [tilespmem:$0x1E790]  }
0x118: {  	v35 =	vld [tilespmem:$0x1E7C0]  }
0x119: {  	v2 =	vadd.f32 v45, v2;
	[tilespmem:$0x1EB10] =	vst v57;
	v57 =	vld [tilespmem:$0x4250]  }
0x11a: {  	v45 =	vld [tilespmem:$0x1E810]  }
0x11b: {  	v2 =	vadd.f32 v51, v2;
	v51 =	vld [tilespmem:$0x1E840]  }
0x11c: {  	v10 =	vld [tilespmem:$0x1E890]  }
0x11d: {  	[tilespmem:$0x1EA80] =	vst v62;
	v62 =	vld [tilespmem:$0x3A60]  }
0x11e: {  	[tilespmem:$0x1EB30] =	vst v57;
	v57 =	vld [tilespmem:$0x4450]  }
0x11f: {  	[tilespmem:$0x1EAE0] =	vst v14;
	v14 =	vld [tilespmem:$0x4460]  }
0x120: {  	[tilespmem:$0x1EB00] =	vst v15;
	v15 =	vld [tilespmem:$0x4660]  }
0x121: {  	[tilespmem:$0x1EBB0] =	vst v17;
	v17 =	vld [tilespmem:$0x5660]  }
0x122: {  	[tilespmem:$0x1EBE0] =	vst v19;
	v19 =	vld [tilespmem:$0x5860]  }
0x123: {  	[tilespmem:$0x1EB50] =	vst v57;
	v57 =	vld [tilespmem:$0x4650]  }
0x124: {  	[tilespmem:$0x1EC10] =	vst v20;
	v20 =	vld [tilespmem:$0x5A60]  }
0x125: {  	[tilespmem:$0x1EDA0] =	vst v32;
	v32 =	vld [tilespmem:$0x3A70]  }
0x126: {  	[tilespmem:$0x1EDD0] =	vst v47;
	v47 =	vld [tilespmem:$0x3C70]  }
0x127: {  	[tilespmem:$0x1EE30] =	vst v58;
	v58 =	vld [tilespmem:$0x4070]  }
0x128: {  	[tilespmem:$0x1EB70] =	vst v57;
	v57 =	vld [tilespmem:$0x4850]  }
0x129: {  	[tilespmem:$0x1ED70] =	vst v23;
	v23 =	vld [tilespmem:$0x4C70]  }
0x12a: {  	v1 =	vadd.f32 v59, v9;
	v9 =	vld [tilespmem:$0x6270]  }
0x12b: {  	[tilespmem:$0x1EC80] =	vst v28;
	v28 =	vld [tilespmem:$0x1E670]  }
0x12c: {  	[tilespmem:$0x1ECD0] =	vst v33;
	v33 =	vld [tilespmem:$0x1E680]  }
0x12d: {  	[tilespmem:$0x1EB90] =	vst v57;
	v57 =	vld [tilespmem:$0x4A50]  }
0x12e: {  	[tilespmem:$0x1ED00] =	vst v40;
	v40 =	vld [tilespmem:$0x1E6A0]  }
0x12f: {  	[tilespmem:$0x1ED30] =	vst v44;
	v44 =	vld [tilespmem:$0x1E6C0]  }
0x130: {  	[tilespmem:$0x1ED60] =	vst v52;
	v52 =	vld [tilespmem:$0x1E6E0]  }
0x131: {  	[tilespmem:$0x1ED90] =	vst v53;
	v53 =	vld [tilespmem:$0x1E6F0]  }
0x132: {  	[tilespmem:$0x1EBC0] =	vst v57;
	v57 =	vld [tilespmem:$0x4C50]  }
0x133: {  	[tilespmem:$0x1EDF0] =	vst v63;
	v63 =	vld [tilespmem:$0x4E80]  }
0x134: {  	v59 =	vadd.f32 v30, v4;
	v30 =	vld [tilespmem:$0x1E7A0]  }
0x135: {  	v2 =	vadd.f32 v55, v2;
	v55 =	vld [tilespmem:$0x1E870]  }
0x136: {  	v1 =	vadd.f32 v11, v1;
	v11 =	vadd.f32 v36, v59;
	v36 =	vld [tilespmem:$0x1E7D0]  }
0x137: {  	[tilespmem:$0x1EBF0] =	vst v57;
	v57 =	vld [tilespmem:$0x4E50]  }
0x138: {  	v59 =	vld [tilespmem:$0x1E880]  }
0x139: {  	[tilespmem:$0x1EAC0] =	vst v62;
	v62 =	vld [tilespmem:$0x4260]  }
0x13a: {  	[tilespmem:$0x1EB60] =	vst v14;
	v14 =	vld [tilespmem:$0x5260]  }
0x13b: {  	[tilespmem:$0x1EB80] =	vst v15;
	v15 =	vld [tilespmem:$0x5460]  }
0x13c: {  	[tilespmem:$0x1EC20] =	vst v57;
	v57 =	vld [tilespmem:$0x5050]  }
0x13d: {  	[tilespmem:$0x1ECE0] =	vst v17;
	v17 =	vld [tilespmem:$0x3670]  }
0x13e: {  	[tilespmem:$0x1ED10] =	vst v19;
	v19 =	vld [tilespmem:$0x4870]  }
0x13f: {  	[tilespmem:$0x1ED40] =	vst v20;
	v20 =	vld [tilespmem:$0x4A70]  }
0x140: {  	[tilespmem:$0x1EE20] =	vst v9;
	v9 =	vld [tilespmem:$0x3480]  }
0x141: {  	v11 =	vadd.f32 v41, v11;
	[tilespmem:$0x1EC50] =	vst v57;
	v57 =	vld [tilespmem:$0x5250]  }
0x142: {  	[tilespmem:$0x1EC30] =	vst v23;
	v23 =	vadd.f32 v49, v16;
	v49 =	vld [tilespmem:$0x1E6D0]  }
0x143: {  	v11 =	vadd.f32 v48, v11;
	v48 =	vld [tilespmem:$0x1E820]  }
0x144: {  	v3 =	vadd.f32 v54, v23;
	v54 =	vld [tilespmem:$0x1E700]  }
0x145: {  	v23 =	vld [tilespmem:$0x1E760]  }
0x146: {  	[tilespmem:$0x1EC70] =	vst v57;
	v57 =	vld [tilespmem:$0x5450]  }
0x147: {  	v41 =	vadd.f32 v56, v11;
	v11 =	vld [tilespmem:$0x6280]  }
0x148: {  	[tilespmem:$0x1EB40] =	vst v62;
	v62 =	vld [tilespmem:$0x5060]  }
0x149: {  	[tilespmem:$0x1ECB0] =	vst v15;
	v15 =	vld [tilespmem:$0x3470]  }
0x14a: {  	[tilespmem:$0x1EC90] =	vst v14;
	v14 =	vld [tilespmem:$0x4670]  }
0x14b: {  	v3 =	vadd.f32 v28, v3;
	[tilespmem:$0x1ECA0] =	vst v57;
	v57 =	vld [tilespmem:$0x5650]  }
0x14c: {  	[tilespmem:$0x1EBD0] =	vst v19;
	v19 =	vld [tilespmem:$0x6670]  }
0x14d: {  	[tilespmem:$0x1EC00] =	vst v20;
	v20 =	vld [tilespmem:$0x1E640];
	v3 =	vadd.f32 v37, v3  }
0x14e: {  	v37 =	vld [tilespmem:$0x1E7E0]  }
0x14f: {  	v3 =	vadd.f32 v43, v3;
	v43 =	vld [tilespmem:$0x1E7F0]  }
0x150: {  	[tilespmem:$0x1ECC0] =	vst v57;
	v57 =	vld [tilespmem:$0x5850]  }
0x151: {  	[tilespmem:$0x1EC60] =	vst v62;
	v62 =	vld [tilespmem:$0x6660]  }
0x152: {  	[tilespmem:$0x1EBA0] =	vst v14;
	v14 =	vld [tilespmem:$0x6470]  }
0x153: {  	[tilespmem:$0x1EE70] =	vst v19;
	v19 =	vld [tilespmem:$0x1E740]  }
0x154: {  	v1 =	vadd.f32 v20, v1;
	v3 =	vadd.f32 v49, v3;
	v49 =	vld [tilespmem:$0x1E830]  }
0x155: {  	[tilespmem:$0x1ECF0] =	vst v57;
	v57 =	vld [tilespmem:$0x5A50]  }
0x156: {  	v15 =	vadd.f32 v17, v15;
	v1 =	vadd.f32 v26, v1;
	v26 =	vld [tilespmem:$0x1E780]  }
0x157: {  	v3 =	vadd.f32 v53, v3;
	v53 =	vld [tilespmem:$0x1E860]  }
0x158: {  	v15 =	vadd.f32 v34, v15;
	v34 =	vld [tilespmem:$0x5E90]  }
0x159: {  	v1 =	vadd.f32 v27, v1;
	v27 =	vld [tilespmem:$0x4A80]  }
0x15a: {  	[tilespmem:$0x1ED20] =	vst v57;
	v57 =	vld [tilespmem:$0x5C50]  }
0x15b: {  	v15 =	vadd.f32 v32, v15;
	v32 =	vld [tilespmem:$0x6690]  }
0x15c: {  	[tilespmem:$0x1EE60] =	vst v62;
	v62 =	vld [tilespmem:$0x4470]  }
0x15d: {  	[tilespmem:$0x1EE50] =	vst v14;
	v14 =	vld [tilespmem:$0x3680]  }
0x15e: {  	v20 =	vadd.f32 v19, v2;
	v2 =	vld [tilespmem:$0x5480]  }
0x15f: {  	[tilespmem:$0x1ED50] =	vst v57;
	v57 =	vld [tilespmem:$0x5E50]  }
0x160: {  	v19 =	vadd.f32 v48, v41;
	v41 =	vld [tilespmem:$0x3C90]  }
0x161: {  	v48 =	vld [tilespmem:$0x1E910]  }
0x162: {  	v5 =	vadd.f32 v33, v1;
	v1 =	vld [tilespmem:$0x4080]  }
0x163: {  	v33 =	vld [tilespmem:$0x1E7B0]  }
0x164: {  	[tilespmem:$0x1ED80] =	vst v57;
	v57 =	vld [tilespmem:$0x6050]  }
0x165: {  	v16 =	vadd.f32 v25, v20;
	v25 =	vld [tilespmem:$0x5C80]  }
0x166: {  	v20 =	vld [tilespmem:$0x1E8A0]  }
0x167: {  	v19 =	vadd.f32 v53, v19;
	v53 =	vld [tilespmem:$0x1E940]  }
0x168: {  	v15 =	vadd.f32 v47, v15;
	v5 =	vadd.f32 v40, v5;
	v40 =	vld [tilespmem:$0x5880]  }
0x169: {  	[tilespmem:$0x1EDB0] =	vst v57;
	v57 =	vld [tilespmem:$0x6250]  }
0x16a: {  	v15 =	vadd.f32 v38, v15;
	v38 =	vld [tilespmem:$0x46A0]  }
0x16b: {  	v16 =	vadd.f32 v30, v16;
	v30 =	vld [tilespmem:$0x1E8D0]  }
0x16c: {  	[tilespmem:$0x1EF40] =	vst v32;
	v32 =	vld [tilespmem:$0x1EBA0]  }
0x16d: {  	v5 =	vadd.f32 v44, v5;
	v44 =	vld [tilespmem:$0x1E800]  }
0x16e: {  	[tilespmem:$0x1EDE0] =	vst v57;
	v57 =	vld [tilespmem:$0x6450]  }
0x16f: {  	v15 =	vadd.f32 v58, v15;
	v58 =	vld [tilespmem:$0x1EB40]  }
0x170: {  	v16 =	vadd.f32 v36, v16;
	v36 =	vld [tilespmem:$0x6080]  }
0x171: {  	v9 =	vadd.f32 v14, v9;
	v5 =	vadd.f32 v52, v5;
	v52 =	vld [tilespmem:$0x1E850]  }
0x172: {  	v19 =	vadd.f32 v20, v19;
	v20 =	vld [tilespmem:$0x1E980]  }
0x173: {  	v31 =	vadd.f32 v31, v9;
	[tilespmem:$0x1EE10] =	vst v57;
	v57 =	vld [tilespmem:$0x6650]  }
0x174: {  	v9 =	vld [tilespmem:$0x1EAD0]  }
0x175: {  	v5 =	vadd.f32 v54, v5;
	v54 =	vld [tilespmem:$0x5A80];
	v21 =	vadd.f32 v21, v31  }
0x176: {  	v31 =	vld [tilespmem:$0x1EB00]  }
0x177: {  	v16 =	vadd.f32 v44, v16;
	v44 =	vld [tilespmem:$0x1E900];
	v21 =	vadd.f32 v42, v21  }
0x178: {  	v5 =	vadd.f32 v18, v5;
	[tilespmem:$0x1EE40] =	vst v57;
	v57 =	vld [tilespmem:$0x3460]  }
0x179: {  	v16 =	vadd.f32 v51, v16;
	v51 =	vld [tilespmem:$0x3690];
	v0 =	vadd.f32 v0, v21  }
0x17a: {  	v5 =	vadd.f32 v23, v5;
	v23 =	vld [tilespmem:$0x1E8B0]  }
0x17b: {  	v21 =	vld [tilespmem:$0x36A0];
	v0 =	vadd.f32 v1, v0  }
0x17c: {  	v16 =	vadd.f32 v59, v16;
	v59 =	vld [tilespmem:$0x3E90]  }
0x17d: {  	v0 =	vadd.f32 v46, v0;
	[tilespmem:$0x1EA70] =	vst v57;
	v57 =	vld [tilespmem:$0x3860]  }
0x17e: {  	v5 =	vadd.f32 v29, v5;
	v29 =	vld [tilespmem:$0x1E8C0]  }
0x17f: {  	[tilespmem:$0x1EEB0] =	vst v34;
	v34 =	vld [tilespmem:$0x1EB10];
	v0 =	vadd.f32 v13, v0  }
0x180: {  	v5 =	vadd.f32 v35, v5;
	v35 =	vld [tilespmem:$0x1E8F0]  }
0x181: {  	v46 =	vld [tilespmem:$0x3EA0];
	v0 =	vadd.f32 v12, v0  }
0x182: {  	[tilespmem:$0x1EAA0] =	vst v57;
	v57 =	vld [tilespmem:$0x4060]  }
0x183: {  	v5 =	vadd.f32 v43, v5;
	v43 =	vld [tilespmem:$0x3490];
	v0 =	vadd.f32 v6, v0  }
0x184: {  	v16 =	vadd.f32 v29, v16;
	v29 =	vld [tilespmem:$0x4090]  }
0x185: {  	v5 =	vadd.f32 v49, v5;
	v49 =	vld [tilespmem:$0x1E920];
	v0 =	vadd.f32 v27, v0  }
0x186: {  	v47 =	vld [tilespmem:$0x1EB30]  }
0x187: {  	v0 =	vadd.f32 v8, v0;
	[tilespmem:$0x1EB20] =	vst v57;
	v57 =	vld [tilespmem:$0x4E60]  }
0x188: {  	v16 =	vadd.f32 v44, v16;
	v44 =	vld [tilespmem:$0x1E9B0]  }
0x189: {  	v56 =	vadd.f32 v55, v5;
	v55 =	vld [tilespmem:$0x1E950];
	v0 =	vadd.f32 v63, v0  }
0x18a: {  	v16 =	vadd.f32 v53, v16;
	v53 =	vld [tilespmem:$0x4490]  }
0x18b: {  	v43 =	vadd.f32 v51, v43;
	v51 =	vld [tilespmem:$0x38C0];
	v0 =	vadd.f32 v39, v0  }
0x18c: {  	[tilespmem:$0x1EC40] =	vst v57;
	v57 =	vld [tilespmem:$0x6260]  }
0x18d: {  	v27 =	vld [tilespmem:$0x4EA0];
	v0 =	vadd.f32 v7, v0  }
0x18e: {  	v16 =	vadd.f32 v20, v16;
	v20 =	vld [tilespmem:$0x1E9F0]  }
0x18f: {  	v5 =	vld [tilespmem:$0x1EB50];
	v0 =	vadd.f32 v2, v0  }
0x190: {  	v39 =	vld [tilespmem:$0x5AA0]  }
0x191: {  	v24 =	vadd.f32 v24, v0;
	[tilespmem:$0x1EE00] =	vst v57;
	v57 =	vld [tilespmem:$0x5E70]  }
0x192: {  	v0 =	vld [tilespmem:$0x34B0]  }
0x193: {  	v24 =	vadd.f32 v40, v24;
	v40 =	vld [tilespmem:$0x36B0]  }
0x194: {  	v2 =	vld [tilespmem:$0x38B0]  }
0x195: {  	v12 =	vld [tilespmem:$0x1EBC0]  }
0x196: {  	v24 =	vadd.f32 v54, v24;
	[tilespmem:$0x1EDC0] =	vst v57;
	v57 =	vld [tilespmem:$0x1E720]  }
0x197: {  	v54 =	vld [tilespmem:$0x3AB0]  }
0x198: {  	v24 =	vadd.f32 v25, v24;
	v25 =	vld [tilespmem:$0x3EB0];
	v0 =	vadd.f32 v40, v0  }
0x199: {  	v40 =	vld [tilespmem:$0x58B0]  }
0x19a: {  	v0 =	vadd.f32 v2, v0;
	v2 =	vld [tilespmem:$0x54B0]  }
0x19b: {  	v42 =	vld [tilespmem:$0x1EB20];
	v3 =	vadd.f32 v57, v3  }
0x19c: {  	v57 =	vld [tilespmem:$0x5E80]  }
0x19d: {  	v3 =	vadd.f32 v22, v3;
	v22 =	vadd.f32 v23, v56;
	v56 =	vld [tilespmem:$0x1E960]  }
0x19e: {  	v23 =	vld [tilespmem:$0x1E990]  }
0x19f: {  	v28 =	vadd.f32 v26, v3;
	v26 =	vld [tilespmem:$0x6480]  }
0x1a0: {  	v22 =	vadd.f32 v35, v22;
	v35 =	vld [tilespmem:$0x1E9A0]  }
0x1a1: {  	v24 =	vadd.f32 v57, v24;
	v57 =	vld [tilespmem:$0x42B0]  }
0x1a2: {  	v18 =	vadd.f32 v33, v28;
	v28 =	vld [tilespmem:$0x3A90]  }
0x1a3: {  	v33 =	vld [tilespmem:$0x1E8E0]  }
0x1a4: {  	v24 =	vadd.f32 v36, v24;
	v36 =	vld [tilespmem:$0x1EE20]  }
0x1a5: {  	v18 =	vadd.f32 v37, v18;
	v37 =	vld [tilespmem:$0x6680]  }
0x1a6: {  	v11 =	vadd.f32 v11, v24;
	v24 =	vld [tilespmem:$0x34C0]  }
0x1a7: {  	v18 =	vadd.f32 v45, v18;
	v45 =	vld [tilespmem:$0x3890]  }
0x1a8: {  	v19 =	vadd.f32 v33, v19;
	v33 =	vld [tilespmem:$0x4290]  }
0x1a9: {  	v11 =	vadd.f32 v26, v11;
	v26 =	vld [tilespmem:$0x4AB0]  }
0x1aa: {  	v18 =	vadd.f32 v52, v18;
	v52 =	vld [tilespmem:$0x1E930]  }
0x1ab: {  	v19 =	vadd.f32 v49, v19;
	v49 =	vld [tilespmem:$0x4690]  }
0x1ac: {  	v18 =	vadd.f32 v10, v18;
	v10 =	vld [tilespmem:$0x1E970]  }
0x1ad: {  	v19 =	vadd.f32 v56, v19;
	v56 =	vld [tilespmem:$0x1E9E0]  }
0x1ae: {  	v11 =	vadd.f32 v37, v11;
	v37 =	vadd.f32 v45, v43;
	v45 =	vld [tilespmem:$0x3AC0]  }
0x1af: {  	v43 =	vld [tilespmem:$0x40C0]  }
0x1b0: {  	v18 =	vadd.f32 v30, v18;
	v30 =	vld [tilespmem:$0x4890]  }
0x1b1: {  	v22 =	vadd.f32 v52, v22;
	v52 =	vld [tilespmem:$0x4A90]  }
0x1b2: {  	v19 =	vadd.f32 v35, v19;
	v35 =	vld [tilespmem:$0x4C90];
	v18 =	vadd.f32 v48, v18  }
0x1b3: {  	v28 =	vadd.f32 v28, v37;
	v37 =	vld [tilespmem:$0x3CC0]  }
0x1b4: {  	v18 =	vadd.f32 v55, v18;
	v55 =	vld [tilespmem:$0x1E9D0]  }
0x1b5: {  	v48 =	vld [tilespmem:$0x1E9C0]  }
0x1b6: {  	v22 =	vadd.f32 v10, v22;
	v10 =	vadd.f32 v56, v19;
	v56 =	vld [tilespmem:$0x1EA20]  }
0x1b7: {  	v19 =	vld [tilespmem:$0x1EA50];
	v18 =	vadd.f32 v23, v18  }
0x1b8: {  	v28 =	vadd.f32 v41, v28;
	v22 =	vadd.f32 v44, v22;
	v44 =	vld [tilespmem:$0x4E90]  }
0x1b9: {  	v18 =	vadd.f32 v55, v18;
	v55 =	vld [tilespmem:$0x1EA10]  }
0x1ba: {  	v28 =	vadd.f32 v59, v28;
	v59 =	vld [tilespmem:$0x50C0]  }
0x1bb: {  	v23 =	vld [tilespmem:$0x5490]  }
0x1bc: {  	v16 =	vadd.f32 v48, v16;
	v3 =	vadd.f32 v20, v22;
	v48 =	vld [tilespmem:$0x1EA00]  }
0x1bd: {  	v20 =	vld [tilespmem:$0x1EA60];
	v28 =	vadd.f32 v29, v28  }
0x1be: {  	[tilespmem:$0x1EED0] =	vst v3;
	v3 =	vadd.f32 v55, v18;
	v18 =	vadd.f32 v56, v10;
	v10 =	vld [tilespmem:$0x1EA30]  }
0x1bf: {  	v22 =	vld [tilespmem:$0x1EA70];
	v28 =	vadd.f32 v33, v28  }
0x1c0: {  	v29 =	vld [tilespmem:$0x60D0]  }
0x1c1: {  	v41 =	vadd.f32 v53, v28;
	v53 =	vld [tilespmem:$0x4AC0];
	v16 =	vadd.f32 v48, v16  }
0x1c2: {  	v28 =	vld [tilespmem:$0x58C0]  }
0x1c3: {  	[tilespmem:$0x1EEF0] =	vst v3;
	v3 =	vadd.f32 v10, v16;
	v16 =	vld [tilespmem:$0x1EA40]  }
0x1c4: {  	v48 =	vld [tilespmem:$0x5090]  }
0x1c5: {  	v55 =	vld [tilespmem:$0x5290]  }
0x1c6: {  	v56 =	vld [tilespmem:$0x1EA80]  }
0x1c7: {  	[tilespmem:$0x1EF00] =	vst v3;
	v3 =	vadd.f32 v20, v18;
	v20 =	vld [tilespmem:$0x5A90]  }
0x1c8: {  	v16 =	vadd.f32 v19, v16;
	v19 =	vld [tilespmem:$0x1EAA0]  }
0x1c9: {  	v18 =	vld [tilespmem:$0x5890]  }
0x1ca: {  	[tilespmem:$0x1EF20] =	vst v3;
	v3 =	vld [tilespmem:$0x3CB0]  }
0x1cb: {  	v22 =	vadd.f32 v56, v22;
	v10 =	vld [tilespmem:$0x1EA90]  }
0x1cc: {  	[tilespmem:$0x1EE90] =	vst v20;
	v20 =	vld [tilespmem:$0x1EAC0]  }
0x1cd: {  	v0 =	vadd.f32 v54, v0;
	v17 =	vadd.f32 v19, v22;
	v22 =	vld [tilespmem:$0x1EAB0]  }
0x1ce: {  	v56 =	vld [tilespmem:$0x5690]  }
0x1cf: {  	[tilespmem:$0x1EE80] =	vst v18;
	v18 =	vld [tilespmem:$0x1EAE0];
	v0 =	vadd.f32 v3, v0;
	v3 =	vadd.f32 v49, v41  }
0x1d0: {  	v16 =	vadd.f32 v10, v16;
	v19 =	vld [tilespmem:$0x5C90]  }
0x1d1: {  	v0 =	vadd.f32 v25, v0;
	v25 =	vld [tilespmem:$0x5CB0];
	v3 =	vadd.f32 v30, v3  }
0x1d2: {  	v10 =	vadd.f32 v22, v16;
	v22 =	vadd.f32 v20, v17;
	v20 =	vld [tilespmem:$0x1EAF0]  }
0x1d3: {  	v30 =	vld [tilespmem:$0x5AC0]  }
0x1d4: {  	v3 =	vadd.f32 v52, v3;
	v52 =	vld [tilespmem:$0x1EEC0]  }
0x1d5: {  	[tilespmem:$0x1EEA0] =	vst v19;
	v19 =	vld [tilespmem:$0x6290];
	v14 =	vadd.f32 v9, v10  }
0x1d6: {  	v17 =	vld [tilespmem:$0x1EB60];
	v16 =	vadd.f32 v18, v22  }
0x1d7: {  	v3 =	vadd.f32 v35, v3;
	v35 =	vld [tilespmem:$0x1EE80];
	v14 =	vadd.f32 v20, v14  }
0x1d8: {  	v49 =	vld [tilespmem:$0x1EEA0];
	v16 =	vadd.f32 v31, v16  }
0x1d9: {  	v22 =	vld [tilespmem:$0x6490];
	v14 =	vadd.f32 v34, v14  }
0x1da: {  	v18 =	vld [tilespmem:$0x1EB70];
	v16 =	vadd.f32 v42, v16  }
0x1db: {  	[tilespmem:$0x1EF10] =	vst v19;
	v19 =	vld [tilespmem:$0x1EB80];
	v14 =	vadd.f32 v47, v14  }
0x1dc: {  	v10 =	vld [tilespmem:$0x6090];
	v16 =	vadd.f32 v58, v16  }
0x1dd: {  	v42 =	vld [tilespmem:$0x1EBB0];
	v1 =	vadd.f32 v5, v14  }
0x1de: {  	[tilespmem:$0x1EF30] =	vst v22;
	v22 =	vld [tilespmem:$0x1EB90];
	v16 =	vadd.f32 v17, v16  }
0x1df: {  	v9 =	vadd.f32 v60, v15;
	v1 =	vadd.f32 v18, v1;
	v18 =	vld [tilespmem:$0x1EBE0]  }
0x1e0: {  	v17 =	vld [tilespmem:$0x1EBD0];
	v16 =	vadd.f32 v19, v16  }
0x1e1: {  	v14 =	vadd.f32 v62, v9;
	v5 =	vld [tilespmem:$0x1EC20]  }
0x1e2: {  	v19 =	vld [tilespmem:$0x1EBF0];
	v62 =	vadd.f32 v42, v16  }
0x1e3: {  	v34 =	vadd.f32 v32, v14;
	v32 =	vld [tilespmem:$0x1EC00]  }
0x1e4: {  	v1 =	vadd.f32 v22, v1;
	v14 =	vadd.f32 v18, v62;
	v62 =	vld [tilespmem:$0x1EC10]  }
0x1e5: {  	v13 =	vadd.f32 v17, v34;
	v17 =	vld [tilespmem:$0x1EC30]  }
0x1e6: {  	v16 =	vadd.f32 v12, v1;
	v18 =	vld [tilespmem:$0x1EC40]  }
0x1e7: {  	v15 =	vld [tilespmem:$0x3CA0]  }
0x1e8: {  	v42 =	vadd.f32 v32, v13;
	v22 =	vadd.f32 v19, v16;
	v19 =	vld [tilespmem:$0x1EC50]  }
0x1e9: {  	v60 =	vld [tilespmem:$0x40A0];
	v4 =	vadd.f32 v62, v14  }
0x1ea: {  	v12 =	vadd.f32 v17, v42;
	v42 =	vld [tilespmem:$0x1EC60]  }
0x1eb: {  	v6 =	vadd.f32 v5, v22;
	v13 =	vadd.f32 v18, v4;
	v4 =	vld [tilespmem:$0x1EC70]  }
0x1ec: {  	v31 =	vld [tilespmem:$0x38A0]  }
0x1ed: {  	v22 =	vadd.f32 v19, v6;
	v6 =	vld [tilespmem:$0x1EC90]  }
0x1ee: {  	v18 =	vld [tilespmem:$0x1ECA0]  }
0x1ef: {  	v5 =	vld [tilespmem:$0x1EC80]  }
0x1f0: {  	v13 =	vadd.f32 v42, v13;
	v8 =	vadd.f32 v4, v22;
	v22 =	vld [tilespmem:$0x1ECC0]  }
0x1f1: {  	v3 =	vadd.f32 v44, v3;
	v19 =	vld [tilespmem:$0x1ECB0]  }
0x1f2: {  	v12 =	vadd.f32 v50, v12;
	v13 =	vadd.f32 v6, v13;
	v6 =	vld [tilespmem:$0x1ECF0]  }
0x1f3: {  	v3 =	vadd.f32 v48, v3;
	v20 =	vld [tilespmem:$0x3AA0];
	v8 =	vadd.f32 v18, v8  }
0x1f4: {  	v12 =	vadd.f32 v5, v12;
	v5 =	vld [tilespmem:$0x1ECE0]  }
0x1f5: {  	v3 =	vadd.f32 v55, v3;
	v55 =	vld [tilespmem:$0x1EEF0];
	v42 =	vadd.f32 v22, v8  }
0x1f6: {  	v4 =	vld [tilespmem:$0x1ECD0]  }
0x1f7: {  	v63 =	vadd.f32 v19, v13;
	v7 =	vadd.f32 v6, v42;
	v42 =	vld [tilespmem:$0x1ED20]  }
0x1f8: {  	v22 =	vld [tilespmem:$0x1ED10]  }
0x1f9: {  	v63 =	vadd.f32 v5, v63;
	v5 =	vld [tilespmem:$0x1ED40]  }
0x1fa: {  	v8 =	vld [tilespmem:$0x1ED00]  }
0x1fb: {  	[tilespmem:$0x1EEE0] =	vst v10;
	v10 =	vld [tilespmem:$0x34A0];
	v61 =	vadd.f32 v61, v12  }
0x1fc: {  	v7 =	vadd.f32 v42, v7;
	v42 =	vld [tilespmem:$0x1ED70]  }
0x1fd: {  	v61 =	vadd.f32 v4, v61;
	v4 =	vld [tilespmem:$0x1ED30];
	v63 =	vadd.f32 v22, v63  }
0x1fe: {  	v58 =	vld [tilespmem:$0x42A0]  }
0x1ff: {  	v1 =	vadd.f32 v8, v61;
	v8 =	vld [tilespmem:$0x1ED60];
	v63 =	vadd.f32 v5, v63  }
0x200: {  	v3 =	vadd.f32 v23, v3;
	v23 =	vld [tilespmem:$0x54D0]  }
0x201: {  	v63 =	vadd.f32 v42, v63;
	v42 =	vld [tilespmem:$0x1EDA0]  }
0x202: {  	v6 =	vld [tilespmem:$0x1ED50];
	v1 =	vadd.f32 v4, v1  }
0x203: {  	v47 =	vld [tilespmem:$0x44A0]  }
0x204: {  	v1 =	vadd.f32 v8, v1;
	v8 =	vld [tilespmem:$0x1ED90]  }
0x205: {  	v9 =	vld [tilespmem:$0x48A0]  }
0x206: {  	v63 =	vadd.f32 v42, v63;
	v42 =	vld [tilespmem:$0x1EDC0]  }
0x207: {  	v7 =	vadd.f32 v6, v7;
	v6 =	vld [tilespmem:$0x1ED80]  }
0x208: {  	v10 =	vadd.f32 v21, v10;
	v21 =	vld [tilespmem:$0x4CB0]  }
0x209: {  	v1 =	vadd.f32 v8, v1;
	v8 =	vld [tilespmem:$0x1EDB0]  }
0x20a: {  	v10 =	vadd.f32 v31, v10;
	v31 =	vld [tilespmem:$0x64D0]  }
0x20b: {  	v1 =	vadd.f32 v42, v1;
	v42 =	vld [tilespmem:$0x1EDE0]  }
0x20c: {  	v34 =	vld [tilespmem:$0x4AA0];
	v7 =	vadd.f32 v6, v7  }
0x20d: {  	v10 =	vadd.f32 v20, v10;
	v20 =	vld [tilespmem:$0x50B0]  }
0x20e: {  	v7 =	vadd.f32 v8, v7;
	v8 =	vld [tilespmem:$0x1EDD0]  }
0x20f: {  	v32 =	vld [tilespmem:$0x4CA0]  }
0x210: {  	v7 =	vadd.f32 v42, v7;
	v42 =	vld [tilespmem:$0x1EE00]  }
0x211: {  	v10 =	vadd.f32 v15, v10;
	v15 =	vld [tilespmem:$0x52B0]  }
0x212: {  	v16 =	vld [tilespmem:$0x52A0]  }
0x213: {  	v17 =	vld [tilespmem:$0x58A0];
	v63 =	vadd.f32 v8, v63  }
0x214: {  	v10 =	vadd.f32 v46, v10;
	v46 =	vld [tilespmem:$0x56B0]  }
0x215: {  	v63 =	vadd.f32 v42, v63;
	v42 =	vld [tilespmem:$0x1EE10]  }
0x216: {  	v50 =	vld [tilespmem:$0x54A0]  }
0x217: {  	v10 =	vadd.f32 v60, v10;
	v60 =	vld [tilespmem:$0x52C0]  }
0x218: {  	v62 =	vld [tilespmem:$0x50A0]  }
0x219: {  	v14 =	vld [tilespmem:$0x56A0]  }
0x21a: {  	v10 =	vadd.f32 v58, v10;
	v7 =	vadd.f32 v42, v7;
	v42 =	vld [tilespmem:$0x1EE30]  }
0x21b: {  	v58 =	vld [tilespmem:$0x4EC0]  }
0x21c: {  	v10 =	vadd.f32 v47, v10;
	v47 =	vld [tilespmem:$0x66C0]  }
0x21d: {  	v8 =	vld [tilespmem:$0x1EDF0]  }
0x21e: {  	v12 =	vld [tilespmem:$0x5CA0]  }
0x21f: {  	v10 =	vadd.f32 v38, v10;
	v63 =	vadd.f32 v42, v63;
	v42 =	vld [tilespmem:$0x1EE40]  }
0x220: {  	v38 =	vld [tilespmem:$0x62C0]  }
0x221: {  	v54 =	vadd.f32 v9, v10;
	v9 =	vld [tilespmem:$0x5EB0]  }
0x222: {  	v10 =	vld [tilespmem:$0x60B0];
	v1 =	vadd.f32 v8, v1  }
0x223: {  	v4 =	vld [tilespmem:$0x40B0]  }
0x224: {  	v1 =	vadd.f32 v36, v1;
	v36 =	vadd.f32 v42, v7;
	v42 =	vld [tilespmem:$0x1EE50]  }
0x225: {  	v13 =	vld [tilespmem:$0x5EA0]  }
0x226: {  	v19 =	vld [tilespmem:$0x62A0]  }
0x227: {  	v18 =	vld [tilespmem:$0x60A0]  }
0x228: {  	v5 =	vld [tilespmem:$0x44B0]  }
0x229: {  	v0 =	vadd.f32 v4, v0;
	v7 =	vadd.f32 v42, v1;
	v42 =	vld [tilespmem:$0x1EE60]  }
0x22a: {  	v6 =	vld [tilespmem:$0x46B0]  }
0x22b: {  	v0 =	vadd.f32 v57, v0;
	v1 =	vld [tilespmem:$0x36C0]  }
0x22c: {  	v61 =	vld [tilespmem:$0x64A0]  }
0x22d: {  	v22 =	vld [tilespmem:$0x66A0];
	v0 =	vadd.f32 v5, v0  }
0x22e: {  	v63 =	vadd.f32 v42, v63;
	v42 =	vld [tilespmem:$0x1EE70]  }
0x22f: {  	v57 =	vld [tilespmem:$0x4CC0];
	v0 =	vadd.f32 v6, v0;
	v6 =	vadd.f32 v34, v54  }
0x230: {  	v8 =	vld [tilespmem:$0x48B0];
	v1 =	vadd.f32 v1, v24  }
0x231: {  	v34 =	vld [tilespmem:$0x5EC0];
	v6 =	vadd.f32 v32, v6  }
0x232: {  	v54 =	vld [tilespmem:$0x1EEE0];
	v1 =	vadd.f32 v51, v1  }
0x233: {  	v6 =	vadd.f32 v27, v6;
	v7 =	vadd.f32 v42, v7;
	v42 =	vld [tilespmem:$0x3EC0]  }
0x234: {  	v32 =	vld [tilespmem:$0x5CC0];
	v1 =	vadd.f32 v45, v1  }
0x235: {  	v27 =	vld [tilespmem:$0x56C0];
	v6 =	vadd.f32 v62, v6;
	v0 =	vadd.f32 v8, v0  }
0x236: {  	v24 =	vld [tilespmem:$0x4EB0];
	v1 =	vadd.f32 v37, v1  }
0x237: {  	v6 =	vadd.f32 v16, v6;
	v0 =	vadd.f32 v26, v0;
	v45 =	vld [tilespmem:$0x42C0]  }
0x238: {  	v62 =	vld [tilespmem:$0x40D0];
	v1 =	vadd.f32 v42, v1  }
0x239: {  	v6 =	vadd.f32 v50, v6;
	v0 =	vadd.f32 v21, v0;
	v37 =	vld [tilespmem:$0x44C0]  }
0x23a: {  	v50 =	vld [tilespmem:$0x34D0];
	v1 =	vadd.f32 v43, v1  }
0x23b: {  	v6 =	vadd.f32 v14, v6;
	v0 =	vadd.f32 v24, v0;
	v42 =	vld [tilespmem:$0x46C0]  }
0x23c: {  	v14 =	vld [tilespmem:$0x1EF40];
	v1 =	vadd.f32 v45, v1  }
0x23d: {  	v6 =	vadd.f32 v17, v6;
	v51 =	vld [tilespmem:$0x48C0];
	v0 =	vadd.f32 v20, v0  }
0x23e: {  	v17 =	vld [tilespmem:$0x48D0];
	v1 =	vadd.f32 v37, v1  }
0x23f: {  	v6 =	vadd.f32 v39, v6;
	v8 =	vld [tilespmem:$0x1EF20];
	v0 =	vadd.f32 v15, v0  }
0x240: {  	[tilespmem:$0x6880] =	vst v11;
	v26 =	vld [tilespmem:$0x62B0];
	v1 =	vadd.f32 v42, v1  }
0x241: {  	[tilespmem:$0x1F0E0] =	vst v29;
	v6 =	vadd.f32 v12, v6;
	v12 =	vld [tilespmem:$0x44D0];
	v0 =	vadd.f32 v2, v0  }
0x242: {  	[tilespmem:$0x6800] =	vst v52;
	v43 =	vld [tilespmem:$0x5AB0];
	v1 =	vadd.f32 v51, v1  }
0x243: {  	[tilespmem:$0x6820] =	vst v55;
	v21 =	vld [tilespmem:$0x64B0];
	v6 =	vadd.f32 v13, v6;
	v0 =	vadd.f32 v46, v0  }
0x244: {  	v3 =	vadd.f32 v56, v3;
	[tilespmem:$0x1F020] =	vst v23;
	v13 =	vld [tilespmem:$0x46D0];
	v1 =	vadd.f32 v53, v1  }
0x245: {  	[tilespmem:$0x1F140] =	vst v31;
	v56 =	vadd.f32 v18, v6;
	v18 =	vld [tilespmem:$0x4AD0];
	v0 =	vadd.f32 v40, v0  }
0x246: {  	[tilespmem:$0x1EF70] =	vst v62;
	v45 =	vld [tilespmem:$0x1EE90];
	v1 =	vadd.f32 v57, v1  }
0x247: {  	[tilespmem:$0x1EF50] =	vst v50;
	v24 =	vld [tilespmem:$0x66B0];
	v0 =	vadd.f32 v43, v0  }
0x248: {  	[tilespmem:$0x1EFB0] =	vst v17;
	v20 =	vld [tilespmem:$0x54C0];
	v1 =	vadd.f32 v58, v1  }
0x249: {  	v3 =	vadd.f32 v35, v3;
	[tilespmem:$0x6840] =	vst v8;
	v37 =	vld [tilespmem:$0x60C0];
	v0 =	vadd.f32 v25, v0  }
0x24a: {  	[tilespmem:$0x1EF90] =	vst v12;
	v51 =	vld [tilespmem:$0x1EEB0];
	v1 =	vadd.f32 v59, v1  }
0x24b: {  	[tilespmem:$0x1EFA0] =	vst v13;
	v3 =	vadd.f32 v45, v3;
	v25 =	vld [tilespmem:$0x58D0];
	v0 =	vadd.f32 v9, v0  }
0x24c: {  	[tilespmem:$0x1EFC0] =	vst v18;
	v9 =	vld [tilespmem:$0x42D0];
	v1 =	vadd.f32 v60, v1  }
0x24d: {  	[tilespmem:$0x6850] =	vst v36;
	v3 =	vadd.f32 v49, v3;
	v53 =	vld [tilespmem:$0x1EED0];
	v0 =	vadd.f32 v10, v0  }
0x24e: {  	[tilespmem:$0x6860] =	vst v63;
	v57 =	vld [tilespmem:$0x3ED0];
	v1 =	vadd.f32 v20, v1  }
0x24f: {  	[tilespmem:$0x6870] =	vst v7;
	v3 =	vadd.f32 v51, v3;
	v0 =	vadd.f32 v26, v0;
	v26 =	vld [tilespmem:$0x5AD0]  }
0x250: {  	[tilespmem:$0x1F060] =	vst v25;
	v58 =	vld [tilespmem:$0x1EF00];
	v1 =	vadd.f32 v27, v1  }
0x251: {  	[tilespmem:$0x1EF80] =	vst v9;
	v2 =	vadd.f32 v54, v3;
	v3 =	vadd.f32 v19, v56;
	v19 =	vld [tilespmem:$0x4CD0]  }
0x252: {  	[tilespmem:$0x6810] =	vst v53;
	v0 =	vadd.f32 v21, v0;
	v21 =	vld [tilespmem:$0x50D0];
	v1 =	vadd.f32 v28, v1  }
0x253: {  	[tilespmem:$0x1EF60] =	vst v57;
	v3 =	vadd.f32 v61, v3;
	v60 =	vld [tilespmem:$0x1EF10]  }
0x254: {  	v10 =	vld [tilespmem:$0x1EF30];
	v0 =	vadd.f32 v24, v0;
	[tilespmem:$0x1F080] =	vst v26;
	v1 =	vadd.f32 v30, v1  }
0x255: {  	v24 =	vld [tilespmem:$0x56D0];
	[tilespmem:$0x6830] =	vst v58  }
0x256: {  	v3 =	vadd.f32 v22, v3;
	[tilespmem:$0x68B0] =	vst v0;
	v22 =	vld [tilespmem:$0x52D0];
	v1 =	vadd.f32 v32, v1  }
0x257: {  	[tilespmem:$0x1EFD0] =	vst v19;
	v20 =	vld [tilespmem:$0x4ED0]  }
0x258: {  	[tilespmem:$0x1EFF0] =	vst v21;
	v27 =	vld [tilespmem:$0x5CD0];
	v2 =	vadd.f32 v60, v2;
	v1 =	vadd.f32 v34, v1  }
0x259: {  	v46 =	vld [tilespmem:$0x64C0];
	[tilespmem:$0x68A0] =	vst v3  }
0x25a: {  	[tilespmem:$0x1F040] =	vst v24;
	v28 =	vld [tilespmem:$0x5ED0];
	v2 =	vadd.f32 v10, v2;
	v1 =	vadd.f32 v37, v1  }
0x25b: {  	[tilespmem:$0x1F000] =	vst v22;
	v30 =	vld [tilespmem:$0x62D0]  }
0x25c: {  	[tilespmem:$0x1EFE0] =	vst v20;
	v2 =	vadd.f32 v14, v2;
	v32 =	vld [tilespmem:$0x66D0];
	v1 =	vadd.f32 v38, v1  }
0x25d: {  	v41 =	vld [tilespmem:$0x36D0];
	[tilespmem:$0x1F0A0] =	vst v27  }
0x25e: {  	v50 =	vld [tilespmem:$0x3AD0];
	[tilespmem:$0x6890] =	vst v2;
	v1 =	vadd.f32 v46, v1  }
0x25f: {  	v8 =	vld [tilespmem:$0x36E0];
	[tilespmem:$0x1F0C0] =	vst v28  }
0x260: {  	v43 =	vld [tilespmem:$0x38D0];
	[tilespmem:$0x1F110] =	vst v30;
	v1 =	vadd.f32 v47, v1  }
0x261: {  	v9 =	vld [tilespmem:$0x34E0];
	[tilespmem:$0x1F170] =	vst v32  }
0x262: {  	v59 =	vld [tilespmem:$0x3CD0];
	[tilespmem:$0x68C0] =	vst v1  }
0x263: {  	v12 =	vld [tilespmem:$0x38E0]  }
0x264: {  	v58 =	vld [tilespmem:$0x66F0];
	_ =	sdelay $0x4  }
0x265: {  	[tilespmem:$0x1F1C0] =	vst v58;
	v58 =	vld [tilespmem:$0x6100];
	_ =	sdelay $0x4  }
0x266: {  	[tilespmem:$0x1F5A0] =	vst v58;
	v58 =	vld [tilespmem:$0x5B10];
	_ =	sdelay $0x4  }
0x267: {  	[tilespmem:$0x1F500] =	vst v58;
	v58 =	vld [tilespmem:$0x5120];
	_ =	sdelay $0x4  }
0x268: {  	[tilespmem:$0x1F3F0] =	vst v58;
	v58 =	vld [tilespmem:$0x4D30];
	_ =	sdelay $0x4  }
0x269: {  	[tilespmem:$0x1F390] =	vst v58;
	v58 =	vld [tilespmem:$0x4F30];
	_ =	sdelay $0x4  }
0x26a: {  	[tilespmem:$0x1F3D0] =	vst v58;
	v58 =	vld [tilespmem:$0x5130];
	_ =	sdelay $0x4  }
0x26b: {  	[tilespmem:$0x1F410] =	vst v58;
	v58 =	vld [tilespmem:$0x5330];
	_ =	sdelay $0x4  }
0x26c: {  	[tilespmem:$0x1F450] =	vst v58;
	v58 =	vld [tilespmem:$0x5530];
	_ =	sdelay $0x4  }
0x26d: {  	[tilespmem:$0x1F490] =	vst v58;
	v58 =	vld [tilespmem:$0x5730];
	_ =	sdelay $0x4  }
0x26e: {  	[tilespmem:$0x1F4D0] =	vst v58;
	v58 =	vld [tilespmem:$0x5930];
	_ =	sdelay $0x4  }
0x26f: {  	[tilespmem:$0x1F510] =	vst v58;
	v58 =	vld [tilespmem:$0x5B30];
	_ =	sdelay $0x4  }
0x270: {  	[tilespmem:$0x1F550] =	vst v58;
	v58 =	vld [tilespmem:$0x5D30];
	_ =	sdelay $0x4  }
0x271: {  	[tilespmem:$0x1F590] =	vst v58;
	v58 =	vld [tilespmem:$0x5F30];
	_ =	sdelay $0x4  }
0x272: {  	[tilespmem:$0x1F5D0] =	vst v58;
	v58 =	vld [tilespmem:$0x6130];
	_ =	sdelay $0x4  }
0x273: {  	[tilespmem:$0x1F610] =	vst v58;
	v58 =	vld [tilespmem:$0x6330];
	_ =	sdelay $0x4  }
0x274: {  	[tilespmem:$0x1F650] =	vst v58;
	v58 =	vld [tilespmem:$0x6530];
	_ =	sdelay $0x4  }
0x275: {  	[tilespmem:$0x1F690] =	vst v58;
	v58 =	vld [tilespmem:$0x6730];
	_ =	sdelay $0x4  }
0x276: {  	[tilespmem:$0x1F6D0] =	vst v58;
	v58 =	vld [tilespmem:$0x3540];
	_ =	sdelay $0x4  }
0x277: {  	[tilespmem:$0x1F6B0] =	vst v58;
	v58 =	vld [tilespmem:$0x3740];
	_ =	sdelay $0x4  }
0x278: {  	[tilespmem:$0x1F6C0] =	vst v58;
	v58 =	vld [tilespmem:$0x3940];
	_ =	sdelay $0x4  }
0x279: {  	[tilespmem:$0x1F700] =	vst v58;
	v58 =	vld [tilespmem:$0x3B40];
	_ =	sdelay $0x4  }
0x27a: {  	[tilespmem:$0x1F740] =	vst v58;
	v58 =	vld [tilespmem:$0x3D40];
	_ =	sdelay $0x4  }
0x27b: {  	[tilespmem:$0x1F770] =	vst v58;
	v58 =	vld [tilespmem:$0x3F40];
	_ =	sdelay $0x4  }
0x27c: {  	[tilespmem:$0x1F7A0] =	vst v58;
	v58 =	vld [tilespmem:$0x4140];
	_ =	sdelay $0x4  }
0x27d: {  	[tilespmem:$0x1F7D0] =	vst v58;
	v58 =	vld [tilespmem:$0x4340];
	_ =	sdelay $0x4  }
0x27e: {  	[tilespmem:$0x1F800] =	vst v58;
	v58 =	vld [tilespmem:$0x4540];
	_ =	sdelay $0x4  }
0x27f: {  	[tilespmem:$0x1F830] =	vst v58;
	v58 =	vld [tilespmem:$0x4740];
	_ =	sdelay $0x4  }
0x280: {  	[tilespmem:$0x1F860] =	vst v58;
	v58 =	vld [tilespmem:$0x4940];
	_ =	sdelay $0x4  }
0x281: {  	[tilespmem:$0x1F890] =	vst v58;
	v58 =	vld [tilespmem:$0x4B40];
	_ =	sdelay $0x4  }
0x282: {  	[tilespmem:$0x1F8C0] =	vst v58;
	v58 =	vld [tilespmem:$0x4D40];
	_ =	sdelay $0x4  }
0x283: {  	[tilespmem:$0x1F8F0] =	vst v58;
	v58 =	vld [tilespmem:$0x4F40];
	_ =	sdelay $0x4  }
0x284: {  	[tilespmem:$0x1F920] =	vst v58;
	v58 =	vld [tilespmem:$0x5140];
	_ =	sdelay $0x4  }
0x285: {  	[tilespmem:$0x1F950] =	vst v58;
	v58 =	vld [tilespmem:$0x5340];
	_ =	sdelay $0x4  }
0x286: {  	[tilespmem:$0x1F980] =	vst v58;
	v58 =	vld [tilespmem:$0x5540];
	_ =	sdelay $0x4  }
0x287: {  	[tilespmem:$0x1F9B0] =	vst v58;
	v58 =	vld [tilespmem:$0x5740];
	_ =	sdelay $0x4  }
0x288: {  	[tilespmem:$0x1F9F0] =	vst v58;
	v58 =	vld [tilespmem:$0x5940];
	_ =	sdelay $0x4  }
0x289: {  	[tilespmem:$0x1FA20] =	vst v58;
	v58 =	vld [tilespmem:$0x5B40];
	_ =	sdelay $0x4  }
0x28a: {  	[tilespmem:$0x1FA60] =	vst v58;
	v58 =	vld [tilespmem:$0x5D40];
	_ =	sdelay $0x4  }
0x28b: {  	[tilespmem:$0x1FA90] =	vst v58;
	v58 =	vld [tilespmem:$0x5F40];
	_ =	sdelay $0x4  }
0x28c: {  	[tilespmem:$0x1FAC0] =	vst v58;
	v58 =	vld [tilespmem:$0x6140];
	_ =	sdelay $0x4  }
0x28d: {  	[tilespmem:$0x1FAF0] =	vst v58;
	v58 =	vld [tilespmem:$0x6340];
	_ =	sdelay $0x4  }
0x28e: {  	[tilespmem:$0x1FB30] =	vst v58;
	v58 =	vld [tilespmem:$0x6540];
	_ =	sdelay $0x4  }
0x28f: {  	[tilespmem:$0x1FB60] =	vst v58;
	v58 =	vld [tilespmem:$0x6740];
	_ =	sdelay $0x4  }
0x290: {  	[tilespmem:$0x1FBA0] =	vst v58;
	v58 =	vld [tilespmem:$0x3550];
	_ =	sdelay $0x4  }
0x291: {  	[tilespmem:$0x1F6E0] =	vst v58;
	v58 =	vld [tilespmem:$0x3750];
	_ =	sdelay $0x4  }
0x292: {  	[tilespmem:$0x1F6F0] =	vst v58;
	v58 =	vld [tilespmem:$0x3950];
	_ =	sdelay $0x4  }
0x293: {  	[tilespmem:$0x1F730] =	vst v58;
	v58 =	vld [tilespmem:$0x3B50];
	_ =	sdelay $0x4  }
0x294: {  	[tilespmem:$0x1F760] =	vst v58;
	v58 =	vld [tilespmem:$0x3D50];
	_ =	sdelay $0x4  }
0x295: {  	[tilespmem:$0x1F790] =	vst v58;
	v58 =	vld [tilespmem:$0x3F50];
	_ =	sdelay $0x2  }
0x296: {  	v15 =	vld [tilespmem:$0x3AE0]  }
0x297: {  	v18 =	vld [tilespmem:$0x3CE0]  }
0x298: {  	[tilespmem:$0x1F7C0] =	vst v58;
	v58 =	vld [tilespmem:$0x4150]  }
0x299: {  	v21 =	vld [tilespmem:$0x3EE0]  }
0x29a: {  	v24 =	vld [tilespmem:$0x40E0]  }
0x29b: {  	v28 =	vld [tilespmem:$0x42E0]  }
0x29c: {  	v44 =	vld [tilespmem:$0x44E0]  }
0x29d: {  	[tilespmem:$0x1F7F0] =	vst v58;
	v58 =	vld [tilespmem:$0x4350]  }
0x29e: {  	v34 =	vld [tilespmem:$0x46E0]  }
0x29f: {  	v38 =	vld [tilespmem:$0x48E0]  }
0x2a0: {  	v42 =	vld [tilespmem:$0x4AE0]  }
0x2a1: {  	v48 =	vld [tilespmem:$0x4CE0]  }
0x2a2: {  	[tilespmem:$0x1F820] =	vst v58;
	v58 =	vld [tilespmem:$0x4550]  }
0x2a3: {  	v54 =	vld [tilespmem:$0x4EE0]  }
0x2a4: {  	v60 =	vld [tilespmem:$0x50E0]  }
0x2a5: {  	v33 =	vld [tilespmem:$0x52E0]  }
0x2a6: {  	v35 =	vld [tilespmem:$0x54E0]  }
0x2a7: {  	[tilespmem:$0x1F850] =	vst v58;
	v58 =	vld [tilespmem:$0x4750]  }
0x2a8: {  	v36 =	vld [tilespmem:$0x56E0]  }
0x2a9: {  	v37 =	vld [tilespmem:$0x58E0]  }
0x2aa: {  	v39 =	vld [tilespmem:$0x5AE0]  }
0x2ab: {  	v40 =	vld [tilespmem:$0x5CE0]  }
0x2ac: {  	[tilespmem:$0x1F880] =	vst v58;
	v58 =	vld [tilespmem:$0x4950]  }
0x2ad: {  	v45 =	vld [tilespmem:$0x5EE0]  }
0x2ae: {  	v46 =	vld [tilespmem:$0x60E0]  }
0x2af: {  	v47 =	vld [tilespmem:$0x62E0]  }
0x2b0: {  	v49 =	vld [tilespmem:$0x64E0]  }
0x2b1: {  	[tilespmem:$0x1F8B0] =	vst v58;
	v58 =	vld [tilespmem:$0x4B50]  }
0x2b2: {  	v51 =	vld [tilespmem:$0x66E0]  }
0x2b3: {  	v1 =	vld [tilespmem:$0x34F0]  }
0x2b4: {  	v0 =	vld [tilespmem:$0x36F0]  }
0x2b5: {  	v2 =	vld [tilespmem:$0x38F0]  }
0x2b6: {  	[tilespmem:$0x1F8E0] =	vst v58;
	v58 =	vld [tilespmem:$0x4D50]  }
0x2b7: {  	v3 =	vld [tilespmem:$0x3AF0]  }
0x2b8: {  	v4 =	vld [tilespmem:$0x3CF0]  }
0x2b9: {  	v5 =	vld [tilespmem:$0x3EF0]  }
0x2ba: {  	v6 =	vld [tilespmem:$0x40F0]  }
0x2bb: {  	[tilespmem:$0x1F910] =	vst v58;
	v58 =	vld [tilespmem:$0x4F50]  }
0x2bc: {  	v10 =	vld [tilespmem:$0x42F0]  }
0x2bd: {  	v14 =	vld [tilespmem:$0x44F0]  }
0x2be: {  	v16 =	vld [tilespmem:$0x46F0]  }
0x2bf: {  	v19 =	vld [tilespmem:$0x48F0]  }
0x2c0: {  	[tilespmem:$0x1F940] =	vst v58;
	v58 =	vld [tilespmem:$0x5150]  }
0x2c1: {  	v22 =	vld [tilespmem:$0x4AF0]  }
0x2c2: {  	v25 =	vld [tilespmem:$0x4CF0]  }
0x2c3: {  	v30 =	vld [tilespmem:$0x4EF0]  }
0x2c4: {  	v32 =	vld [tilespmem:$0x50F0]  }
0x2c5: {  	[tilespmem:$0x1F970] =	vst v58;
	v58 =	vld [tilespmem:$0x5350]  }
0x2c6: {  	v56 =	vld [tilespmem:$0x5AF0]  }
0x2c7: {  	v61 =	vld [tilespmem:$0x5CF0]  }
0x2c8: {  	v52 =	vld [tilespmem:$0x5EF0]  }
0x2c9: {  	v53 =	vld [tilespmem:$0x60F0]  }
0x2ca: {  	[tilespmem:$0x1F9A0] =	vst v58;
	v58 =	vld [tilespmem:$0x5550]  }
0x2cb: {  	v55 =	vld [tilespmem:$0x62F0]  }
0x2cc: {  	v57 =	vld [tilespmem:$0x64F0]  }
0x2cd: {  	v62 =	vld [tilespmem:$0x3500]  }
0x2ce: {  	v63 =	vld [tilespmem:$0x3700]  }
0x2cf: {  	[tilespmem:$0x1F9D0] =	vst v58;
	v58 =	vld [tilespmem:$0x5750]  }
0x2d0: {  	v11 =	vld [tilespmem:$0x3900]  }
0x2d1: {  	v13 =	vld [tilespmem:$0x3B00]  }
0x2d2: {  	v17 =	vld [tilespmem:$0x3D00]  }
0x2d3: {  	v20 =	vld [tilespmem:$0x3F00]  }
0x2d4: {  	[tilespmem:$0x1FA10] =	vst v58;
	v58 =	vld [tilespmem:$0x5950]  }
0x2d5: {  	v23 =	vld [tilespmem:$0x4100]  }
0x2d6: {  	v26 =	vld [tilespmem:$0x4300]  }
0x2d7: {  	v27 =	vld [tilespmem:$0x4500]  }
0x2d8: {  	v29 =	vld [tilespmem:$0x4700]  }
0x2d9: {  	[tilespmem:$0x1FA40] =	vst v58;
	v58 =	vld [tilespmem:$0x5B50]  }
0x2da: {  	v31 =	vld [tilespmem:$0x4900]  }
0x2db: {  	v7 =	vld [tilespmem:$0x3730]  }
0x2dc: {  	[tilespmem:$0x1F050] =	vst v36;
	v36 =	vld [tilespmem:$0x52F0]  }
0x2dd: {  	[tilespmem:$0x1F090] =	vst v39;
	v39 =	vld [tilespmem:$0x54F0]  }
0x2de: {  	[tilespmem:$0x1FA80] =	vst v58;
	v58 =	vld [tilespmem:$0x5D50]  }
0x2df: {  	[tilespmem:$0x1F100] =	vst v46;
	v46 =	vld [tilespmem:$0x56F0]  }
0x2e0: {  	[tilespmem:$0x1F190] =	vst v51;
	v51 =	vld [tilespmem:$0x58F0]  }
0x2e1: {  	[tilespmem:$0x1F010] =	vst v33;
	v33 =	vld [tilespmem:$0x4B00]  }
0x2e2: {  	[tilespmem:$0x1F030] =	vst v35;
	v35 =	vld [tilespmem:$0x4D00]  }
0x2e3: {  	[tilespmem:$0x1FAB0] =	vst v58;
	v58 =	vld [tilespmem:$0x5F50]  }
0x2e4: {  	[tilespmem:$0x1F070] =	vst v37;
	v37 =	vld [tilespmem:$0x4F00]  }
0x2e5: {  	[tilespmem:$0x1F0B0] =	vst v40;
	v40 =	vld [tilespmem:$0x5100]  }
0x2e6: {  	[tilespmem:$0x1F0D0] =	vst v45;
	v45 =	vld [tilespmem:$0x5300]  }
0x2e7: {  	[tilespmem:$0x1F130] =	vst v47;
	v47 =	vld [tilespmem:$0x5500]  }
0x2e8: {  	[tilespmem:$0x1FAE0] =	vst v58;
	v58 =	vld [tilespmem:$0x6150]  }
0x2e9: {  	[tilespmem:$0x1F160] =	vst v49;
	v49 =	vld [tilespmem:$0x5700]  }
0x2ea: {  	[tilespmem:$0x1F0F0] =	vst v52;
	v52 =	vld [tilespmem:$0x5900]  }
0x2eb: {  	[tilespmem:$0x1F120] =	vst v53;
	v53 =	vld [tilespmem:$0x5B00]  }
0x2ec: {  	[tilespmem:$0x1F150] =	vst v55;
	v55 =	vld [tilespmem:$0x5D00]  }
0x2ed: {  	[tilespmem:$0x1FB10] =	vst v58;
	v58 =	vld [tilespmem:$0x6350]  }
0x2ee: {  	[tilespmem:$0x1F180] =	vst v57;
	v57 =	vld [tilespmem:$0x5F00]  }
0x2ef: {  	[tilespmem:$0x1F1A0] =	vst v62;
	v62 =	vld [tilespmem:$0x6300]  }
0x2f0: {  	[tilespmem:$0x1F1B0] =	vst v63;
	v63 =	vld [tilespmem:$0x6500]  }
0x2f1: {  	[tilespmem:$0x1F1D0] =	vst v11;
	v11 =	vld [tilespmem:$0x6700]  }
0x2f2: {  	[tilespmem:$0x1FB50] =	vst v58;
	v58 =	vld [tilespmem:$0x6550]  }
0x2f3: {  	[tilespmem:$0x1F1E0] =	vst v13;
	v13 =	vld [tilespmem:$0x3B10]  }
0x2f4: {  	[tilespmem:$0x1F200] =	vst v17;
	v17 =	vld [tilespmem:$0x3D10]  }
0x2f5: {  	[tilespmem:$0x1F220] =	vst v20;
	v20 =	vld [tilespmem:$0x3F10]  }
0x2f6: {  	[tilespmem:$0x1F240] =	vst v23;
	v23 =	vld [tilespmem:$0x4110]  }
0x2f7: {  	[tilespmem:$0x1FB80] =	vst v58;
	v58 =	vld [tilespmem:$0x6750]  }
0x2f8: {  	[tilespmem:$0x1F260] =	vst v26;
	v26 =	vld [tilespmem:$0x4310]  }
0x2f9: {  	[tilespmem:$0x1F280] =	vst v27;
	v27 =	vld [tilespmem:$0x4510]  }
0x2fa: {  	[tilespmem:$0x1F2A0] =	vst v29;
	v29 =	vld [tilespmem:$0x4710]  }
0x2fb: {  	[tilespmem:$0x1F2D0] =	vst v31;
	v31 =	vld [tilespmem:$0x4910]  }
0x2fc: {  	[tilespmem:$0x1FBC0] =	vst v58;
	v58 =	vld [tilespmem:$0x3560]  }
0x2fd: {  	[tilespmem:$0x1F4E0] =	vst v53;
	v53 =	vld [tilespmem:$0x3510]  }
0x2fe: {  	[tilespmem:$0x1F4A0] =	vst v52;
	v52 =	vld [tilespmem:$0x3710]  }
0x2ff: {  	[tilespmem:$0x1F560] =	vst v57;
	v57 =	vld [tilespmem:$0x3910]  }
0x300: {  	[tilespmem:$0x1F300] =	vst v33;
	v33 =	vld [tilespmem:$0x4B10]  }
0x301: {  	[tilespmem:$0x1F710] =	vst v58;
	v58 =	vld [tilespmem:$0x3760]  }
0x302: {  	[tilespmem:$0x1F330] =	vst v35;
	v35 =	vld [tilespmem:$0x4D10]  }
0x303: {  	[tilespmem:$0x1F360] =	vst v37;
	v37 =	vld [tilespmem:$0x4F10]  }
0x304: {  	[tilespmem:$0x1F3A0] =	vst v40;
	v40 =	vld [tilespmem:$0x5110]  }
0x305: {  	[tilespmem:$0x1F3E0] =	vst v45;
	v45 =	vld [tilespmem:$0x5310]  }
0x306: {  	[tilespmem:$0x1F720] =	vst v58;
	v58 =	vld [tilespmem:$0x3960]  }
0x307: {  	[tilespmem:$0x1F420] =	vst v47;
	v47 =	vld [tilespmem:$0x5510]  }
0x308: {  	[tilespmem:$0x1F460] =	vst v49;
	v49 =	vld [tilespmem:$0x5710]  }
0x309: {  	[tilespmem:$0x1F520] =	vst v55;
	v55 =	vld [tilespmem:$0x5910]  }
0x30a: {  	[tilespmem:$0x1F5E0] =	vst v62;
	v62 =	vld [tilespmem:$0x5D10]  }
0x30b: {  	[tilespmem:$0x1F750] =	vst v58;
	v58 =	vld [tilespmem:$0x3B60]  }
0x30c: {  	[tilespmem:$0x1F620] =	vst v63;
	v63 =	vld [tilespmem:$0x5F10]  }
0x30d: {  	[tilespmem:$0x1F660] =	vst v11;
	v11 =	vld [tilespmem:$0x6110]  }
0x30e: {  	[tilespmem:$0x1F1F0] =	vst v13;
	v13 =	vld [tilespmem:$0x6310]  }
0x30f: {  	[tilespmem:$0x1F210] =	vst v17;
	v17 =	vld [tilespmem:$0x6510]  }
0x310: {  	[tilespmem:$0x1F780] =	vst v58;
	v58 =	vld [tilespmem:$0x3D60]  }
0x311: {  	v0 =	vadd.f32 v0, v1;
	[tilespmem:$0x1F230] =	vst v20;
	v20 =	vld [tilespmem:$0x6710]  }
0x312: {  	[tilespmem:$0x1F290] =	vst v27;
	v27 =	vld [tilespmem:$0x3520]  }
0x313: {  	v0 =	vadd.f32 v2, v0;
	[tilespmem:$0x1F270] =	vst v26;
	v26 =	vld [tilespmem:$0x3720]  }
0x314: {  	[tilespmem:$0x1F2F0] =	vst v31;
	v31 =	vld [tilespmem:$0x3920]  }
0x315: {  	v0 =	vadd.f32 v3, v0;
	[tilespmem:$0x1F7B0] =	vst v58;
	v58 =	vld [tilespmem:$0x3F60]  }
0x316: {  	[tilespmem:$0x1F250] =	vst v23;
	v23 =	vld [tilespmem:$0x4520]  }
0x317: {  	[tilespmem:$0x1F2C0] =	vst v29;
	v29 =	vld [tilespmem:$0x4720];
	v0 =	vadd.f32 v4, v0  }
0x318: {  	v4 =	vld [tilespmem:$0x3D70]  }
0x319: {  	v0 =	vadd.f32 v5, v0;
	v5 =	vld [tilespmem:$0x3F70]  }
0x31a: {  	[tilespmem:$0x1F7E0] =	vst v58;
	v58 =	vld [tilespmem:$0x4160]  }
0x31b: {  	[tilespmem:$0x1F350] =	vst v35;
	v35 =	vld [tilespmem:$0x3B20]  }
0x31c: {  	[tilespmem:$0x1F3C0] =	vst v40;
	v40 =	vld [tilespmem:$0x3D20]  }
0x31d: {  	[tilespmem:$0x1F440] =	vst v47;
	v47 =	vld [tilespmem:$0x3F20]  }
0x31e: {  	[tilespmem:$0x1F4C0] =	vst v55;
	v55 =	vld [tilespmem:$0x4120]  }
0x31f: {  	[tilespmem:$0x1F810] =	vst v58;
	v58 =	vld [tilespmem:$0x4360]  }
0x320: {  	[tilespmem:$0x1F540] =	vst v62;
	v62 =	vld [tilespmem:$0x4320]  }
0x321: {  	[tilespmem:$0x1F320] =	vst v33;
	v33 =	vld [tilespmem:$0x4920]  }
0x322: {  	[tilespmem:$0x1F380] =	vst v37;
	v37 =	vld [tilespmem:$0x4B20]  }
0x323: {  	[tilespmem:$0x1F400] =	vst v45;
	v45 =	vld [tilespmem:$0x4D20]  }
0x324: {  	[tilespmem:$0x1F840] =	vst v58;
	v58 =	vld [tilespmem:$0x4560]  }
0x325: {  	[tilespmem:$0x1F480] =	vst v49;
	v49 =	vld [tilespmem:$0x4F20]  }
0x326: {  	[tilespmem:$0x1F580] =	vst v63;
	v63 =	vld [tilespmem:$0x5320]  }
0x327: {  	[tilespmem:$0x1F5C0] =	vst v11;
	v11 =	vld [tilespmem:$0x5520]  }
0x328: {  	[tilespmem:$0x1F600] =	vst v13;
	v13 =	vld [tilespmem:$0x5720]  }
0x329: {  	[tilespmem:$0x1F870] =	vst v58;
	v58 =	vld [tilespmem:$0x4760]  }
0x32a: {  	[tilespmem:$0x1F640] =	vst v17;
	v17 =	vld [tilespmem:$0x5920]  }
0x32b: {  	[tilespmem:$0x1F680] =	vst v20;
	v20 =	vld [tilespmem:$0x5B20];
	v0 =	vadd.f32 v6, v0  }
0x32c: {  	[tilespmem:$0x1F2B0] =	vst v23;
	v23 =	vld [tilespmem:$0x5D20]  }
0x32d: {  	[tilespmem:$0x1F2E0] =	vst v29;
	v29 =	vld [tilespmem:$0x5F20];
	v0 =	vadd.f32 v10, v0  }
0x32e: {  	[tilespmem:$0x1F8A0] =	vst v58;
	v58 =	vld [tilespmem:$0x4960]  }
0x32f: {  	v0 =	vadd.f32 v14, v0;
	v14 =	vld [tilespmem:$0x4B70]  }
0x330: {  	[tilespmem:$0x1F310] =	vst v33;
	v33 =	vld [tilespmem:$0x6120]  }
0x331: {  	[tilespmem:$0x1F340] =	vst v37;
	v37 =	vld [tilespmem:$0x6320]  }
0x332: {  	[tilespmem:$0x1F370] =	vst v45;
	v45 =	vld [tilespmem:$0x6520]  }
0x333: {  	[tilespmem:$0x1F8D0] =	vst v58;
	v58 =	vld [tilespmem:$0x4B60]  }
0x334: {  	[tilespmem:$0x1F3B0] =	vst v49;
	v49 =	vld [tilespmem:$0x6720]  }
0x335: {  	[tilespmem:$0x1F470] =	vst v11;
	v11 =	vld [tilespmem:$0x3530]  }
0x336: {  	[tilespmem:$0x1F4B0] =	vst v13;
	v13 =	vld [tilespmem:$0x3930]  }
0x337: {  	[tilespmem:$0x1F4F0] =	vst v17;
	v17 =	vld [tilespmem:$0x3B30]  }
0x338: {  	v0 =	vadd.f32 v16, v0;
	[tilespmem:$0x1F900] =	vst v58;
	v58 =	vld [tilespmem:$0x4D60]  }
0x339: {  	[tilespmem:$0x1F530] =	vst v20;
	v20 =	vld [tilespmem:$0x3D30]  }
0x33a: {  	[tilespmem:$0x1F570] =	vst v23;
	v23 =	vld [tilespmem:$0x3F30];
	v0 =	vadd.f32 v19, v0  }
0x33b: {  	[tilespmem:$0x1F5B0] =	vst v29;
	v29 =	vld [tilespmem:$0x4130]  }
0x33c: {  	v0 =	vadd.f32 v22, v0;
	v22 =	vld [tilespmem:$0x5370]  }
0x33d: {  	[tilespmem:$0x1F930] =	vst v58;
	v58 =	vld [tilespmem:$0x4F60]  }
0x33e: {  	[tilespmem:$0x1F430] =	vst v63;
	v63 =	vld [tilespmem:$0x4B30]  }
0x33f: {  	v16 =	vld [tilespmem:$0x4770]  }
0x340: {  	v19 =	vld [tilespmem:$0x4D70]  }
0x341: {  	[tilespmem:$0x1F9E0] =	vst v22;
	v22 =	vld [tilespmem:$0x3580]  }
0x342: {  	[tilespmem:$0x1F960] =	vst v58;
	v58 =	vld [tilespmem:$0x1EF50]  }
0x343: {  	[tilespmem:$0x1F5F0] =	vst v33;
	v33 =	vld [tilespmem:$0x4330]  }
0x344: {  	[tilespmem:$0x1F630] =	vst v37;
	v37 =	vld [tilespmem:$0x4530]  }
0x345: {  	[tilespmem:$0x1F670] =	vst v45;
	v45 =	vld [tilespmem:$0x4730]  }
0x346: {  	[tilespmem:$0x1F6A0] =	vst v49;
	v49 =	vld [tilespmem:$0x4930]  }
0x347: {  	[tilespmem:$0x1FBF0] =	vst v22;
	v22 =	vld [tilespmem:$0x4380];
	v41 =	vadd.f32 v41, v58  }
0x348: {  	v8 =	vadd.f32 v8, v9;
	v58 =	vld [tilespmem:$0x5160]  }
0x349: {  	v9 =	vadd.f32 v43, v41;
	v43 =	vld [tilespmem:$0x5760]  }
0x34a: {  	v41 =	vadd.f32 v12, v8;
	v12 =	vld [tilespmem:$0x5960]  }
0x34b: {  	v8 =	vld [tilespmem:$0x6160]  }
0x34c: {  	v1 =	vadd.f32 v15, v41;
	v41 =	vld [tilespmem:$0x5B60]  }
0x34d: {  	v15 =	vld [tilespmem:$0x6560]  }
0x34e: {  	[tilespmem:$0x1F990] =	vst v58;
	v58 =	vld [tilespmem:$0x5360]  }
0x34f: {  	v1 =	vadd.f32 v18, v1;
	v18 =	vld [tilespmem:$0x6760]  }
0x350: {  	[tilespmem:$0x1FA70] =	vst v12;
	v12 =	vld [tilespmem:$0x1EF70]  }
0x351: {  	[tilespmem:$0x1FB40] =	vst v8;
	v8 =	vld [tilespmem:$0x3970]  }
0x352: {  	v1 =	vadd.f32 v21, v1;
	v21 =	vld [tilespmem:$0x1EF80]  }
0x353: {  	[tilespmem:$0x1FBB0] =	vst v15;
	v15 =	vld [tilespmem:$0x4F70]  }
0x354: {  	[tilespmem:$0x1F9C0] =	vst v58;
	v58 =	vld [tilespmem:$0x5560];
	v1 =	vadd.f32 v24, v1  }
0x355: {  	v24 =	vld [tilespmem:$0x1EF90]  }
0x356: {  	[tilespmem:$0x1FBE0] =	vst v18;
	v18 =	vld [tilespmem:$0x4970];
	v1 =	vadd.f32 v28, v1  }
0x357: {  	v28 =	vld [tilespmem:$0x1EFA0]  }
0x358: {  	v1 =	vadd.f32 v44, v1;
	v44 =	vld [tilespmem:$0x3B70]  }
0x359: {  	[tilespmem:$0x1FA00] =	vst v58;
	v58 =	vadd.f32 v50, v9;
	v50 =	vld [tilespmem:$0x5D60]  }
0x35a: {  	v9 =	vld [tilespmem:$0x6360]  }
0x35b: {  	v1 =	vadd.f32 v34, v1;
	v34 =	vld [tilespmem:$0x1EFB0]  }
0x35c: {  	[tilespmem:$0x1FA30] =	vst v43;
	v43 =	vadd.f32 v59, v58;
	v59 =	vld [tilespmem:$0x1EF60]  }
0x35d: {  	v58 =	vld [tilespmem:$0x5F60]  }
0x35e: {  	v1 =	vadd.f32 v38, v1;
	v38 =	vld [tilespmem:$0x1EFC0]  }
0x35f: {  	[tilespmem:$0x1FAD0] =	vst v50;
	v50 =	vld [tilespmem:$0x3770]  }
0x360: {  	[tilespmem:$0x1FAA0] =	vst v41;
	v41 =	vadd.f32 v42, v1;
	v42 =	vld [tilespmem:$0x1EFD0]  }
0x361: {  	v2 =	vadd.f32 v59, v43;
	v43 =	vld [tilespmem:$0x3570]  }
0x362: {  	[tilespmem:$0x1FB00] =	vst v58;
	v58 =	vld [tilespmem:$0x1EFE0]  }
0x363: {  	[tilespmem:$0x1FB70] =	vst v9;
	v9 =	vadd.f32 v48, v41;
	v48 =	vld [tilespmem:$0x5170]  }
0x364: {  	v59 =	vadd.f32 v25, v0;
	v25 =	vld [tilespmem:$0x1F010]  }
0x365: {  	v41 =	vld [tilespmem:$0x1F070]  }
0x366: {  	v2 =	vadd.f32 v12, v2;
	v12 =	vld [tilespmem:$0x4370]  }
0x367: {  	v10 =	vadd.f32 v30, v59;
	v30 =	vld [tilespmem:$0x1F020]  }
0x368: {  	v9 =	vadd.f32 v54, v9;
	v54 =	vld [tilespmem:$0x6570]  }
0x369: {  	v59 =	vld [tilespmem:$0x6770]  }
0x36a: {  	v2 =	vadd.f32 v21, v2;
	v21 =	vld [tilespmem:$0x1EFF0]  }
0x36b: {  	v10 =	vadd.f32 v32, v10;
	v32 =	vld [tilespmem:$0x1F030]  }
0x36c: {  	v9 =	vadd.f32 v60, v9;
	v60 =	vld [tilespmem:$0x1F0A0]  }
0x36d: {  	v2 =	vadd.f32 v24, v2;
	v24 =	vld [tilespmem:$0x1F000]  }
0x36e: {  	v10 =	vadd.f32 v36, v10;
	v36 =	vld [tilespmem:$0x1F050]  }
0x36f: {  	v9 =	vadd.f32 v25, v9;
	v25 =	vld [tilespmem:$0x1F0B0]  }
0x370: {  	[tilespmem:$0x1FBD0] =	vst v54;
	v54 =	vld [tilespmem:$0x1F100];
	v2 =	vadd.f32 v28, v2  }
0x371: {  	[tilespmem:$0x1FC10] =	vst v59;
	v59 =	vld [tilespmem:$0x1F120]  }
0x372: {  	v28 =	vld [tilespmem:$0x5770];
	v3 =	vadd.f32 v34, v2  }
0x373: {  	v10 =	vadd.f32 v39, v10;
	v39 =	vld [tilespmem:$0x1F060]  }
0x374: {  	v9 =	vadd.f32 v32, v9;
	v32 =	vld [tilespmem:$0x5B70];
	v6 =	vadd.f32 v38, v3  }
0x375: {  	v2 =	vld [tilespmem:$0x4170]  }
0x376: {  	v34 =	vld [tilespmem:$0x1F040];
	v6 =	vadd.f32 v42, v6  }
0x377: {  	v10 =	vadd.f32 v46, v10;
	v46 =	vld [tilespmem:$0x1F080]  }
0x378: {  	v9 =	vadd.f32 v36, v9;
	v36 =	vld [tilespmem:$0x1F0C0];
	v6 =	vadd.f32 v58, v6  }
0x379: {  	v3 =	vld [tilespmem:$0x4570]  }
0x37a: {  	v38 =	vld [tilespmem:$0x5F70];
	v6 =	vadd.f32 v21, v6  }
0x37b: {  	v10 =	vadd.f32 v51, v10;
	v51 =	vld [tilespmem:$0x3D80]  }
0x37c: {  	[tilespmem:$0x1FA50] =	vst v28;
	v28 =	vld [tilespmem:$0x3780];
	v6 =	vadd.f32 v24, v6  }
0x37d: {  	v9 =	vadd.f32 v41, v9;
	v41 =	vld [tilespmem:$0x3B80]  }
0x37e: {  	v42 =	vld [tilespmem:$0x6370];
	v6 =	vadd.f32 v30, v6  }
0x37f: {  	v10 =	vadd.f32 v56, v10;
	v56 =	vld [tilespmem:$0x3F80]  }
0x380: {  	v58 =	vld [tilespmem:$0x1F090];
	v6 =	vadd.f32 v34, v6  }
0x381: {  	v10 =	vadd.f32 v61, v10;
	v61 =	vld [tilespmem:$0x1F130]  }
0x382: {  	[tilespmem:$0x1FB20] =	vst v38;
	v38 =	vld [tilespmem:$0x3980];
	v6 =	vadd.f32 v39, v6  }
0x383: {  	[tilespmem:$0x1FC40] =	vst v51;
	v51 =	vld [tilespmem:$0x4980]  }
0x384: {  	[tilespmem:$0x1FB90] =	vst v42;
	v42 =	vld [tilespmem:$0x1F0E0];
	v6 =	vadd.f32 v46, v6  }
0x385: {  	v39 =	vld [tilespmem:$0x1F0D0]  }
0x386: {  	[tilespmem:$0x1FC30] =	vst v41;
	v41 =	vld [tilespmem:$0x1F170];
	v9 =	vadd.f32 v58, v9;
	v6 =	vadd.f32 v60, v6  }
0x387: {  	v58 =	vld [tilespmem:$0x1F110]  }
0x388: {  	[tilespmem:$0x1FC20] =	vst v38;
	v38 =	vld [tilespmem:$0x1F160];
	v9 =	vadd.f32 v25, v9;
	v6 =	vadd.f32 v36, v6  }
0x389: {  	v25 =	vld [tilespmem:$0x1F140]  }
0x38a: {  	v46 =	vld [tilespmem:$0x1F0F0];
	v9 =	vadd.f32 v39, v9;
	v6 =	vadd.f32 v42, v6  }
0x38b: {  	v60 =	vld [tilespmem:$0x4180]  }
0x38c: {  	[tilespmem:$0x1FC90] =	vst v22;
	v39 =	vld [tilespmem:$0x4780];
	v9 =	vadd.f32 v54, v9;
	v6 =	vadd.f32 v58, v6  }
0x38d: {  	[tilespmem:$0x1FC00] =	vst v28;
	v54 =	vld [tilespmem:$0x1F190]  }
0x38e: {  	[tilespmem:$0x1FC50] =	vst v56;
	v36 =	vld [tilespmem:$0x4580];
	v9 =	vadd.f32 v61, v9;
	v6 =	vadd.f32 v25, v6  }
0x38f: {  	v21 =	vld [tilespmem:$0x5570];
	[tilespmem:$0x1FCF0] =	vst v51  }
0x390: {  	v28 =	vld [tilespmem:$0x1F150];
	[tilespmem:$0x1FC70] =	vst v60;
	v9 =	vadd.f32 v38, v9;
	v0 =	vadd.f32 v41, v6  }
0x391: {  	v24 =	vld [tilespmem:$0x5970];
	[tilespmem:$0x1FCD0] =	vst v39  }
0x392: {  	v30 =	vld [tilespmem:$0x5D70];
	[tilespmem:$0x1FF40] =	vst v0;
	v0 =	vadd.f32 v54, v9  }
0x393: {  	v34 =	vld [tilespmem:$0x6170];
	v10 =	vadd.f32 v46, v10;
	[tilespmem:$0x1FCB0] =	vst v36  }
0x394: {  	v42 =	vld [tilespmem:$0x1F180];
	[tilespmem:$0x1FF50] =	vst v0  }
0x395: {  	v10 =	vadd.f32 v59, v10;
	v0 =	vld [tilespmem:$0x1F1A0]  }
0x396: {  	v56 =	vld [tilespmem:$0x1F1B0]  }
0x397: {  	v10 =	vadd.f32 v28, v10;
	v59 =	vld [tilespmem:$0x4B80]  }
0x398: {  	v60 =	vld [tilespmem:$0x1F1C0]  }
0x399: {  	v46 =	vadd.f32 v42, v10;
	v10 =	vld [tilespmem:$0x4D80]  }
0x39a: {  	v22 =	vld [tilespmem:$0x1F1D0]  }
0x39b: {  	v25 =	vadd.f32 v26, v27;
	v26 =	vld [tilespmem:$0x4F80]  }
0x39c: {  	v27 =	vld [tilespmem:$0x5180]  }
0x39d: {  	v28 =	vld [tilespmem:$0x1F1E0]  }
0x39e: {  	v36 =	vld [tilespmem:$0x5380]  }
0x39f: {  	v7 =	vadd.f32 v7, v11;
	v38 =	vld [tilespmem:$0x1F1F0]  }
0x3a0: {  	v39 =	vld [tilespmem:$0x5580]  }
0x3a1: {  	v7 =	vadd.f32 v13, v7;
	v41 =	vld [tilespmem:$0x1F200]  }
0x3a2: {  	v42 =	vld [tilespmem:$0x5780]  }
0x3a3: {  	v7 =	vadd.f32 v17, v7;
	v51 =	vld [tilespmem:$0x5980]  }
0x3a4: {  	v61 =	vadd.f32 v52, v53;
	v52 =	vld [tilespmem:$0x1F220]  }
0x3a5: {  	v7 =	vadd.f32 v20, v7;
	v53 =	vld [tilespmem:$0x5B80]  }
0x3a6: {  	v54 =	vld [tilespmem:$0x1F230]  }
0x3a7: {  	v7 =	vadd.f32 v23, v7;
	v6 =	vadd.f32 v57, v61;
	v57 =	vld [tilespmem:$0x1F240]  }
0x3a8: {  	v61 =	vld [tilespmem:$0x1F260]  }
0x3a9: {  	v7 =	vadd.f32 v29, v7;
	v11 =	vld [tilespmem:$0x6380]  }
0x3aa: {  	v13 =	vld [tilespmem:$0x1F270]  }
0x3ab: {  	v7 =	vadd.f32 v33, v7;
	v17 =	vld [tilespmem:$0x6580]  }
0x3ac: {  	v20 =	vld [tilespmem:$0x1F280]  }
0x3ad: {  	v7 =	vadd.f32 v37, v7;
	v23 =	vld [tilespmem:$0x1F290]  }
0x3ae: {  	v29 =	vld [tilespmem:$0x1F2E0]  }
0x3af: {  	v7 =	vadd.f32 v45, v7;
	v33 =	vld [tilespmem:$0x1F300]  }
0x3b0: {  	v37 =	vld [tilespmem:$0x1F320]  }
0x3b1: {  	v7 =	vadd.f32 v49, v7;
	v45 =	vld [tilespmem:$0x4390]  }
0x3b2: {  	v49 =	vld [tilespmem:$0x1F360]  }
0x3b3: {  	v7 =	vadd.f32 v63, v7;
	v63 =	vld [tilespmem:$0x1F3D0]  }
0x3b4: {  	v58 =	vadd.f32 v56, v0;
	v0 =	vadd.f32 v60, v46;
	v46 =	vld [tilespmem:$0x1F210]  }
0x3b5: {  	v56 =	vld [tilespmem:$0x5D80]  }
0x3b6: {  	[tilespmem:$0x1FD10] =	vst v59;
	v59 =	vld [tilespmem:$0x1F250]  }
0x3b7: {  	v60 =	vld [tilespmem:$0x6180]  }
0x3b8: {  	[tilespmem:$0x1FDD0] =	vst v42;
	v42 =	vld [tilespmem:$0x3590]  }
0x3b9: {  	[tilespmem:$0x1FD30] =	vst v10;
	v10 =	vadd.f32 v31, v25;
	v25 =	vld [tilespmem:$0x1F2A0]  }
0x3ba: {  	[tilespmem:$0x1FD50] =	vst v26;
	v26 =	vld [tilespmem:$0x1F2B0]  }
0x3bb: {  	[tilespmem:$0x1FD70] =	vst v27;
	v27 =	vld [tilespmem:$0x1F2C0]  }
0x3bc: {  	v31 =	vld [tilespmem:$0x1F2F0]  }
0x3bd: {  	[tilespmem:$0x1FD90] =	vst v36;
	v36 =	vld [tilespmem:$0x3F90]  }
0x3be: {  	v6 =	vadd.f32 v38, v6;
	v38 =	vld [tilespmem:$0x4190]  }
0x3bf: {  	[tilespmem:$0x1FDB0] =	vst v39;
	v39 =	vld [tilespmem:$0x1F330]  }
0x3c0: {  	[tilespmem:$0x1FDF0] =	vst v51;
	v51 =	vld [tilespmem:$0x1F370]  }
0x3c1: {  	[tilespmem:$0x1FE10] =	vst v53;
	v53 =	vld [tilespmem:$0x1F380]  }
0x3c2: {  	[tilespmem:$0x1FEA0] =	vst v11;
	v11 =	vld [tilespmem:$0x4D90]  }
0x3c3: {  	[tilespmem:$0x1FED0] =	vst v17;
	v17 =	vld [tilespmem:$0x1F3F0]  }
0x3c4: {  	[tilespmem:$0x1FCA0] =	vst v45;
	v45 =	vld [tilespmem:$0x1F4A0]  }
0x3c5: {  	v9 =	vadd.f32 v22, v58;
	v58 =	vld [tilespmem:$0x5F80]  }
0x3c6: {  	v10 =	vadd.f32 v35, v10;
	v22 =	vld [tilespmem:$0x6780]  }
0x3c7: {  	v35 =	vld [tilespmem:$0x1F310]  }
0x3c8: {  	v10 =	vadd.f32 v40, v10;
	v40 =	vld [tilespmem:$0x3990]  }
0x3c9: {  	v9 =	vadd.f32 v28, v9;
	v28 =	vld [tilespmem:$0x1F2D0]  }
0x3ca: {  	[tilespmem:$0x1FE70] =	vst v60;
	v60 =	vld [tilespmem:$0x3D90]  }
0x3cb: {  	v6 =	vadd.f32 v46, v6;
	v46 =	vld [tilespmem:$0x1F350]  }
0x3cc: {  	[tilespmem:$0x1FE30] =	vst v56;
	v56 =	vld [tilespmem:$0x1F3A0]  }
0x3cd: {  	[tilespmem:$0x1FC60] =	vst v36;
	v36 =	vld [tilespmem:$0x1F470]  }
0x3ce: {  	[tilespmem:$0x1FC80] =	vst v38;
	v38 =	vld [tilespmem:$0x1F480]  }
0x3cf: {  	[tilespmem:$0x1FD40] =	vst v11;
	v11 =	vld [tilespmem:$0x6390]  }
0x3d0: {  	v9 =	vadd.f32 v41, v9;
	v41 =	vld [tilespmem:$0x1F340]  }
0x3d1: {  	v10 =	vadd.f32 v47, v10;
	v47 =	vld [tilespmem:$0x4590]  }
0x3d2: {  	[tilespmem:$0x1FE50] =	vst v58;
	v58 =	vld [tilespmem:$0x3B90]  }
0x3d3: {  	v6 =	vadd.f32 v54, v6;
	v54 =	vld [tilespmem:$0x1F390]  }
0x3d4: {  	[tilespmem:$0x1FF00] =	vst v22;
	v22 =	vld [tilespmem:$0x1F400]  }
0x3d5: {  	v9 =	vadd.f32 v52, v9;
	v52 =	vld [tilespmem:$0x4790]  }
0x3d6: {  	v10 =	vadd.f32 v55, v10;
	v55 =	vld [tilespmem:$0x4990]  }
0x3d7: {  	v6 =	vadd.f32 v59, v6;
	v59 =	vld [tilespmem:$0x3790]  }
0x3d8: {  	v9 =	vadd.f32 v57, v9;
	v57 =	vld [tilespmem:$0x1F3B0]  }
0x3d9: {  	v10 =	vadd.f32 v62, v10;
	v62 =	vld [tilespmem:$0x1F3C0]  }
0x3da: {  	[tilespmem:$0x1FEC0] =	vst v11;
	v11 =	vld [tilespmem:$0x1F6C0]  }
0x3db: {  	v6 =	vadd.f32 v13, v6;
	v13 =	vld [tilespmem:$0x1F3E0]  }
0x3dc: {  	[tilespmem:$0x1FCC0] =	vst v47;
	v47 =	vld [tilespmem:$0x5B90]  }
0x3dd: {  	v9 =	vadd.f32 v61, v9;
	v61 =	vld [tilespmem:$0x4B90]  }
0x3de: {  	v10 =	vadd.f32 v26, v10;
	v26 =	vld [tilespmem:$0x1F420]  }
0x3df: {  	v7 =	vadd.f32 v54, v7;
	v54 =	vld [tilespmem:$0x1F4F0]  }
0x3e0: {  	v6 =	vadd.f32 v23, v6;
	v23 =	vld [tilespmem:$0x1F410]  }
0x3e1: {  	[tilespmem:$0x1FCE0] =	vst v52;
	v52 =	vld [tilespmem:$0x5D90]  }
0x3e2: {  	[tilespmem:$0x1FD00] =	vst v55;
	v55 =	vld [tilespmem:$0x5F90]  }
0x3e3: {  	v9 =	vadd.f32 v20, v9;
	v20 =	vld [tilespmem:$0x4F90]  }
0x3e4: {  	v10 =	vadd.f32 v29, v10;
	v29 =	vld [tilespmem:$0x1F440]  }
0x3e5: {  	v7 =	vadd.f32 v63, v7;
	v63 =	vld [tilespmem:$0x1F530]  }
0x3e6: {  	v6 =	vadd.f32 v27, v6;
	v27 =	vld [tilespmem:$0x1F430]  }
0x3e7: {  	v9 =	vadd.f32 v25, v9;
	v25 =	vld [tilespmem:$0x5190]  }
0x3e8: {  	v10 =	vadd.f32 v35, v10;
	v35 =	vld [tilespmem:$0x1F460]  }
0x3e9: {  	[tilespmem:$0x1FE20] =	vst v47;
	v47 =	vld [tilespmem:$0x1F650]  }
0x3ea: {  	v6 =	vadd.f32 v31, v6;
	v31 =	vld [tilespmem:$0x1F450]  }
0x3eb: {  	[tilespmem:$0x1FD20] =	vst v61;
	v61 =	vld [tilespmem:$0x6190]  }
0x3ec: {  	v9 =	vadd.f32 v28, v9;
	v28 =	vld [tilespmem:$0x5390]  }
0x3ed: {  	v10 =	vadd.f32 v41, v10;
	v41 =	vld [tilespmem:$0x5990]  }
0x3ee: {  	v7 =	vadd.f32 v23, v7;
	v23 =	vld [tilespmem:$0x1F570]  }
0x3ef: {  	[tilespmem:$0x1FE40] =	vst v52;
	v52 =	vld [tilespmem:$0x1F670]  }
0x3f0: {  	[tilespmem:$0x1FE60] =	vst v55;
	v55 =	vld [tilespmem:$0x1F680]  }
0x3f1: {  	v6 =	vadd.f32 v37, v6;
	v37 =	vld [tilespmem:$0x5790]  }
0x3f2: {  	[tilespmem:$0x1FD60] =	vst v20;
	v20 =	vld [tilespmem:$0x6590]  }
0x3f3: {  	v9 =	vadd.f32 v33, v9;
	v33 =	vld [tilespmem:$0x5590]  }
0x3f4: {  	v10 =	vadd.f32 v51, v10;
	v51 =	vld [tilespmem:$0x1F4D0]  }
0x3f5: {  	v6 =	vadd.f32 v46, v6;
	v46 =	vld [tilespmem:$0x1F4B0]  }
0x3f6: {  	[tilespmem:$0x1FD80] =	vst v25;
	v25 =	vld [tilespmem:$0x6790]  }
0x3f7: {  	v9 =	vadd.f32 v39, v9;
	v39 =	vld [tilespmem:$0x1F490]  }
0x3f8: {  	v10 =	vadd.f32 v57, v10;
	v57 =	vld [tilespmem:$0x1F510]  }
0x3f9: {  	v7 =	vadd.f32 v31, v7;
	v31 =	vld [tilespmem:$0x1F5C0]  }
0x3fa: {  	[tilespmem:$0x1FE90] =	vst v61;
	v61 =	vld [tilespmem:$0x49A0]  }
0x3fb: {  	v6 =	vadd.f32 v53, v6;
	v53 =	vld [tilespmem:$0x1F4E0]  }
0x3fc: {  	[tilespmem:$0x1FDA0] =	vst v28;
	v28 =	vld [tilespmem:$0x1F5A0]  }
0x3fd: {  	[tilespmem:$0x1FE00] =	vst v41;
	v41 =	vld [tilespmem:$0x1F630]  }
0x3fe: {  	v9 =	vadd.f32 v49, v9;
	v49 =	vld [tilespmem:$0x1F4C0]  }
0x3ff: {  	v10 =	vadd.f32 v17, v10;
	v17 =	vld [tilespmem:$0x1F550]  }
0x400: {  	[tilespmem:$0x1FDE0] =	vst v37;
	v37 =	vld [tilespmem:$0x1F600]  }
0x401: {  	[tilespmem:$0x1FEF0] =	vst v20;
	v20 =	vld [tilespmem:$0x1F6E0]  }
0x402: {  	v6 =	vadd.f32 v62, v6;
	v62 =	vld [tilespmem:$0x1F520]  }
0x403: {  	[tilespmem:$0x1FDC0] =	vst v33;
	v33 =	vld [tilespmem:$0x1F5D0]  }
0x404: {  	v9 =	vadd.f32 v56, v9;
	v56 =	vld [tilespmem:$0x1F500]  }
0x405: {  	v10 =	vadd.f32 v27, v10;
	v27 =	vld [tilespmem:$0x1F590]  }
0x406: {  	[tilespmem:$0x1FF20] =	vst v25;
	v25 =	vld [tilespmem:$0x1F700]  }
0x407: {  	v6 =	vadd.f32 v22, v6;
	v22 =	vld [tilespmem:$0x1F560]  }
0x408: {  	v7 =	vadd.f32 v39, v7;
	v39 =	vld [tilespmem:$0x1F620]  }
0x409: {  	v9 =	vadd.f32 v13, v9;
	v13 =	vld [tilespmem:$0x1F540]  }
0x40a: {  	v10 =	vadd.f32 v36, v10;
	v36 =	vld [tilespmem:$0x1F5F0]  }
0x40b: {  	v6 =	vadd.f32 v29, v6;
	v29 =	vld [tilespmem:$0x1F5B0]  }
0x40c: {  	v7 =	vadd.f32 v51, v7;
	v51 =	vld [tilespmem:$0x39A0]  }
0x40d: {  	v9 =	vadd.f32 v26, v9;
	v26 =	vld [tilespmem:$0x1F580]  }
0x40e: {  	v10 =	vadd.f32 v46, v10;
	v46 =	vld [tilespmem:$0x35A0]  }
0x40f: {  	v6 =	vadd.f32 v38, v6;
	v38 =	vld [tilespmem:$0x1F610]  }
0x410: {  	v10 =	vadd.f32 v54, v10;
	v54 =	vld [tilespmem:$0x37A0]  }
0x411: {  	v7 =	vadd.f32 v57, v7;
	v9 =	vadd.f32 v35, v9;
	v35 =	vld [tilespmem:$0x1F5E0]  }
0x412: {  	v6 =	vadd.f32 v49, v6;
	v49 =	vld [tilespmem:$0x1F660]  }
0x413: {  	v7 =	vadd.f32 v17, v7;
	v17 =	vld [tilespmem:$0x1F6D0]  }
0x414: {  	v9 =	vadd.f32 v45, v9;
	v45 =	vld [tilespmem:$0x1F640]  }
0x415: {  	v10 =	vadd.f32 v63, v10;
	v63 =	vld [tilespmem:$0x1F7B0]  }
0x416: {  	v6 =	vadd.f32 v56, v6;
	v7 =	vadd.f32 v27, v7;
	v56 =	vld [tilespmem:$0x1F690]  }
0x417: {  	v27 =	vld [tilespmem:$0x1F720];
	v9 =	vadd.f32 v53, v9  }
0x418: {  	v7 =	vadd.f32 v33, v7;
	v33 =	vadd.f32 v50, v43;
	v50 =	vld [tilespmem:$0x1F770]  }
0x419: {  	v10 =	vadd.f32 v23, v10;
	v43 =	vld [tilespmem:$0x57A0]  }
0x41a: {  	v6 =	vadd.f32 v13, v6;
	v9 =	vadd.f32 v62, v9;
	v62 =	vld [tilespmem:$0x47A0]  }
0x41b: {  	v10 =	vadd.f32 v29, v10;
	v7 =	vadd.f32 v38, v7;
	v38 =	vld [tilespmem:$0x43A0]  }
0x41c: {  	v6 =	vadd.f32 v26, v6;
	v26 =	vld [tilespmem:$0x1F710]  }
0x41d: {  	v10 =	vadd.f32 v36, v10;
	v36 =	vld [tilespmem:$0x3FA0]  }
0x41e: {  	v9 =	vadd.f32 v22, v9;
	v22 =	vld [tilespmem:$0x1F6F0]  }
0x41f: {  	v6 =	vadd.f32 v31, v6;
	v31 =	vld [tilespmem:$0x1F730]  }
0x420: {  	v7 =	vadd.f32 v47, v7;
	v47 =	vld [tilespmem:$0x1F750]  }
0x421: {  	v9 =	vadd.f32 v28, v9;
	v28 =	vld [tilespmem:$0x3BA0]  }
0x422: {  	v10 =	vadd.f32 v41, v10;
	v41 =	vld [tilespmem:$0x4FA0]  }
0x423: {  	v6 =	vadd.f32 v37, v6;
	v37 =	vld [tilespmem:$0x41A0]  }
0x424: {  	v57 =	vadd.f32 v56, v7;
	v7 =	vld [tilespmem:$0x1F6A0]  }
0x425: {  	v56 =	vld [tilespmem:$0x4DA0]  }
0x426: {  	v9 =	vadd.f32 v35, v9;
	v35 =	vld [tilespmem:$0x3DA0]  }
0x427: {  	v53 =	vadd.f32 v52, v10;
	v10 =	vld [tilespmem:$0x1F6B0]  }
0x428: {  	v52 =	vld [tilespmem:$0x1F780]  }
0x429: {  	v29 =	vadd.f32 v27, v26;
	v26 =	vld [tilespmem:$0x5FA0]  }
0x42a: {  	v27 =	vld [tilespmem:$0x1F820]  }
0x42b: {  	v6 =	vadd.f32 v45, v6;
	v45 =	vld [tilespmem:$0x1F740]  }
0x42c: {  	v23 =	vadd.f32 v22, v20;
	v20 =	vld [tilespmem:$0x1F800];
	v9 =	vadd.f32 v39, v9  }
0x42d: {  	v39 =	vld [tilespmem:$0x45A0]  }
0x42e: {  	[tilespmem:$0x1FF60] =	vst v0;
	v0 =	vadd.f32 v49, v9;
	v49 =	vld [tilespmem:$0x1F760]  }
0x42f: {  	v9 =	vadd.f32 v47, v29;
	v47 =	vld [tilespmem:$0x51A0]  }
0x430: {  	v29 =	vld [tilespmem:$0x61A0]  }
0x431: {  	v13 =	vadd.f32 v11, v10;
	v10 =	vadd.f32 v8, v33;
	v8 =	vld [tilespmem:$0x1F7C0]  }
0x432: {  	v11 =	vld [tilespmem:$0x1F7D0]  }
0x433: {  	[tilespmem:$0x1FE80] =	vst v26;
	v26 =	vld [tilespmem:$0x1F8C0]  }
0x434: {  	[tilespmem:$0x1FF70] =	vst v0;
	v0 =	vadd.f32 v55, v6;
	v55 =	vld [tilespmem:$0x1F7A0]  }
0x435: {  	v6 =	vadd.f32 v31, v23;
	v23 =	vld [tilespmem:$0x1F810]  }
0x436: {  	v31 =	vld [tilespmem:$0x1F830]  }
0x437: {  	v9 =	vadd.f32 v52, v9;
	v52 =	vld [tilespmem:$0x63A0]  }
0x438: {  	v10 =	vadd.f32 v44, v10;
	v44 =	vld [tilespmem:$0x55A0]  }
0x439: {  	[tilespmem:$0x1FF80] =	vst v0;
	v0 =	vadd.f32 v7, v53;
	v53 =	vld [tilespmem:$0x1F790]  }
0x43a: {  	v7 =	vadd.f32 v25, v13;
	v13 =	vld [tilespmem:$0x1F7E0]  }
0x43b: {  	v9 =	vadd.f32 v63, v9;
	v63 =	vld [tilespmem:$0x5DA0]  }
0x43c: {  	v4 =	vadd.f32 v4, v10;
	v10 =	vld [tilespmem:$0x1F870]  }
0x43d: {  	[tilespmem:$0x1FEB0] =	vst v29;
	v29 =	vld [tilespmem:$0x1F8E0]  }
0x43e: {  	[tilespmem:$0x1FF90] =	vst v0;
	v0 =	vadd.f32 v17, v57;
	v57 =	vld [tilespmem:$0x4BA0]  }
0x43f: {  	v17 =	vld [tilespmem:$0x1F7F0]  }
0x440: {  	v7 =	vadd.f32 v45, v7;
	v45 =	vld [tilespmem:$0x1F840]  }
0x441: {  	v6 =	vadd.f32 v49, v6;
	[tilespmem:$0x1FEE0] =	vst v52;
	v52 =	vld [tilespmem:$0x1F930]  }
0x442: {  	v7 =	vadd.f32 v50, v7;
	v50 =	vld [tilespmem:$0x53A0]  }
0x443: {  	v6 =	vadd.f32 v53, v6;
	v53 =	vld [tilespmem:$0x59A0]  }
0x444: {  	v4 =	vadd.f32 v5, v4;
	v9 =	vadd.f32 v13, v9;
	v13 =	vld [tilespmem:$0x1F890]  }
0x445: {  	v7 =	vadd.f32 v55, v7;
	v55 =	vld [tilespmem:$0x5BA0]  }
0x446: {  	v2 =	vadd.f32 v2, v4;
	v6 =	vadd.f32 v8, v6;
	v8 =	vld [tilespmem:$0x65A0]  }
0x447: {  	v25 =	vadd.f32 v23, v9;
	v9 =	vld [tilespmem:$0x1F860]  }
0x448: {  	v2 =	vadd.f32 v12, v2;
	v12 =	vld [tilespmem:$0x1F880]  }
0x449: {  	v23 =	vld [tilespmem:$0x1F8B0]  }
0x44a: {  	v7 =	vadd.f32 v11, v7;
	v11 =	vld [tilespmem:$0x67A0]  }
0x44b: {  	v49 =	vadd.f32 v45, v25;
	v45 =	vld [tilespmem:$0x1F910]  }
0x44c: {  	v6 =	vadd.f32 v17, v6;
	v22 =	vadd.f32 v20, v7;
	v7 =	vld [tilespmem:$0x1F850]  }
0x44d: {  	v20 =	vld [tilespmem:$0x1F8A0]  }
0x44e: {  	v6 =	vadd.f32 v27, v6;
	v27 =	vld [tilespmem:$0x1F8D0]  }
0x44f: {  	v2 =	vadd.f32 v3, v2;
	v5 =	vadd.f32 v10, v49;
	v10 =	vld [tilespmem:$0x3DB0]  }
0x450: {  	v49 =	vld [tilespmem:$0x1F920]  }
0x451: {  	v2 =	vadd.f32 v16, v2;
	v16 =	vld [tilespmem:$0x43B0]  }
0x452: {  	[tilespmem:$0x1FF10] =	vst v8;
	v8 =	vld [tilespmem:$0x35B0]  }
0x453: {  	v33 =	vadd.f32 v31, v22;
	v31 =	vld [tilespmem:$0x1F8F0]  }
0x454: {  	[tilespmem:$0x1FF30] =	vst v11;
	v11 =	vld [tilespmem:$0x3FB0]  }
0x455: {  	v2 =	vadd.f32 v18, v2;
	v18 =	vld [tilespmem:$0x1F970]  }
0x456: {  	v4 =	vadd.f32 v9, v33;
	v9 =	vld [tilespmem:$0x3BB0]  }
0x457: {  	v33 =	vld [tilespmem:$0x1F900]  }
0x458: {  	v6 =	vadd.f32 v7, v6;
	v7 =	vld [tilespmem:$0x37B0]  }
0x459: {  	v2 =	vadd.f32 v14, v2;
	v14 =	vld [tilespmem:$0x1F950]  }
0x45a: {  	v22 =	vadd.f32 v20, v5;
	v20 =	vld [tilespmem:$0x1F980]  }
0x45b: {  	v17 =	vadd.f32 v13, v4;
	v13 =	vld [tilespmem:$0x1F940]  }
0x45c: {  	v6 =	vadd.f32 v12, v6;
	v12 =	vld [tilespmem:$0x41B0]  }
0x45d: {  	v4 =	vadd.f32 v27, v22;
	v22 =	vld [tilespmem:$0x45B0]  }
0x45e: {  	v27 =	vld [tilespmem:$0x1F990]  }
0x45f: {  	v2 =	vadd.f32 v19, v2;
	v3 =	vadd.f32 v26, v17;
	v17 =	vld [tilespmem:$0x1F960]  }
0x460: {  	v25 =	vadd.f32 v23, v6;
	v6 =	vld [tilespmem:$0x39B0]  }
0x461: {  	v19 =	vadd.f32 v15, v2;
	v2 =	vld [tilespmem:$0x49B0]  }
0x462: {  	v4 =	vadd.f32 v33, v4;
	v33 =	vld [tilespmem:$0x1F9C0]  }
0x463: {  	v3 =	vadd.f32 v31, v3;
	v31 =	vld [tilespmem:$0x1F9B0]  }
0x464: {  	v5 =	vadd.f32 v29, v25;
	v4 =	vadd.f32 v52, v4;
	v52 =	vld [tilespmem:$0x47B0]  }
0x465: {  	v7 =	vadd.f32 v7, v8;
	v29 =	vld [tilespmem:$0x1F9A0];
	v3 =	vadd.f32 v49, v3  }
0x466: {  	v25 =	vld [tilespmem:$0x4DB0];
	v5 =	vadd.f32 v45, v5;
	v4 =	vadd.f32 v17, v4  }
0x467: {  	v3 =	vadd.f32 v14, v3;
	v7 =	vadd.f32 v6, v7;
	v6 =	vld [tilespmem:$0x4BD0]  }
0x468: {  	v5 =	vadd.f32 v13, v5;
	v13 =	vadd.f32 v48, v19;
	v48 =	vld [tilespmem:$0x1F9D0]  }
0x469: {  	v4 =	vadd.f32 v27, v4;
	v27 =	vld [tilespmem:$0x1F9F0]  }
0x46a: {  	v23 =	vadd.f32 v20, v3;
	v3 =	vld [tilespmem:$0x4BB0]  }
0x46b: {  	v9 =	vadd.f32 v9, v7;
	v7 =	vld [tilespmem:$0x4DD0]  }
0x46c: {  	v45 =	vadd.f32 v33, v4;
	v4 =	vld [tilespmem:$0x4FB0]  }
0x46d: {  	v33 =	vld [tilespmem:$0x1FA20]  }
0x46e: {  	v14 =	vadd.f32 v31, v23;
	v23 =	vld [tilespmem:$0x1F9E0]  }
0x46f: {  	v5 =	vadd.f32 v18, v5;
	v31 =	vld [tilespmem:$0x1FA10]  }
0x470: {  	v9 =	vadd.f32 v10, v9;
	v10 =	vld [tilespmem:$0x1FC70]  }
0x471: {  	v5 =	vadd.f32 v29, v5;
	v29 =	vld [tilespmem:$0x1FA00]  }
0x472: {  	v14 =	vadd.f32 v27, v14;
	v27 =	vld [tilespmem:$0x55B0]  }
0x473: {  	v9 =	vadd.f32 v11, v9;
	v11 =	vld [tilespmem:$0x1FC90]  }
0x474: {  	v49 =	vadd.f32 v48, v5;
	v5 =	vld [tilespmem:$0x51B0]  }
0x475: {  	v48 =	vld [tilespmem:$0x1FA30]  }
0x476: {  	v12 =	vadd.f32 v12, v9;
	v9 =	vld [tilespmem:$0x5FC0]  }
0x477: {  	v26 =	vadd.f32 v23, v13;
	v13 =	vld [tilespmem:$0x53B0]  }
0x478: {  	v17 =	vadd.f32 v31, v49;
	v31 =	vld [tilespmem:$0x1FA50]  }
0x479: {  	v15 =	vadd.f32 v29, v45;
	v45 =	vadd.f32 v33, v14;
	v14 =	vld [tilespmem:$0x57B0]  }
0x47a: {  	v33 =	vld [tilespmem:$0x1FA60]  }
0x47b: {  	v12 =	vadd.f32 v16, v12;
	v16 =	vld [tilespmem:$0x1FCD0]  }
0x47c: {  	v18 =	vadd.f32 v21, v26;
	v26 =	vld [tilespmem:$0x1FA40]  }
0x47d: {  	v49 =	vadd.f32 v48, v15;
	v15 =	vld [tilespmem:$0x59B0]  }
0x47e: {  	v48 =	vld [tilespmem:$0x1FA80]  }
0x47f: {  	v22 =	vadd.f32 v22, v12;
	v12 =	vld [tilespmem:$0x65C0]  }
0x480: {  	v18 =	vadd.f32 v31, v18;
	v31 =	vld [tilespmem:$0x1FAA0]  }
0x481: {  	v22 =	vadd.f32 v52, v22;
	v52 =	vld [tilespmem:$0x1FD30]  }
0x482: {  	v19 =	vadd.f32 v33, v45;
	v45 =	vld [tilespmem:$0x1FA70]  }
0x483: {  	v33 =	vld [tilespmem:$0x1FAB0]  }
0x484: {  	v29 =	vadd.f32 v26, v17;
	v17 =	vld [tilespmem:$0x5BB0]  }
0x485: {  	v26 =	vld [tilespmem:$0x1FA90]  }
0x486: {  	v2 =	vadd.f32 v2, v22;
	v21 =	vadd.f32 v48, v29;
	v48 =	vld [tilespmem:$0x1FAC0]  }
0x487: {  	v20 =	vadd.f32 v45, v49;
	v49 =	vadd.f32 v24, v18;
	v18 =	vld [tilespmem:$0x5DB0]  }
0x488: {  	v45 =	vadd.f32 v33, v21;
	v21 =	vld [tilespmem:$0x61B0]  }
0x489: {  	v2 =	vadd.f32 v3, v2;
	v24 =	vld [tilespmem:$0x63B0]  }
0x48a: {  	v33 =	vld [tilespmem:$0x1FAF0]  }
0x48b: {  	v2 =	vadd.f32 v25, v2;
	v25 =	vld [tilespmem:$0x1FD90]  }
0x48c: {  	v29 =	vadd.f32 v26, v19;
	v19 =	vld [tilespmem:$0x5FB0]  }
0x48d: {  	v20 =	vadd.f32 v31, v20;
	v31 =	vld [tilespmem:$0x1FAD0]  }
0x48e: {  	v23 =	vadd.f32 v32, v49;
	v32 =	vld [tilespmem:$0x1FAE0]  }
0x48f: {  	v2 =	vadd.f32 v4, v2;
	v4 =	vld [tilespmem:$0x47D0]  }
0x490: {  	v49 =	vadd.f32 v48, v29;
	v48 =	vld [tilespmem:$0x1FB10]  }
0x491: {  	v23 =	vadd.f32 v30, v23;
	v30 =	vld [tilespmem:$0x65B0]  }
0x492: {  	v2 =	vadd.f32 v5, v2;
	v5 =	vld [tilespmem:$0x49D0]  }
0x493: {  	v29 =	vadd.f32 v33, v49;
	v33 =	vld [tilespmem:$0x1FB30]  }
0x494: {  	v2 =	vadd.f32 v13, v2;
	v13 =	vld [tilespmem:$0x1FDD0]  }
0x495: {  	v26 =	vadd.f32 v32, v45;
	v45 =	vld [tilespmem:$0x1FB00]  }
0x496: {  	v20 =	vadd.f32 v31, v20;
	v31 =	vld [tilespmem:$0x67B0]  }
0x497: {  	v49 =	vadd.f32 v48, v26;
	v26 =	vld [tilespmem:$0x1FB20]  }
0x498: {  	v2 =	vadd.f32 v27, v2;
	v48 =	vld [tilespmem:$0x1FB50]  }
0x499: {  	v27 =	vld [tilespmem:$0x1FE40]  }
0x49a: {  	v2 =	vadd.f32 v14, v2;
	v14 =	vld [tilespmem:$0x61D0]  }
0x49b: {  	v20 =	vadd.f32 v45, v20;
	v45 =	vld [tilespmem:$0x1FB40]  }
0x49c: {  	v2 =	vadd.f32 v15, v2;
	v23 =	vadd.f32 v26, v23;
	v26 =	vld [tilespmem:$0x35C0]  }
0x49d: {  	v32 =	vadd.f32 v48, v49;
	v49 =	vld [tilespmem:$0x1FB60]  }
0x49e: {  	v2 =	vadd.f32 v17, v2;
	v17 =	vld [tilespmem:$0x1FE80]  }
0x49f: {  	v34 =	vadd.f32 v34, v23;
	v23 =	vld [tilespmem:$0x39C0]  }
0x4a0: {  	v29 =	vadd.f32 v33, v29;
	v33 =	vadd.f32 v45, v20;
	v45 =	vld [tilespmem:$0x1FB70]  }
0x4a1: {  	v2 =	vadd.f32 v18, v2;
	v18 =	vld [tilespmem:$0x1FE90]  }
0x4a2: {  	v48 =	vadd.f32 v49, v29;
	v49 =	vld [tilespmem:$0x1FB80]  }
0x4a3: {  	v20 =	vld [tilespmem:$0x37C0]  }
0x4a4: {  	v2 =	vadd.f32 v19, v2;
	v19 =	vld [tilespmem:$0x37E0]  }
0x4a5: {  	v33 =	vadd.f32 v45, v33;
	v45 =	vld [tilespmem:$0x1FB90]  }
0x4a6: {  	v29 =	vld [tilespmem:$0x3BC0]  }
0x4a7: {  	v2 =	vadd.f32 v21, v2;
	v1 =	vadd.f32 v49, v32;
	v49 =	vld [tilespmem:$0x1FBA0]  }
0x4a8: {  	v21 =	vld [tilespmem:$0x35F0]  }
0x4a9: {  	v2 =	vadd.f32 v24, v2;
	v24 =	vld [tilespmem:$0x37F0]  }
0x4aa: {  	v34 =	vadd.f32 v45, v34;
	v45 =	vld [tilespmem:$0x1FBB0]  }
0x4ab: {  	v20 =	vadd.f32 v20, v26;
	v26 =	vld [tilespmem:$0x39F0]  }
0x4ac: {  	[tilespmem:$0x1FFA0] =	vst v0;
	v0 =	vadd.f32 v49, v48;
	v48 =	vld [tilespmem:$0x1FBC0]  }
0x4ad: {  	v32 =	vld [tilespmem:$0x3DC0]  }
0x4ae: {  	v20 =	vadd.f32 v23, v20;
	v49 =	vld [tilespmem:$0x1FBD0]  }
0x4af: {  	[tilespmem:$0x1FFB0] =	vst v0;
	v0 =	vadd.f32 v45, v33;
	v45 =	vld [tilespmem:$0x1FBE0]  }
0x4b0: {  	v20 =	vadd.f32 v29, v20;
	v29 =	vld [tilespmem:$0x59E0]  }
0x4b1: {  	v21 =	vadd.f32 v24, v21;
	v24 =	vld [tilespmem:$0x57E0];
	v1 =	vadd.f32 v48, v1  }
0x4b2: {  	v33 =	vld [tilespmem:$0x3FC0]  }
0x4b3: {  	[tilespmem:$0x1FFC0] =	vst v1;
	v1 =	vadd.f32 v49, v34;
	v49 =	vld [tilespmem:$0x1FBF0]  }
0x4b4: {  	v0 =	vadd.f32 v45, v0;
	v45 =	vld [tilespmem:$0x1FC00]  }
0x4b5: {  	v20 =	vadd.f32 v32, v20;
	v32 =	vld [tilespmem:$0x47F0]  }
0x4b6: {  	v48 =	vld [tilespmem:$0x41C0]  }
0x4b7: {  	v21 =	vadd.f32 v26, v21;
	v26 =	vld [tilespmem:$0x57F0]  }
0x4b8: {  	v34 =	vld [tilespmem:$0x43C0]  }
0x4b9: {  	v20 =	vadd.f32 v33, v20;
	[tilespmem:$0x1FFD0] =	vst v0;
	v0 =	vadd.f32 v45, v49;
	v49 =	vld [tilespmem:$0x1FC10]  }
0x4ba: {  	v33 =	vld [tilespmem:$0x49E0]  }
0x4bb: {  	v20 =	vadd.f32 v48, v20;
	v45 =	vld [tilespmem:$0x1FC20]  }
0x4bc: {  	v48 =	vld [tilespmem:$0x4DF0]  }
0x4bd: {  	v20 =	vadd.f32 v34, v20;
	v34 =	vld [tilespmem:$0x49F0]  }
0x4be: {  	v1 =	vadd.f32 v49, v1;
	v49 =	vadd.f32 v54, v46;
	v54 =	vld [tilespmem:$0x47C0]  }
0x4bf: {  	v46 =	vld [tilespmem:$0x49C0]  }
0x4c0: {  	v0 =	vadd.f32 v45, v0;
	v45 =	vld [tilespmem:$0x1FC30]  }
0x4c1: {  	[tilespmem:$0x1FFF0] =	vst v1;
	v1 =	vadd.f32 v59, v42;
	v59 =	vld [tilespmem:$0x45C0]  }
0x4c2: {  	v42 =	vld [tilespmem:$0x4BC0]  }
0x4c3: {  	v49 =	vadd.f32 v51, v49;
	v51 =	vld [tilespmem:$0x1FC40]  }
0x4c4: {  	v1 =	vadd.f32 v40, v1;
	v40 =	vld [tilespmem:$0x4DC0]  }
0x4c5: {  	v8 =	vadd.f32 v28, v49;
	v49 =	vld [tilespmem:$0x51C0]  }
0x4c6: {  	v0 =	vadd.f32 v45, v0;
	v45 =	vld [tilespmem:$0x4FC0]  }
0x4c7: {  	v1 =	vadd.f32 v58, v1;
	v58 =	vld [tilespmem:$0x1FC50]  }
0x4c8: {  	v28 =	vadd.f32 v35, v8;
	v35 =	vld [tilespmem:$0x53C0]  }
0x4c9: {  	v8 =	vld [tilespmem:$0x1FD50]  }
0x4ca: {  	v0 =	vadd.f32 v51, v0;
	v51 =	vld [tilespmem:$0x55C0]  }
0x4cb: {  	v20 =	vadd.f32 v59, v20;
	v59 =	vld [tilespmem:$0x53F0]  }
0x4cc: {  	v1 =	vadd.f32 v60, v1;
	v60 =	vld [tilespmem:$0x1FC60]  }
0x4cd: {  	v20 =	vadd.f32 v54, v20;
	v54 =	vld [tilespmem:$0x4FF0]  }
0x4ce: {  	v0 =	vadd.f32 v58, v0;
	v58 =	vadd.f32 v36, v28;
	v36 =	vld [tilespmem:$0x57C0]  }
0x4cf: {  	v28 =	vld [tilespmem:$0x1FCA0]  }
0x4d0: {  	v20 =	vadd.f32 v46, v20;
	v46 =	vld [tilespmem:$0x4DE0]  }
0x4d1: {  	v1 =	vadd.f32 v60, v1;
	v60 =	vld [tilespmem:$0x1FC80]  }
0x4d2: {  	v0 =	vadd.f32 v10, v0;
	v10 =	vld [tilespmem:$0x5DC0]  }
0x4d3: {  	v20 =	vadd.f32 v42, v20;
	v42 =	vld [tilespmem:$0x61E0]  }
0x4d4: {  	v0 =	vadd.f32 v11, v0;
	v11 =	vadd.f32 v37, v58;
	v58 =	vld [tilespmem:$0x5BC0]  }
0x4d5: {  	v37 =	vld [tilespmem:$0x1FCB0]  }
0x4d6: {  	v20 =	vadd.f32 v40, v20;
	v40 =	vld [tilespmem:$0x5FF0]  }
0x4d7: {  	v38 =	vadd.f32 v38, v11;
	v11 =	vld [tilespmem:$0x1FCC0]  }
0x4d8: {  	v20 =	vadd.f32 v45, v20;
	v45 =	vld [tilespmem:$0x1FFA0]  }
0x4d9: {  	v1 =	vadd.f32 v60, v1;
	v60 =	vld [tilespmem:$0x59C0]  }
0x4da: {  	v20 =	vadd.f32 v49, v20;
	v49 =	vld [tilespmem:$0x1FFC0]  }
0x4db: {  	v0 =	vadd.f32 v37, v0;
	v37 =	vadd.f32 v39, v38;
	v38 =	vld [tilespmem:$0x63C0]  }
0x4dc: {  	v39 =	vld [tilespmem:$0x1FCE0]  }
0x4dd: {  	v1 =	vadd.f32 v28, v1;
	v28 =	vld [tilespmem:$0x1FCF0]  }
0x4de: {  	v20 =	vadd.f32 v35, v20;
	v35 =	vld [tilespmem:$0x1FF50]  }
0x4df: {  	v1 =	vadd.f32 v11, v1;
	v11 =	vld [tilespmem:$0x61C0]  }
0x4e0: {  	v0 =	vadd.f32 v16, v0;
	v16 =	vadd.f32 v62, v37;
	v62 =	vld [tilespmem:$0x67C0]  }
0x4e1: {  	v37 =	vld [tilespmem:$0x1FD00]  }
0x4e2: {  	v20 =	vadd.f32 v51, v20;
	v51 =	vld [tilespmem:$0x1FFD0]  }
0x4e3: {  	[tilespmem:$0x1FFE0] =	vst v38;
	v38 =	vld [tilespmem:$0x1FD10]  }
0x4e4: {  	v16 =	vadd.f32 v61, v16;
	v1 =	vadd.f32 v39, v1;
	v39 =	vld [tilespmem:$0x1FD20]  }
0x4e5: {  	v61 =	vld [tilespmem:$0x1FD40]  }
0x4e6: {  	v0 =	vadd.f32 v28, v0;
	v28 =	vld [tilespmem:$0x1FD60];
	v16 =	vadd.f32 v57, v16  }
0x4e7: {  	v20 =	vadd.f32 v36, v20;
	v36 =	vld [tilespmem:$0x5DF0];
	v1 =	vadd.f32 v37, v1  }
0x4e8: {  	v57 =	vld [tilespmem:$0x3BD0];
	v22 =	vadd.f32 v56, v16;
	v0 =	vadd.f32 v38, v0  }
0x4e9: {  	v37 =	vld [tilespmem:$0x35D0];
	v1 =	vadd.f32 v39, v1  }
0x4ea: {  	v3 =	vadd.f32 v41, v22;
	v0 =	vadd.f32 v52, v0;
	v52 =	vld [tilespmem:$0x1FD70]  }
0x4eb: {  	v22 =	vld [tilespmem:$0x1FD80];
	v1 =	vadd.f32 v61, v1  }
0x4ec: {  	v56 =	vld [tilespmem:$0x3FD0];
	v3 =	vadd.f32 v47, v3  }
0x4ed: {  	v0 =	vadd.f32 v8, v0;
	v1 =	vadd.f32 v28, v1;
	v28 =	vld [tilespmem:$0x1FDA0]  }
0x4ee: {  	v16 =	vld [tilespmem:$0x41D0]  }
0x4ef: {  	v3 =	vadd.f32 v50, v3;
	v0 =	vadd.f32 v52, v0;
	v52 =	vld [tilespmem:$0x1FDC0]  }
0x4f0: {  	v47 =	vld [tilespmem:$0x1FDB0];
	v1 =	vadd.f32 v22, v1  }
0x4f1: {  	v3 =	vadd.f32 v44, v3;
	v0 =	vadd.f32 v25, v0;
	v25 =	vld [tilespmem:$0x1FDE0]  }
0x4f2: {  	v38 =	vld [tilespmem:$0x37D0];
	v1 =	vadd.f32 v28, v1  }
0x4f3: {  	v3 =	vadd.f32 v43, v3;
	v43 =	vld [tilespmem:$0x1FE00]  }
0x4f4: {  	v28 =	vld [tilespmem:$0x1FDF0];
	v1 =	vadd.f32 v52, v1  }
0x4f5: {  	v3 =	vadd.f32 v53, v3;
	v53 =	vld [tilespmem:$0x1FE20];
	v0 =	vadd.f32 v47, v0  }
0x4f6: {  	v44 =	vld [tilespmem:$0x1FE10];
	v1 =	vadd.f32 v25, v1  }
0x4f7: {  	v39 =	vld [tilespmem:$0x39D0];
	v0 =	vadd.f32 v13, v0  }
0x4f8: {  	v25 =	vld [tilespmem:$0x1FE30];
	v1 =	vadd.f32 v43, v1  }
0x4f9: {  	v41 =	vld [tilespmem:$0x43D0];
	v0 =	vadd.f32 v28, v0  }
0x4fa: {  	v3 =	vadd.f32 v55, v3;
	v1 =	vadd.f32 v53, v1;
	v53 =	vld [tilespmem:$0x1FE50]  }
0x4fb: {  	v61 =	vld [tilespmem:$0x3DD0];
	v0 =	vadd.f32 v44, v0  }
0x4fc: {  	v3 =	vadd.f32 v63, v3;
	v63 =	vld [tilespmem:$0x1FE70]  }
0x4fd: {  	v55 =	vld [tilespmem:$0x1FE60];
	v0 =	vadd.f32 v25, v0  }
0x4fe: {  	v8 =	vld [tilespmem:$0x4FD0]  }
0x4ff: {  	v50 =	vld [tilespmem:$0x53D0];
	v0 =	vadd.f32 v53, v0  }
0x500: {  	v1 =	vadd.f32 v27, v1;
	v53 =	vld [tilespmem:$0x1FEA0]  }
0x501: {  	v0 =	vadd.f32 v63, v0;
	v63 =	vld [tilespmem:$0x1FEC0]  }
0x502: {  	v37 =	vadd.f32 v38, v37;
	v38 =	vld [tilespmem:$0x3BE0];
	v1 =	vadd.f32 v55, v1  }
0x503: {  	v22 =	vld [tilespmem:$0x45D0]  }
0x504: {  	v55 =	vld [tilespmem:$0x1FEB0];
	v1 =	vadd.f32 v18, v1  }
0x505: {  	v15 =	vadd.f32 v53, v0;
	v53 =	vld [tilespmem:$0x1FED0]  }
0x506: {  	v39 =	vadd.f32 v39, v37;
	v1 =	vadd.f32 v63, v1;
	v63 =	vld [tilespmem:$0x1FEF0]  }
0x507: {  	v37 =	vld [tilespmem:$0x3FE0];
	v3 =	vadd.f32 v17, v3  }
0x508: {  	v23 =	vadd.f32 v57, v39;
	v39 =	vld [tilespmem:$0x41E0]  }
0x509: {  	v3 =	vadd.f32 v55, v3;
	v55 =	vld [tilespmem:$0x1FEE0]  }
0x50a: {  	v15 =	vadd.f32 v53, v15;
	v53 =	vld [tilespmem:$0x1FF00]  }
0x50b: {  	v1 =	vadd.f32 v63, v1;
	v63 =	vld [tilespmem:$0x1FF20]  }
0x50c: {  	v57 =	vld [tilespmem:$0x45E0]  }
0x50d: {  	v18 =	vld [tilespmem:$0x35E0]  }
0x50e: {  	v3 =	vadd.f32 v55, v3;
	v55 =	vld [tilespmem:$0x1FF10]  }
0x50f: {  	v15 =	vadd.f32 v53, v15;
	v53 =	vld [tilespmem:$0x39E0]  }
0x510: {  	v1 =	vadd.f32 v63, v1;
	v63 =	vld [tilespmem:$0x1FF30]  }
0x511: {  	v47 =	vld [tilespmem:$0x55D0]  }
0x512: {  	v23 =	vadd.f32 v61, v23;
	v61 =	vld [tilespmem:$0x45F0]  }
0x513: {  	v18 =	vadd.f32 v19, v18;
	v19 =	vld [tilespmem:$0x3BF0];
	v3 =	vadd.f32 v55, v3  }
0x514: {  	v30 =	vadd.f32 v30, v2;
	v23 =	vadd.f32 v56, v23;
	v55 =	vld [tilespmem:$0x3DE0]  }
0x515: {  	v18 =	vadd.f32 v53, v18;
	v2 =	vadd.f32 v63, v3;
	v63 =	vld [tilespmem:$0x3DF0]  }
0x516: {  	v52 =	vld [tilespmem:$0x51D0]  }
0x517: {  	v16 =	vadd.f32 v16, v23;
	v18 =	vadd.f32 v38, v18;
	v38 =	vld [tilespmem:$0x3FF0]  }
0x518: {  	v13 =	vld [tilespmem:$0x63D0];
	v19 =	vadd.f32 v19, v21  }
0x519: {  	v16 =	vadd.f32 v41, v16;
	v53 =	vld [tilespmem:$0x41F0];
	v18 =	vadd.f32 v55, v18  }
0x51a: {  	v55 =	vld [tilespmem:$0x43E0];
	v19 =	vadd.f32 v63, v19  }
0x51b: {  	v56 =	vld [tilespmem:$0x43F0];
	v16 =	vadd.f32 v22, v16;
	v18 =	vadd.f32 v37, v18  }
0x51c: {  	v28 =	vld [tilespmem:$0x5BD0];
	v19 =	vadd.f32 v38, v19  }
0x51d: {  	v43 =	vld [tilespmem:$0x59D0];
	v4 =	vadd.f32 v4, v16;
	v18 =	vadd.f32 v39, v18  }
0x51e: {  	v63 =	vld [tilespmem:$0x47E0];
	v19 =	vadd.f32 v53, v19  }
0x51f: {  	v17 =	vld [tilespmem:$0x65D0];
	v4 =	vadd.f32 v5, v4;
	v18 =	vadd.f32 v55, v18  }
0x520: {  	v44 =	vld [tilespmem:$0x57D0];
	v19 =	vadd.f32 v56, v19  }
0x521: {  	v25 =	vld [tilespmem:$0x5DD0];
	v4 =	vadd.f32 v6, v4;
	v18 =	vadd.f32 v57, v18  }
0x522: {  	v38 =	vld [tilespmem:$0x4BE0];
	v37 =	vadd.f32 v61, v19  }
0x523: {  	v4 =	vadd.f32 v7, v4;
	v39 =	vld [tilespmem:$0x4BF0];
	v18 =	vadd.f32 v63, v18  }
0x524: {  	v27 =	vld [tilespmem:$0x5FD0];
	v41 =	vadd.f32 v32, v37  }
0x525: {  	v0 =	vld [tilespmem:$0x67D0];
	v4 =	vadd.f32 v8, v4;
	v18 =	vadd.f32 v33, v18  }
0x526: {  	v53 =	vld [tilespmem:$0x4FE0];
	v5 =	vadd.f32 v34, v41  }
0x527: {  	v4 =	vadd.f32 v52, v4;
	v52 =	vld [tilespmem:$0x1FFE0];
	v18 =	vadd.f32 v38, v18  }
0x528: {  	v55 =	vld [tilespmem:$0x51E0];
	v5 =	vadd.f32 v39, v5  }
0x529: {  	v56 =	vld [tilespmem:$0x51F0];
	v16 =	vadd.f32 v46, v18  }
0x52a: {  	v4 =	vadd.f32 v50, v4;
	v57 =	vld [tilespmem:$0x53E0];
	v5 =	vadd.f32 v48, v5  }
0x52b: {  	v50 =	vld [tilespmem:$0x65E0];
	v6 =	vadd.f32 v53, v16  }
0x52c: {  	v4 =	vadd.f32 v47, v4;
	v61 =	vld [tilespmem:$0x55E0];
	v5 =	vadd.f32 v54, v5  }
0x52d: {  	v63 =	vld [tilespmem:$0x55F0];
	v6 =	vadd.f32 v55, v6  }
0x52e: {  	v47 =	vld [tilespmem:$0x1FFB0];
	v4 =	vadd.f32 v44, v4;
	v5 =	vadd.f32 v56, v5  }
0x52f: {  	v44 =	vld [tilespmem:$0x61F0];
	v6 =	vadd.f32 v57, v6  }
0x530: {  	v4 =	vadd.f32 v43, v4;
	v43 =	vld [tilespmem:$0x1FF90];
	v5 =	vadd.f32 v59, v5  }
0x531: {  	v3 =	vadd.f32 v31, v30;
	v30 =	vld [tilespmem:$0x59F0];
	v6 =	vadd.f32 v61, v6  }
0x532: {  	v31 =	vld [tilespmem:$0x5BE0];
	v5 =	vadd.f32 v63, v5  }
0x533: {  	v32 =	vld [tilespmem:$0x5BF0];
	v6 =	vadd.f32 v24, v6  }
0x534: {  	[tilespmem:$0x6930] =	vst v45;
	v20 =	vadd.f32 v60, v20;
	v34 =	vld [tilespmem:$0x5DE0];
	v5 =	vadd.f32 v26, v5  }
0x535: {  	[tilespmem:$0x6950] =	vst v49;
	v4 =	vadd.f32 v28, v4;
	v33 =	vld [tilespmem:$0x1FF40];
	v6 =	vadd.f32 v29, v6  }
0x536: {  	[tilespmem:$0x68E0] =	vst v35;
	v20 =	vadd.f32 v58, v20;
	v38 =	vld [tilespmem:$0x5FE0];
	v5 =	vadd.f32 v30, v5  }
0x537: {  	[tilespmem:$0x6960] =	vst v51;
	v4 =	vadd.f32 v25, v4;
	v37 =	vld [tilespmem:$0x1FF60];
	v6 =	vadd.f32 v31, v6  }
0x538: {  	v10 =	vadd.f32 v10, v20;
	[tilespmem:$0x6940] =	vst v47;
	v41 =	vld [tilespmem:$0x1FF80];
	v5 =	vadd.f32 v32, v5  }
0x539: {  	[tilespmem:$0x6980] =	vst v15;
	v4 =	vadd.f32 v27, v4;
	v46 =	vld [tilespmem:$0x63E0];
	v6 =	vadd.f32 v34, v6  }
0x53a: {  	v9 =	vadd.f32 v9, v10;
	[tilespmem:$0x6990] =	vst v1;
	v39 =	vld [tilespmem:$0x1FF70];
	v5 =	vadd.f32 v36, v5  }
0x53b: {  	[tilespmem:$0x6920] =	vst v43;
	v4 =	vadd.f32 v14, v4;
	v48 =	vld [tilespmem:$0x63F0];
	v6 =	vadd.f32 v38, v6  }
0x53c: {  	v9 =	vadd.f32 v11, v9;
	[tilespmem:$0x69A0] =	vst v2;
	v53 =	vld [tilespmem:$0x65F0];
	v5 =	vadd.f32 v40, v5  }
0x53d: {  	[tilespmem:$0x69B0] =	vst v3;
	v4 =	vadd.f32 v13, v4;
	v54 =	vld [tilespmem:$0x1FFF0];
	v6 =	vadd.f32 v42, v6  }
0x53e: {  	v9 =	vadd.f32 v52, v9;
	[tilespmem:$0x68D0] =	vst v33;
	v55 =	vld [tilespmem:$0x67E0];
	v5 =	vadd.f32 v44, v5  }
0x53f: {  	[tilespmem:$0x68F0] =	vst v37;
	v57 =	vadd.f32 v17, v4;
	v56 =	vld [tilespmem:$0x67F0];
	v6 =	vadd.f32 v46, v6  }
0x540: {  	v9 =	vadd.f32 v12, v9;
	[tilespmem:$0x6910] =	vst v41;
	v58 =	vadd.f32 v48, v5  }
0x541: {  	[tilespmem:$0x6900] =	vst v39;
	v0 =	vadd.f32 v0, v57;
	v60 =	vadd.f32 v50, v6  }
0x542: {  	v59 =	vadd.f32 v62, v9;
	[tilespmem:$0x6970] =	vst v54;
	v61 =	vadd.f32 v53, v58  }
0x543: {  	[tilespmem:$0x69D0] =	vst v0;
	v62 =	vadd.f32 v55, v60  }
0x544: {  	[tilespmem:$0x69C0] =	vst v59;
	v63 =	vadd.f32 v56, v61  }
0x545: {  	p0 =	sne.s32 s22, $0x1;
	[tilespmem:$0x69E0] =	vst v62  }
.Ltmp0:
0x546: {  	[tilespmem:$0x69F0] =	vst v63;
	(pc) =	sbr.rel @p0 .LBB2_1-.Ltmp0, $4  }
0x547: {  	[hbm4b:s21+s3] =	stream.linear.scatter [tilespmem:s31], [sflag:$0x4], $0x200, $0x38;
	[tilespmem:$0x19C40] =	vst v63  }
0x548: {  	_ =	swait.ge [sflag:s28], $0x200  }
0x549: {  	[sflag:s28] =	ssyncset.done $0x0  }
0x54a: {  	s22 =	sadd.s32 $0xFFFFFFFF, s22;
	[sflag:s28] =	ssyncadd.s32 $0xFFFFFE00  }
0x54b: {  	_ =	sfence.sel $0x180000  }
0x54c: {  	[bflag:$0x0] =	sbarrier.arrive $0xFFFF  }
0x54d: {  	p0 =	sne.s32 s0, $0x0;
	_ =	strace $0x90000047  }
0x54e: {  	s0 =	sadd.s32 @!p0 $0x100000, s1;
	[bflag:$0x2] =	sbarrier.arrive $0xFFFF  }
0x54f: {  	[sflag:s0] =	ssyncadd.tile.s32 @!p0 $0x1;
	_ =	shalt  }
.Lfunc_end2:
_tile_overlayer_lowered:
.L_overlay_start_2:
0x550: {  	(tag) =	ssettag $0x2  }
0x551: {  	s0 =	rddreg [dreg:$0x0];
	s2 =	stileid.u32  }
0x552: {  	s1 =	rddreg [dreg:$0x1];
	p0 =	sne.s32 s2, $0x0  }
0x553: {  	s3 =	rddreg [dreg:$0x2];
	[bflag:$0x3] =	sbarrier.arrive $0xFFFF;
	s2 =	simm.s32 @!p0 $0x1C04  }
0x554: {  	[timem:s3], [sflag:s2] =	dma.local @!p0 [hbm:s0], s1  }
0x555: {  	s0 =	simm.s32 @!p0 $0x4  }
0x556: {  	_ =	swait.ge @!p0 [sflag:s0], s1  }
0x557: {  	s1 =	ssub.s32 @!p0 $0x0, s1;
	[sflag:s0] =	ssyncset.done @!p0 $0x0  }
0x558: {  	[sflag:s0] =	ssyncadd.s32 @!p0 s1  }
0x559: {  	[bflag:$0x3] =	sbarrier.arrive $0xFFFF  }
0x55a: {  	_ =	shalt  }

</sc_bundles>
